<compile_context>
chip_gen: v7x
topology: tpu7x:2x2x1
jax: 0.10.2.dev20260603
libtpu: 0.0.44.dev20260713+nightly
codegen_flags: <defaults>
</compile_context>

<pallas_src>
import functools

import jax
import jax.numpy as jnp
from jax import lax
from jax.experimental import pallas as pl
from jax.experimental.pallas import tpu as pltpu
from jax.experimental.pallas import tpu_sc as plsc

N_REAL = 10000
H_PAD = 10240
D = 128
N_G = 128
E_REAL = 320000
NC, NS = 2, 16
NW = NC * NS
CK = 128
NCHUNK = 80
HALF = NCHUNK // 2
E_PAD = NW * NCHUNK * CK
PAD_NODE = N_REAL
ROWS_PER_TILE = H_PAD // NS
RB = 128


def _sc_agg_body(h_hbm, src_hbm, dst_hbm, out_hbm,
                 src_v, dst_v, rows0_v, rows1_v,
                 acc_sh, semg0, semg1, sems0, sems1):
    buf_v = rows0_v
    c = lax.axis_index("c")
    s = lax.axis_index("s")
    wid = c * NS + s

    zv = jnp.zeros((16,), jnp.float32)

    def zero_row(i, carry):
        for j in range(D // 16):
            buf_v[i, pl.ds(j * 16, 16)] = zv
        return carry

    lax.fori_loop(0, RB, zero_row, 0)
    for t in range(ROWS_PER_TILE // RB):
        pltpu.sync_copy(buf_v, acc_sh.at[pl.ds(s * ROWS_PER_TILE + t * RB, RB)])

    plsc.subcore_barrier()

    def g_start(j, buf, sem):
        pltpu.async_copy(h_hbm.at[src_v.at[j]], buf, sem)

    def g_wait(j, buf, sem):
        pltpu.make_async_copy(h_hbm.at[src_v.at[j]], buf, sem).wait()

    def s_start(j, buf, sem):
        pltpu.async_copy(buf, acc_sh.at[dst_v.at[j]], sem, add=True)

    def s_wait(j, buf, sem):
        pltpu.make_async_copy(buf, acc_sh.at[dst_v.at[j]], sem).wait()

    for phase in range(NCHUNK // HALF):
        pltpu.sync_copy(src_hbm.at[wid, pl.ds(phase * HALF, HALF)], src_v)
        pltpu.sync_copy(dst_hbm.at[wid, pl.ds(phase * HALF, HALF)], dst_v)

        g_start(0, rows0_v, semg0)
        g_start(1, rows1_v, semg1)

        def body(jj, carry):
            j = jj * 2
            g_wait(j, rows0_v, semg0)
            s_start(j, rows0_v, sems0)
            g_wait(j + 1, rows1_v, semg1)
            s_start(j + 1, rows1_v, sems1)
            s_wait(j, rows0_v, sems0)

            @pl.when(j + 2 < HALF)
            def _():
                g_start(j + 2, rows0_v, semg0)

            s_wait(j + 1, rows1_v, sems1)

            @pl.when(j + 3 < HALF)
            def _():
                g_start(j + 3, rows1_v, semg1)

            return carry

        lax.fori_loop(0, HALF // 2, body, 0)

    plsc.subcore_barrier()

    nblk = ROWS_PER_TILE // RB
    rbufs = (rows0_v, rows1_v)
    rsems = (semg0, semg1)
    wsems = (sems0, sems1)

    def rd(t):
        return acc_sh.at[pl.ds(s * ROWS_PER_TILE + t * RB, RB)]

    def wr(t):
        return out_hbm.at[c, pl.ds(s * ROWS_PER_TILE + t * RB, RB)]

    pltpu.async_copy(rd(0), rbufs[0], rsems[0])
    for t in range(nblk):
        bi = t % 2
        pltpu.make_async_copy(rd(t), rbufs[bi], rsems[bi]).wait()
        pltpu.async_copy(rbufs[bi], wr(t), wsems[bi])
        if t + 1 < nblk:
            ni = (t + 1) % 2
            if t >= 1:
                pltpu.make_async_copy(rbufs[ni], wr(t - 1), wsems[ni]).wait()
            pltpu.async_copy(rd(t + 1), rbufs[ni], rsems[ni])
    for t in (nblk - 2, nblk - 1):
        pltpu.make_async_copy(rbufs[t % 2], wr(t), wsems[t % 2]).wait()


_sc_agg = functools.partial(
    pl.kernel,
    out_type=jax.ShapeDtypeStruct((NC, H_PAD, D), jnp.float32),
    mesh=plsc.VectorSubcoreMesh(core_axis_name="c", subcore_axis_name="s"),
    scratch_types=[
        pltpu.VMEM((HALF, CK), jnp.int32),
        pltpu.VMEM((HALF, CK), jnp.int32),
        pltpu.VMEM((CK, D), jnp.float32),
        pltpu.VMEM((CK, D), jnp.float32),
        pltpu.VMEM_SHARED((H_PAD, D), jnp.float32),
        pltpu.SemaphoreType.DMA,
        pltpu.SemaphoreType.DMA,
        pltpu.SemaphoreType.DMA,
        pltpu.SemaphoreType.DMA,
    ],
)(_sc_agg_body)


BR = 1280


def _tc_layer_body(relu, a0_ref, a1_ref, h_ref, wr_ref, b_ref, wro_ref, o_ref):
    agg = a0_ref[...] + a1_ref[...]
    out = (jnp.dot(agg, wr_ref[...], preferred_element_type=jnp.float32)
           + b_ref[...]
           + jnp.dot(h_ref[...], wro_ref[...], preferred_element_type=jnp.float32))
    if relu:
        out = jnp.maximum(out, 0.0)
    o_ref[...] = out


def _tc_layer(a0, a1, h, w_rel, b, w_root, relu):
    return pl.pallas_call(
        functools.partial(_tc_layer_body, relu),
        grid=(H_PAD // BR,),
        in_specs=[
            pl.BlockSpec((BR, D), lambda i: (i, 0)),
            pl.BlockSpec((BR, D), lambda i: (i, 0)),
            pl.BlockSpec((BR, D), lambda i: (i, 0)),
            pl.BlockSpec((D, D), lambda i: (0, 0)),
            pl.BlockSpec((1, D), lambda i: (0, 0)),
            pl.BlockSpec((D, D), lambda i: (0, 0)),
        ],
        out_specs=pl.BlockSpec((BR, D), lambda i: (i, 0)),
        out_shape=jax.ShapeDtypeStruct((H_PAD, D), jnp.float32),
    )(a0, a1, h, w_rel, b.reshape(1, D), w_root)


def _tc_final_body(a0_ref, a1_ref, h_ref, wr_ref, b_ref, wro_ref,
                   batch_ref, wl_ref, bl_ref, o_ref, sums_v, counts_v):
    i = pl.program_id(0)

    @pl.when(i == 0)
    def _init():
        sums_v[...] = jnp.zeros((N_G, D), jnp.float32)
        counts_v[...] = jnp.zeros((N_G, D), jnp.float32)

    agg = a0_ref[...] + a1_ref[...]
    h3 = (jnp.dot(agg, wr_ref[...], preferred_element_type=jnp.float32)
          + b_ref[...]
          + jnp.dot(h_ref[...], wro_ref[...], preferred_element_type=jnp.float32))
    onehot = (batch_ref[...] == lax.broadcasted_iota(jnp.int32, (1, N_G), 1)
              ).astype(jnp.float32)
    sums_v[...] += lax.dot_general(onehot, h3, (((0,), (0,)), ((), ())),
                                   preferred_element_type=jnp.float32)
    counts_v[...] += lax.dot_general(onehot, jnp.ones((BR, D), jnp.float32),
                                     (((0,), (0,)), ((), ())),
                                     preferred_element_type=jnp.float32)

    @pl.when(i == pl.num_programs(0) - 1)
    def _fin():
        pooled = sums_v[...] / jnp.maximum(counts_v[...], 1.0)
        o_ref[...] = (jnp.dot(pooled, wl_ref[...],
                              preferred_element_type=jnp.float32) + bl_ref[...])


def _tc_final(a0, a1, h, w_rel, b, w_root, batch2d, w_lin_pad, b_lin_pad):
    return pl.pallas_call(
        _tc_final_body,
        grid=(H_PAD // BR,),
        in_specs=[
            pl.BlockSpec((BR, D), lambda i: (i, 0)),
            pl.BlockSpec((BR, D), lambda i: (i, 0)),
            pl.BlockSpec((BR, D), lambda i: (i, 0)),
            pl.BlockSpec((D, D), lambda i: (0, 0)),
            pl.BlockSpec((1, D), lambda i: (0, 0)),
            pl.BlockSpec((D, D), lambda i: (0, 0)),
            pl.BlockSpec((BR, 1), lambda i: (i, 0)),
            pl.BlockSpec((D, D), lambda i: (0, 0)),
            pl.BlockSpec((1, D), lambda i: (0, 0)),
        ],
        out_specs=pl.BlockSpec((N_G, D), lambda i: (0, 0)),
        out_shape=jax.ShapeDtypeStruct((N_G, D), jnp.float32),
        scratch_shapes=[
            pltpu.VMEM((N_G, D), jnp.float32),
            pltpu.VMEM((N_G, D), jnp.float32),
        ],
    )(a0, a1, h, w_rel, b.reshape(1, D), w_root, batch2d, w_lin_pad, b_lin_pad)


def kernel(x, edge_index, batch, W1_rel, b1, W1_root, W2_rel, b2, W2_root,
           W3_rel, b3, W3_root, W_lin, b_lin):
    src = edge_index[0].astype(jnp.int32)
    dst = edge_index[1].astype(jnp.int32)
    pad = E_PAD - E_REAL
    pad_idx = jnp.arange(pad, dtype=jnp.int32) % (H_PAD - N_REAL) + N_REAL
    src3 = jnp.concatenate([src, pad_idx]).reshape(NW, NCHUNK, CK)
    dst3 = jnp.concatenate([dst, pad_idx]).reshape(NW, NCHUNK, CK)
    h0 = jnp.pad(x, ((0, H_PAD - N_REAL), (0, 0)))
    batch2d = jnp.pad(batch.astype(jnp.int32), (0, H_PAD - N_REAL),
                      constant_values=N_G).reshape(H_PAD, 1)
    w_lin_pad = jnp.pad(W_lin, ((0, 0), (0, D - W_lin.shape[1])))
    b_lin_pad = jnp.pad(b_lin, (0, D - b_lin.shape[0])).reshape(1, D)

    aggp = _sc_agg(h0, src3, dst3)
    h1 = _tc_layer(aggp[0], aggp[1], h0, W1_rel, b1, W1_root, relu=True)
    aggp = _sc_agg(h1, src3, dst3)
    h2 = _tc_layer(aggp[0], aggp[1], h1, W2_rel, b2, W2_root, relu=True)
    aggp = _sc_agg(h2, src3, dst3)
    out = _tc_final(aggp[0], aggp[1], h2, W3_rel, b3, W3_root,
                    batch2d, w_lin_pad, b_lin_pad)
    return out[:, :2]

# --- scband reference (transcript-rebuilt; emitter-appended) ---
"""Pipeline reference for scband-gcn-6476810682693 (READ-ONLY COPY).

The authoritative reference and input builder live on the scoring server;
editing this copy changes nothing except your own understanding.
"""

import jax, jax.numpy as jnp
import numpy as np

N_NODES = 10000
N_EDGES = 320000
D_FEAT = 128
HIDDEN = 128
N_GRAPHS = 128


def setup_inputs(seed: int = 0) -> dict:
    key = jax.random.key(seed)
    ks = jax.random.split(key, 16)
    x = jax.random.normal(ks[0], (N_NODES, D_FEAT), dtype=jnp.float32)
    edge_index = jax.random.randint(ks[1], (2, N_EDGES), 0, N_NODES, dtype=jnp.int64)
    batch = jnp.sort(jax.random.randint(ks[2], (N_NODES,), 0, N_GRAPHS, dtype=jnp.int64))
    def lin(k, fan_in, fan_out):
        bound = 1.0 / np.sqrt(fan_in)
        return jax.random.uniform(k, (fan_in, fan_out), jnp.float32, -bound, bound)
    # GraphConv layer i: lin_rel (weight + bias) applied to aggregated neighbors,
    # lin_root (weight only) applied to self features.
    W1_rel = lin(ks[3], D_FEAT, HIDDEN); b1 = jnp.zeros((HIDDEN,), jnp.float32); W1_root = lin(ks[4], D_FEAT, HIDDEN)
    W2_rel = lin(ks[5], HIDDEN, HIDDEN); b2 = jnp.zeros((HIDDEN,), jnp.float32); W2_root = lin(ks[6], HIDDEN, HIDDEN)
    W3_rel = lin(ks[7], HIDDEN, HIDDEN); b3 = jnp.zeros((HIDDEN,), jnp.float32); W3_root = lin(ks[8], HIDDEN, HIDDEN)
    W_lin = lin(ks[9], HIDDEN, 2); b_lin = jnp.zeros((2,), jnp.float32)
    return {"x": x, "edge_index": edge_index, "batch": batch,
            "W1_rel": W1_rel, "b1": b1, "W1_root": W1_root,
            "W2_rel": W2_rel, "b2": b2, "W2_root": W2_root,
            "W3_rel": W3_rel, "b3": b3, "W3_root": W3_root,
            "W_lin": W_lin, "b_lin": b_lin}


def _graph_conv(x, edge_index, W_rel, b_rel, W_root):
    src = edge_index[0]
    dst = edge_index[1]
    # message: x_j gathered from source nodes, summed at destination nodes
    agg = jax.ops.segment_sum(jnp.take(x, src, axis=0), dst, num_segments=x.shape[0])
    return agg @ W_rel + b_rel + x @ W_root


def reference(x, edge_index, batch, W1_rel, b1, W1_root, W2_rel, b2, W2_root, W3_rel, b3, W3_root, W_lin, b_lin):
    h = _graph_conv(x, edge_index, W1_rel, b1, W1_root)
    h = jax.nn.relu(h)
    h = _graph_conv(h, edge_index, W2_rel, b2, W2_root)
    h = jax.nn.relu(h)
    h = _graph_conv(h, edge_index, W3_rel, b3, W3_root)
    # global_mean_pool over graph assignment
    sums = jax.ops.segment_sum(h, batch, num_segments=N_GRAPHS)
    counts = jax.ops.segment_sum(jnp.ones((h.shape[0],), jnp.float32), batch, num_segments=N_GRAPHS)
    pooled = sums / jnp.clip(counts, 1.0)[:, None]
    # dropout p=0.5 is identity in eval mode
    return pooled @ W_lin + b_lin

if __name__ == "__main__":
    import jax
    _d = setup_inputs()
    print(jax.jit(kernel)(*tuple(_d.values())))

</pallas_src>

<mosaic_0001>
#map = affine_map<(d0, d1) -> (0, 0)>
#map1 = affine_map<(d0, d1) -> (0, 0, 0)>
module attributes {stable_mosaic.version = 14 : i64} {
  func.func @_sc_agg_body(%arg0: i32, %arg1: i32, %arg2: memref<10240x128xf32, #tpu.memory_space<hbm>>, %arg3: memref<32x80x128xi32, #tpu.memory_space<hbm>>, %arg4: memref<32x80x128xi32, #tpu.memory_space<hbm>>, %arg5: memref<2x10240x128xf32, #tpu.memory_space<hbm>>, %arg6: memref<40x128xi32, #tpu.memory_space<vmem>>, %arg7: memref<40x128xi32, #tpu.memory_space<vmem>>, %arg8: memref<128x128xf32, #tpu.memory_space<vmem>>, %arg9: memref<128x128xf32, #tpu.memory_space<vmem>>, %arg10: memref<10240x128xf32, #tpu.memory_space<vmem_shared>>, %arg11: memref<!tpu.dma_semaphore, #tpu.memory_space<semaphore_mem>>, %arg12: memref<!tpu.dma_semaphore, #tpu.memory_space<semaphore_mem>>, %arg13: memref<!tpu.dma_semaphore, #tpu.memory_space<semaphore_mem>>, %arg14: memref<!tpu.dma_semaphore, #tpu.memory_space<semaphore_mem>>) attributes {dimension_semantics = [#tpu.dimension_semantics<core_parallel>, #tpu.dimension_semantics<subcore_parallel>], iteration_bounds = array<i64: 2, 16>, scalar_prefetch = 0 : i64, scratch_operands = 9 : i64, tpu.core_type = #tpu.core_type<sc_vector_subcore>, window_params = [{transform_indices = #map}, {transform_indices = #map1}, {transform_indices = #map1}, {transform_indices = #map1}]} {
    %mul3A = arith.constant 16 : i32
    %mul3A_0 = arith.muli %arg0, %mul3A : i32
    %add3A = arith.addi %mul3A_0, %arg1 : i32
    %broadcast_in_dim3A = arith.constant 0.000000e+00 : f32
    %broadcast_in_dim3A_1 = vector.broadcast %broadcast_in_dim3A : f32 to vector<16xf32>
    %scan3A = arith.constant 0 : i32
    %scan3A_2 = arith.constant 0 : i32
    %scan3A_3 = arith.constant 128 : i32
    %scan3A_4 = arith.addi %scan3A_2, %scan3A_3 : i32
    %scan3A_5 = arith.constant 1 : i32
    scf.for %scan3A_246 = %scan3A_2 to %scan3A_4 step %scan3A_5  : i32 {
      %swap3A = arith.index_cast %scan3A_246 : i32 to index
      %swap3A_247 = arith.constant 0 : index
      %swap3A_248 = tpu.vector_load %arg8[%swap3A, %swap3A_247] {strides = array<i32>} : memref<128x128xf32, #tpu.memory_space<vmem>>, vector<1x16xf32>,
      %swap3A_249 = vector.shape_cast %swap3A_248 : vector<1x16xf32> to vector<16xf32>
      %swap3A_250 = vector.shape_cast %broadcast_in_dim3A_1 : vector<16xf32> to vector<1x16xf32>
      tpu.vector_store %arg8[%swap3A, %swap3A_247], %swap3A_250 {strides = array<i32>} : memref<128x128xf32, #tpu.memory_space<vmem>>, vector<1x16xf32>,
      %swap3A_251 = arith.index_cast %scan3A_246 : i32 to index
      %swap3A_252 = arith.constant 16 : index
      %swap3A_253 = tpu.vector_load %arg8[%swap3A_251, %swap3A_252] {strides = array<i32>} : memref<128x128xf32, #tpu.memory_space<vmem>>, vector<1x16xf32>,
      %swap3A_254 = vector.shape_cast %swap3A_253 : vector<1x16xf32> to vector<16xf32>
      %swap3A_255 = vector.shape_cast %broadcast_in_dim3A_1 : vector<16xf32> to vector<1x16xf32>
      tpu.vector_store %arg8[%swap3A_251, %swap3A_252], %swap3A_255 {strides = array<i32>} : memref<128x128xf32, #tpu.memory_space<vmem>>, vector<1x16xf32>,
      %swap3A_256 = arith.index_cast %scan3A_246 : i32 to index
      %swap3A_257 = arith.constant 32 : index
      %swap3A_258 = tpu.vector_load %arg8[%swap3A_256, %swap3A_257] {strides = array<i32>} : memref<128x128xf32, #tpu.memory_space<vmem>>, vector<1x16xf32>,
      %swap3A_259 = vector.shape_cast %swap3A_258 : vector<1x16xf32> to vector<16xf32>
      %swap3A_260 = vector.shape_cast %broadcast_in_dim3A_1 : vector<16xf32> to vector<1x16xf32>
      tpu.vector_store %arg8[%swap3A_256, %swap3A_257], %swap3A_260 {strides = array<i32>} : memref<128x128xf32, #tpu.memory_space<vmem>>, vector<1x16xf32>,
      %swap3A_261 = arith.index_cast %scan3A_246 : i32 to index
      %swap3A_262 = arith.constant 48 : index
      %swap3A_263 = tpu.vector_load %arg8[%swap3A_261, %swap3A_262] {strides = array<i32>} : memref<128x128xf32, #tpu.memory_space<vmem>>, vector<1x16xf32>,
      %swap3A_264 = vector.shape_cast %swap3A_263 : vector<1x16xf32> to vector<16xf32>
      %swap3A_265 = vector.shape_cast %broadcast_in_dim3A_1 : vector<16xf32> to vector<1x16xf32>
      tpu.vector_store %arg8[%swap3A_261, %swap3A_262], %swap3A_265 {strides = array<i32>} : memref<128x128xf32, #tpu.memory_space<vmem>>, vector<1x16xf32>,
      %swap3A_266 = arith.index_cast %scan3A_246 : i32 to index
      %swap3A_267 = arith.constant 64 : index
      %swap3A_268 = tpu.vector_load %arg8[%swap3A_266, %swap3A_267] {strides = array<i32>} : memref<128x128xf32, #tpu.memory_space<vmem>>, vector<1x16xf32>,
      %swap3A_269 = vector.shape_cast %swap3A_268 : vector<1x16xf32> to vector<16xf32>
      %swap3A_270 = vector.shape_cast %broadcast_in_dim3A_1 : vector<16xf32> to vector<1x16xf32>
      tpu.vector_store %arg8[%swap3A_266, %swap3A_267], %swap3A_270 {strides = array<i32>} : memref<128x128xf32, #tpu.memory_space<vmem>>, vector<1x16xf32>,
      %swap3A_271 = arith.index_cast %scan3A_246 : i32 to index
      %swap3A_272 = arith.constant 80 : index
      %swap3A_273 = tpu.vector_load %arg8[%swap3A_271, %swap3A_272] {strides = array<i32>} : memref<128x128xf32, #tpu.memory_space<vmem>>, vector<1x16xf32>,
      %swap3A_274 = vector.shape_cast %swap3A_273 : vector<1x16xf32> to vector<16xf32>
      %swap3A_275 = vector.shape_cast %broadcast_in_dim3A_1 : vector<16xf32> to vector<1x16xf32>
      tpu.vector_store %arg8[%swap3A_271, %swap3A_272], %swap3A_275 {strides = array<i32>} : memref<128x128xf32, #tpu.memory_space<vmem>>, vector<1x16xf32>,
      %swap3A_276 = arith.index_cast %scan3A_246 : i32 to index
      %swap3A_277 = arith.constant 96 : index
      %swap3A_278 = tpu.vector_load %arg8[%swap3A_276, %swap3A_277] {strides = array<i32>} : memref<128x128xf32, #tpu.memory_space<vmem>>, vector<1x16xf32>,
      %swap3A_279 = vector.shape_cast %swap3A_278 : vector<1x16xf32> to vector<16xf32>
      %swap3A_280 = vector.shape_cast %broadcast_in_dim3A_1 : vector<16xf32> to vector<1x16xf32>
      tpu.vector_store %arg8[%swap3A_276, %swap3A_277], %swap3A_280 {strides = array<i32>} : memref<128x128xf32, #tpu.memory_space<vmem>>, vector<1x16xf32>,
      %swap3A_281 = arith.index_cast %scan3A_246 : i32 to index
      %swap3A_282 = arith.constant 112 : index
      %swap3A_283 = tpu.vector_load %arg8[%swap3A_281, %swap3A_282] {strides = array<i32>} : memref<128x128xf32, #tpu.memory_space<vmem>>, vector<1x16xf32>,
      %swap3A_284 = vector.shape_cast %swap3A_283 : vector<1x16xf32> to vector<16xf32>
      %swap3A_285 = vector.shape_cast %broadcast_in_dim3A_1 : vector<16xf32> to vector<1x16xf32>
      tpu.vector_store %arg8[%swap3A_281, %swap3A_282], %swap3A_285 {strides = array<i32>} : memref<128x128xf32, #tpu.memory_space<vmem>>, vector<1x16xf32>,
    }
    %scan3A_6 = arith.constant 128 : i32
    %mul3A_7 = arith.constant 640 : i32
    %mul3A_8 = arith.muli %arg1, %mul3A_7 : i32
    %add3A_9 = arith.constant 0 : i32
    %add3A_10 = arith.addi %mul3A_8, %add3A_9 : i32
    "tpu.region"() ({
      %run_scoped3A = tpu.sem_alloc : memref<!tpu.dma_semaphore, #tpu.memory_space<semaphore_mem>>
      %dma_start3A_246 = arith.constant 0 : i32
      %dma_start3A_247 = tpu.memref_slice %arg10[%add3A_10, %dma_start3A_246] : memref<10240x128xf32, #tpu.memory_space<vmem_shared>> -> memref<128x128xf32, #tpu.memory_space<vmem_shared>>
      %dma_start3A_248 = arith.constant 0 : i32
      %dma_start3A_249 = tpu.memref_slice %arg10[%add3A_10, %dma_start3A_248] : memref<10240x128xf32, #tpu.memory_space<vmem_shared>> -> memref<128x128xf32, #tpu.memory_space<vmem_shared>>
      tpu.enqueue_dma source(%arg8 : memref<128x128xf32, #tpu.memory_space<vmem>>) target(%dma_start3A_249 : memref<128x128xf32, #tpu.memory_space<vmem_shared>>) target_semaphore(%run_scoped3A : memref<!tpu.dma_semaphore, #tpu.memory_space<semaphore_mem>>)
      %dma_wait3A_250 = arith.constant 0 : i32
      %dma_wait3A_251 = tpu.memref_slice %arg10[%add3A_10, %dma_wait3A_250] : memref<10240x128xf32, #tpu.memory_space<vmem_shared>> -> memref<128x128xf32, #tpu.memory_space<vmem_shared>>
      %dma_wait3A_252 = arith.constant 0 : i32
      %dma_wait3A_253 = tpu.memref_slice %arg10[%add3A_10, %dma_wait3A_252] : memref<10240x128xf32, #tpu.memory_space<vmem_shared>> -> memref<128x128xf32, #tpu.memory_space<vmem_shared>>
      tpu.wait_dma2 semaphore(%run_scoped3A : memref<!tpu.dma_semaphore, #tpu.memory_space<semaphore_mem>>) src(%arg8 : memref<128x128xf32, #tpu.memory_space<vmem>>) dst(%dma_wait3A_253 : memref<128x128xf32, #tpu.memory_space<vmem_shared>>)
      tpu.yield
    }) : () -> ()
    %mul3A_11 = arith.constant 640 : i32
    %mul3A_12 = arith.muli %arg1, %mul3A_11 : i32
    %add3A_13 = arith.constant 128 : i32
    %add3A_14 = arith.addi %mul3A_12, %add3A_13 : i32
    "tpu.region"() ({
      %run_scoped3A = tpu.sem_alloc : memref<!tpu.dma_semaphore, #tpu.memory_space<semaphore_mem>>
      %dma_start3A_246 = arith.constant 0 : i32
      %dma_start3A_247 = tpu.memref_slice %arg10[%add3A_14, %dma_start3A_246] : memref<10240x128xf32, #tpu.memory_space<vmem_shared>> -> memref<128x128xf32, #tpu.memory_space<vmem_shared>>
      %dma_start3A_248 = arith.constant 0 : i32
      %dma_start3A_249 = tpu.memref_slice %arg10[%add3A_14, %dma_start3A_248] : memref<10240x128xf32, #tpu.memory_space<vmem_shared>> -> memref<128x128xf32, #tpu.memory_space<vmem_shared>>
      tpu.enqueue_dma source(%arg8 : memref<128x128xf32, #tpu.memory_space<vmem>>) target(%dma_start3A_249 : memref<128x128xf32, #tpu.memory_space<vmem_shared>>) target_semaphore(%run_scoped3A : memref<!tpu.dma_semaphore, #tpu.memory_space<semaphore_mem>>)
      %dma_wait3A_250 = arith.constant 0 : i32
      %dma_wait3A_251 = tpu.memref_slice %arg10[%add3A_14, %dma_wait3A_250] : memref<10240x128xf32, #tpu.memory_space<vmem_shared>> -> memref<128x128xf32, #tpu.memory_space<vmem_shared>>
      %dma_wait3A_252 = arith.constant 0 : i32
      %dma_wait3A_253 = tpu.memref_slice %arg10[%add3A_14, %dma_wait3A_252] : memref<10240x128xf32, #tpu.memory_space<vmem_shared>> -> memref<128x128xf32, #tpu.memory_space<vmem_shared>>
      tpu.wait_dma2 semaphore(%run_scoped3A : memref<!tpu.dma_semaphore, #tpu.memory_space<semaphore_mem>>) src(%arg8 : memref<128x128xf32, #tpu.memory_space<vmem>>) dst(%dma_wait3A_253 : memref<128x128xf32, #tpu.memory_space<vmem_shared>>)
      tpu.yield
    }) : () -> ()
    %mul3A_15 = arith.constant 640 : i32
    %mul3A_16 = arith.muli %arg1, %mul3A_15 : i32
    %add3A_17 = arith.constant 256 : i32
    %add3A_18 = arith.addi %mul3A_16, %add3A_17 : i32
    "tpu.region"() ({
      %run_scoped3A = tpu.sem_alloc : memref<!tpu.dma_semaphore, #tpu.memory_space<semaphore_mem>>
      %dma_start3A_246 = arith.constant 0 : i32
      %dma_start3A_247 = tpu.memref_slice %arg10[%add3A_18, %dma_start3A_246] : memref<10240x128xf32, #tpu.memory_space<vmem_shared>> -> memref<128x128xf32, #tpu.memory_space<vmem_shared>>
      %dma_start3A_248 = arith.constant 0 : i32
      %dma_start3A_249 = tpu.memref_slice %arg10[%add3A_18, %dma_start3A_248] : memref<10240x128xf32, #tpu.memory_space<vmem_shared>> -> memref<128x128xf32, #tpu.memory_space<vmem_shared>>
      tpu.enqueue_dma source(%arg8 : memref<128x128xf32, #tpu.memory_space<vmem>>) target(%dma_start3A_249 : memref<128x128xf32, #tpu.memory_space<vmem_shared>>) target_semaphore(%run_scoped3A : memref<!tpu.dma_semaphore, #tpu.memory_space<semaphore_mem>>)
      %dma_wait3A_250 = arith.constant 0 : i32
      %dma_wait3A_251 = tpu.memref_slice %arg10[%add3A_18, %dma_wait3A_250] : memref<10240x128xf32, #tpu.memory_space<vmem_shared>> -> memref<128x128xf32, #tpu.memory_space<vmem_shared>>
      %dma_wait3A_252 = arith.constant 0 : i32
      %dma_wait3A_253 = tpu.memref_slice %arg10[%add3A_18, %dma_wait3A_252] : memref<10240x128xf32, #tpu.memory_space<vmem_shared>> -> memref<128x128xf32, #tpu.memory_space<vmem_shared>>
      tpu.wait_dma2 semaphore(%run_scoped3A : memref<!tpu.dma_semaphore, #tpu.memory_space<semaphore_mem>>) src(%arg8 : memref<128x128xf32, #tpu.memory_space<vmem>>) dst(%dma_wait3A_253 : memref<128x128xf32, #tpu.memory_space<vmem_shared>>)
      tpu.yield
    }) : () -> ()
    %mul3A_19 = arith.constant 640 : i32
    %mul3A_20 = arith.muli %arg1, %mul3A_19 : i32
    %add3A_21 = arith.constant 384 : i32
    %add3A_22 = arith.addi %mul3A_20, %add3A_21 : i32
    "tpu.region"() ({
      %run_scoped3A = tpu.sem_alloc : memref<!tpu.dma_semaphore, #tpu.memory_space<semaphore_mem>>
      %dma_start3A_246 = arith.constant 0 : i32
      %dma_start3A_247 = tpu.memref_slice %arg10[%add3A_22, %dma_start3A_246] : memref<10240x128xf32, #tpu.memory_space<vmem_shared>> -> memref<128x128xf32, #tpu.memory_space<vmem_shared>>
      %dma_start3A_248 = arith.constant 0 : i32
      %dma_start3A_249 = tpu.memref_slice %arg10[%add3A_22, %dma_start3A_248] : memref<10240x128xf32, #tpu.memory_space<vmem_shared>> -> memref<128x128xf32, #tpu.memory_space<vmem_shared>>
      tpu.enqueue_dma source(%arg8 : memref<128x128xf32, #tpu.memory_space<vmem>>) target(%dma_start3A_249 : memref<128x128xf32, #tpu.memory_space<vmem_shared>>) target_semaphore(%run_scoped3A : memref<!tpu.dma_semaphore, #tpu.memory_space<semaphore_mem>>)
      %dma_wait3A_250 = arith.constant 0 : i32
      %dma_wait3A_251 = tpu.memref_slice %arg10[%add3A_22, %dma_wait3A_250] : memref<10240x128xf32, #tpu.memory_space<vmem_shared>> -> memref<128x128xf32, #tpu.memory_space<vmem_shared>>
      %dma_wait3A_252 = arith.constant 0 : i32
      %dma_wait3A_253 = tpu.memref_slice %arg10[%add3A_22, %dma_wait3A_252] : memref<10240x128xf32, #tpu.memory_space<vmem_shared>> -> memref<128x128xf32, #tpu.memory_space<vmem_shared>>
      tpu.wait_dma2 semaphore(%run_scoped3A : memref<!tpu.dma_semaphore, #tpu.memory_space<semaphore_mem>>) src(%arg8 : memref<128x128xf32, #tpu.memory_space<vmem>>) dst(%dma_wait3A_253 : memref<128x128xf32, #tpu.memory_space<vmem_shared>>)
      tpu.yield
    }) : () -> ()
    %mul3A_23 = arith.constant 640 : i32
    %mul3A_24 = arith.muli %arg1, %mul3A_23 : i32
    %add3A_25 = arith.constant 512 : i32
    %add3A_26 = arith.addi %mul3A_24, %add3A_25 : i32
    "tpu.region"() ({
      %run_scoped3A = tpu.sem_alloc : memref<!tpu.dma_semaphore, #tpu.memory_space<semaphore_mem>>
      %dma_start3A_246 = arith.constant 0 : i32
      %dma_start3A_247 = tpu.memref_slice %arg10[%add3A_26, %dma_start3A_246] : memref<10240x128xf32, #tpu.memory_space<vmem_shared>> -> memref<128x128xf32, #tpu.memory_space<vmem_shared>>
      %dma_start3A_248 = arith.constant 0 : i32
      %dma_start3A_249 = tpu.memref_slice %arg10[%add3A_26, %dma_start3A_248] : memref<10240x128xf32, #tpu.memory_space<vmem_shared>> -> memref<128x128xf32, #tpu.memory_space<vmem_shared>>
      tpu.enqueue_dma source(%arg8 : memref<128x128xf32, #tpu.memory_space<vmem>>) target(%dma_start3A_249 : memref<128x128xf32, #tpu.memory_space<vmem_shared>>) target_semaphore(%run_scoped3A : memref<!tpu.dma_semaphore, #tpu.memory_space<semaphore_mem>>)
      %dma_wait3A_250 = arith.constant 0 : i32
      %dma_wait3A_251 = tpu.memref_slice %arg10[%add3A_26, %dma_wait3A_250] : memref<10240x128xf32, #tpu.memory_space<vmem_shared>> -> memref<128x128xf32, #tpu.memory_space<vmem_shared>>
      %dma_wait3A_252 = arith.constant 0 : i32
      %dma_wait3A_253 = tpu.memref_slice %arg10[%add3A_26, %dma_wait3A_252] : memref<10240x128xf32, #tpu.memory_space<vmem_shared>> -> memref<128x128xf32, #tpu.memory_space<vmem_shared>>
      tpu.wait_dma2 semaphore(%run_scoped3A : memref<!tpu.dma_semaphore, #tpu.memory_space<semaphore_mem>>) src(%arg8 : memref<128x128xf32, #tpu.memory_space<vmem>>) dst(%dma_wait3A_253 : memref<128x128xf32, #tpu.memory_space<vmem_shared>>)
      tpu.yield
    }) : () -> ()
    %barrier3A = arith.constant 0 : index
    tpu.barrier barrier_id(%barrier3A)
    "tpu.region"() ({
      %run_scoped3A = tpu.sem_alloc : memref<!tpu.dma_semaphore, #tpu.memory_space<semaphore_mem>>
      %dma_start3A_246 = arith.constant 0 : i32
      %dma_start3A_247 = arith.constant 0 : i32
      %dma_start3A_248 = tpu.memref_slice %arg3[%add3A, %dma_start3A_246, %dma_start3A_247] : memref<32x80x128xi32, #tpu.memory_space<hbm>> -> memref<1x40x128xi32, #tpu.memory_space<hbm>>
      %dma_start3A_249 = tpu.memref_squeeze %dma_start3A_248 : memref<1x40x128xi32, #tpu.memory_space<hbm>> -> memref<40x128xi32, #tpu.memory_space<hbm>>
      %dma_start3A_250 = arith.constant 0 : i32
      %dma_start3A_251 = arith.constant 0 : i32
      %dma_start3A_252 = tpu.memref_slice %arg3[%add3A, %dma_start3A_250, %dma_start3A_251] : memref<32x80x128xi32, #tpu.memory_space<hbm>> -> memref<1x40x128xi32, #tpu.memory_space<hbm>>
      %dma_start3A_253 = tpu.memref_squeeze %dma_start3A_252 : memref<1x40x128xi32, #tpu.memory_space<hbm>> -> memref<40x128xi32, #tpu.memory_space<hbm>>
      tpu.enqueue_dma source(%dma_start3A_253 : memref<40x128xi32, #tpu.memory_space<hbm>>) target(%arg6 : memref<40x128xi32, #tpu.memory_space<vmem>>) target_semaphore(%run_scoped3A : memref<!tpu.dma_semaphore, #tpu.memory_space<semaphore_mem>>)
      %dma_wait3A_254 = arith.constant 0 : i32
      %dma_wait3A_255 = arith.constant 0 : i32
      %dma_wait3A_256 = tpu.memref_slice %arg3[%add3A, %dma_wait3A_254, %dma_wait3A_255] : memref<32x80x128xi32, #tpu.memory_space<hbm>> -> memref<1x40x128xi32, #tpu.memory_space<hbm>>
      %dma_wait3A_257 = tpu.memref_squeeze %dma_wait3A_256 : memref<1x40x128xi32, #tpu.memory_space<hbm>> -> memref<40x128xi32, #tpu.memory_space<hbm>>
      %dma_wait3A_258 = arith.constant 0 : i32
      %dma_wait3A_259 = arith.constant 0 : i32
      %dma_wait3A_260 = tpu.memref_slice %arg3[%add3A, %dma_wait3A_258, %dma_wait3A_259] : memref<32x80x128xi32, #tpu.memory_space<hbm>> -> memref<1x40x128xi32, #tpu.memory_space<hbm>>
      %dma_wait3A_261 = tpu.memref_squeeze %dma_wait3A_260 : memref<1x40x128xi32, #tpu.memory_space<hbm>> -> memref<40x128xi32, #tpu.memory_space<hbm>>
      tpu.wait_dma2 semaphore(%run_scoped3A : memref<!tpu.dma_semaphore, #tpu.memory_space<semaphore_mem>>) src(%dma_wait3A_261 : memref<40x128xi32, #tpu.memory_space<hbm>>) dst(%arg6 : memref<40x128xi32, #tpu.memory_space<vmem>>)
      tpu.yield
    }) : () -> ()
    "tpu.region"() ({
      %run_scoped3A = tpu.sem_alloc : memref<!tpu.dma_semaphore, #tpu.memory_space<semaphore_mem>>
      %dma_start3A_246 = arith.constant 0 : i32
      %dma_start3A_247 = arith.constant 0 : i32
      %dma_start3A_248 = tpu.memref_slice %arg4[%add3A, %dma_start3A_246, %dma_start3A_247] : memref<32x80x128xi32, #tpu.memory_space<hbm>> -> memref<1x40x128xi32, #tpu.memory_space<hbm>>
      %dma_start3A_249 = tpu.memref_squeeze %dma_start3A_248 : memref<1x40x128xi32, #tpu.memory_space<hbm>> -> memref<40x128xi32, #tpu.memory_space<hbm>>
      %dma_start3A_250 = arith.constant 0 : i32
      %dma_start3A_251 = arith.constant 0 : i32
      %dma_start3A_252 = tpu.memref_slice %arg4[%add3A, %dma_start3A_250, %dma_start3A_251] : memref<32x80x128xi32, #tpu.memory_space<hbm>> -> memref<1x40x128xi32, #tpu.memory_space<hbm>>
      %dma_start3A_253 = tpu.memref_squeeze %dma_start3A_252 : memref<1x40x128xi32, #tpu.memory_space<hbm>> -> memref<40x128xi32, #tpu.memory_space<hbm>>
      tpu.enqueue_dma source(%dma_start3A_253 : memref<40x128xi32, #tpu.memory_space<hbm>>) target(%arg7 : memref<40x128xi32, #tpu.memory_space<vmem>>) target_semaphore(%run_scoped3A : memref<!tpu.dma_semaphore, #tpu.memory_space<semaphore_mem>>)
      %dma_wait3A_254 = arith.constant 0 : i32
      %dma_wait3A_255 = arith.constant 0 : i32
      %dma_wait3A_256 = tpu.memref_slice %arg4[%add3A, %dma_wait3A_254, %dma_wait3A_255] : memref<32x80x128xi32, #tpu.memory_space<hbm>> -> memref<1x40x128xi32, #tpu.memory_space<hbm>>
      %dma_wait3A_257 = tpu.memref_squeeze %dma_wait3A_256 : memref<1x40x128xi32, #tpu.memory_space<hbm>> -> memref<40x128xi32, #tpu.memory_space<hbm>>
      %dma_wait3A_258 = arith.constant 0 : i32
      %dma_wait3A_259 = arith.constant 0 : i32
      %dma_wait3A_260 = tpu.memref_slice %arg4[%add3A, %dma_wait3A_258, %dma_wait3A_259] : memref<32x80x128xi32, #tpu.memory_space<hbm>> -> memref<1x40x128xi32, #tpu.memory_space<hbm>>
      %dma_wait3A_261 = tpu.memref_squeeze %dma_wait3A_260 : memref<1x40x128xi32, #tpu.memory_space<hbm>> -> memref<40x128xi32, #tpu.memory_space<hbm>>
      tpu.wait_dma2 semaphore(%run_scoped3A : memref<!tpu.dma_semaphore, #tpu.memory_space<semaphore_mem>>) src(%dma_wait3A_261 : memref<40x128xi32, #tpu.memory_space<hbm>>) dst(%arg7 : memref<40x128xi32, #tpu.memory_space<vmem>>)
      tpu.yield
    }) : () -> ()
    %dma_start3A = arith.constant 0 : i32
    %dma_start3A_27 = arith.constant 0 : i32
    %dma_start3A_28 = tpu.memref_slice %arg6[%dma_start3A, %dma_start3A_27] : memref<40x128xi32, #tpu.memory_space<vmem>> -> memref<1x128xi32, #tpu.memory_space<vmem>>
    %dma_start3A_29 = tpu.memref_squeeze %dma_start3A_28 : memref<1x128xi32, #tpu.memory_space<vmem>> -> memref<128xi32, #tpu.memory_space<vmem>>
    %dma_start3A_30 = arith.constant 0 : i32
    %dma_start3A_31 = arith.constant 0 : i32
    %dma_start3A_32 = tpu.memref_slice %arg2[%dma_start3A_30, %dma_start3A_31] : memref<10240x128xf32, #tpu.memory_space<hbm>> -> memref<10240x128xf32, #tpu.memory_space<hbm>>
    tpu.enqueue_indirect_dma source(%dma_start3A_32 : memref<10240x128xf32, #tpu.memory_space<hbm>>) target(%arg8 : memref<128x128xf32, #tpu.memory_space<vmem>>) offsets(%dma_start3A_29 : memref<128xi32, #tpu.memory_space<vmem>>) semaphore(%arg11 : memref<!tpu.dma_semaphore, #tpu.memory_space<semaphore_mem>>)
    %dma_start3A_33 = arith.constant 1 : i32
    %dma_start3A_34 = arith.constant 0 : i32
    %dma_start3A_35 = tpu.memref_slice %arg6[%dma_start3A_33, %dma_start3A_34] : memref<40x128xi32, #tpu.memory_space<vmem>> -> memref<1x128xi32, #tpu.memory_space<vmem>>
    %dma_start3A_36 = tpu.memref_squeeze %dma_start3A_35 : memref<1x128xi32, #tpu.memory_space<vmem>> -> memref<128xi32, #tpu.memory_space<vmem>>
    %dma_start3A_37 = arith.constant 0 : i32
    %dma_start3A_38 = arith.constant 0 : i32
    %dma_start3A_39 = tpu.memref_slice %arg2[%dma_start3A_37, %dma_start3A_38] : memref<10240x128xf32, #tpu.memory_space<hbm>> -> memref<10240x128xf32, #tpu.memory_space<hbm>>
    tpu.enqueue_indirect_dma source(%dma_start3A_39 : memref<10240x128xf32, #tpu.memory_space<hbm>>) target(%arg9 : memref<128x128xf32, #tpu.memory_space<vmem>>) offsets(%dma_start3A_36 : memref<128xi32, #tpu.memory_space<vmem>>) semaphore(%arg12 : memref<!tpu.dma_semaphore, #tpu.memory_space<semaphore_mem>>)
    %scan3A_40 = arith.constant 0 : i32
    %scan3A_41 = arith.constant 0 : i32
    %scan3A_42 = arith.constant 20 : i32
    %scan3A_43 = arith.addi %scan3A_41, %scan3A_42 : i32
    %scan3A_44 = arith.constant 1 : i32
    scf.for %scan3A_246 = %scan3A_41 to %scan3A_43 step %scan3A_44  : i32 {
      %mul3A_247 = arith.constant 2 : i32
      %mul3A_248 = arith.muli %scan3A_246, %mul3A_247 : i32
      %dma_wait3A_249 = arith.constant 0 : i32
      %dma_wait3A_250 = tpu.memref_slice %arg6[%mul3A_248, %dma_wait3A_249] : memref<40x128xi32, #tpu.memory_space<vmem>> -> memref<1x128xi32, #tpu.memory_space<vmem>>
      %dma_wait3A_251 = tpu.memref_squeeze %dma_wait3A_250 : memref<1x128xi32, #tpu.memory_space<vmem>> -> memref<128xi32, #tpu.memory_space<vmem>>
      %dma_wait3A_252 = arith.constant 0 : i32
      %dma_wait3A_253 = arith.constant 0 : i32
      %dma_wait3A_254 = tpu.memref_slice %arg2[%dma_wait3A_252, %dma_wait3A_253] : memref<10240x128xf32, #tpu.memory_space<hbm>> -> memref<10240x128xf32, #tpu.memory_space<hbm>>
      tpu.wait_indirect_dma semaphore(%arg11 : memref<!tpu.dma_semaphore, #tpu.memory_space<semaphore_mem>>) src(%dma_wait3A_254 : memref<10240x128xf32, #tpu.memory_space<hbm>>) dst(%arg8 : memref<128x128xf32, #tpu.memory_space<vmem>>)
      %dma_start3A_255 = arith.constant 0 : i32
      %dma_start3A_256 = tpu.memref_slice %arg7[%mul3A_248, %dma_start3A_255] : memref<40x128xi32, #tpu.memory_space<vmem>> -> memref<1x128xi32, #tpu.memory_space<vmem>>
      %dma_start3A_257 = tpu.memref_squeeze %dma_start3A_256 : memref<1x128xi32, #tpu.memory_space<vmem>> -> memref<128xi32, #tpu.memory_space<vmem>>
      %dma_start3A_258 = arith.constant 0 : i32
      %dma_start3A_259 = arith.constant 0 : i32
      %dma_start3A_260 = tpu.memref_slice %arg10[%dma_start3A_258, %dma_start3A_259] : memref<10240x128xf32, #tpu.memory_space<vmem_shared>> -> memref<10240x128xf32, #tpu.memory_space<vmem_shared>>
      tpu.enqueue_indirect_dma source(%arg8 : memref<128x128xf32, #tpu.memory_space<vmem>>) target(%dma_start3A_260 : memref<10240x128xf32, #tpu.memory_space<vmem_shared>>) offsets(%dma_start3A_257 : memref<128xi32, #tpu.memory_space<vmem>>) semaphore(%arg13 : memref<!tpu.dma_semaphore, #tpu.memory_space<semaphore_mem>>) {add = true}
      %add3A_261 = arith.constant 1 : i32
      %add3A_262 = arith.addi %mul3A_248, %add3A_261 : i32
      %dma_wait3A_263 = arith.constant 0 : i32
      %dma_wait3A_264 = tpu.memref_slice %arg6[%add3A_262, %dma_wait3A_263] : memref<40x128xi32, #tpu.memory_space<vmem>> -> memref<1x128xi32, #tpu.memory_space<vmem>>
      %dma_wait3A_265 = tpu.memref_squeeze %dma_wait3A_264 : memref<1x128xi32, #tpu.memory_space<vmem>> -> memref<128xi32, #tpu.memory_space<vmem>>
      %dma_wait3A_266 = arith.constant 0 : i32
      %dma_wait3A_267 = arith.constant 0 : i32
      %dma_wait3A_268 = tpu.memref_slice %arg2[%dma_wait3A_266, %dma_wait3A_267] : memref<10240x128xf32, #tpu.memory_space<hbm>> -> memref<10240x128xf32, #tpu.memory_space<hbm>>
      tpu.wait_indirect_dma semaphore(%arg12 : memref<!tpu.dma_semaphore, #tpu.memory_space<semaphore_mem>>) src(%dma_wait3A_268 : memref<10240x128xf32, #tpu.memory_space<hbm>>) dst(%arg9 : memref<128x128xf32, #tpu.memory_space<vmem>>)
      %add3A_269 = arith.constant 1 : i32
      %add3A_270 = arith.addi %mul3A_248, %add3A_269 : i32
      %dma_start3A_271 = arith.constant 0 : i32
      %dma_start3A_272 = tpu.memref_slice %arg7[%add3A_270, %dma_start3A_271] : memref<40x128xi32, #tpu.memory_space<vmem>> -> memref<1x128xi32, #tpu.memory_space<vmem>>
      %dma_start3A_273 = tpu.memref_squeeze %dma_start3A_272 : memref<1x128xi32, #tpu.memory_space<vmem>> -> memref<128xi32, #tpu.memory_space<vmem>>
      %dma_start3A_274 = arith.constant 0 : i32
      %dma_start3A_275 = arith.constant 0 : i32
      %dma_start3A_276 = tpu.memref_slice %arg10[%dma_start3A_274, %dma_start3A_275] : memref<10240x128xf32, #tpu.memory_space<vmem_shared>> -> memref<10240x128xf32, #tpu.memory_space<vmem_shared>>
      tpu.enqueue_indirect_dma source(%arg9 : memref<128x128xf32, #tpu.memory_space<vmem>>) target(%dma_start3A_276 : memref<10240x128xf32, #tpu.memory_space<vmem_shared>>) offsets(%dma_start3A_273 : memref<128xi32, #tpu.memory_space<vmem>>) semaphore(%arg14 : memref<!tpu.dma_semaphore, #tpu.memory_space<semaphore_mem>>) {add = true}
      %dma_wait3A_277 = arith.constant 0 : i32
      %dma_wait3A_278 = tpu.memref_slice %arg7[%mul3A_248, %dma_wait3A_277] : memref<40x128xi32, #tpu.memory_space<vmem>> -> memref<1x128xi32, #tpu.memory_space<vmem>>
      %dma_wait3A_279 = tpu.memref_squeeze %dma_wait3A_278 : memref<1x128xi32, #tpu.memory_space<vmem>> -> memref<128xi32, #tpu.memory_space<vmem>>
      %dma_wait3A_280 = arith.constant 0 : i32
      %dma_wait3A_281 = arith.constant 0 : i32
      %dma_wait3A_282 = tpu.memref_slice %arg10[%dma_wait3A_280, %dma_wait3A_281] : memref<10240x128xf32, #tpu.memory_space<vmem_shared>> -> memref<10240x128xf32, #tpu.memory_space<vmem_shared>>
      tpu.wait_indirect_dma semaphore(%arg13 : memref<!tpu.dma_semaphore, #tpu.memory_space<semaphore_mem>>) src(%arg8 : memref<128x128xf32, #tpu.memory_space<vmem>>) dst(%dma_wait3A_282 : memref<10240x128xf32, #tpu.memory_space<vmem_shared>>)
      %add3A_283 = arith.constant 2 : i32
      %add3A_284 = arith.addi %mul3A_248, %add3A_283 : i32
      %lt3A = arith.constant 40 : i32
      %lt3A_285 = arith.cmpi slt, %add3A_284, %lt3A : i32
      %convert_element_type3A = arith.extui %lt3A_285 : i1 to i32
      %cond3A = arith.constant 0 : i32
      %cond3A_286 = arith.cmpi ne, %convert_element_type3A, %cond3A : i32
      scf.if %cond3A_286 {
        %add3A_302 = arith.constant 2 : i32
        %add3A_303 = arith.addi %mul3A_248, %add3A_302 : i32
        %dma_start3A_304 = arith.constant 0 : i32
        %dma_start3A_305 = tpu.memref_slice %arg6[%add3A_303, %dma_start3A_304] : memref<40x128xi32, #tpu.memory_space<vmem>> -> memref<1x128xi32, #tpu.memory_space<vmem>>
        %dma_start3A_306 = tpu.memref_squeeze %dma_start3A_305 : memref<1x128xi32, #tpu.memory_space<vmem>> -> memref<128xi32, #tpu.memory_space<vmem>>
        %dma_start3A_307 = arith.constant 0 : i32
        %dma_start3A_308 = arith.constant 0 : i32
        %dma_start3A_309 = tpu.memref_slice %arg2[%dma_start3A_307, %dma_start3A_308] : memref<10240x128xf32, #tpu.memory_space<hbm>> -> memref<10240x128xf32, #tpu.memory_space<hbm>>
        tpu.enqueue_indirect_dma source(%dma_start3A_309 : memref<10240x128xf32, #tpu.memory_space<hbm>>) target(%arg8 : memref<128x128xf32, #tpu.memory_space<vmem>>) offsets(%dma_start3A_306 : memref<128xi32, #tpu.memory_space<vmem>>) semaphore(%arg11 : memref<!tpu.dma_semaphore, #tpu.memory_space<semaphore_mem>>)
      } else {
      }
      %add3A_287 = arith.constant 1 : i32
      %add3A_288 = arith.addi %mul3A_248, %add3A_287 : i32
      %dma_wait3A_289 = arith.constant 0 : i32
      %dma_wait3A_290 = tpu.memref_slice %arg7[%add3A_288, %dma_wait3A_289] : memref<40x128xi32, #tpu.memory_space<vmem>> -> memref<1x128xi32, #tpu.memory_space<vmem>>
      %dma_wait3A_291 = tpu.memref_squeeze %dma_wait3A_290 : memref<1x128xi32, #tpu.memory_space<vmem>> -> memref<128xi32, #tpu.memory_space<vmem>>
      %dma_wait3A_292 = arith.constant 0 : i32
      %dma_wait3A_293 = arith.constant 0 : i32
      %dma_wait3A_294 = tpu.memref_slice %arg10[%dma_wait3A_292, %dma_wait3A_293] : memref<10240x128xf32, #tpu.memory_space<vmem_shared>> -> memref<10240x128xf32, #tpu.memory_space<vmem_shared>>
      tpu.wait_indirect_dma semaphore(%arg14 : memref<!tpu.dma_semaphore, #tpu.memory_space<semaphore_mem>>) src(%arg9 : memref<128x128xf32, #tpu.memory_space<vmem>>) dst(%dma_wait3A_294 : memref<10240x128xf32, #tpu.memory_space<vmem_shared>>)
      %add3A_295 = arith.constant 3 : i32
      %add3A_296 = arith.addi %mul3A_248, %add3A_295 : i32
      %lt3A_297 = arith.constant 40 : i32
      %lt3A_298 = arith.cmpi slt, %add3A_296, %lt3A_297 : i32
      %convert_element_type3A_299 = arith.extui %lt3A_298 : i1 to i32
      %cond3A_300 = arith.constant 0 : i32
      %cond3A_301 = arith.cmpi ne, %convert_element_type3A_299, %cond3A_300 : i32
      scf.if %cond3A_301 {
        %add3A_302 = arith.constant 3 : i32
        %add3A_303 = arith.addi %mul3A_248, %add3A_302 : i32
        %dma_start3A_304 = arith.constant 0 : i32
        %dma_start3A_305 = tpu.memref_slice %arg6[%add3A_303, %dma_start3A_304] : memref<40x128xi32, #tpu.memory_space<vmem>> -> memref<1x128xi32, #tpu.memory_space<vmem>>
        %dma_start3A_306 = tpu.memref_squeeze %dma_start3A_305 : memref<1x128xi32, #tpu.memory_space<vmem>> -> memref<128xi32, #tpu.memory_space<vmem>>
        %dma_start3A_307 = arith.constant 0 : i32
        %dma_start3A_308 = arith.constant 0 : i32
        %dma_start3A_309 = tpu.memref_slice %arg2[%dma_start3A_307, %dma_start3A_308] : memref<10240x128xf32, #tpu.memory_space<hbm>> -> memref<10240x128xf32, #tpu.memory_space<hbm>>
        tpu.enqueue_indirect_dma source(%dma_start3A_309 : memref<10240x128xf32, #tpu.memory_space<hbm>>) target(%arg9 : memref<128x128xf32, #tpu.memory_space<vmem>>) offsets(%dma_start3A_306 : memref<128xi32, #tpu.memory_space<vmem>>) semaphore(%arg12 : memref<!tpu.dma_semaphore, #tpu.memory_space<semaphore_mem>>)
      } else {
      }
    }
    %scan3A_45 = arith.constant 20 : i32
    "tpu.region"() ({
      %run_scoped3A = tpu.sem_alloc : memref<!tpu.dma_semaphore, #tpu.memory_space<semaphore_mem>>
      %dma_start3A_246 = arith.constant 40 : i32
      %dma_start3A_247 = arith.constant 0 : i32
      %dma_start3A_248 = tpu.memref_slice %arg3[%add3A, %dma_start3A_246, %dma_start3A_247] : memref<32x80x128xi32, #tpu.memory_space<hbm>> -> memref<1x40x128xi32, #tpu.memory_space<hbm>>
      %dma_start3A_249 = tpu.memref_squeeze %dma_start3A_248 : memref<1x40x128xi32, #tpu.memory_space<hbm>> -> memref<40x128xi32, #tpu.memory_space<hbm>>
      %dma_start3A_250 = arith.constant 40 : i32
      %dma_start3A_251 = arith.constant 0 : i32
      %dma_start3A_252 = tpu.memref_slice %arg3[%add3A, %dma_start3A_250, %dma_start3A_251] : memref<32x80x128xi32, #tpu.memory_space<hbm>> -> memref<1x40x128xi32, #tpu.memory_space<hbm>>
      %dma_start3A_253 = tpu.memref_squeeze %dma_start3A_252 : memref<1x40x128xi32, #tpu.memory_space<hbm>> -> memref<40x128xi32, #tpu.memory_space<hbm>>
      tpu.enqueue_dma source(%dma_start3A_253 : memref<40x128xi32, #tpu.memory_space<hbm>>) target(%arg6 : memref<40x128xi32, #tpu.memory_space<vmem>>) target_semaphore(%run_scoped3A : memref<!tpu.dma_semaphore, #tpu.memory_space<semaphore_mem>>)
      %dma_wait3A_254 = arith.constant 40 : i32
      %dma_wait3A_255 = arith.constant 0 : i32
      %dma_wait3A_256 = tpu.memref_slice %arg3[%add3A, %dma_wait3A_254, %dma_wait3A_255] : memref<32x80x128xi32, #tpu.memory_space<hbm>> -> memref<1x40x128xi32, #tpu.memory_space<hbm>>
      %dma_wait3A_257 = tpu.memref_squeeze %dma_wait3A_256 : memref<1x40x128xi32, #tpu.memory_space<hbm>> -> memref<40x128xi32, #tpu.memory_space<hbm>>
      %dma_wait3A_258 = arith.constant 40 : i32
      %dma_wait3A_259 = arith.constant 0 : i32
      %dma_wait3A_260 = tpu.memref_slice %arg3[%add3A, %dma_wait3A_258, %dma_wait3A_259] : memref<32x80x128xi32, #tpu.memory_space<hbm>> -> memref<1x40x128xi32, #tpu.memory_space<hbm>>
      %dma_wait3A_261 = tpu.memref_squeeze %dma_wait3A_260 : memref<1x40x128xi32, #tpu.memory_space<hbm>> -> memref<40x128xi32, #tpu.memory_space<hbm>>
      tpu.wait_dma2 semaphore(%run_scoped3A : memref<!tpu.dma_semaphore, #tpu.memory_space<semaphore_mem>>) src(%dma_wait3A_261 : memref<40x128xi32, #tpu.memory_space<hbm>>) dst(%arg6 : memref<40x128xi32, #tpu.memory_space<vmem>>)
      tpu.yield
    }) : () -> ()
    "tpu.region"() ({
      %run_scoped3A = tpu.sem_alloc : memref<!tpu.dma_semaphore, #tpu.memory_space<semaphore_mem>>
      %dma_start3A_246 = arith.constant 40 : i32
      %dma_start3A_247 = arith.constant 0 : i32
      %dma_start3A_248 = tpu.memref_slice %arg4[%add3A, %dma_start3A_246, %dma_start3A_247] : memref<32x80x128xi32, #tpu.memory_space<hbm>> -> memref<1x40x128xi32, #tpu.memory_space<hbm>>
      %dma_start3A_249 = tpu.memref_squeeze %dma_start3A_248 : memref<1x40x128xi32, #tpu.memory_space<hbm>> -> memref<40x128xi32, #tpu.memory_space<hbm>>
      %dma_start3A_250 = arith.constant 40 : i32
      %dma_start3A_251 = arith.constant 0 : i32
      %dma_start3A_252 = tpu.memref_slice %arg4[%add3A, %dma_start3A_250, %dma_start3A_251] : memref<32x80x128xi32, #tpu.memory_space<hbm>> -> memref<1x40x128xi32, #tpu.memory_space<hbm>>
      %dma_start3A_253 = tpu.memref_squeeze %dma_start3A_252 : memref<1x40x128xi32, #tpu.memory_space<hbm>> -> memref<40x128xi32, #tpu.memory_space<hbm>>
      tpu.enqueue_dma source(%dma_start3A_253 : memref<40x128xi32, #tpu.memory_space<hbm>>) target(%arg7 : memref<40x128xi32, #tpu.memory_space<vmem>>) target_semaphore(%run_scoped3A : memref<!tpu.dma_semaphore, #tpu.memory_space<semaphore_mem>>)
      %dma_wait3A_254 = arith.constant 40 : i32
      %dma_wait3A_255 = arith.constant 0 : i32
      %dma_wait3A_256 = tpu.memref_slice %arg4[%add3A, %dma_wait3A_254, %dma_wait3A_255] : memref<32x80x128xi32, #tpu.memory_space<hbm>> -> memref<1x40x128xi32, #tpu.memory_space<hbm>>
      %dma_wait3A_257 = tpu.memref_squeeze %dma_wait3A_256 : memref<1x40x128xi32, #tpu.memory_space<hbm>> -> memref<40x128xi32, #tpu.memory_space<hbm>>
      %dma_wait3A_258 = arith.constant 40 : i32
      %dma_wait3A_259 = arith.constant 0 : i32
      %dma_wait3A_260 = tpu.memref_slice %arg4[%add3A, %dma_wait3A_258, %dma_wait3A_259] : memref<32x80x128xi32, #tpu.memory_space<hbm>> -> memref<1x40x128xi32, #tpu.memory_space<hbm>>
      %dma_wait3A_261 = tpu.memref_squeeze %dma_wait3A_260 : memref<1x40x128xi32, #tpu.memory_space<hbm>> -> memref<40x128xi32, #tpu.memory_space<hbm>>
      tpu.wait_dma2 semaphore(%run_scoped3A : memref<!tpu.dma_semaphore, #tpu.memory_space<semaphore_mem>>) src(%dma_wait3A_261 : memref<40x128xi32, #tpu.memory_space<hbm>>) dst(%arg7 : memref<40x128xi32, #tpu.memory_space<vmem>>)
      tpu.yield
    }) : () -> ()
    %dma_start3A_46 = arith.constant 0 : i32
    %dma_start3A_47 = arith.constant 0 : i32
    %dma_start3A_48 = tpu.memref_slice %arg6[%dma_start3A_46, %dma_start3A_47] : memref<40x128xi32, #tpu.memory_space<vmem>> -> memref<1x128xi32, #tpu.memory_space<vmem>>
    %dma_start3A_49 = tpu.memref_squeeze %dma_start3A_48 : memref<1x128xi32, #tpu.memory_space<vmem>> -> memref<128xi32, #tpu.memory_space<vmem>>
    %dma_start3A_50 = arith.constant 0 : i32
    %dma_start3A_51 = arith.constant 0 : i32
    %dma_start3A_52 = tpu.memref_slice %arg2[%dma_start3A_50, %dma_start3A_51] : memref<10240x128xf32, #tpu.memory_space<hbm>> -> memref<10240x128xf32, #tpu.memory_space<hbm>>
    tpu.enqueue_indirect_dma source(%dma_start3A_52 : memref<10240x128xf32, #tpu.memory_space<hbm>>) target(%arg8 : memref<128x128xf32, #tpu.memory_space<vmem>>) offsets(%dma_start3A_49 : memref<128xi32, #tpu.memory_space<vmem>>) semaphore(%arg11 : memref<!tpu.dma_semaphore, #tpu.memory_space<semaphore_mem>>)
    %dma_start3A_53 = arith.constant 1 : i32
    %dma_start3A_54 = arith.constant 0 : i32
    %dma_start3A_55 = tpu.memref_slice %arg6[%dma_start3A_53, %dma_start3A_54] : memref<40x128xi32, #tpu.memory_space<vmem>> -> memref<1x128xi32, #tpu.memory_space<vmem>>
    %dma_start3A_56 = tpu.memref_squeeze %dma_start3A_55 : memref<1x128xi32, #tpu.memory_space<vmem>> -> memref<128xi32, #tpu.memory_space<vmem>>
    %dma_start3A_57 = arith.constant 0 : i32
    %dma_start3A_58 = arith.constant 0 : i32
    %dma_start3A_59 = tpu.memref_slice %arg2[%dma_start3A_57, %dma_start3A_58] : memref<10240x128xf32, #tpu.memory_space<hbm>> -> memref<10240x128xf32, #tpu.memory_space<hbm>>
    tpu.enqueue_indirect_dma source(%dma_start3A_59 : memref<10240x128xf32, #tpu.memory_space<hbm>>) target(%arg9 : memref<128x128xf32, #tpu.memory_space<vmem>>) offsets(%dma_start3A_56 : memref<128xi32, #tpu.memory_space<vmem>>) semaphore(%arg12 : memref<!tpu.dma_semaphore, #tpu.memory_space<semaphore_mem>>)
    %scan3A_60 = arith.constant 0 : i32
    %scan3A_61 = arith.constant 0 : i32
    %scan3A_62 = arith.constant 20 : i32
    %scan3A_63 = arith.addi %scan3A_61, %scan3A_62 : i32
    %scan3A_64 = arith.constant 1 : i32
    scf.for %scan3A_246 = %scan3A_61 to %scan3A_63 step %scan3A_64  : i32 {
      %mul3A_247 = arith.constant 2 : i32
      %mul3A_248 = arith.muli %scan3A_246, %mul3A_247 : i32
      %dma_wait3A_249 = arith.constant 0 : i32
      %dma_wait3A_250 = tpu.memref_slice %arg6[%mul3A_248, %dma_wait3A_249] : memref<40x128xi32, #tpu.memory_space<vmem>> -> memref<1x128xi32, #tpu.memory_space<vmem>>
      %dma_wait3A_251 = tpu.memref_squeeze %dma_wait3A_250 : memref<1x128xi32, #tpu.memory_space<vmem>> -> memref<128xi32, #tpu.memory_space<vmem>>
      %dma_wait3A_252 = arith.constant 0 : i32
      %dma_wait3A_253 = arith.constant 0 : i32
      %dma_wait3A_254 = tpu.memref_slice %arg2[%dma_wait3A_252, %dma_wait3A_253] : memref<10240x128xf32, #tpu.memory_space<hbm>> -> memref<10240x128xf32, #tpu.memory_space<hbm>>
      tpu.wait_indirect_dma semaphore(%arg11 : memref<!tpu.dma_semaphore, #tpu.memory_space<semaphore_mem>>) src(%dma_wait3A_254 : memref<10240x128xf32, #tpu.memory_space<hbm>>) dst(%arg8 : memref<128x128xf32, #tpu.memory_space<vmem>>)
      %dma_start3A_255 = arith.constant 0 : i32
      %dma_start3A_256 = tpu.memref_slice %arg7[%mul3A_248, %dma_start3A_255] : memref<40x128xi32, #tpu.memory_space<vmem>> -> memref<1x128xi32, #tpu.memory_space<vmem>>
      %dma_start3A_257 = tpu.memref_squeeze %dma_start3A_256 : memref<1x128xi32, #tpu.memory_space<vmem>> -> memref<128xi32, #tpu.memory_space<vmem>>
      %dma_start3A_258 = arith.constant 0 : i32
      %dma_start3A_259 = arith.constant 0 : i32
      %dma_start3A_260 = tpu.memref_slice %arg10[%dma_start3A_258, %dma_start3A_259] : memref<10240x128xf32, #tpu.memory_space<vmem_shared>> -> memref<10240x128xf32, #tpu.memory_space<vmem_shared>>
      tpu.enqueue_indirect_dma source(%arg8 : memref<128x128xf32, #tpu.memory_space<vmem>>) target(%dma_start3A_260 : memref<10240x128xf32, #tpu.memory_space<vmem_shared>>) offsets(%dma_start3A_257 : memref<128xi32, #tpu.memory_space<vmem>>) semaphore(%arg13 : memref<!tpu.dma_semaphore, #tpu.memory_space<semaphore_mem>>) {add = true}
      %add3A_261 = arith.constant 1 : i32
      %add3A_262 = arith.addi %mul3A_248, %add3A_261 : i32
      %dma_wait3A_263 = arith.constant 0 : i32
      %dma_wait3A_264 = tpu.memref_slice %arg6[%add3A_262, %dma_wait3A_263] : memref<40x128xi32, #tpu.memory_space<vmem>> -> memref<1x128xi32, #tpu.memory_space<vmem>>
      %dma_wait3A_265 = tpu.memref_squeeze %dma_wait3A_264 : memref<1x128xi32, #tpu.memory_space<vmem>> -> memref<128xi32, #tpu.memory_space<vmem>>
      %dma_wait3A_266 = arith.constant 0 : i32
      %dma_wait3A_267 = arith.constant 0 : i32
      %dma_wait3A_268 = tpu.memref_slice %arg2[%dma_wait3A_266, %dma_wait3A_267] : memref<10240x128xf32, #tpu.memory_space<hbm>> -> memref<10240x128xf32, #tpu.memory_space<hbm>>
      tpu.wait_indirect_dma semaphore(%arg12 : memref<!tpu.dma_semaphore, #tpu.memory_space<semaphore_mem>>) src(%dma_wait3A_268 : memref<10240x128xf32, #tpu.memory_space<hbm>>) dst(%arg9 : memref<128x128xf32, #tpu.memory_space<vmem>>)
      %add3A_269 = arith.constant 1 : i32
      %add3A_270 = arith.addi %mul3A_248, %add3A_269 : i32
      %dma_start3A_271 = arith.constant 0 : i32
      %dma_start3A_272 = tpu.memref_slice %arg7[%add3A_270, %dma_start3A_271] : memref<40x128xi32, #tpu.memory_space<vmem>> -> memref<1x128xi32, #tpu.memory_space<vmem>>
      %dma_start3A_273 = tpu.memref_squeeze %dma_start3A_272 : memref<1x128xi32, #tpu.memory_space<vmem>> -> memref<128xi32, #tpu.memory_space<vmem>>
      %dma_start3A_274 = arith.constant 0 : i32
      %dma_start3A_275 = arith.constant 0 : i32
      %dma_start3A_276 = tpu.memref_slice %arg10[%dma_start3A_274, %dma_start3A_275] : memref<10240x128xf32, #tpu.memory_space<vmem_shared>> -> memref<10240x128xf32, #tpu.memory_space<vmem_shared>>
      tpu.enqueue_indirect_dma source(%arg9 : memref<128x128xf32, #tpu.memory_space<vmem>>) target(%dma_start3A_276 : memref<10240x128xf32, #tpu.memory_space<vmem_shared>>) offsets(%dma_start3A_273 : memref<128xi32, #tpu.memory_space<vmem>>) semaphore(%arg14 : memref<!tpu.dma_semaphore, #tpu.memory_space<semaphore_mem>>) {add = true}
      %dma_wait3A_277 = arith.constant 0 : i32
      %dma_wait3A_278 = tpu.memref_slice %arg7[%mul3A_248, %dma_wait3A_277] : memref<40x128xi32, #tpu.memory_space<vmem>> -> memref<1x128xi32, #tpu.memory_space<vmem>>
      %dma_wait3A_279 = tpu.memref_squeeze %dma_wait3A_278 : memref<1x128xi32, #tpu.memory_space<vmem>> -> memref<128xi32, #tpu.memory_space<vmem>>
      %dma_wait3A_280 = arith.constant 0 : i32
      %dma_wait3A_281 = arith.constant 0 : i32
      %dma_wait3A_282 = tpu.memref_slice %arg10[%dma_wait3A_280, %dma_wait3A_281] : memref<10240x128xf32, #tpu.memory_space<vmem_shared>> -> memref<10240x128xf32, #tpu.memory_space<vmem_shared>>
      tpu.wait_indirect_dma semaphore(%arg13 : memref<!tpu.dma_semaphore, #tpu.memory_space<semaphore_mem>>) src(%arg8 : memref<128x128xf32, #tpu.memory_space<vmem>>) dst(%dma_wait3A_282 : memref<10240x128xf32, #tpu.memory_space<vmem_shared>>)
      %add3A_283 = arith.constant 2 : i32
      %add3A_284 = arith.addi %mul3A_248, %add3A_283 : i32
      %lt3A = arith.constant 40 : i32
      %lt3A_285 = arith.cmpi slt, %add3A_284, %lt3A : i32
      %convert_element_type3A = arith.extui %lt3A_285 : i1 to i32
      %cond3A = arith.constant 0 : i32
      %cond3A_286 = arith.cmpi ne, %convert_element_type3A, %cond3A : i32
      scf.if %cond3A_286 {
        %add3A_302 = arith.constant 2 : i32
        %add3A_303 = arith.addi %mul3A_248, %add3A_302 : i32
        %dma_start3A_304 = arith.constant 0 : i32
        %dma_start3A_305 = tpu.memref_slice %arg6[%add3A_303, %dma_start3A_304] : memref<40x128xi32, #tpu.memory_space<vmem>> -> memref<1x128xi32, #tpu.memory_space<vmem>>
        %dma_start3A_306 = tpu.memref_squeeze %dma_start3A_305 : memref<1x128xi32, #tpu.memory_space<vmem>> -> memref<128xi32, #tpu.memory_space<vmem>>
        %dma_start3A_307 = arith.constant 0 : i32
        %dma_start3A_308 = arith.constant 0 : i32
        %dma_start3A_309 = tpu.memref_slice %arg2[%dma_start3A_307, %dma_start3A_308] : memref<10240x128xf32, #tpu.memory_space<hbm>> -> memref<10240x128xf32, #tpu.memory_space<hbm>>
        tpu.enqueue_indirect_dma source(%dma_start3A_309 : memref<10240x128xf32, #tpu.memory_space<hbm>>) target(%arg8 : memref<128x128xf32, #tpu.memory_space<vmem>>) offsets(%dma_start3A_306 : memref<128xi32, #tpu.memory_space<vmem>>) semaphore(%arg11 : memref<!tpu.dma_semaphore, #tpu.memory_space<semaphore_mem>>)
      } else {
      }
      %add3A_287 = arith.constant 1 : i32
      %add3A_288 = arith.addi %mul3A_248, %add3A_287 : i32
      %dma_wait3A_289 = arith.constant 0 : i32
      %dma_wait3A_290 = tpu.memref_slice %arg7[%add3A_288, %dma_wait3A_289] : memref<40x128xi32, #tpu.memory_space<vmem>> -> memref<1x128xi32, #tpu.memory_space<vmem>>
      %dma_wait3A_291 = tpu.memref_squeeze %dma_wait3A_290 : memref<1x128xi32, #tpu.memory_space<vmem>> -> memref<128xi32, #tpu.memory_space<vmem>>
      %dma_wait3A_292 = arith.constant 0 : i32
      %dma_wait3A_293 = arith.constant 0 : i32
      %dma_wait3A_294 = tpu.memref_slice %arg10[%dma_wait3A_292, %dma_wait3A_293] : memref<10240x128xf32, #tpu.memory_space<vmem_shared>> -> memref<10240x128xf32, #tpu.memory_space<vmem_shared>>
      tpu.wait_indirect_dma semaphore(%arg14 : memref<!tpu.dma_semaphore, #tpu.memory_space<semaphore_mem>>) src(%arg9 : memref<128x128xf32, #tpu.memory_space<vmem>>) dst(%dma_wait3A_294 : memref<10240x128xf32, #tpu.memory_space<vmem_shared>>)
      %add3A_295 = arith.constant 3 : i32
      %add3A_296 = arith.addi %mul3A_248, %add3A_295 : i32
      %lt3A_297 = arith.constant 40 : i32
      %lt3A_298 = arith.cmpi slt, %add3A_296, %lt3A_297 : i32
      %convert_element_type3A_299 = arith.extui %lt3A_298 : i1 to i32
      %cond3A_300 = arith.constant 0 : i32
      %cond3A_301 = arith.cmpi ne, %convert_element_type3A_299, %cond3A_300 : i32
      scf.if %cond3A_301 {
        %add3A_302 = arith.constant 3 : i32
        %add3A_303 = arith.addi %mul3A_248, %add3A_302 : i32
        %dma_start3A_304 = arith.constant 0 : i32
        %dma_start3A_305 = tpu.memref_slice %arg6[%add3A_303, %dma_start3A_304] : memref<40x128xi32, #tpu.memory_space<vmem>> -> memref<1x128xi32, #tpu.memory_space<vmem>>
        %dma_start3A_306 = tpu.memref_squeeze %dma_start3A_305 : memref<1x128xi32, #tpu.memory_space<vmem>> -> memref<128xi32, #tpu.memory_space<vmem>>
        %dma_start3A_307 = arith.constant 0 : i32
        %dma_start3A_308 = arith.constant 0 : i32
        %dma_start3A_309 = tpu.memref_slice %arg2[%dma_start3A_307, %dma_start3A_308] : memref<10240x128xf32, #tpu.memory_space<hbm>> -> memref<10240x128xf32, #tpu.memory_space<hbm>>
        tpu.enqueue_indirect_dma source(%dma_start3A_309 : memref<10240x128xf32, #tpu.memory_space<hbm>>) target(%arg9 : memref<128x128xf32, #tpu.memory_space<vmem>>) offsets(%dma_start3A_306 : memref<128xi32, #tpu.memory_space<vmem>>) semaphore(%arg12 : memref<!tpu.dma_semaphore, #tpu.memory_space<semaphore_mem>>)
      } else {
      }
    }
    %scan3A_65 = arith.constant 20 : i32
    %barrier3A_66 = arith.constant 0 : index
    tpu.barrier barrier_id(%barrier3A_66)
    %mul3A_67 = arith.constant 640 : i32
    %mul3A_68 = arith.muli %arg1, %mul3A_67 : i32
    %add3A_69 = arith.constant 0 : i32
    %add3A_70 = arith.addi %mul3A_68, %add3A_69 : i32
    %dma_start3A_71 = arith.constant 0 : i32
    %dma_start3A_72 = tpu.memref_slice %arg10[%add3A_70, %dma_start3A_71] : memref<10240x128xf32, #tpu.memory_space<vmem_shared>> -> memref<128x128xf32, #tpu.memory_space<vmem_shared>>
    %dma_start3A_73 = arith.constant 0 : i32
    %dma_start3A_74 = tpu.memref_slice %arg10[%add3A_70, %dma_start3A_73] : memref<10240x128xf32, #tpu.memory_space<vmem_shared>> -> memref<128x128xf32, #tpu.memory_space<vmem_shared>>
    tpu.enqueue_dma source(%dma_start3A_74 : memref<128x128xf32, #tpu.memory_space<vmem_shared>>) target(%arg8 : memref<128x128xf32, #tpu.memory_space<vmem>>) target_semaphore(%arg11 : memref<!tpu.dma_semaphore, #tpu.memory_space<semaphore_mem>>)
    %mul3A_75 = arith.constant 640 : i32
    %mul3A_76 = arith.muli %arg1, %mul3A_75 : i32
    %add3A_77 = arith.constant 0 : i32
    %add3A_78 = arith.addi %mul3A_76, %add3A_77 : i32
    %dma_wait3A = arith.constant 0 : i32
    %dma_wait3A_79 = tpu.memref_slice %arg10[%add3A_78, %dma_wait3A] : memref<10240x128xf32, #tpu.memory_space<vmem_shared>> -> memref<128x128xf32, #tpu.memory_space<vmem_shared>>
    %dma_wait3A_80 = arith.constant 0 : i32
    %dma_wait3A_81 = tpu.memref_slice %arg10[%add3A_78, %dma_wait3A_80] : memref<10240x128xf32, #tpu.memory_space<vmem_shared>> -> memref<128x128xf32, #tpu.memory_space<vmem_shared>>
    tpu.wait_dma2 semaphore(%arg11 : memref<!tpu.dma_semaphore, #tpu.memory_space<semaphore_mem>>) src(%dma_wait3A_81 : memref<128x128xf32, #tpu.memory_space<vmem_shared>>) dst(%arg8 : memref<128x128xf32, #tpu.memory_space<vmem>>)
    %mul3A_82 = arith.constant 640 : i32
    %mul3A_83 = arith.muli %arg1, %mul3A_82 : i32
    %add3A_84 = arith.constant 0 : i32
    %add3A_85 = arith.addi %mul3A_83, %add3A_84 : i32
    %dma_start3A_86 = arith.constant 0 : i32
    %dma_start3A_87 = tpu.memref_slice %arg5[%arg0, %add3A_85, %dma_start3A_86] : memref<2x10240x128xf32, #tpu.memory_space<hbm>> -> memref<1x128x128xf32, #tpu.memory_space<hbm>>
    %dma_start3A_88 = tpu.memref_squeeze %dma_start3A_87 : memref<1x128x128xf32, #tpu.memory_space<hbm>> -> memref<128x128xf32, #tpu.memory_space<hbm>>
    %dma_start3A_89 = arith.constant 0 : i32
    %dma_start3A_90 = tpu.memref_slice %arg5[%arg0, %add3A_85, %dma_start3A_89] : memref<2x10240x128xf32, #tpu.memory_space<hbm>> -> memref<1x128x128xf32, #tpu.memory_space<hbm>>
    %dma_start3A_91 = tpu.memref_squeeze %dma_start3A_90 : memref<1x128x128xf32, #tpu.memory_space<hbm>> -> memref<128x128xf32, #tpu.memory_space<hbm>>
    tpu.enqueue_dma source(%arg8 : memref<128x128xf32, #tpu.memory_space<vmem>>) target(%dma_start3A_91 : memref<128x128xf32, #tpu.memory_space<hbm>>) target_semaphore(%arg13 : memref<!tpu.dma_semaphore, #tpu.memory_space<semaphore_mem>>)
    %mul3A_92 = arith.constant 640 : i32
    %mul3A_93 = arith.muli %arg1, %mul3A_92 : i32
    %add3A_94 = arith.constant 128 : i32
    %add3A_95 = arith.addi %mul3A_93, %add3A_94 : i32
    %dma_start3A_96 = arith.constant 0 : i32
    %dma_start3A_97 = tpu.memref_slice %arg10[%add3A_95, %dma_start3A_96] : memref<10240x128xf32, #tpu.memory_space<vmem_shared>> -> memref<128x128xf32, #tpu.memory_space<vmem_shared>>
    %dma_start3A_98 = arith.constant 0 : i32
    %dma_start3A_99 = tpu.memref_slice %arg10[%add3A_95, %dma_start3A_98] : memref<10240x128xf32, #tpu.memory_space<vmem_shared>> -> memref<128x128xf32, #tpu.memory_space<vmem_shared>>
    tpu.enqueue_dma source(%dma_start3A_99 : memref<128x128xf32, #tpu.memory_space<vmem_shared>>) target(%arg9 : memref<128x128xf32, #tpu.memory_space<vmem>>) target_semaphore(%arg12 : memref<!tpu.dma_semaphore, #tpu.memory_space<semaphore_mem>>)
    %mul3A_100 = arith.constant 640 : i32
    %mul3A_101 = arith.muli %arg1, %mul3A_100 : i32
    %add3A_102 = arith.constant 128 : i32
    %add3A_103 = arith.addi %mul3A_101, %add3A_102 : i32
    %dma_wait3A_104 = arith.constant 0 : i32
    %dma_wait3A_105 = tpu.memref_slice %arg10[%add3A_103, %dma_wait3A_104] : memref<10240x128xf32, #tpu.memory_space<vmem_shared>> -> memref<128x128xf32, #tpu.memory_space<vmem_shared>>
    %dma_wait3A_106 = arith.constant 0 : i32
    %dma_wait3A_107 = tpu.memref_slice %arg10[%add3A_103, %dma_wait3A_106] : memref<10240x128xf32, #tpu.memory_space<vmem_shared>> -> memref<128x128xf32, #tpu.memory_space<vmem_shared>>
    tpu.wait_dma2 semaphore(%arg12 : memref<!tpu.dma_semaphore, #tpu.memory_space<semaphore_mem>>) src(%dma_wait3A_107 : memref<128x128xf32, #tpu.memory_space<vmem_shared>>) dst(%arg9 : memref<128x128xf32, #tpu.memory_space<vmem>>)
    %mul3A_108 = arith.constant 640 : i32
    %mul3A_109 = arith.muli %arg1, %mul3A_108 : i32
    %add3A_110 = arith.constant 128 : i32
    %add3A_111 = arith.addi %mul3A_109, %add3A_110 : i32
    %dma_start3A_112 = arith.constant 0 : i32
    %dma_start3A_113 = tpu.memref_slice %arg5[%arg0, %add3A_111, %dma_start3A_112] : memref<2x10240x128xf32, #tpu.memory_space<hbm>> -> memref<1x128x128xf32, #tpu.memory_space<hbm>>
    %dma_start3A_114 = tpu.memref_squeeze %dma_start3A_113 : memref<1x128x128xf32, #tpu.memory_space<hbm>> -> memref<128x128xf32, #tpu.memory_space<hbm>>
    %dma_start3A_115 = arith.constant 0 : i32
    %dma_start3A_116 = tpu.memref_slice %arg5[%arg0, %add3A_111, %dma_start3A_115] : memref<2x10240x128xf32, #tpu.memory_space<hbm>> -> memref<1x128x128xf32, #tpu.memory_space<hbm>>
    %dma_start3A_117 = tpu.memref_squeeze %dma_start3A_116 : memref<1x128x128xf32, #tpu.memory_space<hbm>> -> memref<128x128xf32, #tpu.memory_space<hbm>>
    tpu.enqueue_dma source(%arg9 : memref<128x128xf32, #tpu.memory_space<vmem>>) target(%dma_start3A_117 : memref<128x128xf32, #tpu.memory_space<hbm>>) target_semaphore(%arg14 : memref<!tpu.dma_semaphore, #tpu.memory_space<semaphore_mem>>)
    %mul3A_118 = arith.constant 640 : i32
    %mul3A_119 = arith.muli %arg1, %mul3A_118 : i32
    %add3A_120 = arith.constant 0 : i32
    %add3A_121 = arith.addi %mul3A_119, %add3A_120 : i32
    %dma_wait3A_122 = arith.constant 0 : i32
    %dma_wait3A_123 = tpu.memref_slice %arg5[%arg0, %add3A_121, %dma_wait3A_122] : memref<2x10240x128xf32, #tpu.memory_space<hbm>> -> memref<1x128x128xf32, #tpu.memory_space<hbm>>
    %dma_wait3A_124 = tpu.memref_squeeze %dma_wait3A_123 : memref<1x128x128xf32, #tpu.memory_space<hbm>> -> memref<128x128xf32, #tpu.memory_space<hbm>>
    %dma_wait3A_125 = arith.constant 0 : i32
    %dma_wait3A_126 = tpu.memref_slice %arg5[%arg0, %add3A_121, %dma_wait3A_125] : memref<2x10240x128xf32, #tpu.memory_space<hbm>> -> memref<1x128x128xf32, #tpu.memory_space<hbm>>
    %dma_wait3A_127 = tpu.memref_squeeze %dma_wait3A_126 : memref<1x128x128xf32, #tpu.memory_space<hbm>> -> memref<128x128xf32, #tpu.memory_space<hbm>>
    tpu.wait_dma2 semaphore(%arg13 : memref<!tpu.dma_semaphore, #tpu.memory_space<semaphore_mem>>) src(%arg8 : memref<128x128xf32, #tpu.memory_space<vmem>>) dst(%dma_wait3A_127 : memref<128x128xf32, #tpu.memory_space<hbm>>)
    %mul3A_128 = arith.constant 640 : i32
    %mul3A_129 = arith.muli %arg1, %mul3A_128 : i32
    %add3A_130 = arith.constant 256 : i32
    %add3A_131 = arith.addi %mul3A_129, %add3A_130 : i32
    %dma_start3A_132 = arith.constant 0 : i32
    %dma_start3A_133 = tpu.memref_slice %arg10[%add3A_131, %dma_start3A_132] : memref<10240x128xf32, #tpu.memory_space<vmem_shared>> -> memref<128x128xf32, #tpu.memory_space<vmem_shared>>
    %dma_start3A_134 = arith.constant 0 : i32
    %dma_start3A_135 = tpu.memref_slice %arg10[%add3A_131, %dma_start3A_134] : memref<10240x128xf32, #tpu.memory_space<vmem_shared>> -> memref<128x128xf32, #tpu.memory_space<vmem_shared>>
    tpu.enqueue_dma source(%dma_start3A_135 : memref<128x128xf32, #tpu.memory_space<vmem_shared>>) target(%arg8 : memref<128x128xf32, #tpu.memory_space<vmem>>) target_semaphore(%arg11 : memref<!tpu.dma_semaphore, #tpu.memory_space<semaphore_mem>>)
    %mul3A_136 = arith.constant 640 : i32
    %mul3A_137 = arith.muli %arg1, %mul3A_136 : i32
    %add3A_138 = arith.constant 256 : i32
    %add3A_139 = arith.addi %mul3A_137, %add3A_138 : i32
    %dma_wait3A_140 = arith.constant 0 : i32
    %dma_wait3A_141 = tpu.memref_slice %arg10[%add3A_139, %dma_wait3A_140] : memref<10240x128xf32, #tpu.memory_space<vmem_shared>> -> memref<128x128xf32, #tpu.memory_space<vmem_shared>>
    %dma_wait3A_142 = arith.constant 0 : i32
    %dma_wait3A_143 = tpu.memref_slice %arg10[%add3A_139, %dma_wait3A_142] : memref<10240x128xf32, #tpu.memory_space<vmem_shared>> -> memref<128x128xf32, #tpu.memory_space<vmem_shared>>
    tpu.wait_dma2 semaphore(%arg11 : memref<!tpu.dma_semaphore, #tpu.memory_space<semaphore_mem>>) src(%dma_wait3A_143 : memref<128x128xf32, #tpu.memory_space<vmem_shared>>) dst(%arg8 : memref<128x128xf32, #tpu.memory_space<vmem>>)
    %mul3A_144 = arith.constant 640 : i32
    %mul3A_145 = arith.muli %arg1, %mul3A_144 : i32
    %add3A_146 = arith.constant 256 : i32
    %add3A_147 = arith.addi %mul3A_145, %add3A_146 : i32
    %dma_start3A_148 = arith.constant 0 : i32
    %dma_start3A_149 = tpu.memref_slice %arg5[%arg0, %add3A_147, %dma_start3A_148] : memref<2x10240x128xf32, #tpu.memory_space<hbm>> -> memref<1x128x128xf32, #tpu.memory_space<hbm>>
    %dma_start3A_150 = tpu.memref_squeeze %dma_start3A_149 : memref<1x128x128xf32, #tpu.memory_space<hbm>> -> memref<128x128xf32, #tpu.memory_space<hbm>>
    %dma_start3A_151 = arith.constant 0 : i32
    %dma_start3A_152 = tpu.memref_slice %arg5[%arg0, %add3A_147, %dma_start3A_151] : memref<2x10240x128xf32, #tpu.memory_space<hbm>> -> memref<1x128x128xf32, #tpu.memory_space<hbm>>
    %dma_start3A_153 = tpu.memref_squeeze %dma_start3A_152 : memref<1x128x128xf32, #tpu.memory_space<hbm>> -> memref<128x128xf32, #tpu.memory_space<hbm>>
    tpu.enqueue_dma source(%arg8 : memref<128x128xf32, #tpu.memory_space<vmem>>) target(%dma_start3A_153 : memref<128x128xf32, #tpu.memory_space<hbm>>) target_semaphore(%arg13 : memref<!tpu.dma_semaphore, #tpu.memory_space<semaphore_mem>>)
    %mul3A_154 = arith.constant 640 : i32
    %mul3A_155 = arith.muli %arg1, %mul3A_154 : i32
    %add3A_156 = arith.constant 128 : i32
    %add3A_157 = arith.addi %mul3A_155, %add3A_156 : i32
    %dma_wait3A_158 = arith.constant 0 : i32
    %dma_wait3A_159 = tpu.memref_slice %arg5[%arg0, %add3A_157, %dma_wait3A_158] : memref<2x10240x128xf32, #tpu.memory_space<hbm>> -> memref<1x128x128xf32, #tpu.memory_space<hbm>>
    %dma_wait3A_160 = tpu.memref_squeeze %dma_wait3A_159 : memref<1x128x128xf32, #tpu.memory_space<hbm>> -> memref<128x128xf32, #tpu.memory_space<hbm>>
    %dma_wait3A_161 = arith.constant 0 : i32
    %dma_wait3A_162 = tpu.memref_slice %arg5[%arg0, %add3A_157, %dma_wait3A_161] : memref<2x10240x128xf32, #tpu.memory_space<hbm>> -> memref<1x128x128xf32, #tpu.memory_space<hbm>>
    %dma_wait3A_163 = tpu.memref_squeeze %dma_wait3A_162 : memref<1x128x128xf32, #tpu.memory_space<hbm>> -> memref<128x128xf32, #tpu.memory_space<hbm>>
    tpu.wait_dma2 semaphore(%arg14 : memref<!tpu.dma_semaphore, #tpu.memory_space<semaphore_mem>>) src(%arg9 : memref<128x128xf32, #tpu.memory_space<vmem>>) dst(%dma_wait3A_163 : memref<128x128xf32, #tpu.memory_space<hbm>>)
    %mul3A_164 = arith.constant 640 : i32
    %mul3A_165 = arith.muli %arg1, %mul3A_164 : i32
    %add3A_166 = arith.constant 384 : i32
    %add3A_167 = arith.addi %mul3A_165, %add3A_166 : i32
    %dma_start3A_168 = arith.constant 0 : i32
    %dma_start3A_169 = tpu.memref_slice %arg10[%add3A_167, %dma_start3A_168] : memref<10240x128xf32, #tpu.memory_space<vmem_shared>> -> memref<128x128xf32, #tpu.memory_space<vmem_shared>>
    %dma_start3A_170 = arith.constant 0 : i32
    %dma_start3A_171 = tpu.memref_slice %arg10[%add3A_167, %dma_start3A_170] : memref<10240x128xf32, #tpu.memory_space<vmem_shared>> -> memref<128x128xf32, #tpu.memory_space<vmem_shared>>
    tpu.enqueue_dma source(%dma_start3A_171 : memref<128x128xf32, #tpu.memory_space<vmem_shared>>) target(%arg9 : memref<128x128xf32, #tpu.memory_space<vmem>>) target_semaphore(%arg12 : memref<!tpu.dma_semaphore, #tpu.memory_space<semaphore_mem>>)
    %mul3A_172 = arith.constant 640 : i32
    %mul3A_173 = arith.muli %arg1, %mul3A_172 : i32
    %add3A_174 = arith.constant 384 : i32
    %add3A_175 = arith.addi %mul3A_173, %add3A_174 : i32
    %dma_wait3A_176 = arith.constant 0 : i32
    %dma_wait3A_177 = tpu.memref_slice %arg10[%add3A_175, %dma_wait3A_176] : memref<10240x128xf32, #tpu.memory_space<vmem_shared>> -> memref<128x128xf32, #tpu.memory_space<vmem_shared>>
    %dma_wait3A_178 = arith.constant 0 : i32
    %dma_wait3A_179 = tpu.memref_slice %arg10[%add3A_175, %dma_wait3A_178] : memref<10240x128xf32, #tpu.memory_space<vmem_shared>> -> memref<128x128xf32, #tpu.memory_space<vmem_shared>>
    tpu.wait_dma2 semaphore(%arg12 : memref<!tpu.dma_semaphore, #tpu.memory_space<semaphore_mem>>) src(%dma_wait3A_179 : memref<128x128xf32, #tpu.memory_space<vmem_shared>>) dst(%arg9 : memref<128x128xf32, #tpu.memory_space<vmem>>)
    %mul3A_180 = arith.constant 640 : i32
    %mul3A_181 = arith.muli %arg1, %mul3A_180 : i32
    %add3A_182 = arith.constant 384 : i32
    %add3A_183 = arith.addi %mul3A_181, %add3A_182 : i32
    %dma_start3A_184 = arith.constant 0 : i32
    %dma_start3A_185 = tpu.memref_slice %arg5[%arg0, %add3A_183, %dma_start3A_184] : memref<2x10240x128xf32, #tpu.memory_space<hbm>> -> memref<1x128x128xf32, #tpu.memory_space<hbm>>
    %dma_start3A_186 = tpu.memref_squeeze %dma_start3A_185 : memref<1x128x128xf32, #tpu.memory_space<hbm>> -> memref<128x128xf32, #tpu.memory_space<hbm>>
    %dma_start3A_187 = arith.constant 0 : i32
    %dma_start3A_188 = tpu.memref_slice %arg5[%arg0, %add3A_183, %dma_start3A_187] : memref<2x10240x128xf32, #tpu.memory_space<hbm>> -> memref<1x128x128xf32, #tpu.memory_space<hbm>>
    %dma_start3A_189 = tpu.memref_squeeze %dma_start3A_188 : memref<1x128x128xf32, #tpu.memory_space<hbm>> -> memref<128x128xf32, #tpu.memory_space<hbm>>
    tpu.enqueue_dma source(%arg9 : memref<128x128xf32, #tpu.memory_space<vmem>>) target(%dma_start3A_189 : memref<128x128xf32, #tpu.memory_space<hbm>>) target_semaphore(%arg14 : memref<!tpu.dma_semaphore, #tpu.memory_space<semaphore_mem>>)
    %mul3A_190 = arith.constant 640 : i32
    %mul3A_191 = arith.muli %arg1, %mul3A_190 : i32
    %add3A_192 = arith.constant 256 : i32
    %add3A_193 = arith.addi %mul3A_191, %add3A_192 : i32
    %dma_wait3A_194 = arith.constant 0 : i32
    %dma_wait3A_195 = tpu.memref_slice %arg5[%arg0, %add3A_193, %dma_wait3A_194] : memref<2x10240x128xf32, #tpu.memory_space<hbm>> -> memref<1x128x128xf32, #tpu.memory_space<hbm>>
    %dma_wait3A_196 = tpu.memref_squeeze %dma_wait3A_195 : memref<1x128x128xf32, #tpu.memory_space<hbm>> -> memref<128x128xf32, #tpu.memory_space<hbm>>
    %dma_wait3A_197 = arith.constant 0 : i32
    %dma_wait3A_198 = tpu.memref_slice %arg5[%arg0, %add3A_193, %dma_wait3A_197] : memref<2x10240x128xf32, #tpu.memory_space<hbm>> -> memref<1x128x128xf32, #tpu.memory_space<hbm>>
    %dma_wait3A_199 = tpu.memref_squeeze %dma_wait3A_198 : memref<1x128x128xf32, #tpu.memory_space<hbm>> -> memref<128x128xf32, #tpu.memory_space<hbm>>
    tpu.wait_dma2 semaphore(%arg13 : memref<!tpu.dma_semaphore, #tpu.memory_space<semaphore_mem>>) src(%arg8 : memref<128x128xf32, #tpu.memory_space<vmem>>) dst(%dma_wait3A_199 : memref<128x128xf32, #tpu.memory_space<hbm>>)
    %mul3A_200 = arith.constant 640 : i32
    %mul3A_201 = arith.muli %arg1, %mul3A_200 : i32
    %add3A_202 = arith.constant 512 : i32
    %add3A_203 = arith.addi %mul3A_201, %add3A_202 : i32
    %dma_start3A_204 = arith.constant 0 : i32
    %dma_start3A_205 = tpu.memref_slice %arg10[%add3A_203, %dma_start3A_204] : memref<10240x128xf32, #tpu.memory_space<vmem_shared>> -> memref<128x128xf32, #tpu.memory_space<vmem_shared>>
    %dma_start3A_206 = arith.constant 0 : i32
    %dma_start3A_207 = tpu.memref_slice %arg10[%add3A_203, %dma_start3A_206] : memref<10240x128xf32, #tpu.memory_space<vmem_shared>> -> memref<128x128xf32, #tpu.memory_space<vmem_shared>>
    tpu.enqueue_dma source(%dma_start3A_207 : memref<128x128xf32, #tpu.memory_space<vmem_shared>>) target(%arg8 : memref<128x128xf32, #tpu.memory_space<vmem>>) target_semaphore(%arg11 : memref<!tpu.dma_semaphore, #tpu.memory_space<semaphore_mem>>)
    %mul3A_208 = arith.constant 640 : i32
    %mul3A_209 = arith.muli %arg1, %mul3A_208 : i32
    %add3A_210 = arith.constant 512 : i32
    %add3A_211 = arith.addi %mul3A_209, %add3A_210 : i32
    %dma_wait3A_212 = arith.constant 0 : i32
    %dma_wait3A_213 = tpu.memref_slice %arg10[%add3A_211, %dma_wait3A_212] : memref<10240x128xf32, #tpu.memory_space<vmem_shared>> -> memref<128x128xf32, #tpu.memory_space<vmem_shared>>
    %dma_wait3A_214 = arith.constant 0 : i32
    %dma_wait3A_215 = tpu.memref_slice %arg10[%add3A_211, %dma_wait3A_214] : memref<10240x128xf32, #tpu.memory_space<vmem_shared>> -> memref<128x128xf32, #tpu.memory_space<vmem_shared>>
    tpu.wait_dma2 semaphore(%arg11 : memref<!tpu.dma_semaphore, #tpu.memory_space<semaphore_mem>>) src(%dma_wait3A_215 : memref<128x128xf32, #tpu.memory_space<vmem_shared>>) dst(%arg8 : memref<128x128xf32, #tpu.memory_space<vmem>>)
    %mul3A_216 = arith.constant 640 : i32
    %mul3A_217 = arith.muli %arg1, %mul3A_216 : i32
    %add3A_218 = arith.constant 512 : i32
    %add3A_219 = arith.addi %mul3A_217, %add3A_218 : i32
    %dma_start3A_220 = arith.constant 0 : i32
    %dma_start3A_221 = tpu.memref_slice %arg5[%arg0, %add3A_219, %dma_start3A_220] : memref<2x10240x128xf32, #tpu.memory_space<hbm>> -> memref<1x128x128xf32, #tpu.memory_space<hbm>>
    %dma_start3A_222 = tpu.memref_squeeze %dma_start3A_221 : memref<1x128x128xf32, #tpu.memory_space<hbm>> -> memref<128x128xf32, #tpu.memory_space<hbm>>
    %dma_start3A_223 = arith.constant 0 : i32
    %dma_start3A_224 = tpu.memref_slice %arg5[%arg0, %add3A_219, %dma_start3A_223] : memref<2x10240x128xf32, #tpu.memory_space<hbm>> -> memref<1x128x128xf32, #tpu.memory_space<hbm>>
    %dma_start3A_225 = tpu.memref_squeeze %dma_start3A_224 : memref<1x128x128xf32, #tpu.memory_space<hbm>> -> memref<128x128xf32, #tpu.memory_space<hbm>>
    tpu.enqueue_dma source(%arg8 : memref<128x128xf32, #tpu.memory_space<vmem>>) target(%dma_start3A_225 : memref<128x128xf32, #tpu.memory_space<hbm>>) target_semaphore(%arg13 : memref<!tpu.dma_semaphore, #tpu.memory_space<semaphore_mem>>)
    %mul3A_226 = arith.constant 640 : i32
    %mul3A_227 = arith.muli %arg1, %mul3A_226 : i32
    %add3A_228 = arith.constant 384 : i32
    %add3A_229 = arith.addi %mul3A_227, %add3A_228 : i32
    %dma_wait3A_230 = arith.constant 0 : i32
    %dma_wait3A_231 = tpu.memref_slice %arg5[%arg0, %add3A_229, %dma_wait3A_230] : memref<2x10240x128xf32, #tpu.memory_space<hbm>> -> memref<1x128x128xf32, #tpu.memory_space<hbm>>
    %dma_wait3A_232 = tpu.memref_squeeze %dma_wait3A_231 : memref<1x128x128xf32, #tpu.memory_space<hbm>> -> memref<128x128xf32, #tpu.memory_space<hbm>>
    %dma_wait3A_233 = arith.constant 0 : i32
    %dma_wait3A_234 = tpu.memref_slice %arg5[%arg0, %add3A_229, %dma_wait3A_233] : memref<2x10240x128xf32, #tpu.memory_space<hbm>> -> memref<1x128x128xf32, #tpu.memory_space<hbm>>
    %dma_wait3A_235 = tpu.memref_squeeze %dma_wait3A_234 : memref<1x128x128xf32, #tpu.memory_space<hbm>> -> memref<128x128xf32, #tpu.memory_space<hbm>>
    tpu.wait_dma2 semaphore(%arg14 : memref<!tpu.dma_semaphore, #tpu.memory_space<semaphore_mem>>) src(%arg9 : memref<128x128xf32, #tpu.memory_space<vmem>>) dst(%dma_wait3A_235 : memref<128x128xf32, #tpu.memory_space<hbm>>)
    %mul3A_236 = arith.constant 640 : i32
    %mul3A_237 = arith.muli %arg1, %mul3A_236 : i32
    %add3A_238 = arith.constant 512 : i32
    %add3A_239 = arith.addi %mul3A_237, %add3A_238 : i32
    %dma_wait3A_240 = arith.constant 0 : i32
    %dma_wait3A_241 = tpu.memref_slice %arg5[%arg0, %add3A_239, %dma_wait3A_240] : memref<2x10240x128xf32, #tpu.memory_space<hbm>> -> memref<1x128x128xf32, #tpu.memory_space<hbm>>
    %dma_wait3A_242 = tpu.memref_squeeze %dma_wait3A_241 : memref<1x128x128xf32, #tpu.memory_space<hbm>> -> memref<128x128xf32, #tpu.memory_space<hbm>>
    %dma_wait3A_243 = arith.constant 0 : i32
    %dma_wait3A_244 = tpu.memref_slice %arg5[%arg0, %add3A_239, %dma_wait3A_243] : memref<2x10240x128xf32, #tpu.memory_space<hbm>> -> memref<1x128x128xf32, #tpu.memory_space<hbm>>
    %dma_wait3A_245 = tpu.memref_squeeze %dma_wait3A_244 : memref<1x128x128xf32, #tpu.memory_space<hbm>> -> memref<128x128xf32, #tpu.memory_space<hbm>>
    tpu.wait_dma2 semaphore(%arg13 : memref<!tpu.dma_semaphore, #tpu.memory_space<semaphore_mem>>) src(%arg8 : memref<128x128xf32, #tpu.memory_space<vmem>>) dst(%dma_wait3A_245 : memref<128x128xf32, #tpu.memory_space<hbm>>)
    return
  }
}

#map = affine_map<(d0, d1) -> (0, 0)>
#map1 = affine_map<(d0, d1) -> (0, 0, 0)>
module attributes {stable_mosaic.version = 14 : i64} {
  func.func @_sc_agg_body(%arg0: i32, %arg1: i32, %arg2: memref<10240x128xf32, #tpu.memory_space<hbm>>, %arg3: memref<32x80x128xi32, #tpu.memory_space<hbm>>, %arg4: memref<32x80x128xi32, #tpu.memory_space<hbm>>, %arg5: memref<2x10240x128xf32, #tpu.memory_space<hbm>>, %arg6: memref<40x128xi32, #tpu.memory_space<vmem>>, %arg7: memref<40x128xi32, #tpu.memory_space<vmem>>, %arg8: memref<128x128xf32, #tpu.memory_space<vmem>>, %arg9: memref<128x128xf32, #tpu.memory_space<vmem>>, %arg10: memref<10240x128xf32, #tpu.memory_space<vmem_shared>>, %arg11: memref<!tpu.dma_semaphore, #tpu.memory_space<semaphore_mem>>, %arg12: memref<!tpu.dma_semaphore, #tpu.memory_space<semaphore_mem>>, %arg13: memref<!tpu.dma_semaphore, #tpu.memory_space<semaphore_mem>>, %arg14: memref<!tpu.dma_semaphore, #tpu.memory_space<semaphore_mem>>) attributes {dimension_semantics = [#tpu.dimension_semantics<core_parallel>, #tpu.dimension_semantics<subcore_parallel>], iteration_bounds = array<i64: 2, 16>, scalar_prefetch = 0 : i64, scratch_operands = 9 : i64, tpu.core_type = #tpu.core_type<sc_vector_subcore>, window_params = [{transform_indices = #map}, {transform_indices = #map1}, {transform_indices = #map1}, {transform_indices = #map1}]} {
    %mul3A = arith.constant 16 : i32
    %mul3A_0 = arith.muli %arg0, %mul3A : i32
    %add3A = arith.addi %mul3A_0, %arg1 : i32
    %broadcast_in_dim3A = arith.constant 0.000000e+00 : f32
    %broadcast_in_dim3A_1 = vector.broadcast %broadcast_in_dim3A : f32 to vector<16xf32>
    %scan3A = arith.constant 0 : i32
    %scan3A_2 = arith.constant 0 : i32
    %scan3A_3 = arith.constant 128 : i32
    %scan3A_4 = arith.addi %scan3A_2, %scan3A_3 : i32
    %scan3A_5 = arith.constant 1 : i32
    scf.for %scan3A_246 = %scan3A_2 to %scan3A_4 step %scan3A_5  : i32 {
      %swap3A = arith.index_cast %scan3A_246 : i32 to index
      %swap3A_247 = arith.constant 0 : index
      %swap3A_248 = tpu.vector_load %arg8[%swap3A, %swap3A_247] {strides = array<i32>} : memref<128x128xf32, #tpu.memory_space<vmem>>, vector<1x16xf32>,
      %swap3A_249 = vector.shape_cast %swap3A_248 : vector<1x16xf32> to vector<16xf32>
      %swap3A_250 = vector.shape_cast %broadcast_in_dim3A_1 : vector<16xf32> to vector<1x16xf32>
      tpu.vector_store %arg8[%swap3A, %swap3A_247], %swap3A_250 {strides = array<i32>} : memref<128x128xf32, #tpu.memory_space<vmem>>, vector<1x16xf32>,
      %swap3A_251 = arith.index_cast %scan3A_246 : i32 to index
      %swap3A_252 = arith.constant 16 : index
      %swap3A_253 = tpu.vector_load %arg8[%swap3A_251, %swap3A_252] {strides = array<i32>} : memref<128x128xf32, #tpu.memory_space<vmem>>, vector<1x16xf32>,
      %swap3A_254 = vector.shape_cast %swap3A_253 : vector<1x16xf32> to vector<16xf32>
      %swap3A_255 = vector.shape_cast %broadcast_in_dim3A_1 : vector<16xf32> to vector<1x16xf32>
      tpu.vector_store %arg8[%swap3A_251, %swap3A_252], %swap3A_255 {strides = array<i32>} : memref<128x128xf32, #tpu.memory_space<vmem>>, vector<1x16xf32>,
      %swap3A_256 = arith.index_cast %scan3A_246 : i32 to index
      %swap3A_257 = arith.constant 32 : index
      %swap3A_258 = tpu.vector_load %arg8[%swap3A_256, %swap3A_257] {strides = array<i32>} : memref<128x128xf32, #tpu.memory_space<vmem>>, vector<1x16xf32>,
      %swap3A_259 = vector.shape_cast %swap3A_258 : vector<1x16xf32> to vector<16xf32>
      %swap3A_260 = vector.shape_cast %broadcast_in_dim3A_1 : vector<16xf32> to vector<1x16xf32>
      tpu.vector_store %arg8[%swap3A_256, %swap3A_257], %swap3A_260 {strides = array<i32>} : memref<128x128xf32, #tpu.memory_space<vmem>>, vector<1x16xf32>,
      %swap3A_261 = arith.index_cast %scan3A_246 : i32 to index
      %swap3A_262 = arith.constant 48 : index
      %swap3A_263 = tpu.vector_load %arg8[%swap3A_261, %swap3A_262] {strides = array<i32>} : memref<128x128xf32, #tpu.memory_space<vmem>>, vector<1x16xf32>,
      %swap3A_264 = vector.shape_cast %swap3A_263 : vector<1x16xf32> to vector<16xf32>
      %swap3A_265 = vector.shape_cast %broadcast_in_dim3A_1 : vector<16xf32> to vector<1x16xf32>
      tpu.vector_store %arg8[%swap3A_261, %swap3A_262], %swap3A_265 {strides = array<i32>} : memref<128x128xf32, #tpu.memory_space<vmem>>, vector<1x16xf32>,
      %swap3A_266 = arith.index_cast %scan3A_246 : i32 to index
      %swap3A_267 = arith.constant 64 : index
      %swap3A_268 = tpu.vector_load %arg8[%swap3A_266, %swap3A_267] {strides = array<i32>} : memref<128x128xf32, #tpu.memory_space<vmem>>, vector<1x16xf32>,
      %swap3A_269 = vector.shape_cast %swap3A_268 : vector<1x16xf32> to vector<16xf32>
      %swap3A_270 = vector.shape_cast %broadcast_in_dim3A_1 : vector<16xf32> to vector<1x16xf32>
      tpu.vector_store %arg8[%swap3A_266, %swap3A_267], %swap3A_270 {strides = array<i32>} : memref<128x128xf32, #tpu.memory_space<vmem>>, vector<1x16xf32>,
      %swap3A_271 = arith.index_cast %scan3A_246 : i32 to index
      %swap3A_272 = arith.constant 80 : index
      %swap3A_273 = tpu.vector_load %arg8[%swap3A_271, %swap3A_272] {strides = array<i32>} : memref<128x128xf32, #tpu.memory_space<vmem>>, vector<1x16xf32>,
      %swap3A_274 = vector.shape_cast %swap3A_273 : vector<1x16xf32> to vector<16xf32>
      %swap3A_275 = vector.shape_cast %broadcast_in_dim3A_1 : vector<16xf32> to vector<1x16xf32>
      tpu.vector_store %arg8[%swap3A_271, %swap3A_272], %swap3A_275 {strides = array<i32>} : memref<128x128xf32, #tpu.memory_space<vmem>>, vector<1x16xf32>,
      %swap3A_276 = arith.index_cast %scan3A_246 : i32 to index
      %swap3A_277 = arith.constant 96 : index
      %swap3A_278 = tpu.vector_load %arg8[%swap3A_276, %swap3A_277] {strides = array<i32>} : memref<128x128xf32, #tpu.memory_space<vmem>>, vector<1x16xf32>,
      %swap3A_279 = vector.shape_cast %swap3A_278 : vector<1x16xf32> to vector<16xf32>
      %swap3A_280 = vector.shape_cast %broadcast_in_dim3A_1 : vector<16xf32> to vector<1x16xf32>
      tpu.vector_store %arg8[%swap3A_276, %swap3A_277], %swap3A_280 {strides = array<i32>} : memref<128x128xf32, #tpu.memory_space<vmem>>, vector<1x16xf32>,
      %swap3A_281 = arith.index_cast %scan3A_246 : i32 to index
      %swap3A_282 = arith.constant 112 : index
      %swap3A_283 = tpu.vector_load %arg8[%swap3A_281, %swap3A_282] {strides = array<i32>} : memref<128x128xf32, #tpu.memory_space<vmem>>, vector<1x16xf32>,
      %swap3A_284 = vector.shape_cast %swap3A_283 : vector<1x16xf32> to vector<16xf32>
      %swap3A_285 = vector.shape_cast %broadcast_in_dim3A_1 : vector<16xf32> to vector<1x16xf32>
      tpu.vector_store %arg8[%swap3A_281, %swap3A_282], %swap3A_285 {strides = array<i32>} : memref<128x128xf32, #tpu.memory_space<vmem>>, vector<1x16xf32>,
    }
    %scan3A_6 = arith.constant 128 : i32
    %mul3A_7 = arith.constant 640 : i32
    %mul3A_8 = arith.muli %arg1, %mul3A_7 : i32
    %add3A_9 = arith.constant 0 : i32
    %add3A_10 = arith.addi %mul3A_8, %add3A_9 : i32
    "tpu.region"() ({
      %run_scoped3A = tpu.sem_alloc : memref<!tpu.dma_semaphore, #tpu.memory_space<semaphore_mem>>
      %dma_start3A_246 = arith.constant 0 : i32
      %dma_start3A_247 = tpu.memref_slice %arg10[%add3A_10, %dma_start3A_246] : memref<10240x128xf32, #tpu.memory_space<vmem_shared>> -> memref<128x128xf32, #tpu.memory_space<vmem_shared>>
      %dma_start3A_248 = arith.constant 0 : i32
      %dma_start3A_249 = tpu.memref_slice %arg10[%add3A_10, %dma_start3A_248] : memref<10240x128xf32, #tpu.memory_space<vmem_shared>> -> memref<128x128xf32, #tpu.memory_space<vmem_shared>>
      tpu.enqueue_dma source(%arg8 : memref<128x128xf32, #tpu.memory_space<vmem>>) target(%dma_start3A_249 : memref<128x128xf32, #tpu.memory_space<vmem_shared>>) target_semaphore(%run_scoped3A : memref<!tpu.dma_semaphore, #tpu.memory_space<semaphore_mem>>)
      %dma_wait3A_250 = arith.constant 0 : i32
      %dma_wait3A_251 = tpu.memref_slice %arg10[%add3A_10, %dma_wait3A_250] : memref<10240x128xf32, #tpu.memory_space<vmem_shared>> -> memref<128x128xf32, #tpu.memory_space<vmem_shared>>
      %dma_wait3A_252 = arith.constant 0 : i32
      %dma_wait3A_253 = tpu.memref_slice %arg10[%add3A_10, %dma_wait3A_252] : memref<10240x128xf32, #tpu.memory_space<vmem_shared>> -> memref<128x128xf32, #tpu.memory_space<vmem_shared>>
      tpu.wait_dma2 semaphore(%run_scoped3A : memref<!tpu.dma_semaphore, #tpu.memory_space<semaphore_mem>>) src(%arg8 : memref<128x128xf32, #tpu.memory_space<vmem>>) dst(%dma_wait3A_253 : memref<128x128xf32, #tpu.memory_space<vmem_shared>>)
      tpu.yield
    }) : () -> ()
    %mul3A_11 = arith.constant 640 : i32
    %mul3A_12 = arith.muli %arg1, %mul3A_11 : i32
    %add3A_13 = arith.constant 128 : i32
    %add3A_14 = arith.addi %mul3A_12, %add3A_13 : i32
    "tpu.region"() ({
      %run_scoped3A = tpu.sem_alloc : memref<!tpu.dma_semaphore, #tpu.memory_space<semaphore_mem>>
      %dma_start3A_246 = arith.constant 0 : i32
      %dma_start3A_247 = tpu.memref_slice %arg10[%add3A_14, %dma_start3A_246] : memref<10240x128xf32, #tpu.memory_space<vmem_shared>> -> memref<128x128xf32, #tpu.memory_space<vmem_shared>>
      %dma_start3A_248 = arith.constant 0 : i32
      %dma_start3A_249 = tpu.memref_slice %arg10[%add3A_14, %dma_start3A_248] : memref<10240x128xf32, #tpu.memory_space<vmem_shared>> -> memref<128x128xf32, #tpu.memory_space<vmem_shared>>
      tpu.enqueue_dma source(%arg8 : memref<128x128xf32, #tpu.memory_space<vmem>>) target(%dma_start3A_249 : memref<128x128xf32, #tpu.memory_space<vmem_shared>>) target_semaphore(%run_scoped3A : memref<!tpu.dma_semaphore, #tpu.memory_space<semaphore_mem>>)
      %dma_wait3A_250 = arith.constant 0 : i32
      %dma_wait3A_251 = tpu.memref_slice %arg10[%add3A_14, %dma_wait3A_250] : memref<10240x128xf32, #tpu.memory_space<vmem_shared>> -> memref<128x128xf32, #tpu.memory_space<vmem_shared>>
      %dma_wait3A_252 = arith.constant 0 : i32
      %dma_wait3A_253 = tpu.memref_slice %arg10[%add3A_14, %dma_wait3A_252] : memref<10240x128xf32, #tpu.memory_space<vmem_shared>> -> memref<128x128xf32, #tpu.memory_space<vmem_shared>>
      tpu.wait_dma2 semaphore(%run_scoped3A : memref<!tpu.dma_semaphore, #tpu.memory_space<semaphore_mem>>) src(%arg8 : memref<128x128xf32, #tpu.memory_space<vmem>>) dst(%dma_wait3A_253 : memref<128x128xf32, #tpu.memory_space<vmem_shared>>)
      tpu.yield
    }) : () -> ()
    %mul3A_15 = arith.constant 640 : i32
    %mul3A_16 = arith.muli %arg1, %mul3A_15 : i32
    %add3A_17 = arith.constant 256 : i32
    %add3A_18 = arith.addi %mul3A_16, %add3A_17 : i32
    "tpu.region"() ({
      %run_scoped3A = tpu.sem_alloc : memref<!tpu.dma_semaphore, #tpu.memory_space<semaphore_mem>>
      %dma_start3A_246 = arith.constant 0 : i32
      %dma_start3A_247 = tpu.memref_slice %arg10[%add3A_18, %dma_start3A_246] : memref<10240x128xf32, #tpu.memory_space<vmem_shared>> -> memref<128x128xf32, #tpu.memory_space<vmem_shared>>
      %dma_start3A_248 = arith.constant 0 : i32
      %dma_start3A_249 = tpu.memref_slice %arg10[%add3A_18, %dma_start3A_248] : memref<10240x128xf32, #tpu.memory_space<vmem_shared>> -> memref<128x128xf32, #tpu.memory_space<vmem_shared>>
      tpu.enqueue_dma source(%arg8 : memref<128x128xf32, #tpu.memory_space<vmem>>) target(%dma_start3A_249 : memref<128x128xf32, #tpu.memory_space<vmem_shared>>) target_semaphore(%run_scoped3A : memref<!tpu.dma_semaphore, #tpu.memory_space<semaphore_mem>>)
      %dma_wait3A_250 = arith.constant 0 : i32
      %dma_wait3A_251 = tpu.memref_slice %arg10[%add3A_18, %dma_wait3A_250] : memref<10240x128xf32, #tpu.memory_space<vmem_shared>> -> memref<128x128xf32, #tpu.memory_space<vmem_shared>>
      %dma_wait3A_252 = arith.constant 0 : i32
      %dma_wait3A_253 = tpu.memref_slice %arg10[%add3A_18, %dma_wait3A_252] : memref<10240x128xf32, #tpu.memory_space<vmem_shared>> -> memref<128x128xf32, #tpu.memory_space<vmem_shared>>
      tpu.wait_dma2 semaphore(%run_scoped3A : memref<!tpu.dma_semaphore, #tpu.memory_space<semaphore_mem>>) src(%arg8 : memref<128x128xf32, #tpu.memory_space<vmem>>) dst(%dma_wait3A_253 : memref<128x128xf32, #tpu.memory_space<vmem_shared>>)
      tpu.yield
    }) : () -> ()
    %mul3A_19 = arith.constant 640 : i32
    %mul3A_20 = arith.muli %arg1, %mul3A_19 : i32
    %add3A_21 = arith.constant 384 : i32
    %add3A_22 = arith.addi %mul3A_20, %add3A_21 : i32
    "tpu.region"() ({
      %run_scoped3A = tpu.sem_alloc : memref<!tpu.dma_semaphore, #tpu.memory_space<semaphore_mem>>
      %dma_start3A_246 = arith.constant 0 : i32
      %dma_start3A_247 = tpu.memref_slice %arg10[%add3A_22, %dma_start3A_246] : memref<10240x128xf32, #tpu.memory_space<vmem_shared>> -> memref<128x128xf32, #tpu.memory_space<vmem_shared>>
      %dma_start3A_248 = arith.constant 0 : i32
      %dma_start3A_249 = tpu.memref_slice %arg10[%add3A_22, %dma_start3A_248] : memref<10240x128xf32, #tpu.memory_space<vmem_shared>> -> memref<128x128xf32, #tpu.memory_space<vmem_shared>>
      tpu.enqueue_dma source(%arg8 : memref<128x128xf32, #tpu.memory_space<vmem>>) target(%dma_start3A_249 : memref<128x128xf32, #tpu.memory_space<vmem_shared>>) target_semaphore(%run_scoped3A : memref<!tpu.dma_semaphore, #tpu.memory_space<semaphore_mem>>)
      %dma_wait3A_250 = arith.constant 0 : i32
      %dma_wait3A_251 = tpu.memref_slice %arg10[%add3A_22, %dma_wait3A_250] : memref<10240x128xf32, #tpu.memory_space<vmem_shared>> -> memref<128x128xf32, #tpu.memory_space<vmem_shared>>
      %dma_wait3A_252 = arith.constant 0 : i32
      %dma_wait3A_253 = tpu.memref_slice %arg10[%add3A_22, %dma_wait3A_252] : memref<10240x128xf32, #tpu.memory_space<vmem_shared>> -> memref<128x128xf32, #tpu.memory_space<vmem_shared>>
      tpu.wait_dma2 semaphore(%run_scoped3A : memref<!tpu.dma_semaphore, #tpu.memory_space<semaphore_mem>>) src(%arg8 : memref<128x128xf32, #tpu.memory_space<vmem>>) dst(%dma_wait3A_253 : memref<128x128xf32, #tpu.memory_space<vmem_shared>>)
      tpu.yield
    }) : () -> ()
    %mul3A_23 = arith.constant 640 : i32
    %mul3A_24 = arith.muli %arg1, %mul3A_23 : i32
    %add3A_25 = arith.constant 512 : i32
    %add3A_26 = arith.addi %mul3A_24, %add3A_25 : i32
    "tpu.region"() ({
      %run_scoped3A = tpu.sem_alloc : memref<!tpu.dma_semaphore, #tpu.memory_space<semaphore_mem>>
      %dma_start3A_246 = arith.constant 0 : i32
      %dma_start3A_247 = tpu.memref_slice %arg10[%add3A_26, %dma_start3A_246] : memref<10240x128xf32, #tpu.memory_space<vmem_shared>> -> memref<128x128xf32, #tpu.memory_space<vmem_shared>>
      %dma_start3A_248 = arith.constant 0 : i32
      %dma_start3A_249 = tpu.memref_slice %arg10[%add3A_26, %dma_start3A_248] : memref<10240x128xf32, #tpu.memory_space<vmem_shared>> -> memref<128x128xf32, #tpu.memory_space<vmem_shared>>
      tpu.enqueue_dma source(%arg8 : memref<128x128xf32, #tpu.memory_space<vmem>>) target(%dma_start3A_249 : memref<128x128xf32, #tpu.memory_space<vmem_shared>>) target_semaphore(%run_scoped3A : memref<!tpu.dma_semaphore, #tpu.memory_space<semaphore_mem>>)
      %dma_wait3A_250 = arith.constant 0 : i32
      %dma_wait3A_251 = tpu.memref_slice %arg10[%add3A_26, %dma_wait3A_250] : memref<10240x128xf32, #tpu.memory_space<vmem_shared>> -> memref<128x128xf32, #tpu.memory_space<vmem_shared>>
      %dma_wait3A_252 = arith.constant 0 : i32
      %dma_wait3A_253 = tpu.memref_slice %arg10[%add3A_26, %dma_wait3A_252] : memref<10240x128xf32, #tpu.memory_space<vmem_shared>> -> memref<128x128xf32, #tpu.memory_space<vmem_shared>>
      tpu.wait_dma2 semaphore(%run_scoped3A : memref<!tpu.dma_semaphore, #tpu.memory_space<semaphore_mem>>) src(%arg8 : memref<128x128xf32, #tpu.memory_space<vmem>>) dst(%dma_wait3A_253 : memref<128x128xf32, #tpu.memory_space<vmem_shared>>)
      tpu.yield
    }) : () -> ()
    %barrier3A = arith.constant 0 : index
    tpu.barrier barrier_id(%barrier3A)
    "tpu.region"() ({
      %run_scoped3A = tpu.sem_alloc : memref<!tpu.dma_semaphore, #tpu.memory_space<semaphore_mem>>
      %dma_start3A_246 = arith.constant 0 : i32
      %dma_start3A_247 = arith.constant 0 : i32
      %dma_start3A_248 = tpu.memref_slice %arg3[%add3A, %dma_start3A_246, %dma_start3A_247] : memref<32x80x128xi32, #tpu.memory_space<hbm>> -> memref<1x40x128xi32, #tpu.memory_space<hbm>>
      %dma_start3A_249 = tpu.memref_squeeze %dma_start3A_248 : memref<1x40x128xi32, #tpu.memory_space<hbm>> -> memref<40x128xi32, #tpu.memory_space<hbm>>
      %dma_start3A_250 = arith.constant 0 : i32
      %dma_start3A_251 = arith.constant 0 : i32
      %dma_start3A_252 = tpu.memref_slice %arg3[%add3A, %dma_start3A_250, %dma_start3A_251] : memref<32x80x128xi32, #tpu.memory_space<hbm>> -> memref<1x40x128xi32, #tpu.memory_space<hbm>>
      %dma_start3A_253 = tpu.memref_squeeze %dma_start3A_252 : memref<1x40x128xi32, #tpu.memory_space<hbm>> -> memref<40x128xi32, #tpu.memory_space<hbm>>
      tpu.enqueue_dma source(%dma_start3A_253 : memref<40x128xi32, #tpu.memory_space<hbm>>) target(%arg6 : memref<40x128xi32, #tpu.memory_space<vmem>>) target_semaphore(%run_scoped3A : memref<!tpu.dma_semaphore, #tpu.memory_space<semaphore_mem>>)
      %dma_wait3A_254 = arith.constant 0 : i32
      %dma_wait3A_255 = arith.constant 0 : i32
      %dma_wait3A_256 = tpu.memref_slice %arg3[%add3A, %dma_wait3A_254, %dma_wait3A_255] : memref<32x80x128xi32, #tpu.memory_space<hbm>> -> memref<1x40x128xi32, #tpu.memory_space<hbm>>
      %dma_wait3A_257 = tpu.memref_squeeze %dma_wait3A_256 : memref<1x40x128xi32, #tpu.memory_space<hbm>> -> memref<40x128xi32, #tpu.memory_space<hbm>>
      %dma_wait3A_258 = arith.constant 0 : i32
      %dma_wait3A_259 = arith.constant 0 : i32
      %dma_wait3A_260 = tpu.memref_slice %arg3[%add3A, %dma_wait3A_258, %dma_wait3A_259] : memref<32x80x128xi32, #tpu.memory_space<hbm>> -> memref<1x40x128xi32, #tpu.memory_space<hbm>>
      %dma_wait3A_261 = tpu.memref_squeeze %dma_wait3A_260 : memref<1x40x128xi32, #tpu.memory_space<hbm>> -> memref<40x128xi32, #tpu.memory_space<hbm>>
      tpu.wait_dma2 semaphore(%run_scoped3A : memref<!tpu.dma_semaphore, #tpu.memory_space<semaphore_mem>>) src(%dma_wait3A_261 : memref<40x128xi32, #tpu.memory_space<hbm>>) dst(%arg6 : memref<40x128xi32, #tpu.memory_space<vmem>>)
      tpu.yield
    }) : () -> ()
    "tpu.region"() ({
      %run_scoped3A = tpu.sem_alloc : memref<!tpu.dma_semaphore, #tpu.memory_space<semaphore_mem>>
      %dma_start3A_246 = arith.constant 0 : i32
      %dma_start3A_247 = arith.constant 0 : i32
      %dma_start3A_248 = tpu.memref_slice %arg4[%add3A, %dma_start3A_246, %dma_start3A_247] : memref<32x80x128xi32, #tpu.memory_space<hbm>> -> memref<1x40x128xi32, #tpu.memory_space<hbm>>
      %dma_start3A_249 = tpu.memref_squeeze %dma_start3A_248 : memref<1x40x128xi32, #tpu.memory_space<hbm>> -> memref<40x128xi32, #tpu.memory_space<hbm>>
      %dma_start3A_250 = arith.constant 0 : i32
      %dma_start3A_251 = arith.constant 0 : i32
      %dma_start3A_252 = tpu.memref_slice %arg4[%add3A, %dma_start3A_250, %dma_start3A_251] : memref<32x80x128xi32, #tpu.memory_space<hbm>> -> memref<1x40x128xi32, #tpu.memory_space<hbm>>
      %dma_start3A_253 = tpu.memref_squeeze %dma_start3A_252 : memref<1x40x128xi32, #tpu.memory_space<hbm>> -> memref<40x128xi32, #tpu.memory_space<hbm>>
      tpu.enqueue_dma source(%dma_start3A_253 : memref<40x128xi32, #tpu.memory_space<hbm>>) target(%arg7 : memref<40x128xi32, #tpu.memory_space<vmem>>) target_semaphore(%run_scoped3A : memref<!tpu.dma_semaphore, #tpu.memory_space<semaphore_mem>>)
      %dma_wait3A_254 = arith.constant 0 : i32
      %dma_wait3A_255 = arith.constant 0 : i32
      %dma_wait3A_256 = tpu.memref_slice %arg4[%add3A, %dma_wait3A_254, %dma_wait3A_255] : memref<32x80x128xi32, #tpu.memory_space<hbm>> -> memref<1x40x128xi32, #tpu.memory_space<hbm>>
      %dma_wait3A_257 = tpu.memref_squeeze %dma_wait3A_256 : memref<1x40x128xi32, #tpu.memory_space<hbm>> -> memref<40x128xi32, #tpu.memory_space<hbm>>
      %dma_wait3A_258 = arith.constant 0 : i32
      %dma_wait3A_259 = arith.constant 0 : i32
      %dma_wait3A_260 = tpu.memref_slice %arg4[%add3A, %dma_wait3A_258, %dma_wait3A_259] : memref<32x80x128xi32, #tpu.memory_space<hbm>> -> memref<1x40x128xi32, #tpu.memory_space<hbm>>
      %dma_wait3A_261 = tpu.memref_squeeze %dma_wait3A_260 : memref<1x40x128xi32, #tpu.memory_space<hbm>> -> memref<40x128xi32, #tpu.memory_space<hbm>>
      tpu.wait_dma2 semaphore(%run_scoped3A : memref<!tpu.dma_semaphore, #tpu.memory_space<semaphore_mem>>) src(%dma_wait3A_261 : memref<40x128xi32, #tpu.memory_space<hbm>>) dst(%arg7 : memref<40x128xi32, #tpu.memory_space<vmem>>)
      tpu.yield
    }) : () -> ()
    %dma_start3A = arith.constant 0 : i32
    %dma_start3A_27 = arith.constant 0 : i32
    %dma_start3A_28 = tpu.memref_slice %arg6[%dma_start3A, %dma_start3A_27] : memref<40x128xi32, #tpu.memory_space<vmem>> -> memref<1x128xi32, #tpu.memory_space<vmem>>
    %dma_start3A_29 = tpu.memref_squeeze %dma_start3A_28 : memref<1x128xi32, #tpu.memory_space<vmem>> -> memref<128xi32, #tpu.memory_space<vmem>>
    %dma_start3A_30 = arith.constant 0 : i32
    %dma_start3A_31 = arith.constant 0 : i32
    %dma_start3A_32 = tpu.memref_slice %arg2[%dma_start3A_30, %dma_start3A_31] : memref<10240x128xf32, #tpu.memory_space<hbm>> -> memref<10240x128xf32, #tpu.memory_space<hbm>>
    tpu.enqueue_indirect_dma source(%dma_start3A_32 : memref<10240x128xf32, #tpu.memory_space<hbm>>) target(%arg8 : memref<128x128xf32, #tpu.memory_space<vmem>>) offsets(%dma_start3A_29 : memref<128xi32, #tpu.memory_space<vmem>>) semaphore(%arg11 : memref<!tpu.dma_semaphore, #tpu.memory_space<semaphore_mem>>)
    %dma_start3A_33 = arith.constant 1 : i32
    %dma_start3A_34 = arith.constant 0 : i32
    %dma_start3A_35 = tpu.memref_slice %arg6[%dma_start3A_33, %dma_start3A_34] : memref<40x128xi32, #tpu.memory_space<vmem>> -> memref<1x128xi32, #tpu.memory_space<vmem>>
    %dma_start3A_36 = tpu.memref_squeeze %dma_start3A_35 : memref<1x128xi32, #tpu.memory_space<vmem>> -> memref<128xi32, #tpu.memory_space<vmem>>
    %dma_start3A_37 = arith.constant 0 : i32
    %dma_start3A_38 = arith.constant 0 : i32
    %dma_start3A_39 = tpu.memref_slice %arg2[%dma_start3A_37, %dma_start3A_38] : memref<10240x128xf32, #tpu.memory_space<hbm>> -> memref<10240x128xf32, #tpu.memory_space<hbm>>
    tpu.enqueue_indirect_dma source(%dma_start3A_39 : memref<10240x128xf32, #tpu.memory_space<hbm>>) target(%arg9 : memref<128x128xf32, #tpu.memory_space<vmem>>) offsets(%dma_start3A_36 : memref<128xi32, #tpu.memory_space<vmem>>) semaphore(%arg12 : memref<!tpu.dma_semaphore, #tpu.memory_space<semaphore_mem>>)
    %scan3A_40 = arith.constant 0 : i32
    %scan3A_41 = arith.constant 0 : i32
    %scan3A_42 = arith.constant 20 : i32
    %scan3A_43 = arith.addi %scan3A_41, %scan3A_42 : i32
    %scan3A_44 = arith.constant 1 : i32
    scf.for %scan3A_246 = %scan3A_41 to %scan3A_43 step %scan3A_44  : i32 {
      %mul3A_247 = arith.constant 2 : i32
      %mul3A_248 = arith.muli %scan3A_246, %mul3A_247 : i32
      %dma_wait3A_249 = arith.constant 0 : i32
      %dma_wait3A_250 = tpu.memref_slice %arg6[%mul3A_248, %dma_wait3A_249] : memref<40x128xi32, #tpu.memory_space<vmem>> -> memref<1x128xi32, #tpu.memory_space<vmem>>
      %dma_wait3A_251 = tpu.memref_squeeze %dma_wait3A_250 : memref<1x128xi32, #tpu.memory_space<vmem>> -> memref<128xi32, #tpu.memory_space<vmem>>
      %dma_wait3A_252 = arith.constant 0 : i32
      %dma_wait3A_253 = arith.constant 0 : i32
      %dma_wait3A_254 = tpu.memref_slice %arg2[%dma_wait3A_252, %dma_wait3A_253] : memref<10240x128xf32, #tpu.memory_space<hbm>> -> memref<10240x128xf32, #tpu.memory_space<hbm>>
      tpu.wait_indirect_dma semaphore(%arg11 : memref<!tpu.dma_semaphore, #tpu.memory_space<semaphore_mem>>) src(%dma_wait3A_254 : memref<10240x128xf32, #tpu.memory_space<hbm>>) dst(%arg8 : memref<128x128xf32, #tpu.memory_space<vmem>>)
      %dma_start3A_255 = arith.constant 0 : i32
      %dma_start3A_256 = tpu.memref_slice %arg7[%mul3A_248, %dma_start3A_255] : memref<40x128xi32, #tpu.memory_space<vmem>> -> memref<1x128xi32, #tpu.memory_space<vmem>>
      %dma_start3A_257 = tpu.memref_squeeze %dma_start3A_256 : memref<1x128xi32, #tpu.memory_space<vmem>> -> memref<128xi32, #tpu.memory_space<vmem>>
      %dma_start3A_258 = arith.constant 0 : i32
      %dma_start3A_259 = arith.constant 0 : i32
      %dma_start3A_260 = tpu.memref_slice %arg10[%dma_start3A_258, %dma_start3A_259] : memref<10240x128xf32, #tpu.memory_space<vmem_shared>> -> memref<10240x128xf32, #tpu.memory_space<vmem_shared>>
      tpu.enqueue_indirect_dma source(%arg8 : memref<128x128xf32, #tpu.memory_space<vmem>>) target(%dma_start3A_260 : memref<10240x128xf32, #tpu.memory_space<vmem_shared>>) offsets(%dma_start3A_257 : memref<128xi32, #tpu.memory_space<vmem>>) semaphore(%arg13 : memref<!tpu.dma_semaphore, #tpu.memory_space<semaphore_mem>>) {add = true}
      %add3A_261 = arith.constant 1 : i32
      %add3A_262 = arith.addi %mul3A_248, %add3A_261 : i32
      %dma_wait3A_263 = arith.constant 0 : i32
      %dma_wait3A_264 = tpu.memref_slice %arg6[%add3A_262, %dma_wait3A_263] : memref<40x128xi32, #tpu.memory_space<vmem>> -> memref<1x128xi32, #tpu.memory_space<vmem>>
      %dma_wait3A_265 = tpu.memref_squeeze %dma_wait3A_264 : memref<1x128xi32, #tpu.memory_space<vmem>> -> memref<128xi32, #tpu.memory_space<vmem>>
      %dma_wait3A_266 = arith.constant 0 : i32
      %dma_wait3A_267 = arith.constant 0 : i32
      %dma_wait3A_268 = tpu.memref_slice %arg2[%dma_wait3A_266, %dma_wait3A_267] : memref<10240x128xf32, #tpu.memory_space<hbm>> -> memref<10240x128xf32, #tpu.memory_space<hbm>>
      tpu.wait_indirect_dma semaphore(%arg12 : memref<!tpu.dma_semaphore, #tpu.memory_space<semaphore_mem>>) src(%dma_wait3A_268 : memref<10240x128xf32, #tpu.memory_space<hbm>>) dst(%arg9 : memref<128x128xf32, #tpu.memory_space<vmem>>)
      %add3A_269 = arith.constant 1 : i32
      %add3A_270 = arith.addi %mul3A_248, %add3A_269 : i32
      %dma_start3A_271 = arith.constant 0 : i32
      %dma_start3A_272 = tpu.memref_slice %arg7[%add3A_270, %dma_start3A_271] : memref<40x128xi32, #tpu.memory_space<vmem>> -> memref<1x128xi32, #tpu.memory_space<vmem>>
      %dma_start3A_273 = tpu.memref_squeeze %dma_start3A_272 : memref<1x128xi32, #tpu.memory_space<vmem>> -> memref<128xi32, #tpu.memory_space<vmem>>
      %dma_start3A_274 = arith.constant 0 : i32
      %dma_start3A_275 = arith.constant 0 : i32
      %dma_start3A_276 = tpu.memref_slice %arg10[%dma_start3A_274, %dma_start3A_275] : memref<10240x128xf32, #tpu.memory_space<vmem_shared>> -> memref<10240x128xf32, #tpu.memory_space<vmem_shared>>
      tpu.enqueue_indirect_dma source(%arg9 : memref<128x128xf32, #tpu.memory_space<vmem>>) target(%dma_start3A_276 : memref<10240x128xf32, #tpu.memory_space<vmem_shared>>) offsets(%dma_start3A_273 : memref<128xi32, #tpu.memory_space<vmem>>) semaphore(%arg14 : memref<!tpu.dma_semaphore, #tpu.memory_space<semaphore_mem>>) {add = true}
      %dma_wait3A_277 = arith.constant 0 : i32
      %dma_wait3A_278 = tpu.memref_slice %arg7[%mul3A_248, %dma_wait3A_277] : memref<40x128xi32, #tpu.memory_space<vmem>> -> memref<1x128xi32, #tpu.memory_space<vmem>>
      %dma_wait3A_279 = tpu.memref_squeeze %dma_wait3A_278 : memref<1x128xi32, #tpu.memory_space<vmem>> -> memref<128xi32, #tpu.memory_space<vmem>>
      %dma_wait3A_280 = arith.constant 0 : i32
      %dma_wait3A_281 = arith.constant 0 : i32
      %dma_wait3A_282 = tpu.memref_slice %arg10[%dma_wait3A_280, %dma_wait3A_281] : memref<10240x128xf32, #tpu.memory_space<vmem_shared>> -> memref<10240x128xf32, #tpu.memory_space<vmem_shared>>
      tpu.wait_indirect_dma semaphore(%arg13 : memref<!tpu.dma_semaphore, #tpu.memory_space<semaphore_mem>>) src(%arg8 : memref<128x128xf32, #tpu.memory_space<vmem>>) dst(%dma_wait3A_282 : memref<10240x128xf32, #tpu.memory_space<vmem_shared>>)
      %add3A_283 = arith.constant 2 : i32
      %add3A_284 = arith.addi %mul3A_248, %add3A_283 : i32
      %lt3A = arith.constant 40 : i32
      %lt3A_285 = arith.cmpi slt, %add3A_284, %lt3A : i32
      %convert_element_type3A = arith.extui %lt3A_285 : i1 to i32
      %cond3A = arith.constant 0 : i32
      %cond3A_286 = arith.cmpi ne, %convert_element_type3A, %cond3A : i32
      scf.if %cond3A_286 {
        %add3A_302 = arith.constant 2 : i32
        %add3A_303 = arith.addi %mul3A_248, %add3A_302 : i32
        %dma_start3A_304 = arith.constant 0 : i32
        %dma_start3A_305 = tpu.memref_slice %arg6[%add3A_303, %dma_start3A_304] : memref<40x128xi32, #tpu.memory_space<vmem>> -> memref<1x128xi32, #tpu.memory_space<vmem>>
        %dma_start3A_306 = tpu.memref_squeeze %dma_start3A_305 : memref<1x128xi32, #tpu.memory_space<vmem>> -> memref<128xi32, #tpu.memory_space<vmem>>
        %dma_start3A_307 = arith.constant 0 : i32
        %dma_start3A_308 = arith.constant 0 : i32
        %dma_start3A_309 = tpu.memref_slice %arg2[%dma_start3A_307, %dma_start3A_308] : memref<10240x128xf32, #tpu.memory_space<hbm>> -> memref<10240x128xf32, #tpu.memory_space<hbm>>
        tpu.enqueue_indirect_dma source(%dma_start3A_309 : memref<10240x128xf32, #tpu.memory_space<hbm>>) target(%arg8 : memref<128x128xf32, #tpu.memory_space<vmem>>) offsets(%dma_start3A_306 : memref<128xi32, #tpu.memory_space<vmem>>) semaphore(%arg11 : memref<!tpu.dma_semaphore, #tpu.memory_space<semaphore_mem>>)
      } else {
      }
      %add3A_287 = arith.constant 1 : i32
      %add3A_288 = arith.addi %mul3A_248, %add3A_287 : i32
      %dma_wait3A_289 = arith.constant 0 : i32
      %dma_wait3A_290 = tpu.memref_slice %arg7[%add3A_288, %dma_wait3A_289] : memref<40x128xi32, #tpu.memory_space<vmem>> -> memref<1x128xi32, #tpu.memory_space<vmem>>
      %dma_wait3A_291 = tpu.memref_squeeze %dma_wait3A_290 : memref<1x128xi32, #tpu.memory_space<vmem>> -> memref<128xi32, #tpu.memory_space<vmem>>
      %dma_wait3A_292 = arith.constant 0 : i32
      %dma_wait3A_293 = arith.constant 0 : i32
      %dma_wait3A_294 = tpu.memref_slice %arg10[%dma_wait3A_292, %dma_wait3A_293] : memref<10240x128xf32, #tpu.memory_space<vmem_shared>> -> memref<10240x128xf32, #tpu.memory_space<vmem_shared>>
      tpu.wait_indirect_dma semaphore(%arg14 : memref<!tpu.dma_semaphore, #tpu.memory_space<semaphore_mem>>) src(%arg9 : memref<128x128xf32, #tpu.memory_space<vmem>>) dst(%dma_wait3A_294 : memref<10240x128xf32, #tpu.memory_space<vmem_shared>>)
      %add3A_295 = arith.constant 3 : i32
      %add3A_296 = arith.addi %mul3A_248, %add3A_295 : i32
      %lt3A_297 = arith.constant 40 : i32
      %lt3A_298 = arith.cmpi slt, %add3A_296, %lt3A_297 : i32
      %convert_element_type3A_299 = arith.extui %lt3A_298 : i1 to i32
      %cond3A_300 = arith.constant 0 : i32
      %cond3A_301 = arith.cmpi ne, %convert_element_type3A_299, %cond3A_300 : i32
      scf.if %cond3A_301 {
        %add3A_302 = arith.constant 3 : i32
        %add3A_303 = arith.addi %mul3A_248, %add3A_302 : i32
        %dma_start3A_304 = arith.constant 0 : i32
        %dma_start3A_305 = tpu.memref_slice %arg6[%add3A_303, %dma_start3A_304] : memref<40x128xi32, #tpu.memory_space<vmem>> -> memref<1x128xi32, #tpu.memory_space<vmem>>
        %dma_start3A_306 = tpu.memref_squeeze %dma_start3A_305 : memref<1x128xi32, #tpu.memory_space<vmem>> -> memref<128xi32, #tpu.memory_space<vmem>>
        %dma_start3A_307 = arith.constant 0 : i32
        %dma_start3A_308 = arith.constant 0 : i32
        %dma_start3A_309 = tpu.memref_slice %arg2[%dma_start3A_307, %dma_start3A_308] : memref<10240x128xf32, #tpu.memory_space<hbm>> -> memref<10240x128xf32, #tpu.memory_space<hbm>>
        tpu.enqueue_indirect_dma source(%dma_start3A_309 : memref<10240x128xf32, #tpu.memory_space<hbm>>) target(%arg9 : memref<128x128xf32, #tpu.memory_space<vmem>>) offsets(%dma_start3A_306 : memref<128xi32, #tpu.memory_space<vmem>>) semaphore(%arg12 : memref<!tpu.dma_semaphore, #tpu.memory_space<semaphore_mem>>)
      } else {
      }
    }
    %scan3A_45 = arith.constant 20 : i32
    "tpu.region"() ({
      %run_scoped3A = tpu.sem_alloc : memref<!tpu.dma_semaphore, #tpu.memory_space<semaphore_mem>>
      %dma_start3A_246 = arith.constant 40 : i32
      %dma_start3A_247 = arith.constant 0 : i32
      %dma_start3A_248 = tpu.memref_slice %arg3[%add3A, %dma_start3A_246, %dma_start3A_247] : memref<32x80x128xi32, #tpu.memory_space<hbm>> -> memref<1x40x128xi32, #tpu.memory_space<hbm>>
      %dma_start3A_249 = tpu.memref_squeeze %dma_start3A_248 : memref<1x40x128xi32, #tpu.memory_space<hbm>> -> memref<40x128xi32, #tpu.memory_space<hbm>>
      %dma_start3A_250 = arith.constant 40 : i32
      %dma_start3A_251 = arith.constant 0 : i32
      %dma_start3A_252 = tpu.memref_slice %arg3[%add3A, %dma_start3A_250, %dma_start3A_251] : memref<32x80x128xi32, #tpu.memory_space<hbm>> -> memref<1x40x128xi32, #tpu.memory_space<hbm>>
      %dma_start3A_253 = tpu.memref_squeeze %dma_start3A_252 : memref<1x40x128xi32, #tpu.memory_space<hbm>> -> memref<40x128xi32, #tpu.memory_space<hbm>>
      tpu.enqueue_dma source(%dma_start3A_253 : memref<40x128xi32, #tpu.memory_space<hbm>>) target(%arg6 : memref<40x128xi32, #tpu.memory_space<vmem>>) target_semaphore(%run_scoped3A : memref<!tpu.dma_semaphore, #tpu.memory_space<semaphore_mem>>)
      %dma_wait3A_254 = arith.constant 40 : i32
      %dma_wait3A_255 = arith.constant 0 : i32
      %dma_wait3A_256 = tpu.memref_slice %arg3[%add3A, %dma_wait3A_254, %dma_wait3A_255] : memref<32x80x128xi32, #tpu.memory_space<hbm>> -> memref<1x40x128xi32, #tpu.memory_space<hbm>>
      %dma_wait3A_257 = tpu.memref_squeeze %dma_wait3A_256 : memref<1x40x128xi32, #tpu.memory_space<hbm>> -> memref<40x128xi32, #tpu.memory_space<hbm>>
      %dma_wait3A_258 = arith.constant 40 : i32
      %dma_wait3A_259 = arith.constant 0 : i32
      %dma_wait3A_260 = tpu.memref_slice %arg3[%add3A, %dma_wait3A_258, %dma_wait3A_259] : memref<32x80x128xi32, #tpu.memory_space<hbm>> -> memref<1x40x128xi32, #tpu.memory_space<hbm>>
      %dma_wait3A_261 = tpu.memref_squeeze %dma_wait3A_260 : memref<1x40x128xi32, #tpu.memory_space<hbm>> -> memref<40x128xi32, #tpu.memory_space<hbm>>
      tpu.wait_dma2 semaphore(%run_scoped3A : memref<!tpu.dma_semaphore, #tpu.memory_space<semaphore_mem>>) src(%dma_wait3A_261 : memref<40x128xi32, #tpu.memory_space<hbm>>) dst(%arg6 : memref<40x128xi32, #tpu.memory_space<vmem>>)
      tpu.yield
    }) : () -> ()
    "tpu.region"() ({
      %run_scoped3A = tpu.sem_alloc : memref<!tpu.dma_semaphore, #tpu.memory_space<semaphore_mem>>
      %dma_start3A_246 = arith.constant 40 : i32
      %dma_start3A_247 = arith.constant 0 : i32
      %dma_start3A_248 = tpu.memref_slice %arg4[%add3A, %dma_start3A_246, %dma_start3A_247] : memref<32x80x128xi32, #tpu.memory_space<hbm>> -> memref<1x40x128xi32, #tpu.memory_space<hbm>>
      %dma_start3A_249 = tpu.memref_squeeze %dma_start3A_248 : memref<1x40x128xi32, #tpu.memory_space<hbm>> -> memref<40x128xi32, #tpu.memory_space<hbm>>
      %dma_start3A_250 = arith.constant 40 : i32
      %dma_start3A_251 = arith.constant 0 : i32
      %dma_start3A_252 = tpu.memref_slice %arg4[%add3A, %dma_start3A_250, %dma_start3A_251] : memref<32x80x128xi32, #tpu.memory_space<hbm>> -> memref<1x40x128xi32, #tpu.memory_space<hbm>>
      %dma_start3A_253 = tpu.memref_squeeze %dma_start3A_252 : memref<1x40x128xi32, #tpu.memory_space<hbm>> -> memref<40x128xi32, #tpu.memory_space<hbm>>
      tpu.enqueue_dma source(%dma_start3A_253 : memref<40x128xi32, #tpu.memory_space<hbm>>) target(%arg7 : memref<40x128xi32, #tpu.memory_space<vmem>>) target_semaphore(%run_scoped3A : memref<!tpu.dma_semaphore, #tpu.memory_space<semaphore_mem>>)
      %dma_wait3A_254 = arith.constant 40 : i32
      %dma_wait3A_255 = arith.constant 0 : i32
      %dma_wait3A_256 = tpu.memref_slice %arg4[%add3A, %dma_wait3A_254, %dma_wait3A_255] : memref<32x80x128xi32, #tpu.memory_space<hbm>> -> memref<1x40x128xi32, #tpu.memory_space<hbm>>
      %dma_wait3A_257 = tpu.memref_squeeze %dma_wait3A_256 : memref<1x40x128xi32, #tpu.memory_space<hbm>> -> memref<40x128xi32, #tpu.memory_space<hbm>>
      %dma_wait3A_258 = arith.constant 40 : i32
      %dma_wait3A_259 = arith.constant 0 : i32
      %dma_wait3A_260 = tpu.memref_slice %arg4[%add3A, %dma_wait3A_258, %dma_wait3A_259] : memref<32x80x128xi32, #tpu.memory_space<hbm>> -> memref<1x40x128xi32, #tpu.memory_space<hbm>>
      %dma_wait3A_261 = tpu.memref_squeeze %dma_wait3A_260 : memref<1x40x128xi32, #tpu.memory_space<hbm>> -> memref<40x128xi32, #tpu.memory_space<hbm>>
      tpu.wait_dma2 semaphore(%run_scoped3A : memref<!tpu.dma_semaphore, #tpu.memory_space<semaphore_mem>>) src(%dma_wait3A_261 : memref<40x128xi32, #tpu.memory_space<hbm>>) dst(%arg7 : memref<40x128xi32, #tpu.memory_space<vmem>>)
      tpu.yield
    }) : () -> ()
    %dma_start3A_46 = arith.constant 0 : i32
    %dma_start3A_47 = arith.constant 0 : i32
    %dma_start3A_48 = tpu.memref_slice %arg6[%dma_start3A_46, %dma_start3A_47] : memref<40x128xi32, #tpu.memory_space<vmem>> -> memref<1x128xi32, #tpu.memory_space<vmem>>
    %dma_start3A_49 = tpu.memref_squeeze %dma_start3A_48 : memref<1x128xi32, #tpu.memory_space<vmem>> -> memref<128xi32, #tpu.memory_space<vmem>>
    %dma_start3A_50 = arith.constant 0 : i32
    %dma_start3A_51 = arith.constant 0 : i32
    %dma_start3A_52 = tpu.memref_slice %arg2[%dma_start3A_50, %dma_start3A_51] : memref<10240x128xf32, #tpu.memory_space<hbm>> -> memref<10240x128xf32, #tpu.memory_space<hbm>>
    tpu.enqueue_indirect_dma source(%dma_start3A_52 : memref<10240x128xf32, #tpu.memory_space<hbm>>) target(%arg8 : memref<128x128xf32, #tpu.memory_space<vmem>>) offsets(%dma_start3A_49 : memref<128xi32, #tpu.memory_space<vmem>>) semaphore(%arg11 : memref<!tpu.dma_semaphore, #tpu.memory_space<semaphore_mem>>)
    %dma_start3A_53 = arith.constant 1 : i32
    %dma_start3A_54 = arith.constant 0 : i32
    %dma_start3A_55 = tpu.memref_slice %arg6[%dma_start3A_53, %dma_start3A_54] : memref<40x128xi32, #tpu.memory_space<vmem>> -> memref<1x128xi32, #tpu.memory_space<vmem>>
    %dma_start3A_56 = tpu.memref_squeeze %dma_start3A_55 : memref<1x128xi32, #tpu.memory_space<vmem>> -> memref<128xi32, #tpu.memory_space<vmem>>
    %dma_start3A_57 = arith.constant 0 : i32
    %dma_start3A_58 = arith.constant 0 : i32
    %dma_start3A_59 = tpu.memref_slice %arg2[%dma_start3A_57, %dma_start3A_58] : memref<10240x128xf32, #tpu.memory_space<hbm>> -> memref<10240x128xf32, #tpu.memory_space<hbm>>
    tpu.enqueue_indirect_dma source(%dma_start3A_59 : memref<10240x128xf32, #tpu.memory_space<hbm>>) target(%arg9 : memref<128x128xf32, #tpu.memory_space<vmem>>) offsets(%dma_start3A_56 : memref<128xi32, #tpu.memory_space<vmem>>) semaphore(%arg12 : memref<!tpu.dma_semaphore, #tpu.memory_space<semaphore_mem>>)
    %scan3A_60 = arith.constant 0 : i32
    %scan3A_61 = arith.constant 0 : i32
    %scan3A_62 = arith.constant 20 : i32
    %scan3A_63 = arith.addi %scan3A_61, %scan3A_62 : i32
    %scan3A_64 = arith.constant 1 : i32
    scf.for %scan3A_246 = %scan3A_61 to %scan3A_63 step %scan3A_64  : i32 {
      %mul3A_247 = arith.constant 2 : i32
      %mul3A_248 = arith.muli %scan3A_246, %mul3A_247 : i32
      %dma_wait3A_249 = arith.constant 0 : i32
      %dma_wait3A_250 = tpu.memref_slice %arg6[%mul3A_248, %dma_wait3A_249] : memref<40x128xi32, #tpu.memory_space<vmem>> -> memref<1x128xi32, #tpu.memory_space<vmem>>
      %dma_wait3A_251 = tpu.memref_squeeze %dma_wait3A_250 : memref<1x128xi32, #tpu.memory_space<vmem>> -> memref<128xi32, #tpu.memory_space<vmem>>
      %dma_wait3A_252 = arith.constant 0 : i32
      %dma_wait3A_253 = arith.constant 0 : i32
      %dma_wait3A_254 = tpu.memref_slice %arg2[%dma_wait3A_252, %dma_wait3A_253] : memref<10240x128xf32, #tpu.memory_space<hbm>> -> memref<10240x128xf32, #tpu.memory_space<hbm>>
      tpu.wait_indirect_dma semaphore(%arg11 : memref<!tpu.dma_semaphore, #tpu.memory_space<semaphore_mem>>) src(%dma_wait3A_254 : memref<10240x128xf32, #tpu.memory_space<hbm>>) dst(%arg8 : memref<128x128xf32, #tpu.memory_space<vmem>>)
      %dma_start3A_255 = arith.constant 0 : i32
      %dma_start3A_256 = tpu.memref_slice %arg7[%mul3A_248, %dma_start3A_255] : memref<40x128xi32, #tpu.memory_space<vmem>> -> memref<1x128xi32, #tpu.memory_space<vmem>>
      %dma_start3A_257 = tpu.memref_squeeze %dma_start3A_256 : memref<1x128xi32, #tpu.memory_space<vmem>> -> memref<128xi32, #tpu.memory_space<vmem>>
      %dma_start3A_258 = arith.constant 0 : i32
      %dma_start3A_259 = arith.constant 0 : i32
      %dma_start3A_260 = tpu.memref_slice %arg10[%dma_start3A_258, %dma_start3A_259] : memref<10240x128xf32, #tpu.memory_space<vmem_shared>> -> memref<10240x128xf32, #tpu.memory_space<vmem_shared>>
      tpu.enqueue_indirect_dma source(%arg8 : memref<128x128xf32, #tpu.memory_space<vmem>>) target(%dma_start3A_260 : memref<10240x128xf32, #tpu.memory_space<vmem_shared>>) offsets(%dma_start3A_257 : memref<128xi32, #tpu.memory_space<vmem>>) semaphore(%arg13 : memref<!tpu.dma_semaphore, #tpu.memory_space<semaphore_mem>>) {add = true}
      %add3A_261 = arith.constant 1 : i32
      %add3A_262 = arith.addi %mul3A_248, %add3A_261 : i32
      %dma_wait3A_263 = arith.constant 0 : i32
      %dma_wait3A_264 = tpu.memref_slice %arg6[%add3A_262, %dma_wait3A_263] : memref<40x128xi32, #tpu.memory_space<vmem>> -> memref<1x128xi32, #tpu.memory_space<vmem>>
      %dma_wait3A_265 = tpu.memref_squeeze %dma_wait3A_264 : memref<1x128xi32, #tpu.memory_space<vmem>> -> memref<128xi32, #tpu.memory_space<vmem>>
      %dma_wait3A_266 = arith.constant 0 : i32
      %dma_wait3A_267 = arith.constant 0 : i32
      %dma_wait3A_268 = tpu.memref_slice %arg2[%dma_wait3A_266, %dma_wait3A_267] : memref<10240x128xf32, #tpu.memory_space<hbm>> -> memref<10240x128xf32, #tpu.memory_space<hbm>>
      tpu.wait_indirect_dma semaphore(%arg12 : memref<!tpu.dma_semaphore, #tpu.memory_space<semaphore_mem>>) src(%dma_wait3A_268 : memref<10240x128xf32, #tpu.memory_space<hbm>>) dst(%arg9 : memref<128x128xf32, #tpu.memory_space<vmem>>)
      %add3A_269 = arith.constant 1 : i32
      %add3A_270 = arith.addi %mul3A_248, %add3A_269 : i32
      %dma_start3A_271 = arith.constant 0 : i32
      %dma_start3A_272 = tpu.memref_slice %arg7[%add3A_270, %dma_start3A_271] : memref<40x128xi32, #tpu.memory_space<vmem>> -> memref<1x128xi32, #tpu.memory_space<vmem>>
      %dma_start3A_273 = tpu.memref_squeeze %dma_start3A_272 : memref<1x128xi32, #tpu.memory_space<vmem>> -> memref<128xi32, #tpu.memory_space<vmem>>
      %dma_start3A_274 = arith.constant 0 : i32
      %dma_start3A_275 = arith.constant 0 : i32
      %dma_start3A_276 = tpu.memref_slice %arg10[%dma_start3A_274, %dma_start3A_275] : memref<10240x128xf32, #tpu.memory_space<vmem_shared>> -> memref<10240x128xf32, #tpu.memory_space<vmem_shared>>
      tpu.enqueue_indirect_dma source(%arg9 : memref<128x128xf32, #tpu.memory_space<vmem>>) target(%dma_start3A_276 : memref<10240x128xf32, #tpu.memory_space<vmem_shared>>) offsets(%dma_start3A_273 : memref<128xi32, #tpu.memory_space<vmem>>) semaphore(%arg14 : memref<!tpu.dma_semaphore, #tpu.memory_space<semaphore_mem>>) {add = true}
      %dma_wait3A_277 = arith.constant 0 : i32
      %dma_wait3A_278 = tpu.memref_slice %arg7[%mul3A_248, %dma_wait3A_277] : memref<40x128xi32, #tpu.memory_space<vmem>> -> memref<1x128xi32, #tpu.memory_space<vmem>>
      %dma_wait3A_279 = tpu.memref_squeeze %dma_wait3A_278 : memref<1x128xi32, #tpu.memory_space<vmem>> -> memref<128xi32, #tpu.memory_space<vmem>>
      %dma_wait3A_280 = arith.constant 0 : i32
      %dma_wait3A_281 = arith.constant 0 : i32
      %dma_wait3A_282 = tpu.memref_slice %arg10[%dma_wait3A_280, %dma_wait3A_281] : memref<10240x128xf32, #tpu.memory_space<vmem_shared>> -> memref<10240x128xf32, #tpu.memory_space<vmem_shared>>
      tpu.wait_indirect_dma semaphore(%arg13 : memref<!tpu.dma_semaphore, #tpu.memory_space<semaphore_mem>>) src(%arg8 : memref<128x128xf32, #tpu.memory_space<vmem>>) dst(%dma_wait3A_282 : memref<10240x128xf32, #tpu.memory_space<vmem_shared>>)
      %add3A_283 = arith.constant 2 : i32
      %add3A_284 = arith.addi %mul3A_248, %add3A_283 : i32
      %lt3A = arith.constant 40 : i32
      %lt3A_285 = arith.cmpi slt, %add3A_284, %lt3A : i32
      %convert_element_type3A = arith.extui %lt3A_285 : i1 to i32
      %cond3A = arith.constant 0 : i32
      %cond3A_286 = arith.cmpi ne, %convert_element_type3A, %cond3A : i32
      scf.if %cond3A_286 {
        %add3A_302 = arith.constant 2 : i32
        %add3A_303 = arith.addi %mul3A_248, %add3A_302 : i32
        %dma_start3A_304 = arith.constant 0 : i32
        %dma_start3A_305 = tpu.memref_slice %arg6[%add3A_303, %dma_start3A_304] : memref<40x128xi32, #tpu.memory_space<vmem>> -> memref<1x128xi32, #tpu.memory_space<vmem>>
        %dma_start3A_306 = tpu.memref_squeeze %dma_start3A_305 : memref<1x128xi32, #tpu.memory_space<vmem>> -> memref<128xi32, #tpu.memory_space<vmem>>
        %dma_start3A_307 = arith.constant 0 : i32
        %dma_start3A_308 = arith.constant 0 : i32
        %dma_start3A_309 = tpu.memref_slice %arg2[%dma_start3A_307, %dma_start3A_308] : memref<10240x128xf32, #tpu.memory_space<hbm>> -> memref<10240x128xf32, #tpu.memory_space<hbm>>
        tpu.enqueue_indirect_dma source(%dma_start3A_309 : memref<10240x128xf32, #tpu.memory_space<hbm>>) target(%arg8 : memref<128x128xf32, #tpu.memory_space<vmem>>) offsets(%dma_start3A_306 : memref<128xi32, #tpu.memory_space<vmem>>) semaphore(%arg11 : memref<!tpu.dma_semaphore, #tpu.memory_space<semaphore_mem>>)
      } else {
      }
      %add3A_287 = arith.constant 1 : i32
      %add3A_288 = arith.addi %mul3A_248, %add3A_287 : i32
      %dma_wait3A_289 = arith.constant 0 : i32
      %dma_wait3A_290 = tpu.memref_slice %arg7[%add3A_288, %dma_wait3A_289] : memref<40x128xi32, #tpu.memory_space<vmem>> -> memref<1x128xi32, #tpu.memory_space<vmem>>
      %dma_wait3A_291 = tpu.memref_squeeze %dma_wait3A_290 : memref<1x128xi32, #tpu.memory_space<vmem>> -> memref<128xi32, #tpu.memory_space<vmem>>
      %dma_wait3A_292 = arith.constant 0 : i32
      %dma_wait3A_293 = arith.constant 0 : i32
      %dma_wait3A_294 = tpu.memref_slice %arg10[%dma_wait3A_292, %dma_wait3A_293] : memref<10240x128xf32, #tpu.memory_space<vmem_shared>> -> memref<10240x128xf32, #tpu.memory_space<vmem_shared>>
      tpu.wait_indirect_dma semaphore(%arg14 : memref<!tpu.dma_semaphore, #tpu.memory_space<semaphore_mem>>) src(%arg9 : memref<128x128xf32, #tpu.memory_space<vmem>>) dst(%dma_wait3A_294 : memref<10240x128xf32, #tpu.memory_space<vmem_shared>>)
      %add3A_295 = arith.constant 3 : i32
      %add3A_296 = arith.addi %mul3A_248, %add3A_295 : i32
      %lt3A_297 = arith.constant 40 : i32
      %lt3A_298 = arith.cmpi slt, %add3A_296, %lt3A_297 : i32
      %convert_element_type3A_299 = arith.extui %lt3A_298 : i1 to i32
      %cond3A_300 = arith.constant 0 : i32
      %cond3A_301 = arith.cmpi ne, %convert_element_type3A_299, %cond3A_300 : i32
      scf.if %cond3A_301 {
        %add3A_302 = arith.constant 3 : i32
        %add3A_303 = arith.addi %mul3A_248, %add3A_302 : i32
        %dma_start3A_304 = arith.constant 0 : i32
        %dma_start3A_305 = tpu.memref_slice %arg6[%add3A_303, %dma_start3A_304] : memref<40x128xi32, #tpu.memory_space<vmem>> -> memref<1x128xi32, #tpu.memory_space<vmem>>
        %dma_start3A_306 = tpu.memref_squeeze %dma_start3A_305 : memref<1x128xi32, #tpu.memory_space<vmem>> -> memref<128xi32, #tpu.memory_space<vmem>>
        %dma_start3A_307 = arith.constant 0 : i32
        %dma_start3A_308 = arith.constant 0 : i32
        %dma_start3A_309 = tpu.memref_slice %arg2[%dma_start3A_307, %dma_start3A_308] : memref<10240x128xf32, #tpu.memory_space<hbm>> -> memref<10240x128xf32, #tpu.memory_space<hbm>>
        tpu.enqueue_indirect_dma source(%dma_start3A_309 : memref<10240x128xf32, #tpu.memory_space<hbm>>) target(%arg9 : memref<128x128xf32, #tpu.memory_space<vmem>>) offsets(%dma_start3A_306 : memref<128xi32, #tpu.memory_space<vmem>>) semaphore(%arg12 : memref<!tpu.dma_semaphore, #tpu.memory_space<semaphore_mem>>)
      } else {
      }
    }
    %scan3A_65 = arith.constant 20 : i32
    %barrier3A_66 = arith.constant 0 : index
    tpu.barrier barrier_id(%barrier3A_66)
    %mul3A_67 = arith.constant 640 : i32
    %mul3A_68 = arith.muli %arg1, %mul3A_67 : i32
    %add3A_69 = arith.constant 0 : i32
    %add3A_70 = arith.addi %mul3A_68, %add3A_69 : i32
    %dma_start3A_71 = arith.constant 0 : i32
    %dma_start3A_72 = tpu.memref_slice %arg10[%add3A_70, %dma_start3A_71] : memref<10240x128xf32, #tpu.memory_space<vmem_shared>> -> memref<128x128xf32, #tpu.memory_space<vmem_shared>>
    %dma_start3A_73 = arith.constant 0 : i32
    %dma_start3A_74 = tpu.memref_slice %arg10[%add3A_70, %dma_start3A_73] : memref<10240x128xf32, #tpu.memory_space<vmem_shared>> -> memref<128x128xf32, #tpu.memory_space<vmem_shared>>
    tpu.enqueue_dma source(%dma_start3A_74 : memref<128x128xf32, #tpu.memory_space<vmem_shared>>) target(%arg8 : memref<128x128xf32, #tpu.memory_space<vmem>>) target_semaphore(%arg11 : memref<!tpu.dma_semaphore, #tpu.memory_space<semaphore_mem>>)
    %mul3A_75 = arith.constant 640 : i32
    %mul3A_76 = arith.muli %arg1, %mul3A_75 : i32
    %add3A_77 = arith.constant 0 : i32
    %add3A_78 = arith.addi %mul3A_76, %add3A_77 : i32
    %dma_wait3A = arith.constant 0 : i32
    %dma_wait3A_79 = tpu.memref_slice %arg10[%add3A_78, %dma_wait3A] : memref<10240x128xf32, #tpu.memory_space<vmem_shared>> -> memref<128x128xf32, #tpu.memory_space<vmem_shared>>
    %dma_wait3A_80 = arith.constant 0 : i32
    %dma_wait3A_81 = tpu.memref_slice %arg10[%add3A_78, %dma_wait3A_80] : memref<10240x128xf32, #tpu.memory_space<vmem_shared>> -> memref<128x128xf32, #tpu.memory_space<vmem_shared>>
    tpu.wait_dma2 semaphore(%arg11 : memref<!tpu.dma_semaphore, #tpu.memory_space<semaphore_mem>>) src(%dma_wait3A_81 : memref<128x128xf32, #tpu.memory_space<vmem_shared>>) dst(%arg8 : memref<128x128xf32, #tpu.memory_space<vmem>>)
    %mul3A_82 = arith.constant 640 : i32
    %mul3A_83 = arith.muli %arg1, %mul3A_82 : i32
    %add3A_84 = arith.constant 0 : i32
    %add3A_85 = arith.addi %mul3A_83, %add3A_84 : i32
    %dma_start3A_86 = arith.constant 0 : i32
    %dma_start3A_87 = tpu.memref_slice %arg5[%arg0, %add3A_85, %dma_start3A_86] : memref<2x10240x128xf32, #tpu.memory_space<hbm>> -> memref<1x128x128xf32, #tpu.memory_space<hbm>>
    %dma_start3A_88 = tpu.memref_squeeze %dma_start3A_87 : memref<1x128x128xf32, #tpu.memory_space<hbm>> -> memref<128x128xf32, #tpu.memory_space<hbm>>
    %dma_start3A_89 = arith.constant 0 : i32
    %dma_start3A_90 = tpu.memref_slice %arg5[%arg0, %add3A_85, %dma_start3A_89] : memref<2x10240x128xf32, #tpu.memory_space<hbm>> -> memref<1x128x128xf32, #tpu.memory_space<hbm>>
    %dma_start3A_91 = tpu.memref_squeeze %dma_start3A_90 : memref<1x128x128xf32, #tpu.memory_space<hbm>> -> memref<128x128xf32, #tpu.memory_space<hbm>>
    tpu.enqueue_dma source(%arg8 : memref<128x128xf32, #tpu.memory_space<vmem>>) target(%dma_start3A_91 : memref<128x128xf32, #tpu.memory_space<hbm>>) target_semaphore(%arg13 : memref<!tpu.dma_semaphore, #tpu.memory_space<semaphore_mem>>)
    %mul3A_92 = arith.constant 640 : i32
    %mul3A_93 = arith.muli %arg1, %mul3A_92 : i32
    %add3A_94 = arith.constant 128 : i32
    %add3A_95 = arith.addi %mul3A_93, %add3A_94 : i32
    %dma_start3A_96 = arith.constant 0 : i32
    %dma_start3A_97 = tpu.memref_slice %arg10[%add3A_95, %dma_start3A_96] : memref<10240x128xf32, #tpu.memory_space<vmem_shared>> -> memref<128x128xf32, #tpu.memory_space<vmem_shared>>
    %dma_start3A_98 = arith.constant 0 : i32
    %dma_start3A_99 = tpu.memref_slice %arg10[%add3A_95, %dma_start3A_98] : memref<10240x128xf32, #tpu.memory_space<vmem_shared>> -> memref<128x128xf32, #tpu.memory_space<vmem_shared>>
    tpu.enqueue_dma source(%dma_start3A_99 : memref<128x128xf32, #tpu.memory_space<vmem_shared>>) target(%arg9 : memref<128x128xf32, #tpu.memory_space<vmem>>) target_semaphore(%arg12 : memref<!tpu.dma_semaphore, #tpu.memory_space<semaphore_mem>>)
    %mul3A_100 = arith.constant 640 : i32
    %mul3A_101 = arith.muli %arg1, %mul3A_100 : i32
    %add3A_102 = arith.constant 128 : i32
    %add3A_103 = arith.addi %mul3A_101, %add3A_102 : i32
    %dma_wait3A_104 = arith.constant 0 : i32
    %dma_wait3A_105 = tpu.memref_slice %arg10[%add3A_103, %dma_wait3A_104] : memref<10240x128xf32, #tpu.memory_space<vmem_shared>> -> memref<128x128xf32, #tpu.memory_space<vmem_shared>>
    %dma_wait3A_106 = arith.constant 0 : i32
    %dma_wait3A_107 = tpu.memref_slice %arg10[%add3A_103, %dma_wait3A_106] : memref<10240x128xf32, #tpu.memory_space<vmem_shared>> -> memref<128x128xf32, #tpu.memory_space<vmem_shared>>
    tpu.wait_dma2 semaphore(%arg12 : memref<!tpu.dma_semaphore, #tpu.memory_space<semaphore_mem>>) src(%dma_wait3A_107 : memref<128x128xf32, #tpu.memory_space<vmem_shared>>) dst(%arg9 : memref<128x128xf32, #tpu.memory_space<vmem>>)
    %mul3A_108 = arith.constant 640 : i32
    %mul3A_109 = arith.muli %arg1, %mul3A_108 : i32
    %add3A_110 = arith.constant 128 : i32
    %add3A_111 = arith.addi %mul3A_109, %add3A_110 : i32
    %dma_start3A_112 = arith.constant 0 : i32
    %dma_start3A_113 = tpu.memref_slice %arg5[%arg0, %add3A_111, %dma_start3A_112] : memref<2x10240x128xf32, #tpu.memory_space<hbm>> -> memref<1x128x128xf32, #tpu.memory_space<hbm>>
    %dma_start3A_114 = tpu.memref_squeeze %dma_start3A_113 : memref<1x128x128xf32, #tpu.memory_space<hbm>> -> memref<128x128xf32, #tpu.memory_space<hbm>>
    %dma_start3A_115 = arith.constant 0 : i32
    %dma_start3A_116 = tpu.memref_slice %arg5[%arg0, %add3A_111, %dma_start3A_115] : memref<2x10240x128xf32, #tpu.memory_space<hbm>> -> memref<1x128x128xf32, #tpu.memory_space<hbm>>
    %dma_start3A_117 = tpu.memref_squeeze %dma_start3A_116 : memref<1x128x128xf32, #tpu.memory_space<hbm>> -> memref<128x128xf32, #tpu.memory_space<hbm>>
    tpu.enqueue_dma source(%arg9 : memref<128x128xf32, #tpu.memory_space<vmem>>) target(%dma_start3A_117 : memref<128x128xf32, #tpu.memory_space<hbm>>) target_semaphore(%arg14 : memref<!tpu.dma_semaphore, #tpu.memory_space<semaphore_mem>>)
    %mul3A_118 = arith.constant 640 : i32
    %mul3A_119 = arith.muli %arg1, %mul3A_118 : i32
    %add3A_120 = arith.constant 0 : i32
    %add3A_121 = arith.addi %mul3A_119, %add3A_120 : i32
    %dma_wait3A_122 = arith.constant 0 : i32
    %dma_wait3A_123 = tpu.memref_slice %arg5[%arg0, %add3A_121, %dma_wait3A_122] : memref<2x10240x128xf32, #tpu.memory_space<hbm>> -> memref<1x128x128xf32, #tpu.memory_space<hbm>>
    %dma_wait3A_124 = tpu.memref_squeeze %dma_wait3A_123 : memref<1x128x128xf32, #tpu.memory_space<hbm>> -> memref<128x128xf32, #tpu.memory_space<hbm>>
    %dma_wait3A_125 = arith.constant 0 : i32
    %dma_wait3A_126 = tpu.memref_slice %arg5[%arg0, %add3A_121, %dma_wait3A_125] : memref<2x10240x128xf32, #tpu.memory_space<hbm>> -> memref<1x128x128xf32, #tpu.memory_space<hbm>>
    %dma_wait3A_127 = tpu.memref_squeeze %dma_wait3A_126 : memref<1x128x128xf32, #tpu.memory_space<hbm>> -> memref<128x128xf32, #tpu.memory_space<hbm>>
    tpu.wait_dma2 semaphore(%arg13 : memref<!tpu.dma_semaphore, #tpu.memory_space<semaphore_mem>>) src(%arg8 : memref<128x128xf32, #tpu.memory_space<vmem>>) dst(%dma_wait3A_127 : memref<128x128xf32, #tpu.memory_space<hbm>>)
    %mul3A_128 = arith.constant 640 : i32
    %mul3A_129 = arith.muli %arg1, %mul3A_128 : i32
    %add3A_130 = arith.constant 256 : i32
    %add3A_131 = arith.addi %mul3A_129, %add3A_130 : i32
    %dma_start3A_132 = arith.constant 0 : i32
    %dma_start3A_133 = tpu.memref_slice %arg10[%add3A_131, %dma_start3A_132] : memref<10240x128xf32, #tpu.memory_space<vmem_shared>> -> memref<128x128xf32, #tpu.memory_space<vmem_shared>>
    %dma_start3A_134 = arith.constant 0 : i32
    %dma_start3A_135 = tpu.memref_slice %arg10[%add3A_131, %dma_start3A_134] : memref<10240x128xf32, #tpu.memory_space<vmem_shared>> -> memref<128x128xf32, #tpu.memory_space<vmem_shared>>
    tpu.enqueue_dma source(%dma_start3A_135 : memref<128x128xf32, #tpu.memory_space<vmem_shared>>) target(%arg8 : memref<128x128xf32, #tpu.memory_space<vmem>>) target_semaphore(%arg11 : memref<!tpu.dma_semaphore, #tpu.memory_space<semaphore_mem>>)
    %mul3A_136 = arith.constant 640 : i32
    %mul3A_137 = arith.muli %arg1, %mul3A_136 : i32
    %add3A_138 = arith.constant 256 : i32
    %add3A_139 = arith.addi %mul3A_137, %add3A_138 : i32
    %dma_wait3A_140 = arith.constant 0 : i32
    %dma_wait3A_141 = tpu.memref_slice %arg10[%add3A_139, %dma_wait3A_140] : memref<10240x128xf32, #tpu.memory_space<vmem_shared>> -> memref<128x128xf32, #tpu.memory_space<vmem_shared>>
    %dma_wait3A_142 = arith.constant 0 : i32
    %dma_wait3A_143 = tpu.memref_slice %arg10[%add3A_139, %dma_wait3A_142] : memref<10240x128xf32, #tpu.memory_space<vmem_shared>> -> memref<128x128xf32, #tpu.memory_space<vmem_shared>>
    tpu.wait_dma2 semaphore(%arg11 : memref<!tpu.dma_semaphore, #tpu.memory_space<semaphore_mem>>) src(%dma_wait3A_143 : memref<128x128xf32, #tpu.memory_space<vmem_shared>>) dst(%arg8 : memref<128x128xf32, #tpu.memory_space<vmem>>)
    %mul3A_144 = arith.constant 640 : i32
    %mul3A_145 = arith.muli %arg1, %mul3A_144 : i32
    %add3A_146 = arith.constant 256 : i32
    %add3A_147 = arith.addi %mul3A_145, %add3A_146 : i32
    %dma_start3A_148 = arith.constant 0 : i32
    %dma_start3A_149 = tpu.memref_slice %arg5[%arg0, %add3A_147, %dma_start3A_148] : memref<2x10240x128xf32, #tpu.memory_space<hbm>> -> memref<1x128x128xf32, #tpu.memory_space<hbm>>
    %dma_start3A_150 = tpu.memref_squeeze %dma_start3A_149 : memref<1x128x128xf32, #tpu.memory_space<hbm>> -> memref<128x128xf32, #tpu.memory_space<hbm>>
    %dma_start3A_151 = arith.constant 0 : i32
    %dma_start3A_152 = tpu.memref_slice %arg5[%arg0, %add3A_147, %dma_start3A_151] : memref<2x10240x128xf32, #tpu.memory_space<hbm>> -> memref<1x128x128xf32, #tpu.memory_space<hbm>>
    %dma_start3A_153 = tpu.memref_squeeze %dma_start3A_152 : memref<1x128x128xf32, #tpu.memory_space<hbm>> -> memref<128x128xf32, #tpu.memory_space<hbm>>
    tpu.enqueue_dma source(%arg8 : memref<128x128xf32, #tpu.memory_space<vmem>>) target(%dma_start3A_153 : memref<128x128xf32, #tpu.memory_space<hbm>>) target_semaphore(%arg13 : memref<!tpu.dma_semaphore, #tpu.memory_space<semaphore_mem>>)
    %mul3A_154 = arith.constant 640 : i32
    %mul3A_155 = arith.muli %arg1, %mul3A_154 : i32
    %add3A_156 = arith.constant 128 : i32
    %add3A_157 = arith.addi %mul3A_155, %add3A_156 : i32
    %dma_wait3A_158 = arith.constant 0 : i32
    %dma_wait3A_159 = tpu.memref_slice %arg5[%arg0, %add3A_157, %dma_wait3A_158] : memref<2x10240x128xf32, #tpu.memory_space<hbm>> -> memref<1x128x128xf32, #tpu.memory_space<hbm>>
    %dma_wait3A_160 = tpu.memref_squeeze %dma_wait3A_159 : memref<1x128x128xf32, #tpu.memory_space<hbm>> -> memref<128x128xf32, #tpu.memory_space<hbm>>
    %dma_wait3A_161 = arith.constant 0 : i32
    %dma_wait3A_162 = tpu.memref_slice %arg5[%arg0, %add3A_157, %dma_wait3A_161] : memref<2x10240x128xf32, #tpu.memory_space<hbm>> -> memref<1x128x128xf32, #tpu.memory_space<hbm>>
    %dma_wait3A_163 = tpu.memref_squeeze %dma_wait3A_162 : memref<1x128x128xf32, #tpu.memory_space<hbm>> -> memref<128x128xf32, #tpu.memory_space<hbm>>
    tpu.wait_dma2 semaphore(%arg14 : memref<!tpu.dma_semaphore, #tpu.memory_space<semaphore_mem>>) src(%arg9 : memref<128x128xf32, #tpu.memory_space<vmem>>) dst(%dma_wait3A_163 : memref<128x128xf32, #tpu.memory_space<hbm>>)
    %mul3A_164 = arith.constant 640 : i32
    %mul3A_165 = arith.muli %arg1, %mul3A_164 : i32
    %add3A_166 = arith.constant 384 : i32
    %add3A_167 = arith.addi %mul3A_165, %add3A_166 : i32
    %dma_start3A_168 = arith.constant 0 : i32
    %dma_start3A_169 = tpu.memref_slice %arg10[%add3A_167, %dma_start3A_168] : memref<10240x128xf32, #tpu.memory_space<vmem_shared>> -> memref<128x128xf32, #tpu.memory_space<vmem_shared>>
    %dma_start3A_170 = arith.constant 0 : i32
    %dma_start3A_171 = tpu.memref_slice %arg10[%add3A_167, %dma_start3A_170] : memref<10240x128xf32, #tpu.memory_space<vmem_shared>> -> memref<128x128xf32, #tpu.memory_space<vmem_shared>>
    tpu.enqueue_dma source(%dma_start3A_171 : memref<128x128xf32, #tpu.memory_space<vmem_shared>>) target(%arg9 : memref<128x128xf32, #tpu.memory_space<vmem>>) target_semaphore(%arg12 : memref<!tpu.dma_semaphore, #tpu.memory_space<semaphore_mem>>)
    %mul3A_172 = arith.constant 640 : i32
    %mul3A_173 = arith.muli %arg1, %mul3A_172 : i32
    %add3A_174 = arith.constant 384 : i32
    %add3A_175 = arith.addi %mul3A_173, %add3A_174 : i32
    %dma_wait3A_176 = arith.constant 0 : i32
    %dma_wait3A_177 = tpu.memref_slice %arg10[%add3A_175, %dma_wait3A_176] : memref<10240x128xf32, #tpu.memory_space<vmem_shared>> -> memref<128x128xf32, #tpu.memory_space<vmem_shared>>
    %dma_wait3A_178 = arith.constant 0 : i32
    %dma_wait3A_179 = tpu.memref_slice %arg10[%add3A_175, %dma_wait3A_178] : memref<10240x128xf32, #tpu.memory_space<vmem_shared>> -> memref<128x128xf32, #tpu.memory_space<vmem_shared>>
    tpu.wait_dma2 semaphore(%arg12 : memref<!tpu.dma_semaphore, #tpu.memory_space<semaphore_mem>>) src(%dma_wait3A_179 : memref<128x128xf32, #tpu.memory_space<vmem_shared>>) dst(%arg9 : memref<128x128xf32, #tpu.memory_space<vmem>>)
    %mul3A_180 = arith.constant 640 : i32
    %mul3A_181 = arith.muli %arg1, %mul3A_180 : i32
    %add3A_182 = arith.constant 384 : i32
    %add3A_183 = arith.addi %mul3A_181, %add3A_182 : i32
    %dma_start3A_184 = arith.constant 0 : i32
    %dma_start3A_185 = tpu.memref_slice %arg5[%arg0, %add3A_183, %dma_start3A_184] : memref<2x10240x128xf32, #tpu.memory_space<hbm>> -> memref<1x128x128xf32, #tpu.memory_space<hbm>>
    %dma_start3A_186 = tpu.memref_squeeze %dma_start3A_185 : memref<1x128x128xf32, #tpu.memory_space<hbm>> -> memref<128x128xf32, #tpu.memory_space<hbm>>
    %dma_start3A_187 = arith.constant 0 : i32
    %dma_start3A_188 = tpu.memref_slice %arg5[%arg0, %add3A_183, %dma_start3A_187] : memref<2x10240x128xf32, #tpu.memory_space<hbm>> -> memref<1x128x128xf32, #tpu.memory_space<hbm>>
    %dma_start3A_189 = tpu.memref_squeeze %dma_start3A_188 : memref<1x128x128xf32, #tpu.memory_space<hbm>> -> memref<128x128xf32, #tpu.memory_space<hbm>>
    tpu.enqueue_dma source(%arg9 : memref<128x128xf32, #tpu.memory_space<vmem>>) target(%dma_start3A_189 : memref<128x128xf32, #tpu.memory_space<hbm>>) target_semaphore(%arg14 : memref<!tpu.dma_semaphore, #tpu.memory_space<semaphore_mem>>)
    %mul3A_190 = arith.constant 640 : i32
    %mul3A_191 = arith.muli %arg1, %mul3A_190 : i32
    %add3A_192 = arith.constant 256 : i32
    %add3A_193 = arith.addi %mul3A_191, %add3A_192 : i32
    %dma_wait3A_194 = arith.constant 0 : i32
    %dma_wait3A_195 = tpu.memref_slice %arg5[%arg0, %add3A_193, %dma_wait3A_194] : memref<2x10240x128xf32, #tpu.memory_space<hbm>> -> memref<1x128x128xf32, #tpu.memory_space<hbm>>
    %dma_wait3A_196 = tpu.memref_squeeze %dma_wait3A_195 : memref<1x128x128xf32, #tpu.memory_space<hbm>> -> memref<128x128xf32, #tpu.memory_space<hbm>>
    %dma_wait3A_197 = arith.constant 0 : i32
    %dma_wait3A_198 = tpu.memref_slice %arg5[%arg0, %add3A_193, %dma_wait3A_197] : memref<2x10240x128xf32, #tpu.memory_space<hbm>> -> memref<1x128x128xf32, #tpu.memory_space<hbm>>
    %dma_wait3A_199 = tpu.memref_squeeze %dma_wait3A_198 : memref<1x128x128xf32, #tpu.memory_space<hbm>> -> memref<128x128xf32, #tpu.memory_space<hbm>>
    tpu.wait_dma2 semaphore(%arg13 : memref<!tpu.dma_semaphore, #tpu.memory_space<semaphore_mem>>) src(%arg8 : memref<128x128xf32, #tpu.memory_space<vmem>>) dst(%dma_wait3A_199 : memref<128x128xf32, #tpu.memory_space<hbm>>)
    %mul3A_200 = arith.constant 640 : i32
    %mul3A_201 = arith.muli %arg1, %mul3A_200 : i32
    %add3A_202 = arith.constant 512 : i32
    %add3A_203 = arith.addi %mul3A_201, %add3A_202 : i32
    %dma_start3A_204 = arith.constant 0 : i32
    %dma_start3A_205 = tpu.memref_slice %arg10[%add3A_203, %dma_start3A_204] : memref<10240x128xf32, #tpu.memory_space<vmem_shared>> -> memref<128x128xf32, #tpu.memory_space<vmem_shared>>
    %dma_start3A_206 = arith.constant 0 : i32
    %dma_start3A_207 = tpu.memref_slice %arg10[%add3A_203, %dma_start3A_206] : memref<10240x128xf32, #tpu.memory_space<vmem_shared>> -> memref<128x128xf32, #tpu.memory_space<vmem_shared>>
    tpu.enqueue_dma source(%dma_start3A_207 : memref<128x128xf32, #tpu.memory_space<vmem_shared>>) target(%arg8 : memref<128x128xf32, #tpu.memory_space<vmem>>) target_semaphore(%arg11 : memref<!tpu.dma_semaphore, #tpu.memory_space<semaphore_mem>>)
    %mul3A_208 = arith.constant 640 : i32
    %mul3A_209 = arith.muli %arg1, %mul3A_208 : i32
    %add3A_210 = arith.constant 512 : i32
    %add3A_211 = arith.addi %mul3A_209, %add3A_210 : i32
    %dma_wait3A_212 = arith.constant 0 : i32
    %dma_wait3A_213 = tpu.memref_slice %arg10[%add3A_211, %dma_wait3A_212] : memref<10240x128xf32, #tpu.memory_space<vmem_shared>> -> memref<128x128xf32, #tpu.memory_space<vmem_shared>>
    %dma_wait3A_214 = arith.constant 0 : i32
    %dma_wait3A_215 = tpu.memref_slice %arg10[%add3A_211, %dma_wait3A_214] : memref<10240x128xf32, #tpu.memory_space<vmem_shared>> -> memref<128x128xf32, #tpu.memory_space<vmem_shared>>
    tpu.wait_dma2 semaphore(%arg11 : memref<!tpu.dma_semaphore, #tpu.memory_space<semaphore_mem>>) src(%dma_wait3A_215 : memref<128x128xf32, #tpu.memory_space<vmem_shared>>) dst(%arg8 : memref<128x128xf32, #tpu.memory_space<vmem>>)
    %mul3A_216 = arith.constant 640 : i32
    %mul3A_217 = arith.muli %arg1, %mul3A_216 : i32
    %add3A_218 = arith.constant 512 : i32
    %add3A_219 = arith.addi %mul3A_217, %add3A_218 : i32
    %dma_start3A_220 = arith.constant 0 : i32
    %dma_start3A_221 = tpu.memref_slice %arg5[%arg0, %add3A_219, %dma_start3A_220] : memref<2x10240x128xf32, #tpu.memory_space<hbm>> -> memref<1x128x128xf32, #tpu.memory_space<hbm>>
    %dma_start3A_222 = tpu.memref_squeeze %dma_start3A_221 : memref<1x128x128xf32, #tpu.memory_space<hbm>> -> memref<128x128xf32, #tpu.memory_space<hbm>>
    %dma_start3A_223 = arith.constant 0 : i32
    %dma_start3A_224 = tpu.memref_slice %arg5[%arg0, %add3A_219, %dma_start3A_223] : memref<2x10240x128xf32, #tpu.memory_space<hbm>> -> memref<1x128x128xf32, #tpu.memory_space<hbm>>
    %dma_start3A_225 = tpu.memref_squeeze %dma_start3A_224 : memref<1x128x128xf32, #tpu.memory_space<hbm>> -> memref<128x128xf32, #tpu.memory_space<hbm>>
    tpu.enqueue_dma source(%arg8 : memref<128x128xf32, #tpu.memory_space<vmem>>) target(%dma_start3A_225 : memref<128x128xf32, #tpu.memory_space<hbm>>) target_semaphore(%arg13 : memref<!tpu.dma_semaphore, #tpu.memory_space<semaphore_mem>>)
    %mul3A_226 = arith.constant 640 : i32
    %mul3A_227 = arith.muli %arg1, %mul3A_226 : i32
    %add3A_228 = arith.constant 384 : i32
    %add3A_229 = arith.addi %mul3A_227, %add3A_228 : i32
    %dma_wait3A_230 = arith.constant 0 : i32
    %dma_wait3A_231 = tpu.memref_slice %arg5[%arg0, %add3A_229, %dma_wait3A_230] : memref<2x10240x128xf32, #tpu.memory_space<hbm>> -> memref<1x128x128xf32, #tpu.memory_space<hbm>>
    %dma_wait3A_232 = tpu.memref_squeeze %dma_wait3A_231 : memref<1x128x128xf32, #tpu.memory_space<hbm>> -> memref<128x128xf32, #tpu.memory_space<hbm>>
    %dma_wait3A_233 = arith.constant 0 : i32
    %dma_wait3A_234 = tpu.memref_slice %arg5[%arg0, %add3A_229, %dma_wait3A_233] : memref<2x10240x128xf32, #tpu.memory_space<hbm>> -> memref<1x128x128xf32, #tpu.memory_space<hbm>>
    %dma_wait3A_235 = tpu.memref_squeeze %dma_wait3A_234 : memref<1x128x128xf32, #tpu.memory_space<hbm>> -> memref<128x128xf32, #tpu.memory_space<hbm>>
    tpu.wait_dma2 semaphore(%arg14 : memref<!tpu.dma_semaphore, #tpu.memory_space<semaphore_mem>>) src(%arg9 : memref<128x128xf32, #tpu.memory_space<vmem>>) dst(%dma_wait3A_235 : memref<128x128xf32, #tpu.memory_space<hbm>>)
    %mul3A_236 = arith.constant 640 : i32
    %mul3A_237 = arith.muli %arg1, %mul3A_236 : i32
    %add3A_238 = arith.constant 512 : i32
    %add3A_239 = arith.addi %mul3A_237, %add3A_238 : i32
    %dma_wait3A_240 = arith.constant 0 : i32
    %dma_wait3A_241 = tpu.memref_slice %arg5[%arg0, %add3A_239, %dma_wait3A_240] : memref<2x10240x128xf32, #tpu.memory_space<hbm>> -> memref<1x128x128xf32, #tpu.memory_space<hbm>>
    %dma_wait3A_242 = tpu.memref_squeeze %dma_wait3A_241 : memref<1x128x128xf32, #tpu.memory_space<hbm>> -> memref<128x128xf32, #tpu.memory_space<hbm>>
    %dma_wait3A_243 = arith.constant 0 : i32
    %dma_wait3A_244 = tpu.memref_slice %arg5[%arg0, %add3A_239, %dma_wait3A_243] : memref<2x10240x128xf32, #tpu.memory_space<hbm>> -> memref<1x128x128xf32, #tpu.memory_space<hbm>>
    %dma_wait3A_245 = tpu.memref_squeeze %dma_wait3A_244 : memref<1x128x128xf32, #tpu.memory_space<hbm>> -> memref<128x128xf32, #tpu.memory_space<hbm>>
    tpu.wait_dma2 semaphore(%arg13 : memref<!tpu.dma_semaphore, #tpu.memory_space<semaphore_mem>>) src(%arg8 : memref<128x128xf32, #tpu.memory_space<vmem>>) dst(%dma_wait3A_245 : memref<128x128xf32, #tpu.memory_space<hbm>>)
    return
  }
}

#map = affine_map<(d0, d1) -> (0, 0)>
#map1 = affine_map<(d0, d1) -> (0, 0, 0)>
module attributes {stable_mosaic.version = 14 : i64} {
  func.func @_sc_agg_body(%arg0: i32, %arg1: i32, %arg2: memref<10240x128xf32, #tpu.memory_space<hbm>>, %arg3: memref<32x80x128xi32, #tpu.memory_space<hbm>>, %arg4: memref<32x80x128xi32, #tpu.memory_space<hbm>>, %arg5: memref<2x10240x128xf32, #tpu.memory_space<hbm>>, %arg6: memref<40x128xi32, #tpu.memory_space<vmem>>, %arg7: memref<40x128xi32, #tpu.memory_space<vmem>>, %arg8: memref<128x128xf32, #tpu.memory_space<vmem>>, %arg9: memref<128x128xf32, #tpu.memory_space<vmem>>, %arg10: memref<10240x128xf32, #tpu.memory_space<vmem_shared>>, %arg11: memref<!tpu.dma_semaphore, #tpu.memory_space<semaphore_mem>>, %arg12: memref<!tpu.dma_semaphore, #tpu.memory_space<semaphore_mem>>, %arg13: memref<!tpu.dma_semaphore, #tpu.memory_space<semaphore_mem>>, %arg14: memref<!tpu.dma_semaphore, #tpu.memory_space<semaphore_mem>>) attributes {dimension_semantics = [#tpu.dimension_semantics<core_parallel>, #tpu.dimension_semantics<subcore_parallel>], iteration_bounds = array<i64: 2, 16>, scalar_prefetch = 0 : i64, scratch_operands = 9 : i64, tpu.core_type = #tpu.core_type<sc_vector_subcore>, window_params = [{transform_indices = #map}, {transform_indices = #map1}, {transform_indices = #map1}, {transform_indices = #map1}]} {
    %mul3A = arith.constant 16 : i32
    %mul3A_0 = arith.muli %arg0, %mul3A : i32
    %add3A = arith.addi %mul3A_0, %arg1 : i32
    %broadcast_in_dim3A = arith.constant 0.000000e+00 : f32
    %broadcast_in_dim3A_1 = vector.broadcast %broadcast_in_dim3A : f32 to vector<16xf32>
    %scan3A = arith.constant 0 : i32
    %scan3A_2 = arith.constant 0 : i32
    %scan3A_3 = arith.constant 128 : i32
    %scan3A_4 = arith.addi %scan3A_2, %scan3A_3 : i32
    %scan3A_5 = arith.constant 1 : i32
    scf.for %scan3A_246 = %scan3A_2 to %scan3A_4 step %scan3A_5  : i32 {
      %swap3A = arith.index_cast %scan3A_246 : i32 to index
      %swap3A_247 = arith.constant 0 : index
      %swap3A_248 = tpu.vector_load %arg8[%swap3A, %swap3A_247] {strides = array<i32>} : memref<128x128xf32, #tpu.memory_space<vmem>>, vector<1x16xf32>,
      %swap3A_249 = vector.shape_cast %swap3A_248 : vector<1x16xf32> to vector<16xf32>
      %swap3A_250 = vector.shape_cast %broadcast_in_dim3A_1 : vector<16xf32> to vector<1x16xf32>
      tpu.vector_store %arg8[%swap3A, %swap3A_247], %swap3A_250 {strides = array<i32>} : memref<128x128xf32, #tpu.memory_space<vmem>>, vector<1x16xf32>,
      %swap3A_251 = arith.index_cast %scan3A_246 : i32 to index
      %swap3A_252 = arith.constant 16 : index
      %swap3A_253 = tpu.vector_load %arg8[%swap3A_251, %swap3A_252] {strides = array<i32>} : memref<128x128xf32, #tpu.memory_space<vmem>>, vector<1x16xf32>,
      %swap3A_254 = vector.shape_cast %swap3A_253 : vector<1x16xf32> to vector<16xf32>
      %swap3A_255 = vector.shape_cast %broadcast_in_dim3A_1 : vector<16xf32> to vector<1x16xf32>
      tpu.vector_store %arg8[%swap3A_251, %swap3A_252], %swap3A_255 {strides = array<i32>} : memref<128x128xf32, #tpu.memory_space<vmem>>, vector<1x16xf32>,
      %swap3A_256 = arith.index_cast %scan3A_246 : i32 to index
      %swap3A_257 = arith.constant 32 : index
      %swap3A_258 = tpu.vector_load %arg8[%swap3A_256, %swap3A_257] {strides = array<i32>} : memref<128x128xf32, #tpu.memory_space<vmem>>, vector<1x16xf32>,
      %swap3A_259 = vector.shape_cast %swap3A_258 : vector<1x16xf32> to vector<16xf32>
      %swap3A_260 = vector.shape_cast %broadcast_in_dim3A_1 : vector<16xf32> to vector<1x16xf32>
      tpu.vector_store %arg8[%swap3A_256, %swap3A_257], %swap3A_260 {strides = array<i32>} : memref<128x128xf32, #tpu.memory_space<vmem>>, vector<1x16xf32>,
      %swap3A_261 = arith.index_cast %scan3A_246 : i32 to index
      %swap3A_262 = arith.constant 48 : index
      %swap3A_263 = tpu.vector_load %arg8[%swap3A_261, %swap3A_262] {strides = array<i32>} : memref<128x128xf32, #tpu.memory_space<vmem>>, vector<1x16xf32>,
      %swap3A_264 = vector.shape_cast %swap3A_263 : vector<1x16xf32> to vector<16xf32>
      %swap3A_265 = vector.shape_cast %broadcast_in_dim3A_1 : vector<16xf32> to vector<1x16xf32>
      tpu.vector_store %arg8[%swap3A_261, %swap3A_262], %swap3A_265 {strides = array<i32>} : memref<128x128xf32, #tpu.memory_space<vmem>>, vector<1x16xf32>,
      %swap3A_266 = arith.index_cast %scan3A_246 : i32 to index
      %swap3A_267 = arith.constant 64 : index
      %swap3A_268 = tpu.vector_load %arg8[%swap3A_266, %swap3A_267] {strides = array<i32>} : memref<128x128xf32, #tpu.memory_space<vmem>>, vector<1x16xf32>,
      %swap3A_269 = vector.shape_cast %swap3A_268 : vector<1x16xf32> to vector<16xf32>
      %swap3A_270 = vector.shape_cast %broadcast_in_dim3A_1 : vector<16xf32> to vector<1x16xf32>
      tpu.vector_store %arg8[%swap3A_266, %swap3A_267], %swap3A_270 {strides = array<i32>} : memref<128x128xf32, #tpu.memory_space<vmem>>, vector<1x16xf32>,
      %swap3A_271 = arith.index_cast %scan3A_246 : i32 to index
      %swap3A_272 = arith.constant 80 : index
      %swap3A_273 = tpu.vector_load %arg8[%swap3A_271, %swap3A_272] {strides = array<i32>} : memref<128x128xf32, #tpu.memory_space<vmem>>, vector<1x16xf32>,
      %swap3A_274 = vector.shape_cast %swap3A_273 : vector<1x16xf32> to vector<16xf32>
      %swap3A_275 = vector.shape_cast %broadcast_in_dim3A_1 : vector<16xf32> to vector<1x16xf32>
      tpu.vector_store %arg8[%swap3A_271, %swap3A_272], %swap3A_275 {strides = array<i32>} : memref<128x128xf32, #tpu.memory_space<vmem>>, vector<1x16xf32>,
      %swap3A_276 = arith.index_cast %scan3A_246 : i32 to index
      %swap3A_277 = arith.constant 96 : index
      %swap3A_278 = tpu.vector_load %arg8[%swap3A_276, %swap3A_277] {strides = array<i32>} : memref<128x128xf32, #tpu.memory_space<vmem>>, vector<1x16xf32>,
      %swap3A_279 = vector.shape_cast %swap3A_278 : vector<1x16xf32> to vector<16xf32>
      %swap3A_280 = vector.shape_cast %broadcast_in_dim3A_1 : vector<16xf32> to vector<1x16xf32>
      tpu.vector_store %arg8[%swap3A_276, %swap3A_277], %swap3A_280 {strides = array<i32>} : memref<128x128xf32, #tpu.memory_space<vmem>>, vector<1x16xf32>,
      %swap3A_281 = arith.index_cast %scan3A_246 : i32 to index
      %swap3A_282 = arith.constant 112 : index
      %swap3A_283 = tpu.vector_load %arg8[%swap3A_281, %swap3A_282] {strides = array<i32>} : memref<128x128xf32, #tpu.memory_space<vmem>>, vector<1x16xf32>,
      %swap3A_284 = vector.shape_cast %swap3A_283 : vector<1x16xf32> to vector<16xf32>
      %swap3A_285 = vector.shape_cast %broadcast_in_dim3A_1 : vector<16xf32> to vector<1x16xf32>
      tpu.vector_store %arg8[%swap3A_281, %swap3A_282], %swap3A_285 {strides = array<i32>} : memref<128x128xf32, #tpu.memory_space<vmem>>, vector<1x16xf32>,
    }
    %scan3A_6 = arith.constant 128 : i32
    %mul3A_7 = arith.constant 640 : i32
    %mul3A_8 = arith.muli %arg1, %mul3A_7 : i32
    %add3A_9 = arith.constant 0 : i32
    %add3A_10 = arith.addi %mul3A_8, %add3A_9 : i32
    "tpu.region"() ({
      %run_scoped3A = tpu.sem_alloc : memref<!tpu.dma_semaphore, #tpu.memory_space<semaphore_mem>>
      %dma_start3A_246 = arith.constant 0 : i32
      %dma_start3A_247 = tpu.memref_slice %arg10[%add3A_10, %dma_start3A_246] : memref<10240x128xf32, #tpu.memory_space<vmem_shared>> -> memref<128x128xf32, #tpu.memory_space<vmem_shared>>
      %dma_start3A_248 = arith.constant 0 : i32
      %dma_start3A_249 = tpu.memref_slice %arg10[%add3A_10, %dma_start3A_248] : memref<10240x128xf32, #tpu.memory_space<vmem_shared>> -> memref<128x128xf32, #tpu.memory_space<vmem_shared>>
      tpu.enqueue_dma source(%arg8 : memref<128x128xf32, #tpu.memory_space<vmem>>) target(%dma_start3A_249 : memref<128x128xf32, #tpu.memory_space<vmem_shared>>) target_semaphore(%run_scoped3A : memref<!tpu.dma_semaphore, #tpu.memory_space<semaphore_mem>>)
      %dma_wait3A_250 = arith.constant 0 : i32
      %dma_wait3A_251 = tpu.memref_slice %arg10[%add3A_10, %dma_wait3A_250] : memref<10240x128xf32, #tpu.memory_space<vmem_shared>> -> memref<128x128xf32, #tpu.memory_space<vmem_shared>>
      %dma_wait3A_252 = arith.constant 0 : i32
      %dma_wait3A_253 = tpu.memref_slice %arg10[%add3A_10, %dma_wait3A_252] : memref<10240x128xf32, #tpu.memory_space<vmem_shared>> -> memref<128x128xf32, #tpu.memory_space<vmem_shared>>
      tpu.wait_dma2 semaphore(%run_scoped3A : memref<!tpu.dma_semaphore, #tpu.memory_space<semaphore_mem>>) src(%arg8 : memref<128x128xf32, #tpu.memory_space<vmem>>) dst(%dma_wait3A_253 : memref<128x128xf32, #tpu.memory_space<vmem_shared>>)
      tpu.yield
    }) : () -> ()
    %mul3A_11 = arith.constant 640 : i32
    %mul3A_12 = arith.muli %arg1, %mul3A_11 : i32
    %add3A_13 = arith.constant 128 : i32
    %add3A_14 = arith.addi %mul3A_12, %add3A_13 : i32
    "tpu.region"() ({
      %run_scoped3A = tpu.sem_alloc : memref<!tpu.dma_semaphore, #tpu.memory_space<semaphore_mem>>
      %dma_start3A_246 = arith.constant 0 : i32
      %dma_start3A_247 = tpu.memref_slice %arg10[%add3A_14, %dma_start3A_246] : memref<10240x128xf32, #tpu.memory_space<vmem_shared>> -> memref<128x128xf32, #tpu.memory_space<vmem_shared>>
      %dma_start3A_248 = arith.constant 0 : i32
      %dma_start3A_249 = tpu.memref_slice %arg10[%add3A_14, %dma_start3A_248] : memref<10240x128xf32, #tpu.memory_space<vmem_shared>> -> memref<128x128xf32, #tpu.memory_space<vmem_shared>>
      tpu.enqueue_dma source(%arg8 : memref<128x128xf32, #tpu.memory_space<vmem>>) target(%dma_start3A_249 : memref<128x128xf32, #tpu.memory_space<vmem_shared>>) target_semaphore(%run_scoped3A : memref<!tpu.dma_semaphore, #tpu.memory_space<semaphore_mem>>)
      %dma_wait3A_250 = arith.constant 0 : i32
      %dma_wait3A_251 = tpu.memref_slice %arg10[%add3A_14, %dma_wait3A_250] : memref<10240x128xf32, #tpu.memory_space<vmem_shared>> -> memref<128x128xf32, #tpu.memory_space<vmem_shared>>
      %dma_wait3A_252 = arith.constant 0 : i32
      %dma_wait3A_253 = tpu.memref_slice %arg10[%add3A_14, %dma_wait3A_252] : memref<10240x128xf32, #tpu.memory_space<vmem_shared>> -> memref<128x128xf32, #tpu.memory_space<vmem_shared>>
      tpu.wait_dma2 semaphore(%run_scoped3A : memref<!tpu.dma_semaphore, #tpu.memory_space<semaphore_mem>>) src(%arg8 : memref<128x128xf32, #tpu.memory_space<vmem>>) dst(%dma_wait3A_253 : memref<128x128xf32, #tpu.memory_space<vmem_shared>>)
      tpu.yield
    }) : () -> ()
    %mul3A_15 = arith.constant 640 : i32
    %mul3A_16 = arith.muli %arg1, %mul3A_15 : i32
    %add3A_17 = arith.constant 256 : i32
    %add3A_18 = arith.addi %mul3A_16, %add3A_17 : i32
    "tpu.region"() ({
      %run_scoped3A = tpu.sem_alloc : memref<!tpu.dma_semaphore, #tpu.memory_space<semaphore_mem>>
      %dma_start3A_246 = arith.constant 0 : i32
      %dma_start3A_247 = tpu.memref_slice %arg10[%add3A_18, %dma_start3A_246] : memref<10240x128xf32, #tpu.memory_space<vmem_shared>> -> memref<128x128xf32, #tpu.memory_space<vmem_shared>>
      %dma_start3A_248 = arith.constant 0 : i32
      %dma_start3A_249 = tpu.memref_slice %arg10[%add3A_18, %dma_start3A_248] : memref<10240x128xf32, #tpu.memory_space<vmem_shared>> -> memref<128x128xf32, #tpu.memory_space<vmem_shared>>
      tpu.enqueue_dma source(%arg8 : memref<128x128xf32, #tpu.memory_space<vmem>>) target(%dma_start3A_249 : memref<128x128xf32, #tpu.memory_space<vmem_shared>>) target_semaphore(%run_scoped3A : memref<!tpu.dma_semaphore, #tpu.memory_space<semaphore_mem>>)
      %dma_wait3A_250 = arith.constant 0 : i32
      %dma_wait3A_251 = tpu.memref_slice %arg10[%add3A_18, %dma_wait3A_250] : memref<10240x128xf32, #tpu.memory_space<vmem_shared>> -> memref<128x128xf32, #tpu.memory_space<vmem_shared>>
      %dma_wait3A_252 = arith.constant 0 : i32
      %dma_wait3A_253 = tpu.memref_slice %arg10[%add3A_18, %dma_wait3A_252] : memref<10240x128xf32, #tpu.memory_space<vmem_shared>> -> memref<128x128xf32, #tpu.memory_space<vmem_shared>>
      tpu.wait_dma2 semaphore(%run_scoped3A : memref<!tpu.dma_semaphore, #tpu.memory_space<semaphore_mem>>) src(%arg8 : memref<128x128xf32, #tpu.memory_space<vmem>>) dst(%dma_wait3A_253 : memref<128x128xf32, #tpu.memory_space<vmem_shared>>)
      tpu.yield
    }) : () -> ()
    %mul3A_19 = arith.constant 640 : i32
    %mul3A_20 = arith.muli %arg1, %mul3A_19 : i32
    %add3A_21 = arith.constant 384 : i32
    %add3A_22 = arith.addi %mul3A_20, %add3A_21 : i32
    "tpu.region"() ({
      %run_scoped3A = tpu.sem_alloc : memref<!tpu.dma_semaphore, #tpu.memory_space<semaphore_mem>>
      %dma_start3A_246 = arith.constant 0 : i32
      %dma_start3A_247 = tpu.memref_slice %arg10[%add3A_22, %dma_start3A_246] : memref<10240x128xf32, #tpu.memory_space<vmem_shared>> -> memref<128x128xf32, #tpu.memory_space<vmem_shared>>
      %dma_start3A_248 = arith.constant 0 : i32
      %dma_start3A_249 = tpu.memref_slice %arg10[%add3A_22, %dma_start3A_248] : memref<10240x128xf32, #tpu.memory_space<vmem_shared>> -> memref<128x128xf32, #tpu.memory_space<vmem_shared>>
      tpu.enqueue_dma source(%arg8 : memref<128x128xf32, #tpu.memory_space<vmem>>) target(%dma_start3A_249 : memref<128x128xf32, #tpu.memory_space<vmem_shared>>) target_semaphore(%run_scoped3A : memref<!tpu.dma_semaphore, #tpu.memory_space<semaphore_mem>>)
      %dma_wait3A_250 = arith.constant 0 : i32
      %dma_wait3A_251 = tpu.memref_slice %arg10[%add3A_22, %dma_wait3A_250] : memref<10240x128xf32, #tpu.memory_space<vmem_shared>> -> memref<128x128xf32, #tpu.memory_space<vmem_shared>>
      %dma_wait3A_252 = arith.constant 0 : i32
      %dma_wait3A_253 = tpu.memref_slice %arg10[%add3A_22, %dma_wait3A_252] : memref<10240x128xf32, #tpu.memory_space<vmem_shared>> -> memref<128x128xf32, #tpu.memory_space<vmem_shared>>
      tpu.wait_dma2 semaphore(%run_scoped3A : memref<!tpu.dma_semaphore, #tpu.memory_space<semaphore_mem>>) src(%arg8 : memref<128x128xf32, #tpu.memory_space<vmem>>) dst(%dma_wait3A_253 : memref<128x128xf32, #tpu.memory_space<vmem_shared>>)
      tpu.yield
    }) : () -> ()
    %mul3A_23 = arith.constant 640 : i32
    %mul3A_24 = arith.muli %arg1, %mul3A_23 : i32
    %add3A_25 = arith.constant 512 : i32
    %add3A_26 = arith.addi %mul3A_24, %add3A_25 : i32
    "tpu.region"() ({
      %run_scoped3A = tpu.sem_alloc : memref<!tpu.dma_semaphore, #tpu.memory_space<semaphore_mem>>
      %dma_start3A_246 = arith.constant 0 : i32
      %dma_start3A_247 = tpu.memref_slice %arg10[%add3A_26, %dma_start3A_246] : memref<10240x128xf32, #tpu.memory_space<vmem_shared>> -> memref<128x128xf32, #tpu.memory_space<vmem_shared>>
      %dma_start3A_248 = arith.constant 0 : i32
      %dma_start3A_249 = tpu.memref_slice %arg10[%add3A_26, %dma_start3A_248] : memref<10240x128xf32, #tpu.memory_space<vmem_shared>> -> memref<128x128xf32, #tpu.memory_space<vmem_shared>>
      tpu.enqueue_dma source(%arg8 : memref<128x128xf32, #tpu.memory_space<vmem>>) target(%dma_start3A_249 : memref<128x128xf32, #tpu.memory_space<vmem_shared>>) target_semaphore(%run_scoped3A : memref<!tpu.dma_semaphore, #tpu.memory_space<semaphore_mem>>)
      %dma_wait3A_250 = arith.constant 0 : i32
      %dma_wait3A_251 = tpu.memref_slice %arg10[%add3A_26, %dma_wait3A_250] : memref<10240x128xf32, #tpu.memory_space<vmem_shared>> -> memref<128x128xf32, #tpu.memory_space<vmem_shared>>
      %dma_wait3A_252 = arith.constant 0 : i32
      %dma_wait3A_253 = tpu.memref_slice %arg10[%add3A_26, %dma_wait3A_252] : memref<10240x128xf32, #tpu.memory_space<vmem_shared>> -> memref<128x128xf32, #tpu.memory_space<vmem_shared>>
      tpu.wait_dma2 semaphore(%run_scoped3A : memref<!tpu.dma_semaphore, #tpu.memory_space<semaphore_mem>>) src(%arg8 : memref<128x128xf32, #tpu.memory_space<vmem>>) dst(%dma_wait3A_253 : memref<128x128xf32, #tpu.memory_space<vmem_shared>>)
      tpu.yield
    }) : () -> ()
    %barrier3A = arith.constant 0 : index
    tpu.barrier barrier_id(%barrier3A)
    "tpu.region"() ({
      %run_scoped3A = tpu.sem_alloc : memref<!tpu.dma_semaphore, #tpu.memory_space<semaphore_mem>>
      %dma_start3A_246 = arith.constant 0 : i32
      %dma_start3A_247 = arith.constant 0 : i32
      %dma_start3A_248 = tpu.memref_slice %arg3[%add3A, %dma_start3A_246, %dma_start3A_247] : memref<32x80x128xi32, #tpu.memory_space<hbm>> -> memref<1x40x128xi32, #tpu.memory_space<hbm>>
      %dma_start3A_249 = tpu.memref_squeeze %dma_start3A_248 : memref<1x40x128xi32, #tpu.memory_space<hbm>> -> memref<40x128xi32, #tpu.memory_space<hbm>>
      %dma_start3A_250 = arith.constant 0 : i32
      %dma_start3A_251 = arith.constant 0 : i32
      %dma_start3A_252 = tpu.memref_slice %arg3[%add3A, %dma_start3A_250, %dma_start3A_251] : memref<32x80x128xi32, #tpu.memory_space<hbm>> -> memref<1x40x128xi32, #tpu.memory_space<hbm>>
      %dma_start3A_253 = tpu.memref_squeeze %dma_start3A_252 : memref<1x40x128xi32, #tpu.memory_space<hbm>> -> memref<40x128xi32, #tpu.memory_space<hbm>>
      tpu.enqueue_dma source(%dma_start3A_253 : memref<40x128xi32, #tpu.memory_space<hbm>>) target(%arg6 : memref<40x128xi32, #tpu.memory_space<vmem>>) target_semaphore(%run_scoped3A : memref<!tpu.dma_semaphore, #tpu.memory_space<semaphore_mem>>)
      %dma_wait3A_254 = arith.constant 0 : i32
      %dma_wait3A_255 = arith.constant 0 : i32
      %dma_wait3A_256 = tpu.memref_slice %arg3[%add3A, %dma_wait3A_254, %dma_wait3A_255] : memref<32x80x128xi32, #tpu.memory_space<hbm>> -> memref<1x40x128xi32, #tpu.memory_space<hbm>>
      %dma_wait3A_257 = tpu.memref_squeeze %dma_wait3A_256 : memref<1x40x128xi32, #tpu.memory_space<hbm>> -> memref<40x128xi32, #tpu.memory_space<hbm>>
      %dma_wait3A_258 = arith.constant 0 : i32
      %dma_wait3A_259 = arith.constant 0 : i32
      %dma_wait3A_260 = tpu.memref_slice %arg3[%add3A, %dma_wait3A_258, %dma_wait3A_259] : memref<32x80x128xi32, #tpu.memory_space<hbm>> -> memref<1x40x128xi32, #tpu.memory_space<hbm>>
      %dma_wait3A_261 = tpu.memref_squeeze %dma_wait3A_260 : memref<1x40x128xi32, #tpu.memory_space<hbm>> -> memref<40x128xi32, #tpu.memory_space<hbm>>
      tpu.wait_dma2 semaphore(%run_scoped3A : memref<!tpu.dma_semaphore, #tpu.memory_space<semaphore_mem>>) src(%dma_wait3A_261 : memref<40x128xi32, #tpu.memory_space<hbm>>) dst(%arg6 : memref<40x128xi32, #tpu.memory_space<vmem>>)
      tpu.yield
    }) : () -> ()
    "tpu.region"() ({
      %run_scoped3A = tpu.sem_alloc : memref<!tpu.dma_semaphore, #tpu.memory_space<semaphore_mem>>
      %dma_start3A_246 = arith.constant 0 : i32
      %dma_start3A_247 = arith.constant 0 : i32
      %dma_start3A_248 = tpu.memref_slice %arg4[%add3A, %dma_start3A_246, %dma_start3A_247] : memref<32x80x128xi32, #tpu.memory_space<hbm>> -> memref<1x40x128xi32, #tpu.memory_space<hbm>>
      %dma_start3A_249 = tpu.memref_squeeze %dma_start3A_248 : memref<1x40x128xi32, #tpu.memory_space<hbm>> -> memref<40x128xi32, #tpu.memory_space<hbm>>
      %dma_start3A_250 = arith.constant 0 : i32
      %dma_start3A_251 = arith.constant 0 : i32
      %dma_start3A_252 = tpu.memref_slice %arg4[%add3A, %dma_start3A_250, %dma_start3A_251] : memref<32x80x128xi32, #tpu.memory_space<hbm>> -> memref<1x40x128xi32, #tpu.memory_space<hbm>>
      %dma_start3A_253 = tpu.memref_squeeze %dma_start3A_252 : memref<1x40x128xi32, #tpu.memory_space<hbm>> -> memref<40x128xi32, #tpu.memory_space<hbm>>
      tpu.enqueue_dma source(%dma_start3A_253 : memref<40x128xi32, #tpu.memory_space<hbm>>) target(%arg7 : memref<40x128xi32, #tpu.memory_space<vmem>>) target_semaphore(%run_scoped3A : memref<!tpu.dma_semaphore, #tpu.memory_space<semaphore_mem>>)
      %dma_wait3A_254 = arith.constant 0 : i32
      %dma_wait3A_255 = arith.constant 0 : i32
      %dma_wait3A_256 = tpu.memref_slice %arg4[%add3A, %dma_wait3A_254, %dma_wait3A_255] : memref<32x80x128xi32, #tpu.memory_space<hbm>> -> memref<1x40x128xi32, #tpu.memory_space<hbm>>
      %dma_wait3A_257 = tpu.memref_squeeze %dma_wait3A_256 : memref<1x40x128xi32, #tpu.memory_space<hbm>> -> memref<40x128xi32, #tpu.memory_space<hbm>>
      %dma_wait3A_258 = arith.constant 0 : i32
      %dma_wait3A_259 = arith.constant 0 : i32
      %dma_wait3A_260 = tpu.memref_slice %arg4[%add3A, %dma_wait3A_258, %dma_wait3A_259] : memref<32x80x128xi32, #tpu.memory_space<hbm>> -> memref<1x40x128xi32, #tpu.memory_space<hbm>>
      %dma_wait3A_261 = tpu.memref_squeeze %dma_wait3A_260 : memref<1x40x128xi32, #tpu.memory_space<hbm>> -> memref<40x128xi32, #tpu.memory_space<hbm>>
      tpu.wait_dma2 semaphore(%run_scoped3A : memref<!tpu.dma_semaphore, #tpu.memory_space<semaphore_mem>>) src(%dma_wait3A_261 : memref<40x128xi32, #tpu.memory_space<hbm>>) dst(%arg7 : memref<40x128xi32, #tpu.memory_space<vmem>>)
      tpu.yield
    }) : () -> ()
    %dma_start3A = arith.constant 0 : i32
    %dma_start3A_27 = arith.constant 0 : i32
    %dma_start3A_28 = tpu.memref_slice %arg6[%dma_start3A, %dma_start3A_27] : memref<40x128xi32, #tpu.memory_space<vmem>> -> memref<1x128xi32, #tpu.memory_space<vmem>>
    %dma_start3A_29 = tpu.memref_squeeze %dma_start3A_28 : memref<1x128xi32, #tpu.memory_space<vmem>> -> memref<128xi32, #tpu.memory_space<vmem>>
    %dma_start3A_30 = arith.constant 0 : i32
    %dma_start3A_31 = arith.constant 0 : i32
    %dma_start3A_32 = tpu.memref_slice %arg2[%dma_start3A_30, %dma_start3A_31] : memref<10240x128xf32, #tpu.memory_space<hbm>> -> memref<10240x128xf32, #tpu.memory_space<hbm>>
    tpu.enqueue_indirect_dma source(%dma_start3A_32 : memref<10240x128xf32, #tpu.memory_space<hbm>>) target(%arg8 : memref<128x128xf32, #tpu.memory_space<vmem>>) offsets(%dma_start3A_29 : memref<128xi32, #tpu.memory_space<vmem>>) semaphore(%arg11 : memref<!tpu.dma_semaphore, #tpu.memory_space<semaphore_mem>>)
    %dma_start3A_33 = arith.constant 1 : i32
    %dma_start3A_34 = arith.constant 0 : i32
    %dma_start3A_35 = tpu.memref_slice %arg6[%dma_start3A_33, %dma_start3A_34] : memref<40x128xi32, #tpu.memory_space<vmem>> -> memref<1x128xi32, #tpu.memory_space<vmem>>
    %dma_start3A_36 = tpu.memref_squeeze %dma_start3A_35 : memref<1x128xi32, #tpu.memory_space<vmem>> -> memref<128xi32, #tpu.memory_space<vmem>>
    %dma_start3A_37 = arith.constant 0 : i32
    %dma_start3A_38 = arith.constant 0 : i32
    %dma_start3A_39 = tpu.memref_slice %arg2[%dma_start3A_37, %dma_start3A_38] : memref<10240x128xf32, #tpu.memory_space<hbm>> -> memref<10240x128xf32, #tpu.memory_space<hbm>>
    tpu.enqueue_indirect_dma source(%dma_start3A_39 : memref<10240x128xf32, #tpu.memory_space<hbm>>) target(%arg9 : memref<128x128xf32, #tpu.memory_space<vmem>>) offsets(%dma_start3A_36 : memref<128xi32, #tpu.memory_space<vmem>>) semaphore(%arg12 : memref<!tpu.dma_semaphore, #tpu.memory_space<semaphore_mem>>)
    %scan3A_40 = arith.constant 0 : i32
    %scan3A_41 = arith.constant 0 : i32
    %scan3A_42 = arith.constant 20 : i32
    %scan3A_43 = arith.addi %scan3A_41, %scan3A_42 : i32
    %scan3A_44 = arith.constant 1 : i32
    scf.for %scan3A_246 = %scan3A_41 to %scan3A_43 step %scan3A_44  : i32 {
      %mul3A_247 = arith.constant 2 : i32
      %mul3A_248 = arith.muli %scan3A_246, %mul3A_247 : i32
      %dma_wait3A_249 = arith.constant 0 : i32
      %dma_wait3A_250 = tpu.memref_slice %arg6[%mul3A_248, %dma_wait3A_249] : memref<40x128xi32, #tpu.memory_space<vmem>> -> memref<1x128xi32, #tpu.memory_space<vmem>>
      %dma_wait3A_251 = tpu.memref_squeeze %dma_wait3A_250 : memref<1x128xi32, #tpu.memory_space<vmem>> -> memref<128xi32, #tpu.memory_space<vmem>>
      %dma_wait3A_252 = arith.constant 0 : i32
      %dma_wait3A_253 = arith.constant 0 : i32
      %dma_wait3A_254 = tpu.memref_slice %arg2[%dma_wait3A_252, %dma_wait3A_253] : memref<10240x128xf32, #tpu.memory_space<hbm>> -> memref<10240x128xf32, #tpu.memory_space<hbm>>
      tpu.wait_indirect_dma semaphore(%arg11 : memref<!tpu.dma_semaphore, #tpu.memory_space<semaphore_mem>>) src(%dma_wait3A_254 : memref<10240x128xf32, #tpu.memory_space<hbm>>) dst(%arg8 : memref<128x128xf32, #tpu.memory_space<vmem>>)
      %dma_start3A_255 = arith.constant 0 : i32
      %dma_start3A_256 = tpu.memref_slice %arg7[%mul3A_248, %dma_start3A_255] : memref<40x128xi32, #tpu.memory_space<vmem>> -> memref<1x128xi32, #tpu.memory_space<vmem>>
      %dma_start3A_257 = tpu.memref_squeeze %dma_start3A_256 : memref<1x128xi32, #tpu.memory_space<vmem>> -> memref<128xi32, #tpu.memory_space<vmem>>
      %dma_start3A_258 = arith.constant 0 : i32
      %dma_start3A_259 = arith.constant 0 : i32
      %dma_start3A_260 = tpu.memref_slice %arg10[%dma_start3A_258, %dma_start3A_259] : memref<10240x128xf32, #tpu.memory_space<vmem_shared>> -> memref<10240x128xf32, #tpu.memory_space<vmem_shared>>
      tpu.enqueue_indirect_dma source(%arg8 : memref<128x128xf32, #tpu.memory_space<vmem>>) target(%dma_start3A_260 : memref<10240x128xf32, #tpu.memory_space<vmem_shared>>) offsets(%dma_start3A_257 : memref<128xi32, #tpu.memory_space<vmem>>) semaphore(%arg13 : memref<!tpu.dma_semaphore, #tpu.memory_space<semaphore_mem>>) {add = true}
      %add3A_261 = arith.constant 1 : i32
      %add3A_262 = arith.addi %mul3A_248, %add3A_261 : i32
      %dma_wait3A_263 = arith.constant 0 : i32
      %dma_wait3A_264 = tpu.memref_slice %arg6[%add3A_262, %dma_wait3A_263] : memref<40x128xi32, #tpu.memory_space<vmem>> -> memref<1x128xi32, #tpu.memory_space<vmem>>
      %dma_wait3A_265 = tpu.memref_squeeze %dma_wait3A_264 : memref<1x128xi32, #tpu.memory_space<vmem>> -> memref<128xi32, #tpu.memory_space<vmem>>
      %dma_wait3A_266 = arith.constant 0 : i32
      %dma_wait3A_267 = arith.constant 0 : i32
      %dma_wait3A_268 = tpu.memref_slice %arg2[%dma_wait3A_266, %dma_wait3A_267] : memref<10240x128xf32, #tpu.memory_space<hbm>> -> memref<10240x128xf32, #tpu.memory_space<hbm>>
      tpu.wait_indirect_dma semaphore(%arg12 : memref<!tpu.dma_semaphore, #tpu.memory_space<semaphore_mem>>) src(%dma_wait3A_268 : memref<10240x128xf32, #tpu.memory_space<hbm>>) dst(%arg9 : memref<128x128xf32, #tpu.memory_space<vmem>>)
      %add3A_269 = arith.constant 1 : i32
      %add3A_270 = arith.addi %mul3A_248, %add3A_269 : i32
      %dma_start3A_271 = arith.constant 0 : i32
      %dma_start3A_272 = tpu.memref_slice %arg7[%add3A_270, %dma_start3A_271] : memref<40x128xi32, #tpu.memory_space<vmem>> -> memref<1x128xi32, #tpu.memory_space<vmem>>
      %dma_start3A_273 = tpu.memref_squeeze %dma_start3A_272 : memref<1x128xi32, #tpu.memory_space<vmem>> -> memref<128xi32, #tpu.memory_space<vmem>>
      %dma_start3A_274 = arith.constant 0 : i32
      %dma_start3A_275 = arith.constant 0 : i32
      %dma_start3A_276 = tpu.memref_slice %arg10[%dma_start3A_274, %dma_start3A_275] : memref<10240x128xf32, #tpu.memory_space<vmem_shared>> -> memref<10240x128xf32, #tpu.memory_space<vmem_shared>>
      tpu.enqueue_indirect_dma source(%arg9 : memref<128x128xf32, #tpu.memory_space<vmem>>) target(%dma_start3A_276 : memref<10240x128xf32, #tpu.memory_space<vmem_shared>>) offsets(%dma_start3A_273 : memref<128xi32, #tpu.memory_space<vmem>>) semaphore(%arg14 : memref<!tpu.dma_semaphore, #tpu.memory_space<semaphore_mem>>) {add = true}
      %dma_wait3A_277 = arith.constant 0 : i32
      %dma_wait3A_278 = tpu.memref_slice %arg7[%mul3A_248, %dma_wait3A_277] : memref<40x128xi32, #tpu.memory_space<vmem>> -> memref<1x128xi32, #tpu.memory_space<vmem>>
      %dma_wait3A_279 = tpu.memref_squeeze %dma_wait3A_278 : memref<1x128xi32, #tpu.memory_space<vmem>> -> memref<128xi32, #tpu.memory_space<vmem>>
      %dma_wait3A_280 = arith.constant 0 : i32
      %dma_wait3A_281 = arith.constant 0 : i32
      %dma_wait3A_282 = tpu.memref_slice %arg10[%dma_wait3A_280, %dma_wait3A_281] : memref<10240x128xf32, #tpu.memory_space<vmem_shared>> -> memref<10240x128xf32, #tpu.memory_space<vmem_shared>>
      tpu.wait_indirect_dma semaphore(%arg13 : memref<!tpu.dma_semaphore, #tpu.memory_space<semaphore_mem>>) src(%arg8 : memref<128x128xf32, #tpu.memory_space<vmem>>) dst(%dma_wait3A_282 : memref<10240x128xf32, #tpu.memory_space<vmem_shared>>)
      %add3A_283 = arith.constant 2 : i32
      %add3A_284 = arith.addi %mul3A_248, %add3A_283 : i32
      %lt3A = arith.constant 40 : i32
      %lt3A_285 = arith.cmpi slt, %add3A_284, %lt3A : i32
      %convert_element_type3A = arith.extui %lt3A_285 : i1 to i32
      %cond3A = arith.constant 0 : i32
      %cond3A_286 = arith.cmpi ne, %convert_element_type3A, %cond3A : i32
      scf.if %cond3A_286 {
        %add3A_302 = arith.constant 2 : i32
        %add3A_303 = arith.addi %mul3A_248, %add3A_302 : i32
        %dma_start3A_304 = arith.constant 0 : i32
        %dma_start3A_305 = tpu.memref_slice %arg6[%add3A_303, %dma_start3A_304] : memref<40x128xi32, #tpu.memory_space<vmem>> -> memref<1x128xi32, #tpu.memory_space<vmem>>
        %dma_start3A_306 = tpu.memref_squeeze %dma_start3A_305 : memref<1x128xi32, #tpu.memory_space<vmem>> -> memref<128xi32, #tpu.memory_space<vmem>>
        %dma_start3A_307 = arith.constant 0 : i32
        %dma_start3A_308 = arith.constant 0 : i32
        %dma_start3A_309 = tpu.memref_slice %arg2[%dma_start3A_307, %dma_start3A_308] : memref<10240x128xf32, #tpu.memory_space<hbm>> -> memref<10240x128xf32, #tpu.memory_space<hbm>>
        tpu.enqueue_indirect_dma source(%dma_start3A_309 : memref<10240x128xf32, #tpu.memory_space<hbm>>) target(%arg8 : memref<128x128xf32, #tpu.memory_space<vmem>>) offsets(%dma_start3A_306 : memref<128xi32, #tpu.memory_space<vmem>>) semaphore(%arg11 : memref<!tpu.dma_semaphore, #tpu.memory_space<semaphore_mem>>)
      } else {
      }
      %add3A_287 = arith.constant 1 : i32
      %add3A_288 = arith.addi %mul3A_248, %add3A_287 : i32
      %dma_wait3A_289 = arith.constant 0 : i32
      %dma_wait3A_290 = tpu.memref_slice %arg7[%add3A_288, %dma_wait3A_289] : memref<40x128xi32, #tpu.memory_space<vmem>> -> memref<1x128xi32, #tpu.memory_space<vmem>>
      %dma_wait3A_291 = tpu.memref_squeeze %dma_wait3A_290 : memref<1x128xi32, #tpu.memory_space<vmem>> -> memref<128xi32, #tpu.memory_space<vmem>>
      %dma_wait3A_292 = arith.constant 0 : i32
      %dma_wait3A_293 = arith.constant 0 : i32
      %dma_wait3A_294 = tpu.memref_slice %arg10[%dma_wait3A_292, %dma_wait3A_293] : memref<10240x128xf32, #tpu.memory_space<vmem_shared>> -> memref<10240x128xf32, #tpu.memory_space<vmem_shared>>
      tpu.wait_indirect_dma semaphore(%arg14 : memref<!tpu.dma_semaphore, #tpu.memory_space<semaphore_mem>>) src(%arg9 : memref<128x128xf32, #tpu.memory_space<vmem>>) dst(%dma_wait3A_294 : memref<10240x128xf32, #tpu.memory_space<vmem_shared>>)
      %add3A_295 = arith.constant 3 : i32
      %add3A_296 = arith.addi %mul3A_248, %add3A_295 : i32
      %lt3A_297 = arith.constant 40 : i32
      %lt3A_298 = arith.cmpi slt, %add3A_296, %lt3A_297 : i32
      %convert_element_type3A_299 = arith.extui %lt3A_298 : i1 to i32
      %cond3A_300 = arith.constant 0 : i32
      %cond3A_301 = arith.cmpi ne, %convert_element_type3A_299, %cond3A_300 : i32
      scf.if %cond3A_301 {
        %add3A_302 = arith.constant 3 : i32
        %add3A_303 = arith.addi %mul3A_248, %add3A_302 : i32
        %dma_start3A_304 = arith.constant 0 : i32
        %dma_start3A_305 = tpu.memref_slice %arg6[%add3A_303, %dma_start3A_304] : memref<40x128xi32, #tpu.memory_space<vmem>> -> memref<1x128xi32, #tpu.memory_space<vmem>>
        %dma_start3A_306 = tpu.memref_squeeze %dma_start3A_305 : memref<1x128xi32, #tpu.memory_space<vmem>> -> memref<128xi32, #tpu.memory_space<vmem>>
        %dma_start3A_307 = arith.constant 0 : i32
        %dma_start3A_308 = arith.constant 0 : i32
        %dma_start3A_309 = tpu.memref_slice %arg2[%dma_start3A_307, %dma_start3A_308] : memref<10240x128xf32, #tpu.memory_space<hbm>> -> memref<10240x128xf32, #tpu.memory_space<hbm>>
        tpu.enqueue_indirect_dma source(%dma_start3A_309 : memref<10240x128xf32, #tpu.memory_space<hbm>>) target(%arg9 : memref<128x128xf32, #tpu.memory_space<vmem>>) offsets(%dma_start3A_306 : memref<128xi32, #tpu.memory_space<vmem>>) semaphore(%arg12 : memref<!tpu.dma_semaphore, #tpu.memory_space<semaphore_mem>>)
      } else {
      }
    }
    %scan3A_45 = arith.constant 20 : i32
    "tpu.region"() ({
      %run_scoped3A = tpu.sem_alloc : memref<!tpu.dma_semaphore, #tpu.memory_space<semaphore_mem>>
      %dma_start3A_246 = arith.constant 40 : i32
      %dma_start3A_247 = arith.constant 0 : i32
      %dma_start3A_248 = tpu.memref_slice %arg3[%add3A, %dma_start3A_246, %dma_start3A_247] : memref<32x80x128xi32, #tpu.memory_space<hbm>> -> memref<1x40x128xi32, #tpu.memory_space<hbm>>
      %dma_start3A_249 = tpu.memref_squeeze %dma_start3A_248 : memref<1x40x128xi32, #tpu.memory_space<hbm>> -> memref<40x128xi32, #tpu.memory_space<hbm>>
      %dma_start3A_250 = arith.constant 40 : i32
      %dma_start3A_251 = arith.constant 0 : i32
      %dma_start3A_252 = tpu.memref_slice %arg3[%add3A, %dma_start3A_250, %dma_start3A_251] : memref<32x80x128xi32, #tpu.memory_space<hbm>> -> memref<1x40x128xi32, #tpu.memory_space<hbm>>
      %dma_start3A_253 = tpu.memref_squeeze %dma_start3A_252 : memref<1x40x128xi32, #tpu.memory_space<hbm>> -> memref<40x128xi32, #tpu.memory_space<hbm>>
      tpu.enqueue_dma source(%dma_start3A_253 : memref<40x128xi32, #tpu.memory_space<hbm>>) target(%arg6 : memref<40x128xi32, #tpu.memory_space<vmem>>) target_semaphore(%run_scoped3A : memref<!tpu.dma_semaphore, #tpu.memory_space<semaphore_mem>>)
      %dma_wait3A_254 = arith.constant 40 : i32
      %dma_wait3A_255 = arith.constant 0 : i32
      %dma_wait3A_256 = tpu.memref_slice %arg3[%add3A, %dma_wait3A_254, %dma_wait3A_255] : memref<32x80x128xi32, #tpu.memory_space<hbm>> -> memref<1x40x128xi32, #tpu.memory_space<hbm>>
      %dma_wait3A_257 = tpu.memref_squeeze %dma_wait3A_256 : memref<1x40x128xi32, #tpu.memory_space<hbm>> -> memref<40x128xi32, #tpu.memory_space<hbm>>
      %dma_wait3A_258 = arith.constant 40 : i32
      %dma_wait3A_259 = arith.constant 0 : i32
      %dma_wait3A_260 = tpu.memref_slice %arg3[%add3A, %dma_wait3A_258, %dma_wait3A_259] : memref<32x80x128xi32, #tpu.memory_space<hbm>> -> memref<1x40x128xi32, #tpu.memory_space<hbm>>
      %dma_wait3A_261 = tpu.memref_squeeze %dma_wait3A_260 : memref<1x40x128xi32, #tpu.memory_space<hbm>> -> memref<40x128xi32, #tpu.memory_space<hbm>>
      tpu.wait_dma2 semaphore(%run_scoped3A : memref<!tpu.dma_semaphore, #tpu.memory_space<semaphore_mem>>) src(%dma_wait3A_261 : memref<40x128xi32, #tpu.memory_space<hbm>>) dst(%arg6 : memref<40x128xi32, #tpu.memory_space<vmem>>)
      tpu.yield
    }) : () -> ()
    "tpu.region"() ({
      %run_scoped3A = tpu.sem_alloc : memref<!tpu.dma_semaphore, #tpu.memory_space<semaphore_mem>>
      %dma_start3A_246 = arith.constant 40 : i32
      %dma_start3A_247 = arith.constant 0 : i32
      %dma_start3A_248 = tpu.memref_slice %arg4[%add3A, %dma_start3A_246, %dma_start3A_247] : memref<32x80x128xi32, #tpu.memory_space<hbm>> -> memref<1x40x128xi32, #tpu.memory_space<hbm>>
      %dma_start3A_249 = tpu.memref_squeeze %dma_start3A_248 : memref<1x40x128xi32, #tpu.memory_space<hbm>> -> memref<40x128xi32, #tpu.memory_space<hbm>>
      %dma_start3A_250 = arith.constant 40 : i32
      %dma_start3A_251 = arith.constant 0 : i32
      %dma_start3A_252 = tpu.memref_slice %arg4[%add3A, %dma_start3A_250, %dma_start3A_251] : memref<32x80x128xi32, #tpu.memory_space<hbm>> -> memref<1x40x128xi32, #tpu.memory_space<hbm>>
      %dma_start3A_253 = tpu.memref_squeeze %dma_start3A_252 : memref<1x40x128xi32, #tpu.memory_space<hbm>> -> memref<40x128xi32, #tpu.memory_space<hbm>>
      tpu.enqueue_dma source(%dma_start3A_253 : memref<40x128xi32, #tpu.memory_space<hbm>>) target(%arg7 : memref<40x128xi32, #tpu.memory_space<vmem>>) target_semaphore(%run_scoped3A : memref<!tpu.dma_semaphore, #tpu.memory_space<semaphore_mem>>)
      %dma_wait3A_254 = arith.constant 40 : i32
      %dma_wait3A_255 = arith.constant 0 : i32
      %dma_wait3A_256 = tpu.memref_slice %arg4[%add3A, %dma_wait3A_254, %dma_wait3A_255] : memref<32x80x128xi32, #tpu.memory_space<hbm>> -> memref<1x40x128xi32, #tpu.memory_space<hbm>>
      %dma_wait3A_257 = tpu.memref_squeeze %dma_wait3A_256 : memref<1x40x128xi32, #tpu.memory_space<hbm>> -> memref<40x128xi32, #tpu.memory_space<hbm>>
      %dma_wait3A_258 = arith.constant 40 : i32
      %dma_wait3A_259 = arith.constant 0 : i32
      %dma_wait3A_260 = tpu.memref_slice %arg4[%add3A, %dma_wait3A_258, %dma_wait3A_259] : memref<32x80x128xi32, #tpu.memory_space<hbm>> -> memref<1x40x128xi32, #tpu.memory_space<hbm>>
      %dma_wait3A_261 = tpu.memref_squeeze %dma_wait3A_260 : memref<1x40x128xi32, #tpu.memory_space<hbm>> -> memref<40x128xi32, #tpu.memory_space<hbm>>
      tpu.wait_dma2 semaphore(%run_scoped3A : memref<!tpu.dma_semaphore, #tpu.memory_space<semaphore_mem>>) src(%dma_wait3A_261 : memref<40x128xi32, #tpu.memory_space<hbm>>) dst(%arg7 : memref<40x128xi32, #tpu.memory_space<vmem>>)
      tpu.yield
    }) : () -> ()
    %dma_start3A_46 = arith.constant 0 : i32
    %dma_start3A_47 = arith.constant 0 : i32
    %dma_start3A_48 = tpu.memref_slice %arg6[%dma_start3A_46, %dma_start3A_47] : memref<40x128xi32, #tpu.memory_space<vmem>> -> memref<1x128xi32, #tpu.memory_space<vmem>>
    %dma_start3A_49 = tpu.memref_squeeze %dma_start3A_48 : memref<1x128xi32, #tpu.memory_space<vmem>> -> memref<128xi32, #tpu.memory_space<vmem>>
    %dma_start3A_50 = arith.constant 0 : i32
    %dma_start3A_51 = arith.constant 0 : i32
    %dma_start3A_52 = tpu.memref_slice %arg2[%dma_start3A_50, %dma_start3A_51] : memref<10240x128xf32, #tpu.memory_space<hbm>> -> memref<10240x128xf32, #tpu.memory_space<hbm>>
    tpu.enqueue_indirect_dma source(%dma_start3A_52 : memref<10240x128xf32, #tpu.memory_space<hbm>>) target(%arg8 : memref<128x128xf32, #tpu.memory_space<vmem>>) offsets(%dma_start3A_49 : memref<128xi32, #tpu.memory_space<vmem>>) semaphore(%arg11 : memref<!tpu.dma_semaphore, #tpu.memory_space<semaphore_mem>>)
    %dma_start3A_53 = arith.constant 1 : i32
    %dma_start3A_54 = arith.constant 0 : i32
    %dma_start3A_55 = tpu.memref_slice %arg6[%dma_start3A_53, %dma_start3A_54] : memref<40x128xi32, #tpu.memory_space<vmem>> -> memref<1x128xi32, #tpu.memory_space<vmem>>
    %dma_start3A_56 = tpu.memref_squeeze %dma_start3A_55 : memref<1x128xi32, #tpu.memory_space<vmem>> -> memref<128xi32, #tpu.memory_space<vmem>>
    %dma_start3A_57 = arith.constant 0 : i32
    %dma_start3A_58 = arith.constant 0 : i32
    %dma_start3A_59 = tpu.memref_slice %arg2[%dma_start3A_57, %dma_start3A_58] : memref<10240x128xf32, #tpu.memory_space<hbm>> -> memref<10240x128xf32, #tpu.memory_space<hbm>>
    tpu.enqueue_indirect_dma source(%dma_start3A_59 : memref<10240x128xf32, #tpu.memory_space<hbm>>) target(%arg9 : memref<128x128xf32, #tpu.memory_space<vmem>>) offsets(%dma_start3A_56 : memref<128xi32, #tpu.memory_space<vmem>>) semaphore(%arg12 : memref<!tpu.dma_semaphore, #tpu.memory_space<semaphore_mem>>)
    %scan3A_60 = arith.constant 0 : i32
    %scan3A_61 = arith.constant 0 : i32
    %scan3A_62 = arith.constant 20 : i32
    %scan3A_63 = arith.addi %scan3A_61, %scan3A_62 : i32
    %scan3A_64 = arith.constant 1 : i32
    scf.for %scan3A_246 = %scan3A_61 to %scan3A_63 step %scan3A_64  : i32 {
      %mul3A_247 = arith.constant 2 : i32
      %mul3A_248 = arith.muli %scan3A_246, %mul3A_247 : i32
      %dma_wait3A_249 = arith.constant 0 : i32
      %dma_wait3A_250 = tpu.memref_slice %arg6[%mul3A_248, %dma_wait3A_249] : memref<40x128xi32, #tpu.memory_space<vmem>> -> memref<1x128xi32, #tpu.memory_space<vmem>>
      %dma_wait3A_251 = tpu.memref_squeeze %dma_wait3A_250 : memref<1x128xi32, #tpu.memory_space<vmem>> -> memref<128xi32, #tpu.memory_space<vmem>>
      %dma_wait3A_252 = arith.constant 0 : i32
      %dma_wait3A_253 = arith.constant 0 : i32
      %dma_wait3A_254 = tpu.memref_slice %arg2[%dma_wait3A_252, %dma_wait3A_253] : memref<10240x128xf32, #tpu.memory_space<hbm>> -> memref<10240x128xf32, #tpu.memory_space<hbm>>
      tpu.wait_indirect_dma semaphore(%arg11 : memref<!tpu.dma_semaphore, #tpu.memory_space<semaphore_mem>>) src(%dma_wait3A_254 : memref<10240x128xf32, #tpu.memory_space<hbm>>) dst(%arg8 : memref<128x128xf32, #tpu.memory_space<vmem>>)
      %dma_start3A_255 = arith.constant 0 : i32
      %dma_start3A_256 = tpu.memref_slice %arg7[%mul3A_248, %dma_start3A_255] : memref<40x128xi32, #tpu.memory_space<vmem>> -> memref<1x128xi32, #tpu.memory_space<vmem>>
      %dma_start3A_257 = tpu.memref_squeeze %dma_start3A_256 : memref<1x128xi32, #tpu.memory_space<vmem>> -> memref<128xi32, #tpu.memory_space<vmem>>
      %dma_start3A_258 = arith.constant 0 : i32
      %dma_start3A_259 = arith.constant 0 : i32
      %dma_start3A_260 = tpu.memref_slice %arg10[%dma_start3A_258, %dma_start3A_259] : memref<10240x128xf32, #tpu.memory_space<vmem_shared>> -> memref<10240x128xf32, #tpu.memory_space<vmem_shared>>
      tpu.enqueue_indirect_dma source(%arg8 : memref<128x128xf32, #tpu.memory_space<vmem>>) target(%dma_start3A_260 : memref<10240x128xf32, #tpu.memory_space<vmem_shared>>) offsets(%dma_start3A_257 : memref<128xi32, #tpu.memory_space<vmem>>) semaphore(%arg13 : memref<!tpu.dma_semaphore, #tpu.memory_space<semaphore_mem>>) {add = true}
      %add3A_261 = arith.constant 1 : i32
      %add3A_262 = arith.addi %mul3A_248, %add3A_261 : i32
      %dma_wait3A_263 = arith.constant 0 : i32
      %dma_wait3A_264 = tpu.memref_slice %arg6[%add3A_262, %dma_wait3A_263] : memref<40x128xi32, #tpu.memory_space<vmem>> -> memref<1x128xi32, #tpu.memory_space<vmem>>
      %dma_wait3A_265 = tpu.memref_squeeze %dma_wait3A_264 : memref<1x128xi32, #tpu.memory_space<vmem>> -> memref<128xi32, #tpu.memory_space<vmem>>
      %dma_wait3A_266 = arith.constant 0 : i32
      %dma_wait3A_267 = arith.constant 0 : i32
      %dma_wait3A_268 = tpu.memref_slice %arg2[%dma_wait3A_266, %dma_wait3A_267] : memref<10240x128xf32, #tpu.memory_space<hbm>> -> memref<10240x128xf32, #tpu.memory_space<hbm>>
      tpu.wait_indirect_dma semaphore(%arg12 : memref<!tpu.dma_semaphore, #tpu.memory_space<semaphore_mem>>) src(%dma_wait3A_268 : memref<10240x128xf32, #tpu.memory_space<hbm>>) dst(%arg9 : memref<128x128xf32, #tpu.memory_space<vmem>>)
      %add3A_269 = arith.constant 1 : i32
      %add3A_270 = arith.addi %mul3A_248, %add3A_269 : i32
      %dma_start3A_271 = arith.constant 0 : i32
      %dma_start3A_272 = tpu.memref_slice %arg7[%add3A_270, %dma_start3A_271] : memref<40x128xi32, #tpu.memory_space<vmem>> -> memref<1x128xi32, #tpu.memory_space<vmem>>
      %dma_start3A_273 = tpu.memref_squeeze %dma_start3A_272 : memref<1x128xi32, #tpu.memory_space<vmem>> -> memref<128xi32, #tpu.memory_space<vmem>>
      %dma_start3A_274 = arith.constant 0 : i32
      %dma_start3A_275 = arith.constant 0 : i32
      %dma_start3A_276 = tpu.memref_slice %arg10[%dma_start3A_274, %dma_start3A_275] : memref<10240x128xf32, #tpu.memory_space<vmem_shared>> -> memref<10240x128xf32, #tpu.memory_space<vmem_shared>>
      tpu.enqueue_indirect_dma source(%arg9 : memref<128x128xf32, #tpu.memory_space<vmem>>) target(%dma_start3A_276 : memref<10240x128xf32, #tpu.memory_space<vmem_shared>>) offsets(%dma_start3A_273 : memref<128xi32, #tpu.memory_space<vmem>>) semaphore(%arg14 : memref<!tpu.dma_semaphore, #tpu.memory_space<semaphore_mem>>) {add = true}
      %dma_wait3A_277 = arith.constant 0 : i32
      %dma_wait3A_278 = tpu.memref_slice %arg7[%mul3A_248, %dma_wait3A_277] : memref<40x128xi32, #tpu.memory_space<vmem>> -> memref<1x128xi32, #tpu.memory_space<vmem>>
      %dma_wait3A_279 = tpu.memref_squeeze %dma_wait3A_278 : memref<1x128xi32, #tpu.memory_space<vmem>> -> memref<128xi32, #tpu.memory_space<vmem>>
      %dma_wait3A_280 = arith.constant 0 : i32
      %dma_wait3A_281 = arith.constant 0 : i32
      %dma_wait3A_282 = tpu.memref_slice %arg10[%dma_wait3A_280, %dma_wait3A_281] : memref<10240x128xf32, #tpu.memory_space<vmem_shared>> -> memref<10240x128xf32, #tpu.memory_space<vmem_shared>>
      tpu.wait_indirect_dma semaphore(%arg13 : memref<!tpu.dma_semaphore, #tpu.memory_space<semaphore_mem>>) src(%arg8 : memref<128x128xf32, #tpu.memory_space<vmem>>) dst(%dma_wait3A_282 : memref<10240x128xf32, #tpu.memory_space<vmem_shared>>)
      %add3A_283 = arith.constant 2 : i32
      %add3A_284 = arith.addi %mul3A_248, %add3A_283 : i32
      %lt3A = arith.constant 40 : i32
      %lt3A_285 = arith.cmpi slt, %add3A_284, %lt3A : i32
      %convert_element_type3A = arith.extui %lt3A_285 : i1 to i32
      %cond3A = arith.constant 0 : i32
      %cond3A_286 = arith.cmpi ne, %convert_element_type3A, %cond3A : i32
      scf.if %cond3A_286 {
        %add3A_302 = arith.constant 2 : i32
        %add3A_303 = arith.addi %mul3A_248, %add3A_302 : i32
        %dma_start3A_304 = arith.constant 0 : i32
        %dma_start3A_305 = tpu.memref_slice %arg6[%add3A_303, %dma_start3A_304] : memref<40x128xi32, #tpu.memory_space<vmem>> -> memref<1x128xi32, #tpu.memory_space<vmem>>
        %dma_start3A_306 = tpu.memref_squeeze %dma_start3A_305 : memref<1x128xi32, #tpu.memory_space<vmem>> -> memref<128xi32, #tpu.memory_space<vmem>>
        %dma_start3A_307 = arith.constant 0 : i32
        %dma_start3A_308 = arith.constant 0 : i32
        %dma_start3A_309 = tpu.memref_slice %arg2[%dma_start3A_307, %dma_start3A_308] : memref<10240x128xf32, #tpu.memory_space<hbm>> -> memref<10240x128xf32, #tpu.memory_space<hbm>>
        tpu.enqueue_indirect_dma source(%dma_start3A_309 : memref<10240x128xf32, #tpu.memory_space<hbm>>) target(%arg8 : memref<128x128xf32, #tpu.memory_space<vmem>>) offsets(%dma_start3A_306 : memref<128xi32, #tpu.memory_space<vmem>>) semaphore(%arg11 : memref<!tpu.dma_semaphore, #tpu.memory_space<semaphore_mem>>)
      } else {
      }
      %add3A_287 = arith.constant 1 : i32
      %add3A_288 = arith.addi %mul3A_248, %add3A_287 : i32
      %dma_wait3A_289 = arith.constant 0 : i32
      %dma_wait3A_290 = tpu.memref_slice %arg7[%add3A_288, %dma_wait3A_289] : memref<40x128xi32, #tpu.memory_space<vmem>> -> memref<1x128xi32, #tpu.memory_space<vmem>>
      %dma_wait3A_291 = tpu.memref_squeeze %dma_wait3A_290 : memref<1x128xi32, #tpu.memory_space<vmem>> -> memref<128xi32, #tpu.memory_space<vmem>>
      %dma_wait3A_292 = arith.constant 0 : i32
      %dma_wait3A_293 = arith.constant 0 : i32
      %dma_wait3A_294 = tpu.memref_slice %arg10[%dma_wait3A_292, %dma_wait3A_293] : memref<10240x128xf32, #tpu.memory_space<vmem_shared>> -> memref<10240x128xf32, #tpu.memory_space<vmem_shared>>
      tpu.wait_indirect_dma semaphore(%arg14 : memref<!tpu.dma_semaphore, #tpu.memory_space<semaphore_mem>>) src(%arg9 : memref<128x128xf32, #tpu.memory_space<vmem>>) dst(%dma_wait3A_294 : memref<10240x128xf32, #tpu.memory_space<vmem_shared>>)
      %add3A_295 = arith.constant 3 : i32
      %add3A_296 = arith.addi %mul3A_248, %add3A_295 : i32
      %lt3A_297 = arith.constant 40 : i32
      %lt3A_298 = arith.cmpi slt, %add3A_296, %lt3A_297 : i32
      %convert_element_type3A_299 = arith.extui %lt3A_298 : i1 to i32
      %cond3A_300 = arith.constant 0 : i32
      %cond3A_301 = arith.cmpi ne, %convert_element_type3A_299, %cond3A_300 : i32
      scf.if %cond3A_301 {
        %add3A_302 = arith.constant 3 : i32
        %add3A_303 = arith.addi %mul3A_248, %add3A_302 : i32
        %dma_start3A_304 = arith.constant 0 : i32
        %dma_start3A_305 = tpu.memref_slice %arg6[%add3A_303, %dma_start3A_304] : memref<40x128xi32, #tpu.memory_space<vmem>> -> memref<1x128xi32, #tpu.memory_space<vmem>>
        %dma_start3A_306 = tpu.memref_squeeze %dma_start3A_305 : memref<1x128xi32, #tpu.memory_space<vmem>> -> memref<128xi32, #tpu.memory_space<vmem>>
        %dma_start3A_307 = arith.constant 0 : i32
        %dma_start3A_308 = arith.constant 0 : i32
        %dma_start3A_309 = tpu.memref_slice %arg2[%dma_start3A_307, %dma_start3A_308] : memref<10240x128xf32, #tpu.memory_space<hbm>> -> memref<10240x128xf32, #tpu.memory_space<hbm>>
        tpu.enqueue_indirect_dma source(%dma_start3A_309 : memref<10240x128xf32, #tpu.memory_space<hbm>>) target(%arg9 : memref<128x128xf32, #tpu.memory_space<vmem>>) offsets(%dma_start3A_306 : memref<128xi32, #tpu.memory_space<vmem>>) semaphore(%arg12 : memref<!tpu.dma_semaphore, #tpu.memory_space<semaphore_mem>>)
      } else {
      }
    }
    %scan3A_65 = arith.constant 20 : i32
    %barrier3A_66 = arith.constant 0 : index
    tpu.barrier barrier_id(%barrier3A_66)
    %mul3A_67 = arith.constant 640 : i32
    %mul3A_68 = arith.muli %arg1, %mul3A_67 : i32
    %add3A_69 = arith.constant 0 : i32
    %add3A_70 = arith.addi %mul3A_68, %add3A_69 : i32
    %dma_start3A_71 = arith.constant 0 : i32
    %dma_start3A_72 = tpu.memref_slice %arg10[%add3A_70, %dma_start3A_71] : memref<10240x128xf32, #tpu.memory_space<vmem_shared>> -> memref<128x128xf32, #tpu.memory_space<vmem_shared>>
    %dma_start3A_73 = arith.constant 0 : i32
    %dma_start3A_74 = tpu.memref_slice %arg10[%add3A_70, %dma_start3A_73] : memref<10240x128xf32, #tpu.memory_space<vmem_shared>> -> memref<128x128xf32, #tpu.memory_space<vmem_shared>>
    tpu.enqueue_dma source(%dma_start3A_74 : memref<128x128xf32, #tpu.memory_space<vmem_shared>>) target(%arg8 : memref<128x128xf32, #tpu.memory_space<vmem>>) target_semaphore(%arg11 : memref<!tpu.dma_semaphore, #tpu.memory_space<semaphore_mem>>)
    %mul3A_75 = arith.constant 640 : i32
    %mul3A_76 = arith.muli %arg1, %mul3A_75 : i32
    %add3A_77 = arith.constant 0 : i32
    %add3A_78 = arith.addi %mul3A_76, %add3A_77 : i32
    %dma_wait3A = arith.constant 0 : i32
    %dma_wait3A_79 = tpu.memref_slice %arg10[%add3A_78, %dma_wait3A] : memref<10240x128xf32, #tpu.memory_space<vmem_shared>> -> memref<128x128xf32, #tpu.memory_space<vmem_shared>>
    %dma_wait3A_80 = arith.constant 0 : i32
    %dma_wait3A_81 = tpu.memref_slice %arg10[%add3A_78, %dma_wait3A_80] : memref<10240x128xf32, #tpu.memory_space<vmem_shared>> -> memref<128x128xf32, #tpu.memory_space<vmem_shared>>
    tpu.wait_dma2 semaphore(%arg11 : memref<!tpu.dma_semaphore, #tpu.memory_space<semaphore_mem>>) src(%dma_wait3A_81 : memref<128x128xf32, #tpu.memory_space<vmem_shared>>) dst(%arg8 : memref<128x128xf32, #tpu.memory_space<vmem>>)
    %mul3A_82 = arith.constant 640 : i32
    %mul3A_83 = arith.muli %arg1, %mul3A_82 : i32
    %add3A_84 = arith.constant 0 : i32
    %add3A_85 = arith.addi %mul3A_83, %add3A_84 : i32
    %dma_start3A_86 = arith.constant 0 : i32
    %dma_start3A_87 = tpu.memref_slice %arg5[%arg0, %add3A_85, %dma_start3A_86] : memref<2x10240x128xf32, #tpu.memory_space<hbm>> -> memref<1x128x128xf32, #tpu.memory_space<hbm>>
    %dma_start3A_88 = tpu.memref_squeeze %dma_start3A_87 : memref<1x128x128xf32, #tpu.memory_space<hbm>> -> memref<128x128xf32, #tpu.memory_space<hbm>>
    %dma_start3A_89 = arith.constant 0 : i32
    %dma_start3A_90 = tpu.memref_slice %arg5[%arg0, %add3A_85, %dma_start3A_89] : memref<2x10240x128xf32, #tpu.memory_space<hbm>> -> memref<1x128x128xf32, #tpu.memory_space<hbm>>
    %dma_start3A_91 = tpu.memref_squeeze %dma_start3A_90 : memref<1x128x128xf32, #tpu.memory_space<hbm>> -> memref<128x128xf32, #tpu.memory_space<hbm>>
    tpu.enqueue_dma source(%arg8 : memref<128x128xf32, #tpu.memory_space<vmem>>) target(%dma_start3A_91 : memref<128x128xf32, #tpu.memory_space<hbm>>) target_semaphore(%arg13 : memref<!tpu.dma_semaphore, #tpu.memory_space<semaphore_mem>>)
    %mul3A_92 = arith.constant 640 : i32
    %mul3A_93 = arith.muli %arg1, %mul3A_92 : i32
    %add3A_94 = arith.constant 128 : i32
    %add3A_95 = arith.addi %mul3A_93, %add3A_94 : i32
    %dma_start3A_96 = arith.constant 0 : i32
    %dma_start3A_97 = tpu.memref_slice %arg10[%add3A_95, %dma_start3A_96] : memref<10240x128xf32, #tpu.memory_space<vmem_shared>> -> memref<128x128xf32, #tpu.memory_space<vmem_shared>>
    %dma_start3A_98 = arith.constant 0 : i32
    %dma_start3A_99 = tpu.memref_slice %arg10[%add3A_95, %dma_start3A_98] : memref<10240x128xf32, #tpu.memory_space<vmem_shared>> -> memref<128x128xf32, #tpu.memory_space<vmem_shared>>
    tpu.enqueue_dma source(%dma_start3A_99 : memref<128x128xf32, #tpu.memory_space<vmem_shared>>) target(%arg9 : memref<128x128xf32, #tpu.memory_space<vmem>>) target_semaphore(%arg12 : memref<!tpu.dma_semaphore, #tpu.memory_space<semaphore_mem>>)
    %mul3A_100 = arith.constant 640 : i32
    %mul3A_101 = arith.muli %arg1, %mul3A_100 : i32
    %add3A_102 = arith.constant 128 : i32
    %add3A_103 = arith.addi %mul3A_101, %add3A_102 : i32
    %dma_wait3A_104 = arith.constant 0 : i32
    %dma_wait3A_105 = tpu.memref_slice %arg10[%add3A_103, %dma_wait3A_104] : memref<10240x128xf32, #tpu.memory_space<vmem_shared>> -> memref<128x128xf32, #tpu.memory_space<vmem_shared>>
    %dma_wait3A_106 = arith.constant 0 : i32
    %dma_wait3A_107 = tpu.memref_slice %arg10[%add3A_103, %dma_wait3A_106] : memref<10240x128xf32, #tpu.memory_space<vmem_shared>> -> memref<128x128xf32, #tpu.memory_space<vmem_shared>>
    tpu.wait_dma2 semaphore(%arg12 : memref<!tpu.dma_semaphore, #tpu.memory_space<semaphore_mem>>) src(%dma_wait3A_107 : memref<128x128xf32, #tpu.memory_space<vmem_shared>>) dst(%arg9 : memref<128x128xf32, #tpu.memory_space<vmem>>)
    %mul3A_108 = arith.constant 640 : i32
    %mul3A_109 = arith.muli %arg1, %mul3A_108 : i32
    %add3A_110 = arith.constant 128 : i32
    %add3A_111 = arith.addi %mul3A_109, %add3A_110 : i32
    %dma_start3A_112 = arith.constant 0 : i32
    %dma_start3A_113 = tpu.memref_slice %arg5[%arg0, %add3A_111, %dma_start3A_112] : memref<2x10240x128xf32, #tpu.memory_space<hbm>> -> memref<1x128x128xf32, #tpu.memory_space<hbm>>
    %dma_start3A_114 = tpu.memref_squeeze %dma_start3A_113 : memref<1x128x128xf32, #tpu.memory_space<hbm>> -> memref<128x128xf32, #tpu.memory_space<hbm>>
    %dma_start3A_115 = arith.constant 0 : i32
    %dma_start3A_116 = tpu.memref_slice %arg5[%arg0, %add3A_111, %dma_start3A_115] : memref<2x10240x128xf32, #tpu.memory_space<hbm>> -> memref<1x128x128xf32, #tpu.memory_space<hbm>>
    %dma_start3A_117 = tpu.memref_squeeze %dma_start3A_116 : memref<1x128x128xf32, #tpu.memory_space<hbm>> -> memref<128x128xf32, #tpu.memory_space<hbm>>
    tpu.enqueue_dma source(%arg9 : memref<128x128xf32, #tpu.memory_space<vmem>>) target(%dma_start3A_117 : memref<128x128xf32, #tpu.memory_space<hbm>>) target_semaphore(%arg14 : memref<!tpu.dma_semaphore, #tpu.memory_space<semaphore_mem>>)
    %mul3A_118 = arith.constant 640 : i32
    %mul3A_119 = arith.muli %arg1, %mul3A_118 : i32
    %add3A_120 = arith.constant 0 : i32
    %add3A_121 = arith.addi %mul3A_119, %add3A_120 : i32
    %dma_wait3A_122 = arith.constant 0 : i32
    %dma_wait3A_123 = tpu.memref_slice %arg5[%arg0, %add3A_121, %dma_wait3A_122] : memref<2x10240x128xf32, #tpu.memory_space<hbm>> -> memref<1x128x128xf32, #tpu.memory_space<hbm>>
    %dma_wait3A_124 = tpu.memref_squeeze %dma_wait3A_123 : memref<1x128x128xf32, #tpu.memory_space<hbm>> -> memref<128x128xf32, #tpu.memory_space<hbm>>
    %dma_wait3A_125 = arith.constant 0 : i32
    %dma_wait3A_126 = tpu.memref_slice %arg5[%arg0, %add3A_121, %dma_wait3A_125] : memref<2x10240x128xf32, #tpu.memory_space<hbm>> -> memref<1x128x128xf32, #tpu.memory_space<hbm>>
    %dma_wait3A_127 = tpu.memref_squeeze %dma_wait3A_126 : memref<1x128x128xf32, #tpu.memory_space<hbm>> -> memref<128x128xf32, #tpu.memory_space<hbm>>
    tpu.wait_dma2 semaphore(%arg13 : memref<!tpu.dma_semaphore, #tpu.memory_space<semaphore_mem>>) src(%arg8 : memref<128x128xf32, #tpu.memory_space<vmem>>) dst(%dma_wait3A_127 : memref<128x128xf32, #tpu.memory_space<hbm>>)
    %mul3A_128 = arith.constant 640 : i32
    %mul3A_129 = arith.muli %arg1, %mul3A_128 : i32
    %add3A_130 = arith.constant 256 : i32
    %add3A_131 = arith.addi %mul3A_129, %add3A_130 : i32
    %dma_start3A_132 = arith.constant 0 : i32
    %dma_start3A_133 = tpu.memref_slice %arg10[%add3A_131, %dma_start3A_132] : memref<10240x128xf32, #tpu.memory_space<vmem_shared>> -> memref<128x128xf32, #tpu.memory_space<vmem_shared>>
    %dma_start3A_134 = arith.constant 0 : i32
    %dma_start3A_135 = tpu.memref_slice %arg10[%add3A_131, %dma_start3A_134] : memref<10240x128xf32, #tpu.memory_space<vmem_shared>> -> memref<128x128xf32, #tpu.memory_space<vmem_shared>>
    tpu.enqueue_dma source(%dma_start3A_135 : memref<128x128xf32, #tpu.memory_space<vmem_shared>>) target(%arg8 : memref<128x128xf32, #tpu.memory_space<vmem>>) target_semaphore(%arg11 : memref<!tpu.dma_semaphore, #tpu.memory_space<semaphore_mem>>)
    %mul3A_136 = arith.constant 640 : i32
    %mul3A_137 = arith.muli %arg1, %mul3A_136 : i32
    %add3A_138 = arith.constant 256 : i32
    %add3A_139 = arith.addi %mul3A_137, %add3A_138 : i32
    %dma_wait3A_140 = arith.constant 0 : i32
    %dma_wait3A_141 = tpu.memref_slice %arg10[%add3A_139, %dma_wait3A_140] : memref<10240x128xf32, #tpu.memory_space<vmem_shared>> -> memref<128x128xf32, #tpu.memory_space<vmem_shared>>
    %dma_wait3A_142 = arith.constant 0 : i32
    %dma_wait3A_143 = tpu.memref_slice %arg10[%add3A_139, %dma_wait3A_142] : memref<10240x128xf32, #tpu.memory_space<vmem_shared>> -> memref<128x128xf32, #tpu.memory_space<vmem_shared>>
    tpu.wait_dma2 semaphore(%arg11 : memref<!tpu.dma_semaphore, #tpu.memory_space<semaphore_mem>>) src(%dma_wait3A_143 : memref<128x128xf32, #tpu.memory_space<vmem_shared>>) dst(%arg8 : memref<128x128xf32, #tpu.memory_space<vmem>>)
    %mul3A_144 = arith.constant 640 : i32
    %mul3A_145 = arith.muli %arg1, %mul3A_144 : i32
    %add3A_146 = arith.constant 256 : i32
    %add3A_147 = arith.addi %mul3A_145, %add3A_146 : i32
    %dma_start3A_148 = arith.constant 0 : i32
    %dma_start3A_149 = tpu.memref_slice %arg5[%arg0, %add3A_147, %dma_start3A_148] : memref<2x10240x128xf32, #tpu.memory_space<hbm>> -> memref<1x128x128xf32, #tpu.memory_space<hbm>>
    %dma_start3A_150 = tpu.memref_squeeze %dma_start3A_149 : memref<1x128x128xf32, #tpu.memory_space<hbm>> -> memref<128x128xf32, #tpu.memory_space<hbm>>
    %dma_start3A_151 = arith.constant 0 : i32
    %dma_start3A_152 = tpu.memref_slice %arg5[%arg0, %add3A_147, %dma_start3A_151] : memref<2x10240x128xf32, #tpu.memory_space<hbm>> -> memref<1x128x128xf32, #tpu.memory_space<hbm>>
    %dma_start3A_153 = tpu.memref_squeeze %dma_start3A_152 : memref<1x128x128xf32, #tpu.memory_space<hbm>> -> memref<128x128xf32, #tpu.memory_space<hbm>>
    tpu.enqueue_dma source(%arg8 : memref<128x128xf32, #tpu.memory_space<vmem>>) target(%dma_start3A_153 : memref<128x128xf32, #tpu.memory_space<hbm>>) target_semaphore(%arg13 : memref<!tpu.dma_semaphore, #tpu.memory_space<semaphore_mem>>)
    %mul3A_154 = arith.constant 640 : i32
    %mul3A_155 = arith.muli %arg1, %mul3A_154 : i32
    %add3A_156 = arith.constant 128 : i32
    %add3A_157 = arith.addi %mul3A_155, %add3A_156 : i32
    %dma_wait3A_158 = arith.constant 0 : i32
    %dma_wait3A_159 = tpu.memref_slice %arg5[%arg0, %add3A_157, %dma_wait3A_158] : memref<2x10240x128xf32, #tpu.memory_space<hbm>> -> memref<1x128x128xf32, #tpu.memory_space<hbm>>
    %dma_wait3A_160 = tpu.memref_squeeze %dma_wait3A_159 : memref<1x128x128xf32, #tpu.memory_space<hbm>> -> memref<128x128xf32, #tpu.memory_space<hbm>>
    %dma_wait3A_161 = arith.constant 0 : i32
    %dma_wait3A_162 = tpu.memref_slice %arg5[%arg0, %add3A_157, %dma_wait3A_161] : memref<2x10240x128xf32, #tpu.memory_space<hbm>> -> memref<1x128x128xf32, #tpu.memory_space<hbm>>
    %dma_wait3A_163 = tpu.memref_squeeze %dma_wait3A_162 : memref<1x128x128xf32, #tpu.memory_space<hbm>> -> memref<128x128xf32, #tpu.memory_space<hbm>>
    tpu.wait_dma2 semaphore(%arg14 : memref<!tpu.dma_semaphore, #tpu.memory_space<semaphore_mem>>) src(%arg9 : memref<128x128xf32, #tpu.memory_space<vmem>>) dst(%dma_wait3A_163 : memref<128x128xf32, #tpu.memory_space<hbm>>)
    %mul3A_164 = arith.constant 640 : i32
    %mul3A_165 = arith.muli %arg1, %mul3A_164 : i32
    %add3A_166 = arith.constant 384 : i32
    %add3A_167 = arith.addi %mul3A_165, %add3A_166 : i32
    %dma_start3A_168 = arith.constant 0 : i32
    %dma_start3A_169 = tpu.memref_slice %arg10[%add3A_167, %dma_start3A_168] : memref<10240x128xf32, #tpu.memory_space<vmem_shared>> -> memref<128x128xf32, #tpu.memory_space<vmem_shared>>
    %dma_start3A_170 = arith.constant 0 : i32
    %dma_start3A_171 = tpu.memref_slice %arg10[%add3A_167, %dma_start3A_170] : memref<10240x128xf32, #tpu.memory_space<vmem_shared>> -> memref<128x128xf32, #tpu.memory_space<vmem_shared>>
    tpu.enqueue_dma source(%dma_start3A_171 : memref<128x128xf32, #tpu.memory_space<vmem_shared>>) target(%arg9 : memref<128x128xf32, #tpu.memory_space<vmem>>) target_semaphore(%arg12 : memref<!tpu.dma_semaphore, #tpu.memory_space<semaphore_mem>>)
    %mul3A_172 = arith.constant 640 : i32
    %mul3A_173 = arith.muli %arg1, %mul3A_172 : i32
    %add3A_174 = arith.constant 384 : i32
    %add3A_175 = arith.addi %mul3A_173, %add3A_174 : i32
    %dma_wait3A_176 = arith.constant 0 : i32
    %dma_wait3A_177 = tpu.memref_slice %arg10[%add3A_175, %dma_wait3A_176] : memref<10240x128xf32, #tpu.memory_space<vmem_shared>> -> memref<128x128xf32, #tpu.memory_space<vmem_shared>>
    %dma_wait3A_178 = arith.constant 0 : i32
    %dma_wait3A_179 = tpu.memref_slice %arg10[%add3A_175, %dma_wait3A_178] : memref<10240x128xf32, #tpu.memory_space<vmem_shared>> -> memref<128x128xf32, #tpu.memory_space<vmem_shared>>
    tpu.wait_dma2 semaphore(%arg12 : memref<!tpu.dma_semaphore, #tpu.memory_space<semaphore_mem>>) src(%dma_wait3A_179 : memref<128x128xf32, #tpu.memory_space<vmem_shared>>) dst(%arg9 : memref<128x128xf32, #tpu.memory_space<vmem>>)
    %mul3A_180 = arith.constant 640 : i32
    %mul3A_181 = arith.muli %arg1, %mul3A_180 : i32
    %add3A_182 = arith.constant 384 : i32
    %add3A_183 = arith.addi %mul3A_181, %add3A_182 : i32
    %dma_start3A_184 = arith.constant 0 : i32
    %dma_start3A_185 = tpu.memref_slice %arg5[%arg0, %add3A_183, %dma_start3A_184] : memref<2x10240x128xf32, #tpu.memory_space<hbm>> -> memref<1x128x128xf32, #tpu.memory_space<hbm>>
    %dma_start3A_186 = tpu.memref_squeeze %dma_start3A_185 : memref<1x128x128xf32, #tpu.memory_space<hbm>> -> memref<128x128xf32, #tpu.memory_space<hbm>>
    %dma_start3A_187 = arith.constant 0 : i32
    %dma_start3A_188 = tpu.memref_slice %arg5[%arg0, %add3A_183, %dma_start3A_187] : memref<2x10240x128xf32, #tpu.memory_space<hbm>> -> memref<1x128x128xf32, #tpu.memory_space<hbm>>
    %dma_start3A_189 = tpu.memref_squeeze %dma_start3A_188 : memref<1x128x128xf32, #tpu.memory_space<hbm>> -> memref<128x128xf32, #tpu.memory_space<hbm>>
    tpu.enqueue_dma source(%arg9 : memref<128x128xf32, #tpu.memory_space<vmem>>) target(%dma_start3A_189 : memref<128x128xf32, #tpu.memory_space<hbm>>) target_semaphore(%arg14 : memref<!tpu.dma_semaphore, #tpu.memory_space<semaphore_mem>>)
    %mul3A_190 = arith.constant 640 : i32
    %mul3A_191 = arith.muli %arg1, %mul3A_190 : i32
    %add3A_192 = arith.constant 256 : i32
    %add3A_193 = arith.addi %mul3A_191, %add3A_192 : i32
    %dma_wait3A_194 = arith.constant 0 : i32
    %dma_wait3A_195 = tpu.memref_slice %arg5[%arg0, %add3A_193, %dma_wait3A_194] : memref<2x10240x128xf32, #tpu.memory_space<hbm>> -> memref<1x128x128xf32, #tpu.memory_space<hbm>>
    %dma_wait3A_196 = tpu.memref_squeeze %dma_wait3A_195 : memref<1x128x128xf32, #tpu.memory_space<hbm>> -> memref<128x128xf32, #tpu.memory_space<hbm>>
    %dma_wait3A_197 = arith.constant 0 : i32
    %dma_wait3A_198 = tpu.memref_slice %arg5[%arg0, %add3A_193, %dma_wait3A_197] : memref<2x10240x128xf32, #tpu.memory_space<hbm>> -> memref<1x128x128xf32, #tpu.memory_space<hbm>>
    %dma_wait3A_199 = tpu.memref_squeeze %dma_wait3A_198 : memref<1x128x128xf32, #tpu.memory_space<hbm>> -> memref<128x128xf32, #tpu.memory_space<hbm>>
    tpu.wait_dma2 semaphore(%arg13 : memref<!tpu.dma_semaphore, #tpu.memory_space<semaphore_mem>>) src(%arg8 : memref<128x128xf32, #tpu.memory_space<vmem>>) dst(%dma_wait3A_199 : memref<128x128xf32, #tpu.memory_space<hbm>>)
    %mul3A_200 = arith.constant 640 : i32
    %mul3A_201 = arith.muli %arg1, %mul3A_200 : i32
    %add3A_202 = arith.constant 512 : i32
    %add3A_203 = arith.addi %mul3A_201, %add3A_202 : i32
    %dma_start3A_204 = arith.constant 0 : i32
    %dma_start3A_205 = tpu.memref_slice %arg10[%add3A_203, %dma_start3A_204] : memref<10240x128xf32, #tpu.memory_space<vmem_shared>> -> memref<128x128xf32, #tpu.memory_space<vmem_shared>>
    %dma_start3A_206 = arith.constant 0 : i32
    %dma_start3A_207 = tpu.memref_slice %arg10[%add3A_203, %dma_start3A_206] : memref<10240x128xf32, #tpu.memory_space<vmem_shared>> -> memref<128x128xf32, #tpu.memory_space<vmem_shared>>
    tpu.enqueue_dma source(%dma_start3A_207 : memref<128x128xf32, #tpu.memory_space<vmem_shared>>) target(%arg8 : memref<128x128xf32, #tpu.memory_space<vmem>>) target_semaphore(%arg11 : memref<!tpu.dma_semaphore, #tpu.memory_space<semaphore_mem>>)
    %mul3A_208 = arith.constant 640 : i32
    %mul3A_209 = arith.muli %arg1, %mul3A_208 : i32
    %add3A_210 = arith.constant 512 : i32
    %add3A_211 = arith.addi %mul3A_209, %add3A_210 : i32
    %dma_wait3A_212 = arith.constant 0 : i32
    %dma_wait3A_213 = tpu.memref_slice %arg10[%add3A_211, %dma_wait3A_212] : memref<10240x128xf32, #tpu.memory_space<vmem_shared>> -> memref<128x128xf32, #tpu.memory_space<vmem_shared>>
    %dma_wait3A_214 = arith.constant 0 : i32
    %dma_wait3A_215 = tpu.memref_slice %arg10[%add3A_211, %dma_wait3A_214] : memref<10240x128xf32, #tpu.memory_space<vmem_shared>> -> memref<128x128xf32, #tpu.memory_space<vmem_shared>>
    tpu.wait_dma2 semaphore(%arg11 : memref<!tpu.dma_semaphore, #tpu.memory_space<semaphore_mem>>) src(%dma_wait3A_215 : memref<128x128xf32, #tpu.memory_space<vmem_shared>>) dst(%arg8 : memref<128x128xf32, #tpu.memory_space<vmem>>)
    %mul3A_216 = arith.constant 640 : i32
    %mul3A_217 = arith.muli %arg1, %mul3A_216 : i32
    %add3A_218 = arith.constant 512 : i32
    %add3A_219 = arith.addi %mul3A_217, %add3A_218 : i32
    %dma_start3A_220 = arith.constant 0 : i32
    %dma_start3A_221 = tpu.memref_slice %arg5[%arg0, %add3A_219, %dma_start3A_220] : memref<2x10240x128xf32, #tpu.memory_space<hbm>> -> memref<1x128x128xf32, #tpu.memory_space<hbm>>
    %dma_start3A_222 = tpu.memref_squeeze %dma_start3A_221 : memref<1x128x128xf32, #tpu.memory_space<hbm>> -> memref<128x128xf32, #tpu.memory_space<hbm>>
    %dma_start3A_223 = arith.constant 0 : i32
    %dma_start3A_224 = tpu.memref_slice %arg5[%arg0, %add3A_219, %dma_start3A_223] : memref<2x10240x128xf32, #tpu.memory_space<hbm>> -> memref<1x128x128xf32, #tpu.memory_space<hbm>>
    %dma_start3A_225 = tpu.memref_squeeze %dma_start3A_224 : memref<1x128x128xf32, #tpu.memory_space<hbm>> -> memref<128x128xf32, #tpu.memory_space<hbm>>
    tpu.enqueue_dma source(%arg8 : memref<128x128xf32, #tpu.memory_space<vmem>>) target(%dma_start3A_225 : memref<128x128xf32, #tpu.memory_space<hbm>>) target_semaphore(%arg13 : memref<!tpu.dma_semaphore, #tpu.memory_space<semaphore_mem>>)
    %mul3A_226 = arith.constant 640 : i32
    %mul3A_227 = arith.muli %arg1, %mul3A_226 : i32
    %add3A_228 = arith.constant 384 : i32
    %add3A_229 = arith.addi %mul3A_227, %add3A_228 : i32
    %dma_wait3A_230 = arith.constant 0 : i32
    %dma_wait3A_231 = tpu.memref_slice %arg5[%arg0, %add3A_229, %dma_wait3A_230] : memref<2x10240x128xf32, #tpu.memory_space<hbm>> -> memref<1x128x128xf32, #tpu.memory_space<hbm>>
    %dma_wait3A_232 = tpu.memref_squeeze %dma_wait3A_231 : memref<1x128x128xf32, #tpu.memory_space<hbm>> -> memref<128x128xf32, #tpu.memory_space<hbm>>
    %dma_wait3A_233 = arith.constant 0 : i32
    %dma_wait3A_234 = tpu.memref_slice %arg5[%arg0, %add3A_229, %dma_wait3A_233] : memref<2x10240x128xf32, #tpu.memory_space<hbm>> -> memref<1x128x128xf32, #tpu.memory_space<hbm>>
    %dma_wait3A_235 = tpu.memref_squeeze %dma_wait3A_234 : memref<1x128x128xf32, #tpu.memory_space<hbm>> -> memref<128x128xf32, #tpu.memory_space<hbm>>
    tpu.wait_dma2 semaphore(%arg14 : memref<!tpu.dma_semaphore, #tpu.memory_space<semaphore_mem>>) src(%arg9 : memref<128x128xf32, #tpu.memory_space<vmem>>) dst(%dma_wait3A_235 : memref<128x128xf32, #tpu.memory_space<hbm>>)
    %mul3A_236 = arith.constant 640 : i32
    %mul3A_237 = arith.muli %arg1, %mul3A_236 : i32
    %add3A_238 = arith.constant 512 : i32
    %add3A_239 = arith.addi %mul3A_237, %add3A_238 : i32
    %dma_wait3A_240 = arith.constant 0 : i32
    %dma_wait3A_241 = tpu.memref_slice %arg5[%arg0, %add3A_239, %dma_wait3A_240] : memref<2x10240x128xf32, #tpu.memory_space<hbm>> -> memref<1x128x128xf32, #tpu.memory_space<hbm>>
    %dma_wait3A_242 = tpu.memref_squeeze %dma_wait3A_241 : memref<1x128x128xf32, #tpu.memory_space<hbm>> -> memref<128x128xf32, #tpu.memory_space<hbm>>
    %dma_wait3A_243 = arith.constant 0 : i32
    %dma_wait3A_244 = tpu.memref_slice %arg5[%arg0, %add3A_239, %dma_wait3A_243] : memref<2x10240x128xf32, #tpu.memory_space<hbm>> -> memref<1x128x128xf32, #tpu.memory_space<hbm>>
    %dma_wait3A_245 = tpu.memref_squeeze %dma_wait3A_244 : memref<1x128x128xf32, #tpu.memory_space<hbm>> -> memref<128x128xf32, #tpu.memory_space<hbm>>
    tpu.wait_dma2 semaphore(%arg13 : memref<!tpu.dma_semaphore, #tpu.memory_space<semaphore_mem>>) src(%arg8 : memref<128x128xf32, #tpu.memory_space<vmem>>) dst(%dma_wait3A_245 : memref<128x128xf32, #tpu.memory_space<hbm>>)
    return
  }
}

module attributes {stable_mosaic.version = 14 : i64} {
  func.func @_tc_layer_body(%arg0: i32, %arg1: memref<1280x128xf32, #tpu.memory_space<vmem>>, %arg2: memref<1280x128xf32, #tpu.memory_space<vmem>>, %arg3: memref<1280x128xf32, #tpu.memory_space<vmem>>, %arg4: memref<128x128xf32, #tpu.memory_space<vmem>>, %arg5: memref<1x128xf32, #tpu.memory_space<vmem>>, %arg6: memref<128x128xf32, #tpu.memory_space<vmem>>, %arg7: memref<1280x128xf32, #tpu.memory_space<vmem>>) attributes {dimension_semantics = [#tpu.dimension_semantics<arbitrary>], iteration_bounds = array<i64: 8>, scalar_prefetch = 0 : i64, scratch_operands = 0 : i64, tpu.core_type = #tpu.core_type<tc>, window_params = [{transform_indices = @transform_0, window_bounds = array<i64: 1280, 128>}, {transform_indices = @transform_1, window_bounds = array<i64: 1280, 128>}, {transform_indices = @transform_2, window_bounds = array<i64: 1280, 128>}, {pipeline_mode = #tpu.pipeline_mode<synchronous>, transform_indices = @transform_3, window_bounds = array<i64: 128, 128>}, {pipeline_mode = #tpu.pipeline_mode<synchronous>, transform_indices = @transform_4, window_bounds = array<i64: 1, 128>}, {pipeline_mode = #tpu.pipeline_mode<synchronous>, transform_indices = @transform_5, window_bounds = array<i64: 128, 128>}, {transform_indices = @transform_6, window_bounds = array<i64: 1280, 128>}]} {
    %get3A = arith.constant 0 : index
    %get3A_0 = arith.constant 0 : index
    %get3A_1 = vector.load %arg1[%get3A, %get3A_0] : memref<1280x128xf32, #tpu.memory_space<vmem>>, vector<1280x128xf32>
    %get3A_2 = arith.constant 0 : index
    %get3A_3 = arith.constant 0 : index
    %get3A_4 = vector.load %arg2[%get3A_2, %get3A_3] : memref<1280x128xf32, #tpu.memory_space<vmem>>, vector<1280x128xf32>
    %add3A = arith.addf %get3A_1, %get3A_4 : vector<1280x128xf32>
    %get3A_5 = arith.constant 0 : index
    %get3A_6 = arith.constant 0 : index
    %get3A_7 = vector.load %arg4[%get3A_5, %get3A_6] : memref<128x128xf32, #tpu.memory_space<vmem>>, vector<128x128xf32>
    %dot_general3A = arith.constant dense<0.000000e+00> : vector<1280x128xf32>
    %dot_general3A_8 = tpu.matmul %add3A, %get3A_7, %dot_general3A {dimension_numbers = #tpu.dot_dimension_numbers<[1], [0], [0], [1], [0, 0, 1, 1], [], []>, transpose_lhs_hint = false} : vector<1280x128xf32>, vector<128x128xf32>, vector<1280x128xf32> -> vector<1280x128xf32>
    %get3A_9 = arith.constant 0 : index
    %get3A_10 = arith.constant 0 : index
    %get3A_11 = vector.load %arg5[%get3A_9, %get3A_10] : memref<1x128xf32, #tpu.memory_space<vmem>>, vector<1x128xf32>
    %add3A_12 = vector.broadcast %get3A_11 : vector<1x128xf32> to vector<1280x128xf32>
    %add3A_13 = arith.addf %dot_general3A_8, %add3A_12 : vector<1280x128xf32>
    %get3A_14 = arith.constant 0 : index
    %get3A_15 = arith.constant 0 : index
    %get3A_16 = vector.load %arg3[%get3A_14, %get3A_15] : memref<1280x128xf32, #tpu.memory_space<vmem>>, vector<1280x128xf32>
    %get3A_17 = arith.constant 0 : index
    %get3A_18 = arith.constant 0 : index
    %get3A_19 = vector.load %arg6[%get3A_17, %get3A_18] : memref<128x128xf32, #tpu.memory_space<vmem>>, vector<128x128xf32>
    %dot_general3A_20 = arith.constant dense<0.000000e+00> : vector<1280x128xf32>
    %dot_general3A_21 = tpu.matmul %get3A_16, %get3A_19, %dot_general3A_20 {dimension_numbers = #tpu.dot_dimension_numbers<[1], [0], [0], [1], [0, 0, 1, 1], [], []>, transpose_lhs_hint = false} : vector<1280x128xf32>, vector<128x128xf32>, vector<1280x128xf32> -> vector<1280x128xf32>
    %add3A_22 = arith.addf %add3A_13, %dot_general3A_21 : vector<1280x128xf32>
    %max3A = arith.constant 0.000000e+00 : f32
    %max3A_23 = vector.broadcast %max3A : f32 to vector<1280x128xf32>
    %max3A_24 = arith.maximumf %add3A_22, %max3A_23 : vector<1280x128xf32>
    %swap3A = arith.constant 0 : index
    %swap3A_25 = arith.constant 0 : index
    %swap3A_26 = vector.load %arg7[%swap3A, %swap3A_25] : memref<1280x128xf32, #tpu.memory_space<vmem>>, vector<1280x128xf32>
    tpu.vector_store %arg7[%swap3A, %swap3A_25], %max3A_24 {strides = array<i32>} : memref<1280x128xf32, #tpu.memory_space<vmem>>, vector<1280x128xf32>,
    return
  }
  func.func @transform_0(%arg0: i32) -> (i32, i32) {
    %c0_i32 = arith.constant 0 : i32
    %c0_i32_0 = arith.constant 0 : i32
    return %arg0, %c0_i32 : i32, i32
  }
  func.func @transform_1(%arg0: i32) -> (i32, i32) {
    %c0_i32 = arith.constant 0 : i32
    %c0_i32_0 = arith.constant 0 : i32
    return %arg0, %c0_i32 : i32, i32
  }
  func.func @transform_2(%arg0: i32) -> (i32, i32) {
    %c0_i32 = arith.constant 0 : i32
    %c0_i32_0 = arith.constant 0 : i32
    return %arg0, %c0_i32 : i32, i32
  }
  func.func @transform_3(%arg0: i32) -> (i32, i32) {
    %c0_i32 = arith.constant 0 : i32
    %c0_i32_0 = arith.constant 0 : i32
    %c0_i32_1 = arith.constant 0 : i32
    return %c0_i32, %c0_i32_0 : i32, i32
  }
  func.func @transform_4(%arg0: i32) -> (i32, i32) {
    %c0_i32 = arith.constant 0 : i32
    %c0_i32_0 = arith.constant 0 : i32
    %c0_i32_1 = arith.constant 0 : i32
    return %c0_i32, %c0_i32_0 : i32, i32
  }
  func.func @transform_5(%arg0: i32) -> (i32, i32) {
    %c0_i32 = arith.constant 0 : i32
    %c0_i32_0 = arith.constant 0 : i32
    %c0_i32_1 = arith.constant 0 : i32
    return %c0_i32, %c0_i32_0 : i32, i32
  }
  func.func @transform_6(%arg0: i32) -> (i32, i32) {
    %c0_i32 = arith.constant 0 : i32
    %c0_i32_0 = arith.constant 0 : i32
    return %arg0, %c0_i32 : i32, i32
  }
}

module attributes {stable_mosaic.version = 14 : i64} {
  func.func @_tc_final_body(%arg0: i32, %arg1: memref<1280x128xf32, #tpu.memory_space<vmem>>, %arg2: memref<1280x128xf32, #tpu.memory_space<vmem>>, %arg3: memref<1280x128xf32, #tpu.memory_space<vmem>>, %arg4: memref<128x128xf32, #tpu.memory_space<vmem>>, %arg5: memref<1x128xf32, #tpu.memory_space<vmem>>, %arg6: memref<128x128xf32, #tpu.memory_space<vmem>>, %arg7: memref<1280x1xi32, #tpu.memory_space<vmem>>, %arg8: memref<128x128xf32, #tpu.memory_space<vmem>>, %arg9: memref<1x128xf32, #tpu.memory_space<vmem>>, %arg10: memref<128x128xf32, #tpu.memory_space<vmem>>, %arg11: memref<128x128xf32, #tpu.memory_space<vmem>>, %arg12: memref<128x128xf32, #tpu.memory_space<vmem>>) attributes {dimension_semantics = [#tpu.dimension_semantics<arbitrary>], iteration_bounds = array<i64: 8>, scalar_prefetch = 0 : i64, scratch_operands = 2 : i64, tpu.core_type = #tpu.core_type<tc>, window_params = [{transform_indices = @transform_0, window_bounds = array<i64: 1280, 128>}, {transform_indices = @transform_1, window_bounds = array<i64: 1280, 128>}, {transform_indices = @transform_2, window_bounds = array<i64: 1280, 128>}, {pipeline_mode = #tpu.pipeline_mode<synchronous>, transform_indices = @transform_3, window_bounds = array<i64: 128, 128>}, {pipeline_mode = #tpu.pipeline_mode<synchronous>, transform_indices = @transform_4, window_bounds = array<i64: 1, 128>}, {pipeline_mode = #tpu.pipeline_mode<synchronous>, transform_indices = @transform_5, window_bounds = array<i64: 128, 128>}, {transform_indices = @transform_6, window_bounds = array<i64: 1280, 1>}, {pipeline_mode = #tpu.pipeline_mode<synchronous>, transform_indices = @transform_7, window_bounds = array<i64: 128, 128>}, {pipeline_mode = #tpu.pipeline_mode<synchronous>, transform_indices = @transform_8, window_bounds = array<i64: 1, 128>}, {pipeline_mode = #tpu.pipeline_mode<synchronous>, transform_indices = @transform_9, window_bounds = array<i64: 128, 128>}]} {
    %eq3A = arith.constant 0 : i32
    %eq3A_0 = arith.cmpi eq, %arg0, %eq3A : i32
    %convert_element_type3A = arith.extui %eq3A_0 : i1 to i32
    %cond3A = arith.constant 0 : i32
    %cond3A_1 = arith.cmpi ne, %convert_element_type3A, %cond3A : i32
    scf.if %cond3A_1 {
      %broadcast_in_dim3A_56 = arith.constant 0.000000e+00 : f32
      %broadcast_in_dim3A_57 = vector.broadcast %broadcast_in_dim3A_56 : f32 to vector<128x128xf32>
      %swap3A_58 = arith.constant 0 : index
      %swap3A_59 = arith.constant 0 : index
      %swap3A_60 = vector.load %arg11[%swap3A_58, %swap3A_59] : memref<128x128xf32, #tpu.memory_space<vmem>>, vector<128x128xf32>
      tpu.vector_store %arg11[%swap3A_58, %swap3A_59], %broadcast_in_dim3A_57 {strides = array<i32>} : memref<128x128xf32, #tpu.memory_space<vmem>>, vector<128x128xf32>,
      %broadcast_in_dim3A_61 = arith.constant 0.000000e+00 : f32
      %broadcast_in_dim3A_62 = vector.broadcast %broadcast_in_dim3A_61 : f32 to vector<128x128xf32>
      %swap3A_63 = arith.constant 0 : index
      %swap3A_64 = arith.constant 0 : index
      %swap3A_65 = vector.load %arg12[%swap3A_63, %swap3A_64] : memref<128x128xf32, #tpu.memory_space<vmem>>, vector<128x128xf32>
      tpu.vector_store %arg12[%swap3A_63, %swap3A_64], %broadcast_in_dim3A_62 {strides = array<i32>} : memref<128x128xf32, #tpu.memory_space<vmem>>, vector<128x128xf32>,
    } else {
    }
    %get3A = arith.constant 0 : index
    %get3A_2 = arith.constant 0 : index
    %get3A_3 = vector.load %arg1[%get3A, %get3A_2] : memref<1280x128xf32, #tpu.memory_space<vmem>>, vector<1280x128xf32>
    %get3A_4 = arith.constant 0 : index
    %get3A_5 = arith.constant 0 : index
    %get3A_6 = vector.load %arg2[%get3A_4, %get3A_5] : memref<1280x128xf32, #tpu.memory_space<vmem>>, vector<1280x128xf32>
    %add3A = arith.addf %get3A_3, %get3A_6 : vector<1280x128xf32>
    %get3A_7 = arith.constant 0 : index
    %get3A_8 = arith.constant 0 : index
    %get3A_9 = vector.load %arg4[%get3A_7, %get3A_8] : memref<128x128xf32, #tpu.memory_space<vmem>>, vector<128x128xf32>
    %dot_general3A = arith.constant dense<0.000000e+00> : vector<1280x128xf32>
    %dot_general3A_10 = tpu.matmul %add3A, %get3A_9, %dot_general3A {dimension_numbers = #tpu.dot_dimension_numbers<[1], [0], [0], [1], [0, 0, 1, 1], [], []>, transpose_lhs_hint = false} : vector<1280x128xf32>, vector<128x128xf32>, vector<1280x128xf32> -> vector<1280x128xf32>
    %get3A_11 = arith.constant 0 : index
    %get3A_12 = arith.constant 0 : index
    %get3A_13 = vector.load %arg5[%get3A_11, %get3A_12] : memref<1x128xf32, #tpu.memory_space<vmem>>, vector<1x128xf32>
    %add3A_14 = vector.broadcast %get3A_13 : vector<1x128xf32> to vector<1280x128xf32>
    %add3A_15 = arith.addf %dot_general3A_10, %add3A_14 : vector<1280x128xf32>
    %get3A_16 = arith.constant 0 : index
    %get3A_17 = arith.constant 0 : index
    %get3A_18 = vector.load %arg3[%get3A_16, %get3A_17] : memref<1280x128xf32, #tpu.memory_space<vmem>>, vector<1280x128xf32>
    %get3A_19 = arith.constant 0 : index
    %get3A_20 = arith.constant 0 : index
    %get3A_21 = vector.load %arg6[%get3A_19, %get3A_20] : memref<128x128xf32, #tpu.memory_space<vmem>>, vector<128x128xf32>
    %dot_general3A_22 = arith.constant dense<0.000000e+00> : vector<1280x128xf32>
    %dot_general3A_23 = tpu.matmul %get3A_18, %get3A_21, %dot_general3A_22 {dimension_numbers = #tpu.dot_dimension_numbers<[1], [0], [0], [1], [0, 0, 1, 1], [], []>, transpose_lhs_hint = false} : vector<1280x128xf32>, vector<128x128xf32>, vector<1280x128xf32> -> vector<1280x128xf32>
    %add3A_24 = arith.addf %add3A_15, %dot_general3A_23 : vector<1280x128xf32>
    %get3A_25 = arith.constant 0 : index
    %get3A_26 = arith.constant 0 : index
    %get3A_27 = vector.load %arg7[%get3A_25, %get3A_26] : memref<1280x1xi32, #tpu.memory_space<vmem>>, vector<1280x1xi32>
    %iota3A = tpu.iota {dimensions = array<i32: 1>} : vector<1x128xi32>
    %eq3A_28 = vector.broadcast %get3A_27 : vector<1280x1xi32> to vector<1280x128xi32>
    %eq3A_29 = vector.broadcast %iota3A : vector<1x128xi32> to vector<1280x128xi32>
    %eq3A_30 = arith.cmpi eq, %eq3A_28, %eq3A_29 : vector<1280x128xi32>
    %convert_element_type3A_31 = arith.extui %eq3A_30 : vector<1280x128xi1> to vector<1280x128xi32>
    %convert_element_type3A_32 = arith.sitofp %convert_element_type3A_31 : vector<1280x128xi32> to vector<1280x128xf32>
    %get3A_33 = arith.constant 0 : index
    %get3A_34 = arith.constant 0 : index
    %get3A_35 = vector.load %arg11[%get3A_33, %get3A_34] : memref<128x128xf32, #tpu.memory_space<vmem>>, vector<128x128xf32>
    %dot_general3A_36 = arith.constant dense<0.000000e+00> : vector<128x128xf32>
    %dot_general3A_37 = tpu.matmul %convert_element_type3A_32, %add3A_24, %dot_general3A_36 {dimension_numbers = #tpu.dot_dimension_numbers<[0], [0], [1], [1], [0, 1, 1, 1], [], []>, transpose_lhs_hint = false} : vector<1280x128xf32>, vector<1280x128xf32>, vector<128x128xf32> -> vector<128x128xf32>
    %add3A_38 = arith.addf %get3A_35, %dot_general3A_37 : vector<128x128xf32>
    %swap3A = arith.constant 0 : index
    %swap3A_39 = arith.constant 0 : index
    %swap3A_40 = vector.load %arg11[%swap3A, %swap3A_39] : memref<128x128xf32, #tpu.memory_space<vmem>>, vector<128x128xf32>
    tpu.vector_store %arg11[%swap3A, %swap3A_39], %add3A_38 {strides = array<i32>} : memref<128x128xf32, #tpu.memory_space<vmem>>, vector<128x128xf32>,
    %get3A_41 = arith.constant 0 : index
    %get3A_42 = arith.constant 0 : index
    %get3A_43 = vector.load %arg12[%get3A_41, %get3A_42] : memref<128x128xf32, #tpu.memory_space<vmem>>, vector<128x128xf32>
    %broadcast_in_dim3A = arith.constant 1.000000e+00 : f32
    %broadcast_in_dim3A_44 = vector.broadcast %broadcast_in_dim3A : f32 to vector<1280x128xf32>
    %dot_general3A_45 = arith.constant dense<0.000000e+00> : vector<128x128xf32>
    %dot_general3A_46 = tpu.matmul %convert_element_type3A_32, %broadcast_in_dim3A_44, %dot_general3A_45 {dimension_numbers = #tpu.dot_dimension_numbers<[0], [0], [1], [1], [0, 1, 1, 1], [], []>, transpose_lhs_hint = false} : vector<1280x128xf32>, vector<1280x128xf32>, vector<128x128xf32> -> vector<128x128xf32>
    %add3A_47 = arith.addf %get3A_43, %dot_general3A_46 : vector<128x128xf32>
    %swap3A_48 = arith.constant 0 : index
    %swap3A_49 = arith.constant 0 : index
    %swap3A_50 = vector.load %arg12[%swap3A_48, %swap3A_49] : memref<128x128xf32, #tpu.memory_space<vmem>>, vector<128x128xf32>
    tpu.vector_store %arg12[%swap3A_48, %swap3A_49], %add3A_47 {strides = array<i32>} : memref<128x128xf32, #tpu.memory_space<vmem>>, vector<128x128xf32>,
    %eq3A_51 = arith.constant 7 : i32
    %eq3A_52 = arith.cmpi eq, %arg0, %eq3A_51 : i32
    %convert_element_type3A_53 = arith.extui %eq3A_52 : i1 to i32
    %cond3A_54 = arith.constant 0 : i32
    %cond3A_55 = arith.cmpi ne, %convert_element_type3A_53, %cond3A_54 : i32
    scf.if %cond3A_55 {
      %get3A_56 = arith.constant 0 : index
      %get3A_57 = arith.constant 0 : index
      %get3A_58 = vector.load %arg11[%get3A_56, %get3A_57] : memref<128x128xf32, #tpu.memory_space<vmem>>, vector<128x128xf32>
      %get3A_59 = arith.constant 0 : index
      %get3A_60 = arith.constant 0 : index
      %get3A_61 = vector.load %arg12[%get3A_59, %get3A_60] : memref<128x128xf32, #tpu.memory_space<vmem>>, vector<128x128xf32>
      %max3A = arith.constant 1.000000e+00 : f32
      %max3A_62 = vector.broadcast %max3A : f32 to vector<128x128xf32>
      %max3A_63 = arith.maximumf %get3A_61, %max3A_62 : vector<128x128xf32>
      %div3A = arith.divf %get3A_58, %max3A_63 : vector<128x128xf32>
      %get3A_64 = arith.constant 0 : index
      %get3A_65 = arith.constant 0 : index
      %get3A_66 = vector.load %arg8[%get3A_64, %get3A_65] : memref<128x128xf32, #tpu.memory_space<vmem>>, vector<128x128xf32>
      %dot_general3A_67 = arith.constant dense<0.000000e+00> : vector<128x128xf32>
      %dot_general3A_68 = tpu.matmul %div3A, %get3A_66, %dot_general3A_67 {dimension_numbers = #tpu.dot_dimension_numbers<[1], [0], [0], [1], [0, 0, 1, 1], [], []>, transpose_lhs_hint = false} : vector<128x128xf32>, vector<128x128xf32>, vector<128x128xf32> -> vector<128x128xf32>
      %get3A_69 = arith.constant 0 : index
      %get3A_70 = arith.constant 0 : index
      %get3A_71 = vector.load %arg9[%get3A_69, %get3A_70] : memref<1x128xf32, #tpu.memory_space<vmem>>, vector<1x128xf32>
      %add3A_72 = vector.broadcast %get3A_71 : vector<1x128xf32> to vector<128x128xf32>
      %add3A_73 = arith.addf %dot_general3A_68, %add3A_72 : vector<128x128xf32>
      %swap3A_74 = arith.constant 0 : index
      %swap3A_75 = arith.constant 0 : index
      %swap3A_76 = vector.load %arg10[%swap3A_74, %swap3A_75] : memref<128x128xf32, #tpu.memory_space<vmem>>, vector<128x128xf32>
      tpu.vector_store %arg10[%swap3A_74, %swap3A_75], %add3A_73 {strides = array<i32>} : memref<128x128xf32, #tpu.memory_space<vmem>>, vector<128x128xf32>,
    } else {
    }
    return
  }
  func.func @transform_0(%arg0: i32) -> (i32, i32) {
    %c0_i32 = arith.constant 0 : i32
    %c0_i32_0 = arith.constant 0 : i32
    return %arg0, %c0_i32 : i32, i32
  }
  func.func @transform_1(%arg0: i32) -> (i32, i32) {
    %c0_i32 = arith.constant 0 : i32
    %c0_i32_0 = arith.constant 0 : i32
    return %arg0, %c0_i32 : i32, i32
  }
  func.func @transform_2(%arg0: i32) -> (i32, i32) {
    %c0_i32 = arith.constant 0 : i32
    %c0_i32_0 = arith.constant 0 : i32
    return %arg0, %c0_i32 : i32, i32
  }
  func.func @transform_3(%arg0: i32) -> (i32, i32) {
    %c0_i32 = arith.constant 0 : i32
    %c0_i32_0 = arith.constant 0 : i32
    %c0_i32_1 = arith.constant 0 : i32
    return %c0_i32, %c0_i32_0 : i32, i32
  }
  func.func @transform_4(%arg0: i32) -> (i32, i32) {
    %c0_i32 = arith.constant 0 : i32
    %c0_i32_0 = arith.constant 0 : i32
    %c0_i32_1 = arith.constant 0 : i32
    return %c0_i32, %c0_i32_0 : i32, i32
  }
  func.func @transform_5(%arg0: i32) -> (i32, i32) {
    %c0_i32 = arith.constant 0 : i32
    %c0_i32_0 = arith.constant 0 : i32
    %c0_i32_1 = arith.constant 0 : i32
    return %c0_i32, %c0_i32_0 : i32, i32
  }
  func.func @transform_6(%arg0: i32) -> (i32, i32) {
    %c0_i32 = arith.constant 0 : i32
    %c0_i32_0 = arith.constant 0 : i32
    return %arg0, %c0_i32 : i32, i32
  }
  func.func @transform_7(%arg0: i32) -> (i32, i32) {
    %c0_i32 = arith.constant 0 : i32
    %c0_i32_0 = arith.constant 0 : i32
    %c0_i32_1 = arith.constant 0 : i32
    return %c0_i32, %c0_i32_0 : i32, i32
  }
  func.func @transform_8(%arg0: i32) -> (i32, i32) {
    %c0_i32 = arith.constant 0 : i32
    %c0_i32_0 = arith.constant 0 : i32
    %c0_i32_1 = arith.constant 0 : i32
    return %c0_i32, %c0_i32_0 : i32, i32
  }
  func.func @transform_9(%arg0: i32) -> (i32, i32) {
    %c0_i32 = arith.constant 0 : i32
    %c0_i32_0 = arith.constant 0 : i32
    %c0_i32_1 = arith.constant 0 : i32
    return %c0_i32, %c0_i32_0 : i32, i32
  }
}

</mosaic_0001>

<sc_bundles>
// kernel: kernel.11.cloned.1.call-start
scs
__scs_entry_jumppad:
0x0: {  	(pc) =	sbr.rel $0x88, $3  }
0x1: {  	(tag) =	ssettag $0x0;
	lr =	simm.s32 $0x1  }
0x2: {  	[smem:$0x3F93] =	sst lr;
	_ =	strace $0xD0000000  }
0x3: {  	_ = 	snop  }
0x4: {  	_ = 	snop  }
0x5: {  	_ = 	snop  }
0x6: {  	_ = 	snop  }
0x7: {  	_ = 	snop  }
__scs_overlays_trampoline_lowered:
0x8: {  	[smem:$0x3FA2] =	sst s0  }
0x9: {  	[smem:$0x3FA3] =	sst s1  }
0xa: {  	[smem:$0x3FA4] =	sst s2  }
0xb: {  	[smem:$0x3FA5] =	sst s3  }
0xc: {  	[smem:$0x3FA6] =	sst s4  }
0xd: {  	[smem:$0x3FA7] =	sst s5  }
0xe: {  	[smem:$0x3FA8] =	sst s6  }
0xf: {  	[smem:$0x3FA9] =	sst s7  }
0x10: {  	[smem:$0x3FAA] =	sst s8  }
0x11: {  	[smem:$0x3FAB] =	sst s9;
	s0 =	simm.s32 @!p0 $0x0  }
0x12: {  	s1 =	sld [smem:$0x3F91];
	s0 =	simm.s32 @p0 $0x1  }
0x13: {  	[smem:$0x3FAC] =	sst s0;
	s0 =	simm.s32 @!p1 $0x0  }
0x14: {  	s2 =	sld [smem:$0x3F90];
	s0 =	simm.s32 @p1 $0x1  }
0x15: {  	[smem:$0x3FAD] =	sst s0;
	s0 =	simm.s32 @!p2 $0x0  }
0x16: {  	s3 =	sld [smem:$0x3FDB];
	s0 =	simm.s32 @p2 $0x1  }
0x17: {  	s4 =	simm.s32 $0x1BF5;
	[smem:$0x3FAF] =	sst s0  }
0x18: {  	s0 =	sld [smem:$0x3F92];
	_ =	swait.ge [sflag:s4], $0x0  }
0x19: {  	s7 =	sld [smem:$0x3F93]  }
0x1a: {  	s8 =	sadd.s32 $0xFFFFE003, lr  }
0x1b: {  	s9 =	sadd.s32 $0xFFFFFEF7, lr;
	s5 =	simm.s32 $0xFFFFFFFF;
	p2 =	slt.u32 s8, $0xFFFFF086  }
0x1c: {  	p1 =	slt.u32 s9, $0xF7A;
	s5 =	simm.s32 @!p2 $0x0  }
0x1d: {  	s5 =	simm.s32 @p1 $0x1;
	p0 =	seq.s32 s7, s2  }
0x1e: {  	s7 =	smul.u32 @!p0 $0xF7A, s2;
	p2 =	seq.s32 @!p0 s5, $0x0  }
0x1f: {  	s9 =	smul.u32 $0xF7A, s1;
	s8 =	simm.s32 @!p0 $0x1BF5;
	p2 =	por !p2, p0  }
0x20: {  	[sflag:s8] =	ssyncset.s32 @!p0 $0xFFFFF086;
	s6 =	sadd.s32 @!p0 s3, s7;
	s7 =	simm.s32 @!p0 $0x108  }
0x21: {  	s3 =	sadd.s32 s3, s9;
	s6 =	sadd.s32 @!p0 $0x88, s6;
	s7 =	simm.s32 @p2 $0x1082  }
0x22: {  	[simem:s7], [sflag:s8] =	dma.local @!p0 [hbm:s6], $0xF7A  }
0x23: {  	s9 =	sor.u32 $0xD0000000, s2;
	s6 =	simm.s32 $0x108;
	_ =	swait.ge @!p0 [sflag:s8], $0x0  }
0x24: {  	s3 =	sadd.s32 $0x88, s3;
	s6 =	simm.s32 @!p1 $0x1082;
	[sflag:s4] =	ssyncset.s32 $0xFFFFF086  }
0x25: {  	[simem:s6], [sflag:s4] =	dma.local [hbm:s3], $0xF7A  }
0x26: {  	[smem:$0x3F93] =	sst s1;
	(tag) =	ssettag s2;
	_ =	strace s9  }
0x27: {  	s1 =	sld [smem:$0x3FA3]  }
0x28: {  	s2 =	sld [smem:$0x3FA4]  }
0x29: {  	s4 =	sld [smem:$0x3FA6]  }
0x2a: {  	p0 =	seq.s32 s5, $0x0;
	s5 =	sld [smem:$0x3FA7]  }
0x2b: {  	s6 =	sld [smem:$0x3FA8]  }
0x2c: {  	s7 =	sld [smem:$0x3FA9]  }
0x2d: {  	s3 =	simm.s32 $0x108;
	s8 =	sld [smem:$0x3FAA]  }
0x2e: {  	s3 =	simm.s32 @!p0 $0x1082;
	s9 =	sld [smem:$0x3FAB]  }
0x2f: {  	lr =	sadd.s32 s0, s3;
	s0 =	sld [smem:$0x3FA2]  }
0x30: {  	s3 =	sld [smem:$0x3FA5]  }
0x31: {  	[smem:$0x3FAE] =	sst s10  }
0x32: {  	s10 =	sld [smem:$0x3FAC];
	_ =	sdelay $0x3  }
0x33: {  	p0 =	seq.s32 s10, $0x1;
	s10 =	sld [smem:$0x3FAE];
	_ =	sdelay $0x3  }
0x34: {  	[smem:$0x3FAE] =	sst s10  }
0x35: {  	s10 =	sld [smem:$0x3FAD];
	_ =	sdelay $0x3  }
0x36: {  	p1 =	seq.s32 s10, $0x1;
	s10 =	sld [smem:$0x3FAE];
	_ =	sdelay $0x3  }
0x37: {  	[smem:$0x3FAE] =	sst s10  }
0x38: {  	s10 =	sld [smem:$0x3FAF]  }
0x39: {  	_ = 	snop;
	(pc) =	sbr.ind lr, $3  }
0x3a: {  	_ = 	snop  }
0x3b: {  	_ = 	snop  }
0x3c: {  	p2 =	seq.s32 s10, $0x1;
	s10 =	sld [smem:$0x3FAE]  }
0x3d: {  	_ =	shalt  }
0x3e: {  	_ =	shalt  }
0x3f: {  	_ =	shalt  }
0x40: {  	_ =	shalt  }
0x41: {  	_ =	shalt  }
0x42: {  	_ =	shalt  }
0x43: {  	_ =	shalt  }
0x44: {  	_ =	shalt  }
0x45: {  	_ =	shalt  }
0x46: {  	_ =	shalt  }
0x47: {  	_ =	shalt  }
0x48: {  	_ =	shalt  }
0x49: {  	_ =	shalt  }
0x4a: {  	_ =	shalt  }
0x4b: {  	_ =	shalt  }
0x4c: {  	_ =	shalt  }
0x4d: {  	_ =	shalt  }
0x4e: {  	_ =	shalt  }
0x4f: {  	_ =	shalt  }
0x50: {  	_ =	shalt  }
0x51: {  	_ =	shalt  }
0x52: {  	_ =	shalt  }
0x53: {  	_ =	shalt  }
0x54: {  	_ =	shalt  }
0x55: {  	_ =	shalt  }
0x56: {  	_ =	shalt  }
0x57: {  	_ =	shalt  }
0x58: {  	_ =	shalt  }
0x59: {  	_ =	shalt  }
0x5a: {  	_ =	shalt  }
0x5b: {  	_ =	shalt  }
0x5c: {  	_ =	shalt  }
0x5d: {  	_ =	shalt  }
0x5e: {  	_ =	shalt  }
0x5f: {  	_ =	shalt  }
0x60: {  	_ =	shalt  }
0x61: {  	_ =	shalt  }
0x62: {  	_ =	shalt  }
0x63: {  	_ =	shalt  }
0x64: {  	_ =	shalt  }
0x65: {  	_ =	shalt  }
0x66: {  	_ =	shalt  }
0x67: {  	_ =	shalt  }
0x68: {  	_ =	shalt  }
0x69: {  	_ =	shalt  }
0x6a: {  	_ =	shalt  }
0x6b: {  	_ =	shalt  }
0x6c: {  	_ =	shalt  }
0x6d: {  	_ =	shalt  }
0x6e: {  	_ =	shalt  }
0x6f: {  	_ =	shalt  }
0x70: {  	_ =	shalt  }
0x71: {  	_ =	shalt  }
0x72: {  	_ =	shalt  }
0x73: {  	_ =	shalt  }
0x74: {  	_ =	shalt  }
0x75: {  	_ =	shalt  }
0x76: {  	_ =	shalt  }
0x77: {  	_ =	shalt  }
0x78: {  	_ =	shalt  }
0x79: {  	_ =	shalt  }
0x7a: {  	_ =	shalt  }
0x7b: {  	_ =	shalt  }
0x7c: {  	_ =	shalt  }
0x7d: {  	_ =	shalt  }
0x7e: {  	_ =	shalt  }
0x7f: {  	_ =	shalt  }
0x80: {  	_ =	shalt  }
0x81: {  	_ =	shalt  }
0x82: {  	_ =	shalt  }
0x83: {  	_ =	shalt  }
0x84: {  	_ =	shalt  }
0x85: {  	_ =	shalt  }
0x86: {  	_ =	shalt  }
0x87: {  	_ =	shalt  }
.Lfunc_end0:
.L_simem_size_0:
called_computation.1_lowered:
.L_overlay_start_0:
0x88: {  	s2 =	sld [smem:$0x3FD9]  }
0x89: {  	s3 =	sld [smem:$0x3FFE];
	_ =	sdelay $0x1  }
0x8a: {  	s1 =	srdreg.scid  }
0x8b: {  	s0 =	sand.u32 $0x1, s1  }
0x8c: {  	s16 =	sshll.u32 s0, $0xA;
	s2 =	sadd.s32 s3, s2  }
0x8d: {  	s2 =	sadd.s32 s2, s16  }
0x8e: {  	[smem:$0x3FBA] =	sst s2  }
0x8f: {  	_ = 	snop  }
0x90: {  	(tm) =	ssettm $0x1  }
0x91: {  	s17 =	sld [smem:$0x3FFB];
	_ =	sdelay $0x3  }
0x92: {  	_ =	strace s17  }
0x93: {  	s2 =	sld [smem:$0x3FFC];
	_ =	sdelay $0x3  }
0x94: {  	_ =	strace s2  }
0x95: {  	s2 =	sld [smem:$0x3FFD];
	_ =	sdelay $0x3  }
0x96: {  	_ =	strace s2  }
0x97: {  	_ =	strace $0x8FFFFFFF  }
0x98: {  	s18 =	sld [smem:$0x3FDB];
	_ =	sdelay $0x1  }
0x99: {  	s19 =	simm.s32 $_scs_section_size  }
0x9a: {  	s4 =	simm.s32 $_size__tile_overlayer_lowered;
	s5 =	simm.s32 $_tile_overlayer_lowered  }
0x9b: {  	s22 =	simm.s32 $0x1BFF;
	s21 =	sshll.u32 s5, $0x1;
	s2 =	sadd.s32 s19, s18  }
0x9c: {  	s6 =	simm.s32 $0x0;
	s20 =	sshll.u32 s4, $0x1;
	s4 =	sadd.s32 s21, s2  }
0x9d: {  	[timem:s6], [sflag:s22] =	dma.local [hbm:s4], s20  }
0x9e: {  	_ =	swait.ge [sflag:s22], s20  }
0x9f: {  	s3 =	ssub.s32 $0x0, s20;
	[sflag:s22] =	ssyncset.done $0x0  }
0xa0: {  	[sflag:s22] =	ssyncadd.s32 s3;
	_ =	sdelay $0x1  }
0xa1: {  	s23 =	simm.s32 $0x1B8B  }
0xa2: {  	_ =	swait.ge [sflag:s23], $0x1  }
0xa3: {  	[sflag:s23] =	ssyncset.done $0x0  }
0xa4: {  	s25 =	simm.s32 $0x1B8E;
	s24 =	sld [smem:$0x3FFE];
	[sflag:s23] =	ssyncadd.s32 $0xFFFFFFFF  }
0xa5: {  	s26 =	simm.s32 $execute0_lowered;
	[smem:$0x3FD2] =	sst s25  }
0xa6: {  	s4 =	sshll.u32 s26, $0x1;
	_ =	strace $0x80000049;
	[dreg:$0x1] =	wrdreg $0xFFFFFFFF  }
0xa7: {  	s28 =	simm.s32 $_size_execute0_lowered;
	s2 =	sadd.s32 s2, s4;
	[dreg:$0x0] =	wrdreg $0x0  }
0xa8: {  	s4 =	sshll.u32 s28, $0x1;
	[dreg:$0x2] =	wrdreg s2  }
0xa9: {  	[dreg:$0x3] =	wrdreg s4  }
0xaa: {  	[dreg:$0x4] =	wrdreg $0xC0  }
0xab: {  	_ =	task [dreg:s6], $0x5FFFF  }
0xac: {  	[dreg:$0x1] =	wrdreg $0xFFFFFFFF  }
0xad: {  	[dreg:$0x0] =	wrdreg $0x60  }
0xae: {  	[dreg:$0x2] =	wrdreg s24  }
0xaf: {  	[dreg:$0x3] =	wrdreg $0xA8000  }
0xb0: {  	[dreg:$0x4] =	wrdreg $0x9  }
0xb1: {  	_ =	task.clear_ibuf [dreg:s6], $0x5FFFF;
	_ =	strace $0x90000049  }
0xb2: {  	s29 =	simm.s32 $0x9;
	_ =	strace $0x8000004B  }
0xb3: {  	_ =	swait.ge [sflag:s29], $0x1  }
0xb4: {  	[sflag:s29] =	ssyncadd.s32 $0xFFFFFFFF  }
0xb5: {  	_ =	strace $0x9000004B  }
0xb6: {  	_ =	sfence  }
0xb7: {  	s30 =	sld [smem:$0x0];
	_ =	sdelay $0x2  }
0xb8: {  	s31 =	sshll.u32 s1, $0xD;
	s1 =	sshrl.u32 s1, $0x2  }
0xb9: {  	s3 =	sand.u32 $0x4000, s31;
	s1 =	sadd.s32 s1, s30  }
0xba: {  	s0 =	sor.u32 s3, s0;
	s1 =	sshll.u32 s1, $0x11  }
0xbb: {  	s0 =	sor.u32 s1, s0  }
0xbc: {  	s0 =	sadd.s32 $0x8F2B, s0  }
0xbd: {  	[sflag:s0] =	ssyncadd.remote.s32 $0x1  }
0xbe: {  	_ =	sfence.sel $0xFFFF  }
0xbf: {  	[dreg:$0x0] =	wrdreg $0xFFFFFFFF;
	(pc) =	sbr.abs _section_cstart, $3  }
0xc0: {  	[dreg:$0x1] =	wrdreg $0xFFFFFFFF  }
0xc1: {  	_ =	task.clear_ibuf [dreg:s6], $0x2FFFF;
	_ =	strace $0x9FFFFFFF  }
0xc2: {  	(tm) =	ssettm $0x7FFFFFFF  }
0xc3: {  	_ =	shalt  }
tec
execute0_lowered:
.L_overlay_start_1:
0x0: {  	(tag) =	ssettag $0x1  }
0x1: {  	s0 =	rddreg [dreg:$0x0]  }
0x2: {  	s1 =	rddreg [dreg:$0x1];
	s3 =	simm.s32 $0x0;
	s2 =	srdreg.scid  }
0x3: {  	s8 =	stileid.u32;
	s28 =	simm.s32 $0x3;
	s29 =	simm.s32 $0x4  }
0x4: {  	s30 =	simm.s32 $0x2700;
	s31 =	simm.s32 $0x2780;
	[smem:$0x7FF] =	sst s3  }
0x5: {  	s2 =	sand.u32 $0x1, s2;
	s4 =	sadd.s32 $0x4200, s0;
	s6 =	smul.u32 $0x50000, s8  }
0x6: {  	s10 =	sadd.s32 $0x36200, s0;
	s13 =	smul.u32 $0x14000, s8;
	s14 =	sadd.s32 $0x2C200, s0  }
0x7: {  	s0 =	sadd.s32 $0x40200, s0;
	_ =	strace $0x8000004A;
	s5 =	ssub.s32 $0x2, s2  }
0x8: {  	s21 =	sshll.u32 s2, $0x4;
	s2 =	smul.u32 $0x140000, s2;
	s7 =	sshrl.u32 s5, $0x1  }
0x9: {  	s6 =	sshrl.u32 s6, $0x2;
	s15 =	sadd.s32 $0x4000, s13;
	s22 =	sor.u32 s8, s21  }
0xa: {  	s16 =	sadd.s32 $0x8000, s13;
	s17 =	sadd.s32 $0xC000, s13;
	s18 =	sadd.s32 $0x10000, s13  }
0xb: {  	s21 =	simm.s32 $0x5;
	s19 =	ssub.s32 s5, s7;
	s5 =	sadd.s32 s6, s1  }
0xc: {  	s6 =	sadd.s32 s15, s1;
	s11 =	smul.u32 $0x2800, s22;
	s7 =	sadd.s32 s16, s1  }
0xd: {  	s8 =	sadd.s32 s17, s1;
	s9 =	sadd.s32 s18, s1;
	s24 =	sadd.s32 s13, s2  }
0xe: {  	s15 =	sadd.s32 s2, s15;
	s25 =	sadd.s32 s2, s16;
	s17 =	sadd.s32 s2, s17  }
0xf: {  	s2 =	sadd.s32 s2, s18;
	s22 =	simm.s32 $0x1400;
	s15 =	sshrl.u32 s15, $0x3  }
0x10: {  	s26 =	sshrl.u32 s17, $0x3;
	s2 =	sshrl.u32 s2, $0x3;
	s19 =	smax.u32 s19, $0x1  }
0x11: {  	s12 =	sshrl.u32 s11, $0x3;
	s15 =	sadd.s32 s0, s15;
	s17 =	sadd.s32 s0, s26  }
0x12: {  	s18 =	sadd.s32 s0, s2;
	s26 =	simm.s32 $0x2;
	s11 =	sadd.s32 s10, s12  }
0x13: {  	s23 =	sadd.s32 s14, s12;
	s20 =	sadd.s32 $0x280, s12;
	[dreg:$0x3] =	wrdreg s11  }
0x14: {  	[dreg:$0x4] =	wrdreg s23;
	s12 =	sadd.s32 s10, s20;
	s13 =	sadd.s32 s14, s20  }
0x15: {  	s10 =	sshrl.u32 s24, $0x3;
	s20 =	simm.s32 $0x2800;
	s23 =	simm.s32 $0x80  }
0x16: {  	s24 =	simm.s32 $0x6800;
	s14 =	sadd.s32 s0, s10;
	s10 =	sshrl.u32 s25, $0x3  }
0x17: {  	v0 =	vimm.f32 $0.0e+00;
	s25 =	simm.s32 $0x1;
	s16 =	sadd.s32 s0, s10;
	s0 =	simm.s32 $0x0  }
.LBB2_1:
0x18: {  	s2 =	simm.s32 $0x0;
	s10 =	simm.s32 $0x200  }
.LBB2_2:
0x19: {  	p0 =	sne.s32 s10, $0xFE00;
	[tilespmem:s2+$0x2870] =	vst v0  }
0x1a: {  	[tilespmem:s2+$0x2800] =	vst v0  }
0x1b: {  	[tilespmem:s2+$0x2810] =	vst v0  }
.Ltmp0:
0x1c: {  	[tilespmem:s2+$0x2820] =	vst v0;
	(pc) =	sbr.rel @p0 .LBB2_2-.Ltmp0, $4  }
0x1d: {  	[tilespmem:s2+$0x2830] =	vst v0  }
0x1e: {  	[tilespmem:s2+$0x2840] =	vst v0  }
0x1f: {  	[tilespmem:s2+$0x2850] =	vst v0  }
0x20: {  	[tilespmem:s2+$0x2860] =	vst v0;
	s2 =	sshra.s32 s10, $0x2;
	s10 =	sadd.s32 $0x200, s10  }
0x21: {  	[tilespmem:s2+$0x2870] =	vst v0  }
0x22: {  	[tilespmem:s2+$0x2800] =	vst v0  }
0x23: {  	[tilespmem:s2+$0x2810] =	vst v0  }
0x24: {  	[tilespmem:s2+$0x2820] =	vst v0  }
0x25: {  	[tilespmem:s2+$0x2830] =	vst v0  }
0x26: {  	[tilespmem:s2+$0x2840] =	vst v0  }
0x27: {  	[tilespmem:s2+$0x2850] =	vst v0  }
0x28: {  	[tilespmem:s2+$0x2860] =	vst v0  }
0x29: {  	[spmem:s5] =	stream.linear.scatter [tilespmem:s20], [sflag:$0x5], $0x4000, $0x38;
	[tilespmem:$0x1E800] =	vst v63  }
0x2a: {  	_ =	swait.ge [sflag:s21], $0x4000  }
0x2b: {  	[sflag:s21] =	ssyncset.done $0x0  }
0x2c: {  	[sflag:s21] =	ssyncadd.s32 $0xFFFFC000  }
0x2d: {  	[spmem:s6] =	stream.linear.scatter [tilespmem:s20], [sflag:$0x5], $0x4000, $0x38;
	[tilespmem:$0x1E800] =	vst v63  }
0x2e: {  	_ =	swait.ge [sflag:s21], $0x4000  }
0x2f: {  	[sflag:s21] =	ssyncset.done $0x0  }
0x30: {  	[sflag:s21] =	ssyncadd.s32 $0xFFFFC000  }
0x31: {  	[spmem:s7] =	stream.linear.scatter [tilespmem:s20], [sflag:$0x5], $0x4000, $0x38;
	[tilespmem:$0x1E800] =	vst v63  }
0x32: {  	_ =	swait.ge [sflag:s21], $0x4000  }
0x33: {  	[sflag:s21] =	ssyncset.done $0x0  }
0x34: {  	[sflag:s21] =	ssyncadd.s32 $0xFFFFC000  }
0x35: {  	[spmem:s8] =	stream.linear.scatter [tilespmem:s20], [sflag:$0x5], $0x4000, $0x38;
	[tilespmem:$0x1E800] =	vst v63  }
0x36: {  	_ =	swait.ge [sflag:s21], $0x4000  }
0x37: {  	[sflag:s21] =	ssyncset.done $0x0  }
0x38: {  	[sflag:s21] =	ssyncadd.s32 $0xFFFFC000  }
0x39: {  	[spmem:s9] =	stream.linear.scatter [tilespmem:s20], [sflag:$0x5], $0x4000, $0x38;
	[tilespmem:$0x1E800] =	vst v63  }
0x3a: {  	_ =	swait.ge [sflag:s21], $0x4000  }
0x3b: {  	[sflag:s21] =	ssyncset.done $0x0  }
0x3c: {  	[sflag:s21] =	ssyncadd.s32 $0xFFFFC000  }
0x3d: {  	[bflag:$0x0] =	sbarrier.arrive $0xFFFF  }
0x3e: {  	s2 =	simm.s32 $0x0;
	s10 =	rddreg [dreg:$0x3]  }
0x3f: {  	[tilespmem:s2], [sflag:$0x5] =	stream.linear.gather [hbm4b:s10+s2], $0x1400, $0x38;
	[tilespmem:$0x1E800] =	vst v63  }
0x40: {  	_ =	swait.ge [sflag:s21], $0x1400  }
0x41: {  	[sflag:s21] =	ssyncset.done $0x0  }
0x42: {  	s11 =	rddreg [dreg:$0x4];
	[sflag:s21] =	ssyncadd.s32 $0xFFFFEC00  }
0x43: {  	[tilespmem:s22], [sflag:$0x5] =	stream.linear.gather [hbm4b:s11+s2], $0x1400, $0x38;
	[tilespmem:$0x1E800] =	vst v63  }
0x44: {  	_ =	swait.ge [sflag:s21], $0x1400  }
0x45: {  	[sflag:s21] =	ssyncset.done $0x0  }
0x46: {  	[sflag:s21] =	ssyncadd.s32 $0xFFFFEC00  }
0x47: {  	[tilespmem:s20], [sflag:$0x1] =	stream.indirect.gather [hbm4b:s4+s23], $0x80, s2, s23, $0xb8;
	[tilespmem:$0x1E800] =	vst v63  }
0x48: {  	_ = 	snop  }
0x49: {  	[tilespmem:s24], [sflag:$0x2] =	stream.indirect.gather [hbm4b:s4+s23], $0x80, s23, s23, $0xb8;
	[tilespmem:$0x1E800] =	vst v63  }
0x4a: {  	_ =	swait.ge [sflag:s25], $0x4000  }
0x4b: {  	[sflag:s25] =	ssyncset.done $0x0  }
0x4c: {  	s11 =	simm.s32 $0x1400;
	[sflag:s25] =	ssyncadd.s32 $0xFFFFC000  }
0x4d: {  	[spmem:s1] =	stream.indirect.scatter.add.f32 [tilespmem:s20], [sflag:$0x3], $0x80, s11, s23, $0xb8;
	[tilespmem:$0x1E800] =	vst v63  }
0x4e: {  	_ =	swait.ge [sflag:s26], $0x4000  }
0x4f: {  	[sflag:s26] =	ssyncset.done $0x0  }
0x50: {  	s10 =	simm.s32 $0x1480;
	[sflag:s26] =	ssyncadd.s32 $0xFFFFC000  }
0x51: {  	[spmem:s1] =	stream.indirect.scatter.add.f32 [tilespmem:s24], [sflag:$0x4], $0x80, s10, s23, $0xb8;
	[tilespmem:$0x1E800] =	vst v63  }
0x52: {  	_ =	swait.ge [sflag:s28], $0x4000  }
0x53: {  	[sflag:s28] =	ssyncset.done $0x0  }
0x54: {  	s11 =	simm.s32 $0x100;
	[sflag:s28] =	ssyncadd.s32 $0xFFFFC000  }
0x55: {  	[tilespmem:s20], [sflag:$0x1] =	stream.indirect.gather [hbm4b:s4+s23], $0x80, s11, s23, $0xb8;
	[tilespmem:$0x1E800] =	vst v63  }
0x56: {  	_ =	swait.ge [sflag:s29], $0x4000  }
0x57: {  	[sflag:s29] =	ssyncset.done $0x0  }
0x58: {  	s2 =	simm.s32 $0x400;
	s10 =	simm.s32 $0x180;
	[sflag:s29] =	ssyncadd.s32 $0xFFFFC000  }
.LBB2_4:
0x59: {  	[tilespmem:s24], [sflag:$0x2] =	stream.indirect.gather [hbm4b:s4+s23], $0x80, s10, s23, $0xb8;
	[tilespmem:$0x1E800] =	vst v63  }
0x5a: {  	s10 =	smov.u32 s2  }
0x5b: {  	p0 =	sne.s32 s2, $0x4800;
	s2 =	sadd.s32 $0x400, s2;
	_ =	swait.ge [sflag:s25], $0x4000  }
0x5c: {  	s10 =	sshra.s32 s10, $0x2;
	[sflag:s25] =	ssyncset.done $0x0  }
0x5d: {  	s11 =	sadd.s32 $0x1400, s10;
	[sflag:s25] =	ssyncadd.s32 $0xFFFFC000  }
0x5e: {  	[spmem:s1] =	stream.indirect.scatter.add.f32 [tilespmem:s20], [sflag:$0x3], $0x80, s11, s23, $0xb8;
	[tilespmem:$0x1E800] =	vst v63  }
0x5f: {  	_ =	swait.ge [sflag:s26], $0x4000  }
0x60: {  	[sflag:s26] =	ssyncset.done $0x0  }
0x61: {  	s11 =	sadd.s32 $0x1480, s10;
	[sflag:s26] =	ssyncadd.s32 $0xFFFFC000  }
0x62: {  	[spmem:s1] =	stream.indirect.scatter.add.f32 [tilespmem:s24], [sflag:$0x4], $0x80, s11, s23, $0xb8;
	[tilespmem:$0x1E800] =	vst v63  }
0x63: {  	_ =	swait.ge [sflag:s28], $0x4000  }
0x64: {  	[sflag:s28] =	ssyncset.done $0x0  }
.Ltmp1:
0x65: {  	s11 =	sadd.s32 $0x100, s10;
	[sflag:s28] =	ssyncadd.s32 $0xFFFFC000;
	(pc) =	sbr.rel @p0 .LBB2_4-.Ltmp1, $4  }
0x66: {  	[tilespmem:s20], [sflag:$0x1] =	stream.indirect.gather [hbm4b:s4+s23], $0x80, s11, s23, $0xb8;
	[tilespmem:$0x1E800] =	vst v63  }
0x67: {  	_ =	swait.ge [sflag:s29], $0x4000  }
0x68: {  	[sflag:s29] =	ssyncset.done $0x0  }
0x69: {  	s10 =	sadd.s32 $0x180, s10;
	[sflag:s29] =	ssyncadd.s32 $0xFFFFC000  }
0x6a: {  	[tilespmem:s24], [sflag:$0x2] =	stream.indirect.gather [hbm4b:s4+s23], $0x80, s10, s23, $0xb8;
	[tilespmem:$0x1E800] =	vst v63  }
0x6b: {  	_ =	swait.ge [sflag:s25], $0x4000  }
0x6c: {  	[sflag:s25] =	ssyncset.done $0x0  }
0x6d: {  	[sflag:s25] =	ssyncadd.s32 $0xFFFFC000  }
0x6e: {  	[spmem:s1] =	stream.indirect.scatter.add.f32 [tilespmem:s20], [sflag:$0x3], $0x80, s30, s23, $0xb8;
	[tilespmem:$0x1E800] =	vst v63  }
0x6f: {  	_ =	swait.ge [sflag:s26], $0x4000  }
0x70: {  	[sflag:s26] =	ssyncset.done $0x0  }
0x71: {  	[sflag:s26] =	ssyncadd.s32 $0xFFFFC000  }
0x72: {  	[spmem:s1] =	stream.indirect.scatter.add.f32 [tilespmem:s24], [sflag:$0x4], $0x80, s31, s23, $0xb8;
	[tilespmem:$0x1E800] =	vst v63  }
0x73: {  	_ =	swait.ge [sflag:s28], $0x4000  }
0x74: {  	[sflag:s28] =	ssyncset.done $0x0  }
0x75: {  	[sflag:s28] =	ssyncadd.s32 $0xFFFFC000  }
0x76: {  	_ =	swait.ge [sflag:s29], $0x4000  }
0x77: {  	[sflag:s29] =	ssyncset.done $0x0  }
0x78: {  	s2 =	simm.s32 $0x0;
	[sflag:s29] =	ssyncadd.s32 $0xFFFFC000  }
0x79: {  	[tilespmem:s2], [sflag:$0x5] =	stream.linear.gather [hbm4b:s12+s2], $0x1400, $0x38;
	[tilespmem:$0x1E800] =	vst v63  }
0x7a: {  	_ =	swait.ge [sflag:s21], $0x1400  }
0x7b: {  	[sflag:s21] =	ssyncset.done $0x0  }
0x7c: {  	[sflag:s21] =	ssyncadd.s32 $0xFFFFEC00  }
0x7d: {  	[tilespmem:s22], [sflag:$0x5] =	stream.linear.gather [hbm4b:s13+s2], $0x1400, $0x38;
	[tilespmem:$0x1E800] =	vst v63  }
0x7e: {  	_ =	swait.ge [sflag:s21], $0x1400  }
0x7f: {  	[sflag:s21] =	ssyncset.done $0x0  }
0x80: {  	[sflag:s21] =	ssyncadd.s32 $0xFFFFEC00  }
0x81: {  	[tilespmem:s20], [sflag:$0x1] =	stream.indirect.gather [hbm4b:s4+s23], $0x80, s2, s23, $0xb8;
	[tilespmem:$0x1E800] =	vst v63  }
0x82: {  	_ = 	snop  }
0x83: {  	[tilespmem:s24], [sflag:$0x2] =	stream.indirect.gather [hbm4b:s4+s23], $0x80, s23, s23, $0xb8;
	[tilespmem:$0x1E800] =	vst v63  }
0x84: {  	_ =	swait.ge [sflag:s25], $0x4000  }
0x85: {  	[sflag:s25] =	ssyncset.done $0x0  }
0x86: {  	s11 =	simm.s32 $0x1400;
	[sflag:s25] =	ssyncadd.s32 $0xFFFFC000  }
0x87: {  	[spmem:s1] =	stream.indirect.scatter.add.f32 [tilespmem:s20], [sflag:$0x3], $0x80, s11, s23, $0xb8;
	[tilespmem:$0x1E800] =	vst v63  }
0x88: {  	_ =	swait.ge [sflag:s26], $0x4000  }
0x89: {  	[sflag:s26] =	ssyncset.done $0x0  }
0x8a: {  	s10 =	simm.s32 $0x1480;
	[sflag:s26] =	ssyncadd.s32 $0xFFFFC000  }
0x8b: {  	[spmem:s1] =	stream.indirect.scatter.add.f32 [tilespmem:s24], [sflag:$0x4], $0x80, s10, s23, $0xb8;
	[tilespmem:$0x1E800] =	vst v63  }
0x8c: {  	_ =	swait.ge [sflag:s28], $0x4000  }
0x8d: {  	[sflag:s28] =	ssyncset.done $0x0  }
0x8e: {  	s11 =	simm.s32 $0x100;
	[sflag:s28] =	ssyncadd.s32 $0xFFFFC000  }
0x8f: {  	[tilespmem:s20], [sflag:$0x1] =	stream.indirect.gather [hbm4b:s4+s23], $0x80, s11, s23, $0xb8;
	[tilespmem:$0x1E800] =	vst v63  }
0x90: {  	_ =	swait.ge [sflag:s29], $0x4000  }
0x91: {  	[sflag:s29] =	ssyncset.done $0x0  }
0x92: {  	s2 =	simm.s32 $0x400;
	s10 =	simm.s32 $0x180;
	[sflag:s29] =	ssyncadd.s32 $0xFFFFC000  }
.LBB2_6:
0x93: {  	[tilespmem:s24], [sflag:$0x2] =	stream.indirect.gather [hbm4b:s4+s23], $0x80, s10, s23, $0xb8;
	[tilespmem:$0x1E800] =	vst v63  }
0x94: {  	s10 =	smov.u32 s2  }
0x95: {  	p0 =	sne.s32 s2, $0x4800;
	s2 =	sadd.s32 $0x400, s2;
	_ =	swait.ge [sflag:s25], $0x4000  }
0x96: {  	s10 =	sshra.s32 s10, $0x2;
	[sflag:s25] =	ssyncset.done $0x0  }
0x97: {  	s11 =	sadd.s32 $0x1400, s10;
	[sflag:s25] =	ssyncadd.s32 $0xFFFFC000  }
0x98: {  	[spmem:s1] =	stream.indirect.scatter.add.f32 [tilespmem:s20], [sflag:$0x3], $0x80, s11, s23, $0xb8;
	[tilespmem:$0x1E800] =	vst v63  }
0x99: {  	_ =	swait.ge [sflag:s26], $0x4000  }
0x9a: {  	[sflag:s26] =	ssyncset.done $0x0  }
0x9b: {  	s11 =	sadd.s32 $0x1480, s10;
	[sflag:s26] =	ssyncadd.s32 $0xFFFFC000  }
0x9c: {  	[spmem:s1] =	stream.indirect.scatter.add.f32 [tilespmem:s24], [sflag:$0x4], $0x80, s11, s23, $0xb8;
	[tilespmem:$0x1E800] =	vst v63  }
0x9d: {  	_ =	swait.ge [sflag:s28], $0x4000  }
0x9e: {  	[sflag:s28] =	ssyncset.done $0x0  }
.Ltmp2:
0x9f: {  	s11 =	sadd.s32 $0x100, s10;
	[sflag:s28] =	ssyncadd.s32 $0xFFFFC000;
	(pc) =	sbr.rel @p0 .LBB2_6-.Ltmp2, $4  }
0xa0: {  	[tilespmem:s20], [sflag:$0x1] =	stream.indirect.gather [hbm4b:s4+s23], $0x80, s11, s23, $0xb8;
	[tilespmem:$0x1E800] =	vst v63  }
0xa1: {  	_ =	swait.ge [sflag:s29], $0x4000  }
0xa2: {  	[sflag:s29] =	ssyncset.done $0x0  }
0xa3: {  	s10 =	sadd.s32 $0x180, s10;
	[sflag:s29] =	ssyncadd.s32 $0xFFFFC000  }
0xa4: {  	[tilespmem:s24], [sflag:$0x2] =	stream.indirect.gather [hbm4b:s4+s23], $0x80, s10, s23, $0xb8;
	[tilespmem:$0x1E800] =	vst v63  }
0xa5: {  	_ =	swait.ge [sflag:s25], $0x4000  }
0xa6: {  	[sflag:s25] =	ssyncset.done $0x0  }
0xa7: {  	[sflag:s25] =	ssyncadd.s32 $0xFFFFC000  }
0xa8: {  	[spmem:s1] =	stream.indirect.scatter.add.f32 [tilespmem:s20], [sflag:$0x3], $0x80, s30, s23, $0xb8;
	[tilespmem:$0x1E800] =	vst v63  }
0xa9: {  	_ =	swait.ge [sflag:s26], $0x4000  }
0xaa: {  	[sflag:s26] =	ssyncset.done $0x0  }
0xab: {  	[sflag:s26] =	ssyncadd.s32 $0xFFFFC000  }
0xac: {  	[spmem:s1] =	stream.indirect.scatter.add.f32 [tilespmem:s24], [sflag:$0x4], $0x80, s31, s23, $0xb8;
	[tilespmem:$0x1E800] =	vst v63  }
0xad: {  	_ =	swait.ge [sflag:s28], $0x4000  }
0xae: {  	[sflag:s28] =	ssyncset.done $0x0  }
0xaf: {  	[sflag:s28] =	ssyncadd.s32 $0xFFFFC000  }
0xb0: {  	_ =	swait.ge [sflag:s29], $0x4000  }
0xb1: {  	[sflag:s29] =	ssyncset.done $0x0  }
0xb2: {  	[sflag:s29] =	ssyncadd.s32 $0xFFFFC000  }
0xb3: {  	[bflag:$0x0] =	sbarrier.arrive $0xFFFF  }
0xb4: {  	[tilespmem:s20], [sflag:$0x1] =	stream.linear.gather [spmem:s5], $0x4000, $0x38;
	[tilespmem:$0x1E800] =	vst v63  }
0xb5: {  	_ =	swait.ge [sflag:s25], $0x4000  }
0xb6: {  	[sflag:s25] =	ssyncset.done $0x0  }
0xb7: {  	[sflag:s25] =	ssyncadd.s32 $0xFFFFC000  }
0xb8: {  	[hbm4b:s14+s3] =	stream.linear.scatter [tilespmem:s20], [sflag:$0x3], $0x4000, $0x38;
	[tilespmem:$0x1E800] =	vst v63  }
0xb9: {  	_ = 	snop  }
0xba: {  	[tilespmem:s24], [sflag:$0x2] =	stream.linear.gather [spmem:s6], $0x4000, $0x38;
	[tilespmem:$0x1E800] =	vst v63  }
0xbb: {  	_ =	swait.ge [sflag:s26], $0x4000  }
0xbc: {  	[sflag:s26] =	ssyncset.done $0x0  }
0xbd: {  	[sflag:s26] =	ssyncadd.s32 $0xFFFFC000  }
0xbe: {  	[hbm4b:s15+s3] =	stream.linear.scatter [tilespmem:s24], [sflag:$0x4], $0x4000, $0x38;
	[tilespmem:$0x1E800] =	vst v63  }
0xbf: {  	_ =	swait.ge [sflag:s28], $0x4000  }
0xc0: {  	[sflag:s28] =	ssyncset.done $0x0  }
0xc1: {  	[sflag:s28] =	ssyncadd.s32 $0xFFFFC000  }
0xc2: {  	[tilespmem:s20], [sflag:$0x1] =	stream.linear.gather [spmem:s7], $0x4000, $0x38;
	[tilespmem:$0x1E800] =	vst v63  }
0xc3: {  	_ =	swait.ge [sflag:s25], $0x4000  }
0xc4: {  	[sflag:s25] =	ssyncset.done $0x0  }
0xc5: {  	[sflag:s25] =	ssyncadd.s32 $0xFFFFC000  }
0xc6: {  	[hbm4b:s16+s3] =	stream.linear.scatter [tilespmem:s20], [sflag:$0x3], $0x4000, $0x38;
	[tilespmem:$0x1E800] =	vst v63  }
0xc7: {  	_ =	swait.ge [sflag:s29], $0x4000  }
0xc8: {  	[sflag:s29] =	ssyncset.done $0x0  }
0xc9: {  	[sflag:s29] =	ssyncadd.s32 $0xFFFFC000  }
0xca: {  	[tilespmem:s24], [sflag:$0x2] =	stream.linear.gather [spmem:s8], $0x4000, $0x38;
	[tilespmem:$0x1E800] =	vst v63  }
0xcb: {  	_ =	swait.ge [sflag:s26], $0x4000  }
0xcc: {  	[sflag:s26] =	ssyncset.done $0x0  }
0xcd: {  	[sflag:s26] =	ssyncadd.s32 $0xFFFFC000  }
0xce: {  	[hbm4b:s17+s3] =	stream.linear.scatter [tilespmem:s24], [sflag:$0x4], $0x4000, $0x38;
	[tilespmem:$0x1E800] =	vst v63  }
0xcf: {  	_ =	swait.ge [sflag:s28], $0x4000  }
0xd0: {  	[sflag:s28] =	ssyncset.done $0x0  }
0xd1: {  	[sflag:s28] =	ssyncadd.s32 $0xFFFFC000  }
0xd2: {  	[tilespmem:s20], [sflag:$0x1] =	stream.linear.gather [spmem:s9], $0x4000, $0x38;
	[tilespmem:$0x1E800] =	vst v63  }
0xd3: {  	_ =	swait.ge [sflag:s25], $0x4000  }
0xd4: {  	[sflag:s25] =	ssyncset.done $0x0  }
0xd5: {  	s0 =	sadd.s32 $0x1, s0;
	[sflag:s25] =	ssyncadd.s32 $0xFFFFC000  }
0xd6: {  	[hbm4b:s18+s3] =	stream.linear.scatter [tilespmem:s20], [sflag:$0x3], $0x4000, $0x38;
	[tilespmem:$0x1E800] =	vst v63  }
0xd7: {  	p0 =	sne.s32 s0, s19;
	_ =	swait.ge [sflag:s29], $0x4000  }
.Ltmp3:
0xd8: {  	[sflag:s29] =	ssyncset.done $0x0;
	(pc) =	sbr.rel @p0 .LBB2_1-.Ltmp3, $4  }
0xd9: {  	[sflag:s29] =	ssyncadd.s32 $0xFFFFC000  }
0xda: {  	_ =	swait.ge [sflag:s28], $0x4000  }
0xdb: {  	[sflag:s28] =	ssyncset.done $0x0  }
0xdc: {  	[sflag:s28] =	ssyncadd.s32 $0xFFFFC000  }
0xdd: {  	_ =	sfence.sel $0x180000  }
0xde: {  	[bflag:$0x0] =	sbarrier.arrive $0xFFFF  }
0xdf: {  	_ =	strace $0x9000004A  }
0xe0: {  	s0 =	stileid.u32;
	[bflag:$0x2] =	sbarrier.arrive $0xFFFF  }
0xe1: {  	p0 =	sne.s32 s0, $0x0;
	s0 =	rddreg [dreg:$0x2]  }
0xe2: {  	s0 =	sadd.s32 @!p0 $0x100000, s0  }
0xe3: {  	[sflag:s0] =	ssyncadd.tile.s32 @!p0 $0x1;
	_ =	shalt  }
.Lfunc_end2:
_tile_overlayer_lowered:
.L_overlay_start_2:
0xe4: {  	(tag) =	ssettag $0x2  }
0xe5: {  	s0 =	rddreg [dreg:$0x0];
	s2 =	stileid.u32  }
0xe6: {  	s1 =	rddreg [dreg:$0x1];
	p0 =	sne.s32 s2, $0x0  }
0xe7: {  	s3 =	rddreg [dreg:$0x2];
	[bflag:$0x3] =	sbarrier.arrive $0xFFFF;
	s2 =	simm.s32 @!p0 $0x1C05  }
0xe8: {  	[timem:s3], [sflag:s2] =	dma.local @!p0 [hbm:s0], s1  }
0xe9: {  	s0 =	simm.s32 @!p0 $0x5  }
0xea: {  	_ =	swait.ge @!p0 [sflag:s0], s1  }
0xeb: {  	s1 =	ssub.s32 @!p0 $0x0, s1;
	[sflag:s0] =	ssyncset.done @!p0 $0x0  }
0xec: {  	[sflag:s0] =	ssyncadd.s32 @!p0 s1  }
0xed: {  	[bflag:$0x3] =	sbarrier.arrive $0xFFFF  }
0xee: {  	_ =	shalt  }

// kernel: kernel.14.cloned.1.call-start
scs
__scs_entry_jumppad:
0x0: {  	(pc) =	sbr.rel $0x88, $3  }
0x1: {  	(tag) =	ssettag $0x0;
	lr =	simm.s32 $0x1  }
0x2: {  	[smem:$0x3F93] =	sst lr;
	_ =	strace $0xD0000000  }
0x3: {  	_ = 	snop  }
0x4: {  	_ = 	snop  }
0x5: {  	_ = 	snop  }
0x6: {  	_ = 	snop  }
0x7: {  	_ = 	snop  }
__scs_overlays_trampoline_lowered:
0x8: {  	[smem:$0x3FA2] =	sst s0  }
0x9: {  	[smem:$0x3FA3] =	sst s1  }
0xa: {  	[smem:$0x3FA4] =	sst s2  }
0xb: {  	[smem:$0x3FA5] =	sst s3  }
0xc: {  	[smem:$0x3FA6] =	sst s4  }
0xd: {  	[smem:$0x3FA7] =	sst s5  }
0xe: {  	[smem:$0x3FA8] =	sst s6  }
0xf: {  	[smem:$0x3FA9] =	sst s7  }
0x10: {  	[smem:$0x3FAA] =	sst s8  }
0x11: {  	[smem:$0x3FAB] =	sst s9;
	s0 =	simm.s32 @!p0 $0x0  }
0x12: {  	s1 =	sld [smem:$0x3F91];
	s0 =	simm.s32 @p0 $0x1  }
0x13: {  	[smem:$0x3FAC] =	sst s0;
	s0 =	simm.s32 @!p1 $0x0  }
0x14: {  	s2 =	sld [smem:$0x3F90];
	s0 =	simm.s32 @p1 $0x1  }
0x15: {  	[smem:$0x3FAD] =	sst s0;
	s0 =	simm.s32 @!p2 $0x0  }
0x16: {  	s3 =	sld [smem:$0x3FDB];
	s0 =	simm.s32 @p2 $0x1  }
0x17: {  	s4 =	simm.s32 $0x1BF5;
	[smem:$0x3FAF] =	sst s0  }
0x18: {  	s0 =	sld [smem:$0x3F92];
	_ =	swait.ge [sflag:s4], $0x0  }
0x19: {  	s7 =	sld [smem:$0x3F93]  }
0x1a: {  	s8 =	sadd.s32 $0xFFFFE003, lr  }
0x1b: {  	s9 =	sadd.s32 $0xFFFFFEF7, lr;
	s5 =	simm.s32 $0xFFFFFFFF;
	p2 =	slt.u32 s8, $0xFFFFF086  }
0x1c: {  	p1 =	slt.u32 s9, $0xF7A;
	s5 =	simm.s32 @!p2 $0x0  }
0x1d: {  	s5 =	simm.s32 @p1 $0x1;
	p0 =	seq.s32 s7, s2  }
0x1e: {  	s7 =	smul.u32 @!p0 $0xF7A, s2;
	p2 =	seq.s32 @!p0 s5, $0x0  }
0x1f: {  	s9 =	smul.u32 $0xF7A, s1;
	s8 =	simm.s32 @!p0 $0x1BF5;
	p2 =	por !p2, p0  }
0x20: {  	[sflag:s8] =	ssyncset.s32 @!p0 $0xFFFFF086;
	s6 =	sadd.s32 @!p0 s3, s7;
	s7 =	simm.s32 @!p0 $0x108  }
0x21: {  	s3 =	sadd.s32 s3, s9;
	s6 =	sadd.s32 @!p0 $0x88, s6;
	s7 =	simm.s32 @p2 $0x1082  }
0x22: {  	[simem:s7], [sflag:s8] =	dma.local @!p0 [hbm:s6], $0xF7A  }
0x23: {  	s9 =	sor.u32 $0xD0000000, s2;
	s6 =	simm.s32 $0x108;
	_ =	swait.ge @!p0 [sflag:s8], $0x0  }
0x24: {  	s3 =	sadd.s32 $0x88, s3;
	s6 =	simm.s32 @!p1 $0x1082;
	[sflag:s4] =	ssyncset.s32 $0xFFFFF086  }
0x25: {  	[simem:s6], [sflag:s4] =	dma.local [hbm:s3], $0xF7A  }
0x26: {  	[smem:$0x3F93] =	sst s1;
	(tag) =	ssettag s2;
	_ =	strace s9  }
0x27: {  	s1 =	sld [smem:$0x3FA3]  }
0x28: {  	s2 =	sld [smem:$0x3FA4]  }
0x29: {  	s4 =	sld [smem:$0x3FA6]  }
0x2a: {  	p0 =	seq.s32 s5, $0x0;
	s5 =	sld [smem:$0x3FA7]  }
0x2b: {  	s6 =	sld [smem:$0x3FA8]  }
0x2c: {  	s7 =	sld [smem:$0x3FA9]  }
0x2d: {  	s3 =	simm.s32 $0x108;
	s8 =	sld [smem:$0x3FAA]  }
0x2e: {  	s3 =	simm.s32 @!p0 $0x1082;
	s9 =	sld [smem:$0x3FAB]  }
0x2f: {  	lr =	sadd.s32 s0, s3;
	s0 =	sld [smem:$0x3FA2]  }
0x30: {  	s3 =	sld [smem:$0x3FA5]  }
0x31: {  	[smem:$0x3FAE] =	sst s10  }
0x32: {  	s10 =	sld [smem:$0x3FAC];
	_ =	sdelay $0x3  }
0x33: {  	p0 =	seq.s32 s10, $0x1;
	s10 =	sld [smem:$0x3FAE];
	_ =	sdelay $0x3  }
0x34: {  	[smem:$0x3FAE] =	sst s10  }
0x35: {  	s10 =	sld [smem:$0x3FAD];
	_ =	sdelay $0x3  }
0x36: {  	p1 =	seq.s32 s10, $0x1;
	s10 =	sld [smem:$0x3FAE];
	_ =	sdelay $0x3  }
0x37: {  	[smem:$0x3FAE] =	sst s10  }
0x38: {  	s10 =	sld [smem:$0x3FAF]  }
0x39: {  	_ = 	snop;
	(pc) =	sbr.ind lr, $3  }
0x3a: {  	_ = 	snop  }
0x3b: {  	_ = 	snop  }
0x3c: {  	p2 =	seq.s32 s10, $0x1;
	s10 =	sld [smem:$0x3FAE]  }
0x3d: {  	_ =	shalt  }
0x3e: {  	_ =	shalt  }
0x3f: {  	_ =	shalt  }
0x40: {  	_ =	shalt  }
0x41: {  	_ =	shalt  }
0x42: {  	_ =	shalt  }
0x43: {  	_ =	shalt  }
0x44: {  	_ =	shalt  }
0x45: {  	_ =	shalt  }
0x46: {  	_ =	shalt  }
0x47: {  	_ =	shalt  }
0x48: {  	_ =	shalt  }
0x49: {  	_ =	shalt  }
0x4a: {  	_ =	shalt  }
0x4b: {  	_ =	shalt  }
0x4c: {  	_ =	shalt  }
0x4d: {  	_ =	shalt  }
0x4e: {  	_ =	shalt  }
0x4f: {  	_ =	shalt  }
0x50: {  	_ =	shalt  }
0x51: {  	_ =	shalt  }
0x52: {  	_ =	shalt  }
0x53: {  	_ =	shalt  }
0x54: {  	_ =	shalt  }
0x55: {  	_ =	shalt  }
0x56: {  	_ =	shalt  }
0x57: {  	_ =	shalt  }
0x58: {  	_ =	shalt  }
0x59: {  	_ =	shalt  }
0x5a: {  	_ =	shalt  }
0x5b: {  	_ =	shalt  }
0x5c: {  	_ =	shalt  }
0x5d: {  	_ =	shalt  }
0x5e: {  	_ =	shalt  }
0x5f: {  	_ =	shalt  }
0x60: {  	_ =	shalt  }
0x61: {  	_ =	shalt  }
0x62: {  	_ =	shalt  }
0x63: {  	_ =	shalt  }
0x64: {  	_ =	shalt  }
0x65: {  	_ =	shalt  }
0x66: {  	_ =	shalt  }
0x67: {  	_ =	shalt  }
0x68: {  	_ =	shalt  }
0x69: {  	_ =	shalt  }
0x6a: {  	_ =	shalt  }
0x6b: {  	_ =	shalt  }
0x6c: {  	_ =	shalt  }
0x6d: {  	_ =	shalt  }
0x6e: {  	_ =	shalt  }
0x6f: {  	_ =	shalt  }
0x70: {  	_ =	shalt  }
0x71: {  	_ =	shalt  }
0x72: {  	_ =	shalt  }
0x73: {  	_ =	shalt  }
0x74: {  	_ =	shalt  }
0x75: {  	_ =	shalt  }
0x76: {  	_ =	shalt  }
0x77: {  	_ =	shalt  }
0x78: {  	_ =	shalt  }
0x79: {  	_ =	shalt  }
0x7a: {  	_ =	shalt  }
0x7b: {  	_ =	shalt  }
0x7c: {  	_ =	shalt  }
0x7d: {  	_ =	shalt  }
0x7e: {  	_ =	shalt  }
0x7f: {  	_ =	shalt  }
0x80: {  	_ =	shalt  }
0x81: {  	_ =	shalt  }
0x82: {  	_ =	shalt  }
0x83: {  	_ =	shalt  }
0x84: {  	_ =	shalt  }
0x85: {  	_ =	shalt  }
0x86: {  	_ =	shalt  }
0x87: {  	_ =	shalt  }
.Lfunc_end0:
.L_simem_size_0:
called_computation.2_lowered:
.L_overlay_start_0:
0x88: {  	s2 =	sld [smem:$0x3FD9]  }
0x89: {  	s3 =	sld [smem:$0x3FFE];
	_ =	sdelay $0x1  }
0x8a: {  	s1 =	srdreg.scid  }
0x8b: {  	s0 =	sand.u32 $0x1, s1  }
0x8c: {  	s16 =	sshll.u32 s0, $0xA;
	s2 =	sadd.s32 s3, s2  }
0x8d: {  	s2 =	sadd.s32 s2, s16  }
0x8e: {  	[smem:$0x3FBA] =	sst s2  }
0x8f: {  	_ = 	snop  }
0x90: {  	(tm) =	ssettm $0x1  }
0x91: {  	s17 =	sld [smem:$0x3FFB];
	_ =	sdelay $0x3  }
0x92: {  	_ =	strace s17  }
0x93: {  	s2 =	sld [smem:$0x3FFC];
	_ =	sdelay $0x3  }
0x94: {  	_ =	strace s2  }
0x95: {  	s2 =	sld [smem:$0x3FFD];
	_ =	sdelay $0x3  }
0x96: {  	_ =	strace s2  }
0x97: {  	_ =	strace $0x8FFFFFFF  }
0x98: {  	s18 =	sld [smem:$0x3FDB];
	_ =	sdelay $0x1  }
0x99: {  	s19 =	simm.s32 $_scs_section_size  }
0x9a: {  	s4 =	simm.s32 $_size__tile_overlayer_lowered;
	s5 =	simm.s32 $_tile_overlayer_lowered  }
0x9b: {  	s22 =	simm.s32 $0x1BFF;
	s21 =	sshll.u32 s5, $0x1;
	s2 =	sadd.s32 s19, s18  }
0x9c: {  	s6 =	simm.s32 $0x0;
	s20 =	sshll.u32 s4, $0x1;
	s4 =	sadd.s32 s21, s2  }
0x9d: {  	[timem:s6], [sflag:s22] =	dma.local [hbm:s4], s20  }
0x9e: {  	_ =	swait.ge [sflag:s22], s20  }
0x9f: {  	s3 =	ssub.s32 $0x0, s20;
	[sflag:s22] =	ssyncset.done $0x0  }
0xa0: {  	[sflag:s22] =	ssyncadd.s32 s3;
	_ =	sdelay $0x1  }
0xa1: {  	s23 =	simm.s32 $0x1B8B  }
0xa2: {  	_ =	swait.ge [sflag:s23], $0x1  }
0xa3: {  	[sflag:s23] =	ssyncset.done $0x0  }
0xa4: {  	s25 =	simm.s32 $0x1B8E;
	s24 =	sld [smem:$0x3FFE];
	[sflag:s23] =	ssyncadd.s32 $0xFFFFFFFF  }
0xa5: {  	s26 =	simm.s32 $execute0_lowered;
	[smem:$0x3FD2] =	sst s25  }
0xa6: {  	s4 =	sshll.u32 s26, $0x1;
	_ =	strace $0x8000004C;
	[dreg:$0x1] =	wrdreg $0xFFFFFFFF  }
0xa7: {  	s28 =	simm.s32 $_size_execute0_lowered;
	s2 =	sadd.s32 s2, s4;
	[dreg:$0x0] =	wrdreg $0x0  }
0xa8: {  	s4 =	sshll.u32 s28, $0x1;
	[dreg:$0x2] =	wrdreg s2  }
0xa9: {  	[dreg:$0x3] =	wrdreg s4  }
0xaa: {  	[dreg:$0x4] =	wrdreg $0xC0  }
0xab: {  	_ =	task [dreg:s6], $0x5FFFF  }
0xac: {  	[dreg:$0x1] =	wrdreg $0xFFFFFFFF  }
0xad: {  	[dreg:$0x0] =	wrdreg $0x60  }
0xae: {  	[dreg:$0x2] =	wrdreg s24  }
0xaf: {  	[dreg:$0x3] =	wrdreg $0xA8000  }
0xb0: {  	[dreg:$0x4] =	wrdreg $0x9  }
0xb1: {  	_ =	task.clear_ibuf [dreg:s6], $0x5FFFF;
	_ =	strace $0x9000004C  }
0xb2: {  	s29 =	simm.s32 $0x9;
	_ =	strace $0x8000004E  }
0xb3: {  	_ =	swait.ge [sflag:s29], $0x1  }
0xb4: {  	[sflag:s29] =	ssyncadd.s32 $0xFFFFFFFF  }
0xb5: {  	_ =	strace $0x9000004E  }
0xb6: {  	_ =	sfence  }
0xb7: {  	s30 =	sld [smem:$0x0];
	_ =	sdelay $0x2  }
0xb8: {  	s31 =	sshll.u32 s1, $0xD;
	s1 =	sshrl.u32 s1, $0x2  }
0xb9: {  	s3 =	sand.u32 $0x4000, s31;
	s1 =	sadd.s32 s1, s30  }
0xba: {  	s0 =	sor.u32 s3, s0;
	s1 =	sshll.u32 s1, $0x11  }
0xbb: {  	s0 =	sor.u32 s1, s0  }
0xbc: {  	s0 =	sadd.s32 $0x8F2B, s0  }
0xbd: {  	[sflag:s0] =	ssyncadd.remote.s32 $0x1  }
0xbe: {  	_ =	sfence.sel $0xFFFF  }
0xbf: {  	[dreg:$0x0] =	wrdreg $0xFFFFFFFF;
	(pc) =	sbr.abs _section_cstart, $3  }
0xc0: {  	[dreg:$0x1] =	wrdreg $0xFFFFFFFF  }
0xc1: {  	_ =	task.clear_ibuf [dreg:s6], $0x2FFFF;
	_ =	strace $0x9FFFFFFF  }
0xc2: {  	(tm) =	ssettm $0x7FFFFFFF  }
0xc3: {  	_ =	shalt  }
tec
execute0_lowered:
.L_overlay_start_1:
0x0: {  	(tag) =	ssettag $0x1  }
0x1: {  	s0 =	rddreg [dreg:$0x0]  }
0x2: {  	s1 =	rddreg [dreg:$0x1];
	s3 =	simm.s32 $0x0;
	s2 =	srdreg.scid  }
0x3: {  	s8 =	stileid.u32;
	s28 =	simm.s32 $0x3;
	s29 =	simm.s32 $0x4  }
0x4: {  	s30 =	simm.s32 $0x2700;
	s31 =	simm.s32 $0x2780;
	[smem:$0x7FF] =	sst s3  }
0x5: {  	s2 =	sand.u32 $0x1, s2;
	s4 =	sadd.s32 $0x4200, s0;
	s6 =	smul.u32 $0x50000, s8  }
0x6: {  	s10 =	sadd.s32 $0x36200, s0;
	s13 =	smul.u32 $0x14000, s8;
	s14 =	sadd.s32 $0x2C200, s0  }
0x7: {  	s0 =	sadd.s32 $0x40200, s0;
	_ =	strace $0x8000004D;
	s5 =	ssub.s32 $0x2, s2  }
0x8: {  	s21 =	sshll.u32 s2, $0x4;
	s2 =	smul.u32 $0x140000, s2;
	s7 =	sshrl.u32 s5, $0x1  }
0x9: {  	s6 =	sshrl.u32 s6, $0x2;
	s15 =	sadd.s32 $0x4000, s13;
	s22 =	sor.u32 s8, s21  }
0xa: {  	s16 =	sadd.s32 $0x8000, s13;
	s17 =	sadd.s32 $0xC000, s13;
	s18 =	sadd.s32 $0x10000, s13  }
0xb: {  	s21 =	simm.s32 $0x5;
	s19 =	ssub.s32 s5, s7;
	s5 =	sadd.s32 s6, s1  }
0xc: {  	s6 =	sadd.s32 s15, s1;
	s11 =	smul.u32 $0x2800, s22;
	s7 =	sadd.s32 s16, s1  }
0xd: {  	s8 =	sadd.s32 s17, s1;
	s9 =	sadd.s32 s18, s1;
	s24 =	sadd.s32 s13, s2  }
0xe: {  	s15 =	sadd.s32 s2, s15;
	s25 =	sadd.s32 s2, s16;
	s17 =	sadd.s32 s2, s17  }
0xf: {  	s2 =	sadd.s32 s2, s18;
	s22 =	simm.s32 $0x1400;
	s15 =	sshrl.u32 s15, $0x3  }
0x10: {  	s26 =	sshrl.u32 s17, $0x3;
	s2 =	sshrl.u32 s2, $0x3;
	s19 =	smax.u32 s19, $0x1  }
0x11: {  	s12 =	sshrl.u32 s11, $0x3;
	s15 =	sadd.s32 s0, s15;
	s17 =	sadd.s32 s0, s26  }
0x12: {  	s18 =	sadd.s32 s0, s2;
	s26 =	simm.s32 $0x2;
	s11 =	sadd.s32 s10, s12  }
0x13: {  	s23 =	sadd.s32 s14, s12;
	s20 =	sadd.s32 $0x280, s12;
	[dreg:$0x3] =	wrdreg s11  }
0x14: {  	[dreg:$0x4] =	wrdreg s23;
	s12 =	sadd.s32 s10, s20;
	s13 =	sadd.s32 s14, s20  }
0x15: {  	s10 =	sshrl.u32 s24, $0x3;
	s20 =	simm.s32 $0x2800;
	s23 =	simm.s32 $0x80  }
0x16: {  	s24 =	simm.s32 $0x6800;
	s14 =	sadd.s32 s0, s10;
	s10 =	sshrl.u32 s25, $0x3  }
0x17: {  	v0 =	vimm.f32 $0.0e+00;
	s25 =	simm.s32 $0x1;
	s16 =	sadd.s32 s0, s10;
	s0 =	simm.s32 $0x0  }
.LBB2_1:
0x18: {  	s2 =	simm.s32 $0x0;
	s10 =	simm.s32 $0x200  }
.LBB2_2:
0x19: {  	p0 =	sne.s32 s10, $0xFE00;
	[tilespmem:s2+$0x2870] =	vst v0  }
0x1a: {  	[tilespmem:s2+$0x2800] =	vst v0  }
0x1b: {  	[tilespmem:s2+$0x2810] =	vst v0  }
.Ltmp0:
0x1c: {  	[tilespmem:s2+$0x2820] =	vst v0;
	(pc) =	sbr.rel @p0 .LBB2_2-.Ltmp0, $4  }
0x1d: {  	[tilespmem:s2+$0x2830] =	vst v0  }
0x1e: {  	[tilespmem:s2+$0x2840] =	vst v0  }
0x1f: {  	[tilespmem:s2+$0x2850] =	vst v0  }
0x20: {  	[tilespmem:s2+$0x2860] =	vst v0;
	s2 =	sshra.s32 s10, $0x2;
	s10 =	sadd.s32 $0x200, s10  }
0x21: {  	[tilespmem:s2+$0x2870] =	vst v0  }
0x22: {  	[tilespmem:s2+$0x2800] =	vst v0  }
0x23: {  	[tilespmem:s2+$0x2810] =	vst v0  }
0x24: {  	[tilespmem:s2+$0x2820] =	vst v0  }
0x25: {  	[tilespmem:s2+$0x2830] =	vst v0  }
0x26: {  	[tilespmem:s2+$0x2840] =	vst v0  }
0x27: {  	[tilespmem:s2+$0x2850] =	vst v0  }
0x28: {  	[tilespmem:s2+$0x2860] =	vst v0  }
0x29: {  	[spmem:s5] =	stream.linear.scatter [tilespmem:s20], [sflag:$0x5], $0x4000, $0x38;
	[tilespmem:$0x1E800] =	vst v63  }
0x2a: {  	_ =	swait.ge [sflag:s21], $0x4000  }
0x2b: {  	[sflag:s21] =	ssyncset.done $0x0  }
0x2c: {  	[sflag:s21] =	ssyncadd.s32 $0xFFFFC000  }
0x2d: {  	[spmem:s6] =	stream.linear.scatter [tilespmem:s20], [sflag:$0x5], $0x4000, $0x38;
	[tilespmem:$0x1E800] =	vst v63  }
0x2e: {  	_ =	swait.ge [sflag:s21], $0x4000  }
0x2f: {  	[sflag:s21] =	ssyncset.done $0x0  }
0x30: {  	[sflag:s21] =	ssyncadd.s32 $0xFFFFC000  }
0x31: {  	[spmem:s7] =	stream.linear.scatter [tilespmem:s20], [sflag:$0x5], $0x4000, $0x38;
	[tilespmem:$0x1E800] =	vst v63  }
0x32: {  	_ =	swait.ge [sflag:s21], $0x4000  }
0x33: {  	[sflag:s21] =	ssyncset.done $0x0  }
0x34: {  	[sflag:s21] =	ssyncadd.s32 $0xFFFFC000  }
0x35: {  	[spmem:s8] =	stream.linear.scatter [tilespmem:s20], [sflag:$0x5], $0x4000, $0x38;
	[tilespmem:$0x1E800] =	vst v63  }
0x36: {  	_ =	swait.ge [sflag:s21], $0x4000  }
0x37: {  	[sflag:s21] =	ssyncset.done $0x0  }
0x38: {  	[sflag:s21] =	ssyncadd.s32 $0xFFFFC000  }
0x39: {  	[spmem:s9] =	stream.linear.scatter [tilespmem:s20], [sflag:$0x5], $0x4000, $0x38;
	[tilespmem:$0x1E800] =	vst v63  }
0x3a: {  	_ =	swait.ge [sflag:s21], $0x4000  }
0x3b: {  	[sflag:s21] =	ssyncset.done $0x0  }
0x3c: {  	[sflag:s21] =	ssyncadd.s32 $0xFFFFC000  }
0x3d: {  	[bflag:$0x0] =	sbarrier.arrive $0xFFFF  }
0x3e: {  	s2 =	simm.s32 $0x0;
	s10 =	rddreg [dreg:$0x3]  }
0x3f: {  	[tilespmem:s2], [sflag:$0x5] =	stream.linear.gather [hbm4b:s10+s2], $0x1400, $0x38;
	[tilespmem:$0x1E800] =	vst v63  }
0x40: {  	_ =	swait.ge [sflag:s21], $0x1400  }
0x41: {  	[sflag:s21] =	ssyncset.done $0x0  }
0x42: {  	s11 =	rddreg [dreg:$0x4];
	[sflag:s21] =	ssyncadd.s32 $0xFFFFEC00  }
0x43: {  	[tilespmem:s22], [sflag:$0x5] =	stream.linear.gather [hbm4b:s11+s2], $0x1400, $0x38;
	[tilespmem:$0x1E800] =	vst v63  }
0x44: {  	_ =	swait.ge [sflag:s21], $0x1400  }
0x45: {  	[sflag:s21] =	ssyncset.done $0x0  }
0x46: {  	[sflag:s21] =	ssyncadd.s32 $0xFFFFEC00  }
0x47: {  	[tilespmem:s20], [sflag:$0x1] =	stream.indirect.gather [hbm4b:s4+s23], $0x80, s2, s23, $0xb8;
	[tilespmem:$0x1E800] =	vst v63  }
0x48: {  	_ = 	snop  }
0x49: {  	[tilespmem:s24], [sflag:$0x2] =	stream.indirect.gather [hbm4b:s4+s23], $0x80, s23, s23, $0xb8;
	[tilespmem:$0x1E800] =	vst v63  }
0x4a: {  	_ =	swait.ge [sflag:s25], $0x4000  }
0x4b: {  	[sflag:s25] =	ssyncset.done $0x0  }
0x4c: {  	s11 =	simm.s32 $0x1400;
	[sflag:s25] =	ssyncadd.s32 $0xFFFFC000  }
0x4d: {  	[spmem:s1] =	stream.indirect.scatter.add.f32 [tilespmem:s20], [sflag:$0x3], $0x80, s11, s23, $0xb8;
	[tilespmem:$0x1E800] =	vst v63  }
0x4e: {  	_ =	swait.ge [sflag:s26], $0x4000  }
0x4f: {  	[sflag:s26] =	ssyncset.done $0x0  }
0x50: {  	s10 =	simm.s32 $0x1480;
	[sflag:s26] =	ssyncadd.s32 $0xFFFFC000  }
0x51: {  	[spmem:s1] =	stream.indirect.scatter.add.f32 [tilespmem:s24], [sflag:$0x4], $0x80, s10, s23, $0xb8;
	[tilespmem:$0x1E800] =	vst v63  }
0x52: {  	_ =	swait.ge [sflag:s28], $0x4000  }
0x53: {  	[sflag:s28] =	ssyncset.done $0x0  }
0x54: {  	s11 =	simm.s32 $0x100;
	[sflag:s28] =	ssyncadd.s32 $0xFFFFC000  }
0x55: {  	[tilespmem:s20], [sflag:$0x1] =	stream.indirect.gather [hbm4b:s4+s23], $0x80, s11, s23, $0xb8;
	[tilespmem:$0x1E800] =	vst v63  }
0x56: {  	_ =	swait.ge [sflag:s29], $0x4000  }
0x57: {  	[sflag:s29] =	ssyncset.done $0x0  }
0x58: {  	s2 =	simm.s32 $0x400;
	s10 =	simm.s32 $0x180;
	[sflag:s29] =	ssyncadd.s32 $0xFFFFC000  }
.LBB2_4:
0x59: {  	[tilespmem:s24], [sflag:$0x2] =	stream.indirect.gather [hbm4b:s4+s23], $0x80, s10, s23, $0xb8;
	[tilespmem:$0x1E800] =	vst v63  }
0x5a: {  	s10 =	smov.u32 s2  }
0x5b: {  	p0 =	sne.s32 s2, $0x4800;
	s2 =	sadd.s32 $0x400, s2;
	_ =	swait.ge [sflag:s25], $0x4000  }
0x5c: {  	s10 =	sshra.s32 s10, $0x2;
	[sflag:s25] =	ssyncset.done $0x0  }
0x5d: {  	s11 =	sadd.s32 $0x1400, s10;
	[sflag:s25] =	ssyncadd.s32 $0xFFFFC000  }
0x5e: {  	[spmem:s1] =	stream.indirect.scatter.add.f32 [tilespmem:s20], [sflag:$0x3], $0x80, s11, s23, $0xb8;
	[tilespmem:$0x1E800] =	vst v63  }
0x5f: {  	_ =	swait.ge [sflag:s26], $0x4000  }
0x60: {  	[sflag:s26] =	ssyncset.done $0x0  }
0x61: {  	s11 =	sadd.s32 $0x1480, s10;
	[sflag:s26] =	ssyncadd.s32 $0xFFFFC000  }
0x62: {  	[spmem:s1] =	stream.indirect.scatter.add.f32 [tilespmem:s24], [sflag:$0x4], $0x80, s11, s23, $0xb8;
	[tilespmem:$0x1E800] =	vst v63  }
0x63: {  	_ =	swait.ge [sflag:s28], $0x4000  }
0x64: {  	[sflag:s28] =	ssyncset.done $0x0  }
.Ltmp1:
0x65: {  	s11 =	sadd.s32 $0x100, s10;
	[sflag:s28] =	ssyncadd.s32 $0xFFFFC000;
	(pc) =	sbr.rel @p0 .LBB2_4-.Ltmp1, $4  }
0x66: {  	[tilespmem:s20], [sflag:$0x1] =	stream.indirect.gather [hbm4b:s4+s23], $0x80, s11, s23, $0xb8;
	[tilespmem:$0x1E800] =	vst v63  }
0x67: {  	_ =	swait.ge [sflag:s29], $0x4000  }
0x68: {  	[sflag:s29] =	ssyncset.done $0x0  }
0x69: {  	s10 =	sadd.s32 $0x180, s10;
	[sflag:s29] =	ssyncadd.s32 $0xFFFFC000  }
0x6a: {  	[tilespmem:s24], [sflag:$0x2] =	stream.indirect.gather [hbm4b:s4+s23], $0x80, s10, s23, $0xb8;
	[tilespmem:$0x1E800] =	vst v63  }
0x6b: {  	_ =	swait.ge [sflag:s25], $0x4000  }
0x6c: {  	[sflag:s25] =	ssyncset.done $0x0  }
0x6d: {  	[sflag:s25] =	ssyncadd.s32 $0xFFFFC000  }
0x6e: {  	[spmem:s1] =	stream.indirect.scatter.add.f32 [tilespmem:s20], [sflag:$0x3], $0x80, s30, s23, $0xb8;
	[tilespmem:$0x1E800] =	vst v63  }
0x6f: {  	_ =	swait.ge [sflag:s26], $0x4000  }
0x70: {  	[sflag:s26] =	ssyncset.done $0x0  }
0x71: {  	[sflag:s26] =	ssyncadd.s32 $0xFFFFC000  }
0x72: {  	[spmem:s1] =	stream.indirect.scatter.add.f32 [tilespmem:s24], [sflag:$0x4], $0x80, s31, s23, $0xb8;
	[tilespmem:$0x1E800] =	vst v63  }
0x73: {  	_ =	swait.ge [sflag:s28], $0x4000  }
0x74: {  	[sflag:s28] =	ssyncset.done $0x0  }
0x75: {  	[sflag:s28] =	ssyncadd.s32 $0xFFFFC000  }
0x76: {  	_ =	swait.ge [sflag:s29], $0x4000  }
0x77: {  	[sflag:s29] =	ssyncset.done $0x0  }
0x78: {  	s2 =	simm.s32 $0x0;
	[sflag:s29] =	ssyncadd.s32 $0xFFFFC000  }
0x79: {  	[tilespmem:s2], [sflag:$0x5] =	stream.linear.gather [hbm4b:s12+s2], $0x1400, $0x38;
	[tilespmem:$0x1E800] =	vst v63  }
0x7a: {  	_ =	swait.ge [sflag:s21], $0x1400  }
0x7b: {  	[sflag:s21] =	ssyncset.done $0x0  }
0x7c: {  	[sflag:s21] =	ssyncadd.s32 $0xFFFFEC00  }
0x7d: {  	[tilespmem:s22], [sflag:$0x5] =	stream.linear.gather [hbm4b:s13+s2], $0x1400, $0x38;
	[tilespmem:$0x1E800] =	vst v63  }
0x7e: {  	_ =	swait.ge [sflag:s21], $0x1400  }
0x7f: {  	[sflag:s21] =	ssyncset.done $0x0  }
0x80: {  	[sflag:s21] =	ssyncadd.s32 $0xFFFFEC00  }
0x81: {  	[tilespmem:s20], [sflag:$0x1] =	stream.indirect.gather [hbm4b:s4+s23], $0x80, s2, s23, $0xb8;
	[tilespmem:$0x1E800] =	vst v63  }
0x82: {  	_ = 	snop  }
0x83: {  	[tilespmem:s24], [sflag:$0x2] =	stream.indirect.gather [hbm4b:s4+s23], $0x80, s23, s23, $0xb8;
	[tilespmem:$0x1E800] =	vst v63  }
0x84: {  	_ =	swait.ge [sflag:s25], $0x4000  }
0x85: {  	[sflag:s25] =	ssyncset.done $0x0  }
0x86: {  	s11 =	simm.s32 $0x1400;
	[sflag:s25] =	ssyncadd.s32 $0xFFFFC000  }
0x87: {  	[spmem:s1] =	stream.indirect.scatter.add.f32 [tilespmem:s20], [sflag:$0x3], $0x80, s11, s23, $0xb8;
	[tilespmem:$0x1E800] =	vst v63  }
0x88: {  	_ =	swait.ge [sflag:s26], $0x4000  }
0x89: {  	[sflag:s26] =	ssyncset.done $0x0  }
0x8a: {  	s10 =	simm.s32 $0x1480;
	[sflag:s26] =	ssyncadd.s32 $0xFFFFC000  }
0x8b: {  	[spmem:s1] =	stream.indirect.scatter.add.f32 [tilespmem:s24], [sflag:$0x4], $0x80, s10, s23, $0xb8;
	[tilespmem:$0x1E800] =	vst v63  }
0x8c: {  	_ =	swait.ge [sflag:s28], $0x4000  }
0x8d: {  	[sflag:s28] =	ssyncset.done $0x0  }
0x8e: {  	s11 =	simm.s32 $0x100;
	[sflag:s28] =	ssyncadd.s32 $0xFFFFC000  }
0x8f: {  	[tilespmem:s20], [sflag:$0x1] =	stream.indirect.gather [hbm4b:s4+s23], $0x80, s11, s23, $0xb8;
	[tilespmem:$0x1E800] =	vst v63  }
0x90: {  	_ =	swait.ge [sflag:s29], $0x4000  }
0x91: {  	[sflag:s29] =	ssyncset.done $0x0  }
0x92: {  	s2 =	simm.s32 $0x400;
	s10 =	simm.s32 $0x180;
	[sflag:s29] =	ssyncadd.s32 $0xFFFFC000  }
.LBB2_6:
0x93: {  	[tilespmem:s24], [sflag:$0x2] =	stream.indirect.gather [hbm4b:s4+s23], $0x80, s10, s23, $0xb8;
	[tilespmem:$0x1E800] =	vst v63  }
0x94: {  	s10 =	smov.u32 s2  }
0x95: {  	p0 =	sne.s32 s2, $0x4800;
	s2 =	sadd.s32 $0x400, s2;
	_ =	swait.ge [sflag:s25], $0x4000  }
0x96: {  	s10 =	sshra.s32 s10, $0x2;
	[sflag:s25] =	ssyncset.done $0x0  }
0x97: {  	s11 =	sadd.s32 $0x1400, s10;
	[sflag:s25] =	ssyncadd.s32 $0xFFFFC000  }
0x98: {  	[spmem:s1] =	stream.indirect.scatter.add.f32 [tilespmem:s20], [sflag:$0x3], $0x80, s11, s23, $0xb8;
	[tilespmem:$0x1E800] =	vst v63  }
0x99: {  	_ =	swait.ge [sflag:s26], $0x4000  }
0x9a: {  	[sflag:s26] =	ssyncset.done $0x0  }
0x9b: {  	s11 =	sadd.s32 $0x1480, s10;
	[sflag:s26] =	ssyncadd.s32 $0xFFFFC000  }
0x9c: {  	[spmem:s1] =	stream.indirect.scatter.add.f32 [tilespmem:s24], [sflag:$0x4], $0x80, s11, s23, $0xb8;
	[tilespmem:$0x1E800] =	vst v63  }
0x9d: {  	_ =	swait.ge [sflag:s28], $0x4000  }
0x9e: {  	[sflag:s28] =	ssyncset.done $0x0  }
.Ltmp2:
0x9f: {  	s11 =	sadd.s32 $0x100, s10;
	[sflag:s28] =	ssyncadd.s32 $0xFFFFC000;
	(pc) =	sbr.rel @p0 .LBB2_6-.Ltmp2, $4  }
0xa0: {  	[tilespmem:s20], [sflag:$0x1] =	stream.indirect.gather [hbm4b:s4+s23], $0x80, s11, s23, $0xb8;
	[tilespmem:$0x1E800] =	vst v63  }
0xa1: {  	_ =	swait.ge [sflag:s29], $0x4000  }
0xa2: {  	[sflag:s29] =	ssyncset.done $0x0  }
0xa3: {  	s10 =	sadd.s32 $0x180, s10;
	[sflag:s29] =	ssyncadd.s32 $0xFFFFC000  }
0xa4: {  	[tilespmem:s24], [sflag:$0x2] =	stream.indirect.gather [hbm4b:s4+s23], $0x80, s10, s23, $0xb8;
	[tilespmem:$0x1E800] =	vst v63  }
0xa5: {  	_ =	swait.ge [sflag:s25], $0x4000  }
0xa6: {  	[sflag:s25] =	ssyncset.done $0x0  }
0xa7: {  	[sflag:s25] =	ssyncadd.s32 $0xFFFFC000  }
0xa8: {  	[spmem:s1] =	stream.indirect.scatter.add.f32 [tilespmem:s20], [sflag:$0x3], $0x80, s30, s23, $0xb8;
	[tilespmem:$0x1E800] =	vst v63  }
0xa9: {  	_ =	swait.ge [sflag:s26], $0x4000  }
0xaa: {  	[sflag:s26] =	ssyncset.done $0x0  }
0xab: {  	[sflag:s26] =	ssyncadd.s32 $0xFFFFC000  }
0xac: {  	[spmem:s1] =	stream.indirect.scatter.add.f32 [tilespmem:s24], [sflag:$0x4], $0x80, s31, s23, $0xb8;
	[tilespmem:$0x1E800] =	vst v63  }
0xad: {  	_ =	swait.ge [sflag:s28], $0x4000  }
0xae: {  	[sflag:s28] =	ssyncset.done $0x0  }
0xaf: {  	[sflag:s28] =	ssyncadd.s32 $0xFFFFC000  }
0xb0: {  	_ =	swait.ge [sflag:s29], $0x4000  }
0xb1: {  	[sflag:s29] =	ssyncset.done $0x0  }
0xb2: {  	[sflag:s29] =	ssyncadd.s32 $0xFFFFC000  }
0xb3: {  	[bflag:$0x0] =	sbarrier.arrive $0xFFFF  }
0xb4: {  	[tilespmem:s20], [sflag:$0x1] =	stream.linear.gather [spmem:s5], $0x4000, $0x38;
	[tilespmem:$0x1E800] =	vst v63  }
0xb5: {  	_ =	swait.ge [sflag:s25], $0x4000  }
0xb6: {  	[sflag:s25] =	ssyncset.done $0x0  }
0xb7: {  	[sflag:s25] =	ssyncadd.s32 $0xFFFFC000  }
0xb8: {  	[hbm4b:s14+s3] =	stream.linear.scatter [tilespmem:s20], [sflag:$0x3], $0x4000, $0x38;
	[tilespmem:$0x1E800] =	vst v63  }
0xb9: {  	_ = 	snop  }
0xba: {  	[tilespmem:s24], [sflag:$0x2] =	stream.linear.gather [spmem:s6], $0x4000, $0x38;
	[tilespmem:$0x1E800] =	vst v63  }
0xbb: {  	_ =	swait.ge [sflag:s26], $0x4000  }
0xbc: {  	[sflag:s26] =	ssyncset.done $0x0  }
0xbd: {  	[sflag:s26] =	ssyncadd.s32 $0xFFFFC000  }
0xbe: {  	[hbm4b:s15+s3] =	stream.linear.scatter [tilespmem:s24], [sflag:$0x4], $0x4000, $0x38;
	[tilespmem:$0x1E800] =	vst v63  }
0xbf: {  	_ =	swait.ge [sflag:s28], $0x4000  }
0xc0: {  	[sflag:s28] =	ssyncset.done $0x0  }
0xc1: {  	[sflag:s28] =	ssyncadd.s32 $0xFFFFC000  }
0xc2: {  	[tilespmem:s20], [sflag:$0x1] =	stream.linear.gather [spmem:s7], $0x4000, $0x38;
	[tilespmem:$0x1E800] =	vst v63  }
0xc3: {  	_ =	swait.ge [sflag:s25], $0x4000  }
0xc4: {  	[sflag:s25] =	ssyncset.done $0x0  }
0xc5: {  	[sflag:s25] =	ssyncadd.s32 $0xFFFFC000  }
0xc6: {  	[hbm4b:s16+s3] =	stream.linear.scatter [tilespmem:s20], [sflag:$0x3], $0x4000, $0x38;
	[tilespmem:$0x1E800] =	vst v63  }
0xc7: {  	_ =	swait.ge [sflag:s29], $0x4000  }
0xc8: {  	[sflag:s29] =	ssyncset.done $0x0  }
0xc9: {  	[sflag:s29] =	ssyncadd.s32 $0xFFFFC000  }
0xca: {  	[tilespmem:s24], [sflag:$0x2] =	stream.linear.gather [spmem:s8], $0x4000, $0x38;
	[tilespmem:$0x1E800] =	vst v63  }
0xcb: {  	_ =	swait.ge [sflag:s26], $0x4000  }
0xcc: {  	[sflag:s26] =	ssyncset.done $0x0  }
0xcd: {  	[sflag:s26] =	ssyncadd.s32 $0xFFFFC000  }
0xce: {  	[hbm4b:s17+s3] =	stream.linear.scatter [tilespmem:s24], [sflag:$0x4], $0x4000, $0x38;
	[tilespmem:$0x1E800] =	vst v63  }
0xcf: {  	_ =	swait.ge [sflag:s28], $0x4000  }
0xd0: {  	[sflag:s28] =	ssyncset.done $0x0  }
0xd1: {  	[sflag:s28] =	ssyncadd.s32 $0xFFFFC000  }
0xd2: {  	[tilespmem:s20], [sflag:$0x1] =	stream.linear.gather [spmem:s9], $0x4000, $0x38;
	[tilespmem:$0x1E800] =	vst v63  }
0xd3: {  	_ =	swait.ge [sflag:s25], $0x4000  }
0xd4: {  	[sflag:s25] =	ssyncset.done $0x0  }
0xd5: {  	s0 =	sadd.s32 $0x1, s0;
	[sflag:s25] =	ssyncadd.s32 $0xFFFFC000  }
0xd6: {  	[hbm4b:s18+s3] =	stream.linear.scatter [tilespmem:s20], [sflag:$0x3], $0x4000, $0x38;
	[tilespmem:$0x1E800] =	vst v63  }
0xd7: {  	p0 =	sne.s32 s0, s19;
	_ =	swait.ge [sflag:s29], $0x4000  }
.Ltmp3:
0xd8: {  	[sflag:s29] =	ssyncset.done $0x0;
	(pc) =	sbr.rel @p0 .LBB2_1-.Ltmp3, $4  }
0xd9: {  	[sflag:s29] =	ssyncadd.s32 $0xFFFFC000  }
0xda: {  	_ =	swait.ge [sflag:s28], $0x4000  }
0xdb: {  	[sflag:s28] =	ssyncset.done $0x0  }
0xdc: {  	[sflag:s28] =	ssyncadd.s32 $0xFFFFC000  }
0xdd: {  	_ =	sfence.sel $0x180000  }
0xde: {  	[bflag:$0x0] =	sbarrier.arrive $0xFFFF  }
0xdf: {  	_ =	strace $0x9000004D  }
0xe0: {  	s0 =	stileid.u32;
	[bflag:$0x2] =	sbarrier.arrive $0xFFFF  }
0xe1: {  	p0 =	sne.s32 s0, $0x0;
	s0 =	rddreg [dreg:$0x2]  }
0xe2: {  	s0 =	sadd.s32 @!p0 $0x100000, s0  }
0xe3: {  	[sflag:s0] =	ssyncadd.tile.s32 @!p0 $0x1;
	_ =	shalt  }
.Lfunc_end2:
_tile_overlayer_lowered:
.L_overlay_start_2:
0xe4: {  	(tag) =	ssettag $0x2  }
0xe5: {  	s0 =	rddreg [dreg:$0x0];
	s2 =	stileid.u32  }
0xe6: {  	s1 =	rddreg [dreg:$0x1];
	p0 =	sne.s32 s2, $0x0  }
0xe7: {  	s3 =	rddreg [dreg:$0x2];
	[bflag:$0x3] =	sbarrier.arrive $0xFFFF;
	s2 =	simm.s32 @!p0 $0x1C05  }
0xe8: {  	[timem:s3], [sflag:s2] =	dma.local @!p0 [hbm:s0], s1  }
0xe9: {  	s0 =	simm.s32 @!p0 $0x5  }
0xea: {  	_ =	swait.ge @!p0 [sflag:s0], s1  }
0xeb: {  	s1 =	ssub.s32 @!p0 $0x0, s1;
	[sflag:s0] =	ssyncset.done @!p0 $0x0  }
0xec: {  	[sflag:s0] =	ssyncadd.s32 @!p0 s1  }
0xed: {  	[bflag:$0x3] =	sbarrier.arrive $0xFFFF  }
0xee: {  	_ =	shalt  }

// kernel: kernel.8.cloned.1.call-start
scs
__scs_entry_jumppad:
0x0: {  	(pc) =	sbr.rel $0x88, $3  }
0x1: {  	(tag) =	ssettag $0x0;
	lr =	simm.s32 $0x1  }
0x2: {  	[smem:$0x3F93] =	sst lr;
	_ =	strace $0xD0000000  }
0x3: {  	_ = 	snop  }
0x4: {  	_ = 	snop  }
0x5: {  	_ = 	snop  }
0x6: {  	_ = 	snop  }
0x7: {  	_ = 	snop  }
__scs_overlays_trampoline_lowered:
0x8: {  	[smem:$0x3FA2] =	sst s0  }
0x9: {  	[smem:$0x3FA3] =	sst s1  }
0xa: {  	[smem:$0x3FA4] =	sst s2  }
0xb: {  	[smem:$0x3FA5] =	sst s3  }
0xc: {  	[smem:$0x3FA6] =	sst s4  }
0xd: {  	[smem:$0x3FA7] =	sst s5  }
0xe: {  	[smem:$0x3FA8] =	sst s6  }
0xf: {  	[smem:$0x3FA9] =	sst s7  }
0x10: {  	[smem:$0x3FAA] =	sst s8  }
0x11: {  	[smem:$0x3FAB] =	sst s9;
	s0 =	simm.s32 @!p0 $0x0  }
0x12: {  	s1 =	sld [smem:$0x3F91];
	s0 =	simm.s32 @p0 $0x1  }
0x13: {  	[smem:$0x3FAC] =	sst s0;
	s0 =	simm.s32 @!p1 $0x0  }
0x14: {  	s2 =	sld [smem:$0x3F90];
	s0 =	simm.s32 @p1 $0x1  }
0x15: {  	[smem:$0x3FAD] =	sst s0;
	s0 =	simm.s32 @!p2 $0x0  }
0x16: {  	s3 =	sld [smem:$0x3FDB];
	s0 =	simm.s32 @p2 $0x1  }
0x17: {  	s4 =	simm.s32 $0x1BF5;
	[smem:$0x3FAF] =	sst s0  }
0x18: {  	s0 =	sld [smem:$0x3F92];
	_ =	swait.ge [sflag:s4], $0x0  }
0x19: {  	s7 =	sld [smem:$0x3F93]  }
0x1a: {  	s8 =	sadd.s32 $0xFFFFE003, lr  }
0x1b: {  	s9 =	sadd.s32 $0xFFFFFEF7, lr;
	s5 =	simm.s32 $0xFFFFFFFF;
	p2 =	slt.u32 s8, $0xFFFFF086  }
0x1c: {  	p1 =	slt.u32 s9, $0xF7A;
	s5 =	simm.s32 @!p2 $0x0  }
0x1d: {  	s5 =	simm.s32 @p1 $0x1;
	p0 =	seq.s32 s7, s2  }
0x1e: {  	s7 =	smul.u32 @!p0 $0xF7A, s2;
	p2 =	seq.s32 @!p0 s5, $0x0  }
0x1f: {  	s9 =	smul.u32 $0xF7A, s1;
	s8 =	simm.s32 @!p0 $0x1BF5;
	p2 =	por !p2, p0  }
0x20: {  	[sflag:s8] =	ssyncset.s32 @!p0 $0xFFFFF086;
	s6 =	sadd.s32 @!p0 s3, s7;
	s7 =	simm.s32 @!p0 $0x108  }
0x21: {  	s3 =	sadd.s32 s3, s9;
	s6 =	sadd.s32 @!p0 $0x88, s6;
	s7 =	simm.s32 @p2 $0x1082  }
0x22: {  	[simem:s7], [sflag:s8] =	dma.local @!p0 [hbm:s6], $0xF7A  }
0x23: {  	s9 =	sor.u32 $0xD0000000, s2;
	s6 =	simm.s32 $0x108;
	_ =	swait.ge @!p0 [sflag:s8], $0x0  }
0x24: {  	s3 =	sadd.s32 $0x88, s3;
	s6 =	simm.s32 @!p1 $0x1082;
	[sflag:s4] =	ssyncset.s32 $0xFFFFF086  }
0x25: {  	[simem:s6], [sflag:s4] =	dma.local [hbm:s3], $0xF7A  }
0x26: {  	[smem:$0x3F93] =	sst s1;
	(tag) =	ssettag s2;
	_ =	strace s9  }
0x27: {  	s1 =	sld [smem:$0x3FA3]  }
0x28: {  	s2 =	sld [smem:$0x3FA4]  }
0x29: {  	s4 =	sld [smem:$0x3FA6]  }
0x2a: {  	p0 =	seq.s32 s5, $0x0;
	s5 =	sld [smem:$0x3FA7]  }
0x2b: {  	s6 =	sld [smem:$0x3FA8]  }
0x2c: {  	s7 =	sld [smem:$0x3FA9]  }
0x2d: {  	s3 =	simm.s32 $0x108;
	s8 =	sld [smem:$0x3FAA]  }
0x2e: {  	s3 =	simm.s32 @!p0 $0x1082;
	s9 =	sld [smem:$0x3FAB]  }
0x2f: {  	lr =	sadd.s32 s0, s3;
	s0 =	sld [smem:$0x3FA2]  }
0x30: {  	s3 =	sld [smem:$0x3FA5]  }
0x31: {  	[smem:$0x3FAE] =	sst s10  }
0x32: {  	s10 =	sld [smem:$0x3FAC];
	_ =	sdelay $0x3  }
0x33: {  	p0 =	seq.s32 s10, $0x1;
	s10 =	sld [smem:$0x3FAE];
	_ =	sdelay $0x3  }
0x34: {  	[smem:$0x3FAE] =	sst s10  }
0x35: {  	s10 =	sld [smem:$0x3FAD];
	_ =	sdelay $0x3  }
0x36: {  	p1 =	seq.s32 s10, $0x1;
	s10 =	sld [smem:$0x3FAE];
	_ =	sdelay $0x3  }
0x37: {  	[smem:$0x3FAE] =	sst s10  }
0x38: {  	s10 =	sld [smem:$0x3FAF]  }
0x39: {  	_ = 	snop;
	(pc) =	sbr.ind lr, $3  }
0x3a: {  	_ = 	snop  }
0x3b: {  	_ = 	snop  }
0x3c: {  	p2 =	seq.s32 s10, $0x1;
	s10 =	sld [smem:$0x3FAE]  }
0x3d: {  	_ =	shalt  }
0x3e: {  	_ =	shalt  }
0x3f: {  	_ =	shalt  }
0x40: {  	_ =	shalt  }
0x41: {  	_ =	shalt  }
0x42: {  	_ =	shalt  }
0x43: {  	_ =	shalt  }
0x44: {  	_ =	shalt  }
0x45: {  	_ =	shalt  }
0x46: {  	_ =	shalt  }
0x47: {  	_ =	shalt  }
0x48: {  	_ =	shalt  }
0x49: {  	_ =	shalt  }
0x4a: {  	_ =	shalt  }
0x4b: {  	_ =	shalt  }
0x4c: {  	_ =	shalt  }
0x4d: {  	_ =	shalt  }
0x4e: {  	_ =	shalt  }
0x4f: {  	_ =	shalt  }
0x50: {  	_ =	shalt  }
0x51: {  	_ =	shalt  }
0x52: {  	_ =	shalt  }
0x53: {  	_ =	shalt  }
0x54: {  	_ =	shalt  }
0x55: {  	_ =	shalt  }
0x56: {  	_ =	shalt  }
0x57: {  	_ =	shalt  }
0x58: {  	_ =	shalt  }
0x59: {  	_ =	shalt  }
0x5a: {  	_ =	shalt  }
0x5b: {  	_ =	shalt  }
0x5c: {  	_ =	shalt  }
0x5d: {  	_ =	shalt  }
0x5e: {  	_ =	shalt  }
0x5f: {  	_ =	shalt  }
0x60: {  	_ =	shalt  }
0x61: {  	_ =	shalt  }
0x62: {  	_ =	shalt  }
0x63: {  	_ =	shalt  }
0x64: {  	_ =	shalt  }
0x65: {  	_ =	shalt  }
0x66: {  	_ =	shalt  }
0x67: {  	_ =	shalt  }
0x68: {  	_ =	shalt  }
0x69: {  	_ =	shalt  }
0x6a: {  	_ =	shalt  }
0x6b: {  	_ =	shalt  }
0x6c: {  	_ =	shalt  }
0x6d: {  	_ =	shalt  }
0x6e: {  	_ =	shalt  }
0x6f: {  	_ =	shalt  }
0x70: {  	_ =	shalt  }
0x71: {  	_ =	shalt  }
0x72: {  	_ =	shalt  }
0x73: {  	_ =	shalt  }
0x74: {  	_ =	shalt  }
0x75: {  	_ =	shalt  }
0x76: {  	_ =	shalt  }
0x77: {  	_ =	shalt  }
0x78: {  	_ =	shalt  }
0x79: {  	_ =	shalt  }
0x7a: {  	_ =	shalt  }
0x7b: {  	_ =	shalt  }
0x7c: {  	_ =	shalt  }
0x7d: {  	_ =	shalt  }
0x7e: {  	_ =	shalt  }
0x7f: {  	_ =	shalt  }
0x80: {  	_ =	shalt  }
0x81: {  	_ =	shalt  }
0x82: {  	_ =	shalt  }
0x83: {  	_ =	shalt  }
0x84: {  	_ =	shalt  }
0x85: {  	_ =	shalt  }
0x86: {  	_ =	shalt  }
0x87: {  	_ =	shalt  }
.Lfunc_end0:
.L_simem_size_0:
called_computation_lowered:
.L_overlay_start_0:
0x88: {  	s2 =	sld [smem:$0x3FD9]  }
0x89: {  	s3 =	sld [smem:$0x3FFE];
	_ =	sdelay $0x1  }
0x8a: {  	s1 =	srdreg.scid  }
0x8b: {  	s0 =	sand.u32 $0x1, s1  }
0x8c: {  	s16 =	sshll.u32 s0, $0xA;
	s2 =	sadd.s32 s3, s2  }
0x8d: {  	s2 =	sadd.s32 s2, s16  }
0x8e: {  	[smem:$0x3FBA] =	sst s2  }
0x8f: {  	_ = 	snop  }
0x90: {  	(tm) =	ssettm $0x1  }
0x91: {  	s17 =	sld [smem:$0x3FFB];
	_ =	sdelay $0x3  }
0x92: {  	_ =	strace s17  }
0x93: {  	s2 =	sld [smem:$0x3FFC];
	_ =	sdelay $0x3  }
0x94: {  	_ =	strace s2  }
0x95: {  	s2 =	sld [smem:$0x3FFD];
	_ =	sdelay $0x3  }
0x96: {  	_ =	strace s2  }
0x97: {  	_ =	strace $0x8FFFFFFF  }
0x98: {  	s18 =	sld [smem:$0x3FDB];
	_ =	sdelay $0x1  }
0x99: {  	s19 =	simm.s32 $_scs_section_size  }
0x9a: {  	s4 =	simm.s32 $_size__tile_overlayer_lowered;
	s5 =	simm.s32 $_tile_overlayer_lowered  }
0x9b: {  	s22 =	simm.s32 $0x1BFF;
	s21 =	sshll.u32 s5, $0x1;
	s2 =	sadd.s32 s19, s18  }
0x9c: {  	s6 =	simm.s32 $0x0;
	s20 =	sshll.u32 s4, $0x1;
	s4 =	sadd.s32 s21, s2  }
0x9d: {  	[timem:s6], [sflag:s22] =	dma.local [hbm:s4], s20  }
0x9e: {  	_ =	swait.ge [sflag:s22], s20  }
0x9f: {  	s3 =	ssub.s32 $0x0, s20;
	[sflag:s22] =	ssyncset.done $0x0  }
0xa0: {  	[sflag:s22] =	ssyncadd.s32 s3;
	_ =	sdelay $0x1  }
0xa1: {  	s23 =	simm.s32 $0x1B8B  }
0xa2: {  	_ =	swait.ge [sflag:s23], $0x1  }
0xa3: {  	[sflag:s23] =	ssyncset.done $0x0  }
0xa4: {  	s25 =	simm.s32 $0x1B8E;
	s24 =	sld [smem:$0x3FFE];
	[sflag:s23] =	ssyncadd.s32 $0xFFFFFFFF  }
0xa5: {  	s26 =	simm.s32 $execute0_lowered;
	[smem:$0x3FD2] =	sst s25  }
0xa6: {  	s4 =	sshll.u32 s26, $0x1;
	_ =	strace $0x80000046;
	[dreg:$0x1] =	wrdreg $0xFFFFFFFF  }
0xa7: {  	s28 =	simm.s32 $_size_execute0_lowered;
	s2 =	sadd.s32 s2, s4;
	[dreg:$0x0] =	wrdreg $0x0  }
0xa8: {  	s4 =	sshll.u32 s28, $0x1;
	[dreg:$0x2] =	wrdreg s2  }
0xa9: {  	[dreg:$0x3] =	wrdreg s4  }
0xaa: {  	[dreg:$0x4] =	wrdreg $0xC0  }
0xab: {  	_ =	task [dreg:s6], $0x5FFFF  }
0xac: {  	[dreg:$0x1] =	wrdreg $0xFFFFFFFF  }
0xad: {  	[dreg:$0x0] =	wrdreg $0x60  }
0xae: {  	[dreg:$0x2] =	wrdreg s24  }
0xaf: {  	[dreg:$0x3] =	wrdreg $0xA8000  }
0xb0: {  	[dreg:$0x4] =	wrdreg $0x9  }
0xb1: {  	_ =	task.clear_ibuf [dreg:s6], $0x5FFFF;
	_ =	strace $0x90000046  }
0xb2: {  	s29 =	simm.s32 $0x9;
	_ =	strace $0x80000048  }
0xb3: {  	_ =	swait.ge [sflag:s29], $0x1  }
0xb4: {  	[sflag:s29] =	ssyncadd.s32 $0xFFFFFFFF  }
0xb5: {  	_ =	strace $0x90000048  }
0xb6: {  	_ =	sfence  }
0xb7: {  	s30 =	sld [smem:$0x0];
	_ =	sdelay $0x2  }
0xb8: {  	s31 =	sshll.u32 s1, $0xD;
	s1 =	sshrl.u32 s1, $0x2  }
0xb9: {  	s3 =	sand.u32 $0x4000, s31;
	s1 =	sadd.s32 s1, s30  }
0xba: {  	s0 =	sor.u32 s3, s0;
	s1 =	sshll.u32 s1, $0x11  }
0xbb: {  	s0 =	sor.u32 s1, s0  }
0xbc: {  	s0 =	sadd.s32 $0x8F2B, s0  }
0xbd: {  	[sflag:s0] =	ssyncadd.remote.s32 $0x1  }
0xbe: {  	_ =	sfence.sel $0xFFFF  }
0xbf: {  	[dreg:$0x0] =	wrdreg $0xFFFFFFFF;
	(pc) =	sbr.abs _section_cstart, $3  }
0xc0: {  	[dreg:$0x1] =	wrdreg $0xFFFFFFFF  }
0xc1: {  	_ =	task.clear_ibuf [dreg:s6], $0x2FFFF;
	_ =	strace $0x9FFFFFFF  }
0xc2: {  	(tm) =	ssettm $0x7FFFFFFF  }
0xc3: {  	_ =	shalt  }
tec
execute0_lowered:
.L_overlay_start_1:
0x0: {  	(tag) =	ssettag $0x1  }
0x1: {  	s0 =	rddreg [dreg:$0x0]  }
0x2: {  	s1 =	rddreg [dreg:$0x1];
	s3 =	simm.s32 $0x0;
	s2 =	srdreg.scid  }
0x3: {  	s8 =	stileid.u32;
	s28 =	simm.s32 $0x3;
	s29 =	simm.s32 $0x4  }
0x4: {  	s30 =	simm.s32 $0x2700;
	s31 =	simm.s32 $0x2780;
	[smem:$0x7FF] =	sst s3  }
0x5: {  	s2 =	sand.u32 $0x1, s2;
	s4 =	sadd.s32 $0x4200, s0;
	s6 =	smul.u32 $0x50000, s8  }
0x6: {  	s10 =	sadd.s32 $0x36200, s0;
	s13 =	smul.u32 $0x14000, s8;
	s14 =	sadd.s32 $0x2C200, s0  }
0x7: {  	s0 =	sadd.s32 $0x40200, s0;
	_ =	strace $0x80000047;
	s5 =	ssub.s32 $0x2, s2  }
0x8: {  	s21 =	sshll.u32 s2, $0x4;
	s2 =	smul.u32 $0x140000, s2;
	s7 =	sshrl.u32 s5, $0x1  }
0x9: {  	s6 =	sshrl.u32 s6, $0x2;
	s15 =	sadd.s32 $0x4000, s13;
	s22 =	sor.u32 s8, s21  }
0xa: {  	s16 =	sadd.s32 $0x8000, s13;
	s17 =	sadd.s32 $0xC000, s13;
	s18 =	sadd.s32 $0x10000, s13  }
0xb: {  	s21 =	simm.s32 $0x5;
	s19 =	ssub.s32 s5, s7;
	s5 =	sadd.s32 s6, s1  }
0xc: {  	s6 =	sadd.s32 s15, s1;
	s11 =	smul.u32 $0x2800, s22;
	s7 =	sadd.s32 s16, s1  }
0xd: {  	s8 =	sadd.s32 s17, s1;
	s9 =	sadd.s32 s18, s1;
	s24 =	sadd.s32 s13, s2  }
0xe: {  	s15 =	sadd.s32 s2, s15;
	s25 =	sadd.s32 s2, s16;
	s17 =	sadd.s32 s2, s17  }
0xf: {  	s2 =	sadd.s32 s2, s18;
	s22 =	simm.s32 $0x1400;
	s15 =	sshrl.u32 s15, $0x3  }
0x10: {  	s26 =	sshrl.u32 s17, $0x3;
	s2 =	sshrl.u32 s2, $0x3;
	s19 =	smax.u32 s19, $0x1  }
0x11: {  	s12 =	sshrl.u32 s11, $0x3;
	s15 =	sadd.s32 s0, s15;
	s17 =	sadd.s32 s0, s26  }
0x12: {  	s18 =	sadd.s32 s0, s2;
	s26 =	simm.s32 $0x2;
	s11 =	sadd.s32 s10, s12  }
0x13: {  	s23 =	sadd.s32 s14, s12;
	s20 =	sadd.s32 $0x280, s12;
	[dreg:$0x3] =	wrdreg s11  }
0x14: {  	[dreg:$0x4] =	wrdreg s23;
	s12 =	sadd.s32 s10, s20;
	s13 =	sadd.s32 s14, s20  }
0x15: {  	s10 =	sshrl.u32 s24, $0x3;
	s20 =	simm.s32 $0x2800;
	s23 =	simm.s32 $0x80  }
0x16: {  	s24 =	simm.s32 $0x6800;
	s14 =	sadd.s32 s0, s10;
	s10 =	sshrl.u32 s25, $0x3  }
0x17: {  	v0 =	vimm.f32 $0.0e+00;
	s25 =	simm.s32 $0x1;
	s16 =	sadd.s32 s0, s10;
	s0 =	simm.s32 $0x0  }
.LBB2_1:
0x18: {  	s2 =	simm.s32 $0x0;
	s10 =	simm.s32 $0x200  }
.LBB2_2:
0x19: {  	p0 =	sne.s32 s10, $0xFE00;
	[tilespmem:s2+$0x2870] =	vst v0  }
0x1a: {  	[tilespmem:s2+$0x2800] =	vst v0  }
0x1b: {  	[tilespmem:s2+$0x2810] =	vst v0  }
.Ltmp0:
0x1c: {  	[tilespmem:s2+$0x2820] =	vst v0;
	(pc) =	sbr.rel @p0 .LBB2_2-.Ltmp0, $4  }
0x1d: {  	[tilespmem:s2+$0x2830] =	vst v0  }
0x1e: {  	[tilespmem:s2+$0x2840] =	vst v0  }
0x1f: {  	[tilespmem:s2+$0x2850] =	vst v0  }
0x20: {  	[tilespmem:s2+$0x2860] =	vst v0;
	s2 =	sshra.s32 s10, $0x2;
	s10 =	sadd.s32 $0x200, s10  }
0x21: {  	[tilespmem:s2+$0x2870] =	vst v0  }
0x22: {  	[tilespmem:s2+$0x2800] =	vst v0  }
0x23: {  	[tilespmem:s2+$0x2810] =	vst v0  }
0x24: {  	[tilespmem:s2+$0x2820] =	vst v0  }
0x25: {  	[tilespmem:s2+$0x2830] =	vst v0  }
0x26: {  	[tilespmem:s2+$0x2840] =	vst v0  }
0x27: {  	[tilespmem:s2+$0x2850] =	vst v0  }
0x28: {  	[tilespmem:s2+$0x2860] =	vst v0  }
0x29: {  	[spmem:s5] =	stream.linear.scatter [tilespmem:s20], [sflag:$0x5], $0x4000, $0x38;
	[tilespmem:$0x1E800] =	vst v63  }
0x2a: {  	_ =	swait.ge [sflag:s21], $0x4000  }
0x2b: {  	[sflag:s21] =	ssyncset.done $0x0  }
0x2c: {  	[sflag:s21] =	ssyncadd.s32 $0xFFFFC000  }
0x2d: {  	[spmem:s6] =	stream.linear.scatter [tilespmem:s20], [sflag:$0x5], $0x4000, $0x38;
	[tilespmem:$0x1E800] =	vst v63  }
0x2e: {  	_ =	swait.ge [sflag:s21], $0x4000  }
0x2f: {  	[sflag:s21] =	ssyncset.done $0x0  }
0x30: {  	[sflag:s21] =	ssyncadd.s32 $0xFFFFC000  }
0x31: {  	[spmem:s7] =	stream.linear.scatter [tilespmem:s20], [sflag:$0x5], $0x4000, $0x38;
	[tilespmem:$0x1E800] =	vst v63  }
0x32: {  	_ =	swait.ge [sflag:s21], $0x4000  }
0x33: {  	[sflag:s21] =	ssyncset.done $0x0  }
0x34: {  	[sflag:s21] =	ssyncadd.s32 $0xFFFFC000  }
0x35: {  	[spmem:s8] =	stream.linear.scatter [tilespmem:s20], [sflag:$0x5], $0x4000, $0x38;
	[tilespmem:$0x1E800] =	vst v63  }
0x36: {  	_ =	swait.ge [sflag:s21], $0x4000  }
0x37: {  	[sflag:s21] =	ssyncset.done $0x0  }
0x38: {  	[sflag:s21] =	ssyncadd.s32 $0xFFFFC000  }
0x39: {  	[spmem:s9] =	stream.linear.scatter [tilespmem:s20], [sflag:$0x5], $0x4000, $0x38;
	[tilespmem:$0x1E800] =	vst v63  }
0x3a: {  	_ =	swait.ge [sflag:s21], $0x4000  }
0x3b: {  	[sflag:s21] =	ssyncset.done $0x0  }
0x3c: {  	[sflag:s21] =	ssyncadd.s32 $0xFFFFC000  }
0x3d: {  	[bflag:$0x0] =	sbarrier.arrive $0xFFFF  }
0x3e: {  	s2 =	simm.s32 $0x0;
	s10 =	rddreg [dreg:$0x3]  }
0x3f: {  	[tilespmem:s2], [sflag:$0x5] =	stream.linear.gather [hbm4b:s10+s2], $0x1400, $0x38;
	[tilespmem:$0x1E800] =	vst v63  }
0x40: {  	_ =	swait.ge [sflag:s21], $0x1400  }
0x41: {  	[sflag:s21] =	ssyncset.done $0x0  }
0x42: {  	s11 =	rddreg [dreg:$0x4];
	[sflag:s21] =	ssyncadd.s32 $0xFFFFEC00  }
0x43: {  	[tilespmem:s22], [sflag:$0x5] =	stream.linear.gather [hbm4b:s11+s2], $0x1400, $0x38;
	[tilespmem:$0x1E800] =	vst v63  }
0x44: {  	_ =	swait.ge [sflag:s21], $0x1400  }
0x45: {  	[sflag:s21] =	ssyncset.done $0x0  }
0x46: {  	[sflag:s21] =	ssyncadd.s32 $0xFFFFEC00  }
0x47: {  	[tilespmem:s20], [sflag:$0x1] =	stream.indirect.gather [hbm4b:s4+s23], $0x80, s2, s23, $0xb8;
	[tilespmem:$0x1E800] =	vst v63  }
0x48: {  	_ = 	snop  }
0x49: {  	[tilespmem:s24], [sflag:$0x2] =	stream.indirect.gather [hbm4b:s4+s23], $0x80, s23, s23, $0xb8;
	[tilespmem:$0x1E800] =	vst v63  }
0x4a: {  	_ =	swait.ge [sflag:s25], $0x4000  }
0x4b: {  	[sflag:s25] =	ssyncset.done $0x0  }
0x4c: {  	s11 =	simm.s32 $0x1400;
	[sflag:s25] =	ssyncadd.s32 $0xFFFFC000  }
0x4d: {  	[spmem:s1] =	stream.indirect.scatter.add.f32 [tilespmem:s20], [sflag:$0x3], $0x80, s11, s23, $0xb8;
	[tilespmem:$0x1E800] =	vst v63  }
0x4e: {  	_ =	swait.ge [sflag:s26], $0x4000  }
0x4f: {  	[sflag:s26] =	ssyncset.done $0x0  }
0x50: {  	s10 =	simm.s32 $0x1480;
	[sflag:s26] =	ssyncadd.s32 $0xFFFFC000  }
0x51: {  	[spmem:s1] =	stream.indirect.scatter.add.f32 [tilespmem:s24], [sflag:$0x4], $0x80, s10, s23, $0xb8;
	[tilespmem:$0x1E800] =	vst v63  }
0x52: {  	_ =	swait.ge [sflag:s28], $0x4000  }
0x53: {  	[sflag:s28] =	ssyncset.done $0x0  }
0x54: {  	s11 =	simm.s32 $0x100;
	[sflag:s28] =	ssyncadd.s32 $0xFFFFC000  }
0x55: {  	[tilespmem:s20], [sflag:$0x1] =	stream.indirect.gather [hbm4b:s4+s23], $0x80, s11, s23, $0xb8;
	[tilespmem:$0x1E800] =	vst v63  }
0x56: {  	_ =	swait.ge [sflag:s29], $0x4000  }
0x57: {  	[sflag:s29] =	ssyncset.done $0x0  }
0x58: {  	s2 =	simm.s32 $0x400;
	s10 =	simm.s32 $0x180;
	[sflag:s29] =	ssyncadd.s32 $0xFFFFC000  }
.LBB2_4:
0x59: {  	[tilespmem:s24], [sflag:$0x2] =	stream.indirect.gather [hbm4b:s4+s23], $0x80, s10, s23, $0xb8;
	[tilespmem:$0x1E800] =	vst v63  }
0x5a: {  	s10 =	smov.u32 s2  }
0x5b: {  	p0 =	sne.s32 s2, $0x4800;
	s2 =	sadd.s32 $0x400, s2;
	_ =	swait.ge [sflag:s25], $0x4000  }
0x5c: {  	s10 =	sshra.s32 s10, $0x2;
	[sflag:s25] =	ssyncset.done $0x0  }
0x5d: {  	s11 =	sadd.s32 $0x1400, s10;
	[sflag:s25] =	ssyncadd.s32 $0xFFFFC000  }
0x5e: {  	[spmem:s1] =	stream.indirect.scatter.add.f32 [tilespmem:s20], [sflag:$0x3], $0x80, s11, s23, $0xb8;
	[tilespmem:$0x1E800] =	vst v63  }
0x5f: {  	_ =	swait.ge [sflag:s26], $0x4000  }
0x60: {  	[sflag:s26] =	ssyncset.done $0x0  }
0x61: {  	s11 =	sadd.s32 $0x1480, s10;
	[sflag:s26] =	ssyncadd.s32 $0xFFFFC000  }
0x62: {  	[spmem:s1] =	stream.indirect.scatter.add.f32 [tilespmem:s24], [sflag:$0x4], $0x80, s11, s23, $0xb8;
	[tilespmem:$0x1E800] =	vst v63  }
0x63: {  	_ =	swait.ge [sflag:s28], $0x4000  }
0x64: {  	[sflag:s28] =	ssyncset.done $0x0  }
.Ltmp1:
0x65: {  	s11 =	sadd.s32 $0x100, s10;
	[sflag:s28] =	ssyncadd.s32 $0xFFFFC000;
	(pc) =	sbr.rel @p0 .LBB2_4-.Ltmp1, $4  }
0x66: {  	[tilespmem:s20], [sflag:$0x1] =	stream.indirect.gather [hbm4b:s4+s23], $0x80, s11, s23, $0xb8;
	[tilespmem:$0x1E800] =	vst v63  }
0x67: {  	_ =	swait.ge [sflag:s29], $0x4000  }
0x68: {  	[sflag:s29] =	ssyncset.done $0x0  }
0x69: {  	s10 =	sadd.s32 $0x180, s10;
	[sflag:s29] =	ssyncadd.s32 $0xFFFFC000  }
0x6a: {  	[tilespmem:s24], [sflag:$0x2] =	stream.indirect.gather [hbm4b:s4+s23], $0x80, s10, s23, $0xb8;
	[tilespmem:$0x1E800] =	vst v63  }
0x6b: {  	_ =	swait.ge [sflag:s25], $0x4000  }
0x6c: {  	[sflag:s25] =	ssyncset.done $0x0  }
0x6d: {  	[sflag:s25] =	ssyncadd.s32 $0xFFFFC000  }
0x6e: {  	[spmem:s1] =	stream.indirect.scatter.add.f32 [tilespmem:s20], [sflag:$0x3], $0x80, s30, s23, $0xb8;
	[tilespmem:$0x1E800] =	vst v63  }
0x6f: {  	_ =	swait.ge [sflag:s26], $0x4000  }
0x70: {  	[sflag:s26] =	ssyncset.done $0x0  }
0x71: {  	[sflag:s26] =	ssyncadd.s32 $0xFFFFC000  }
0x72: {  	[spmem:s1] =	stream.indirect.scatter.add.f32 [tilespmem:s24], [sflag:$0x4], $0x80, s31, s23, $0xb8;
	[tilespmem:$0x1E800] =	vst v63  }
0x73: {  	_ =	swait.ge [sflag:s28], $0x4000  }
0x74: {  	[sflag:s28] =	ssyncset.done $0x0  }
0x75: {  	[sflag:s28] =	ssyncadd.s32 $0xFFFFC000  }
0x76: {  	_ =	swait.ge [sflag:s29], $0x4000  }
0x77: {  	[sflag:s29] =	ssyncset.done $0x0  }
0x78: {  	s2 =	simm.s32 $0x0;
	[sflag:s29] =	ssyncadd.s32 $0xFFFFC000  }
0x79: {  	[tilespmem:s2], [sflag:$0x5] =	stream.linear.gather [hbm4b:s12+s2], $0x1400, $0x38;
	[tilespmem:$0x1E800] =	vst v63  }
0x7a: {  	_ =	swait.ge [sflag:s21], $0x1400  }
0x7b: {  	[sflag:s21] =	ssyncset.done $0x0  }
0x7c: {  	[sflag:s21] =	ssyncadd.s32 $0xFFFFEC00  }
0x7d: {  	[tilespmem:s22], [sflag:$0x5] =	stream.linear.gather [hbm4b:s13+s2], $0x1400, $0x38;
	[tilespmem:$0x1E800] =	vst v63  }
0x7e: {  	_ =	swait.ge [sflag:s21], $0x1400  }
0x7f: {  	[sflag:s21] =	ssyncset.done $0x0  }
0x80: {  	[sflag:s21] =	ssyncadd.s32 $0xFFFFEC00  }
0x81: {  	[tilespmem:s20], [sflag:$0x1] =	stream.indirect.gather [hbm4b:s4+s23], $0x80, s2, s23, $0xb8;
	[tilespmem:$0x1E800] =	vst v63  }
0x82: {  	_ = 	snop  }
0x83: {  	[tilespmem:s24], [sflag:$0x2] =	stream.indirect.gather [hbm4b:s4+s23], $0x80, s23, s23, $0xb8;
	[tilespmem:$0x1E800] =	vst v63  }
0x84: {  	_ =	swait.ge [sflag:s25], $0x4000  }
0x85: {  	[sflag:s25] =	ssyncset.done $0x0  }
0x86: {  	s11 =	simm.s32 $0x1400;
	[sflag:s25] =	ssyncadd.s32 $0xFFFFC000  }
0x87: {  	[spmem:s1] =	stream.indirect.scatter.add.f32 [tilespmem:s20], [sflag:$0x3], $0x80, s11, s23, $0xb8;
	[tilespmem:$0x1E800] =	vst v63  }
0x88: {  	_ =	swait.ge [sflag:s26], $0x4000  }
0x89: {  	[sflag:s26] =	ssyncset.done $0x0  }
0x8a: {  	s10 =	simm.s32 $0x1480;
	[sflag:s26] =	ssyncadd.s32 $0xFFFFC000  }
0x8b: {  	[spmem:s1] =	stream.indirect.scatter.add.f32 [tilespmem:s24], [sflag:$0x4], $0x80, s10, s23, $0xb8;
	[tilespmem:$0x1E800] =	vst v63  }
0x8c: {  	_ =	swait.ge [sflag:s28], $0x4000  }
0x8d: {  	[sflag:s28] =	ssyncset.done $0x0  }
0x8e: {  	s11 =	simm.s32 $0x100;
	[sflag:s28] =	ssyncadd.s32 $0xFFFFC000  }
0x8f: {  	[tilespmem:s20], [sflag:$0x1] =	stream.indirect.gather [hbm4b:s4+s23], $0x80, s11, s23, $0xb8;
	[tilespmem:$0x1E800] =	vst v63  }
0x90: {  	_ =	swait.ge [sflag:s29], $0x4000  }
0x91: {  	[sflag:s29] =	ssyncset.done $0x0  }
0x92: {  	s2 =	simm.s32 $0x400;
	s10 =	simm.s32 $0x180;
	[sflag:s29] =	ssyncadd.s32 $0xFFFFC000  }
.LBB2_6:
0x93: {  	[tilespmem:s24], [sflag:$0x2] =	stream.indirect.gather [hbm4b:s4+s23], $0x80, s10, s23, $0xb8;
	[tilespmem:$0x1E800] =	vst v63  }
0x94: {  	s10 =	smov.u32 s2  }
0x95: {  	p0 =	sne.s32 s2, $0x4800;
	s2 =	sadd.s32 $0x400, s2;
	_ =	swait.ge [sflag:s25], $0x4000  }
0x96: {  	s10 =	sshra.s32 s10, $0x2;
	[sflag:s25] =	ssyncset.done $0x0  }
0x97: {  	s11 =	sadd.s32 $0x1400, s10;
	[sflag:s25] =	ssyncadd.s32 $0xFFFFC000  }
0x98: {  	[spmem:s1] =	stream.indirect.scatter.add.f32 [tilespmem:s20], [sflag:$0x3], $0x80, s11, s23, $0xb8;
	[tilespmem:$0x1E800] =	vst v63  }
0x99: {  	_ =	swait.ge [sflag:s26], $0x4000  }
0x9a: {  	[sflag:s26] =	ssyncset.done $0x0  }
0x9b: {  	s11 =	sadd.s32 $0x1480, s10;
	[sflag:s26] =	ssyncadd.s32 $0xFFFFC000  }
0x9c: {  	[spmem:s1] =	stream.indirect.scatter.add.f32 [tilespmem:s24], [sflag:$0x4], $0x80, s11, s23, $0xb8;
	[tilespmem:$0x1E800] =	vst v63  }
0x9d: {  	_ =	swait.ge [sflag:s28], $0x4000  }
0x9e: {  	[sflag:s28] =	ssyncset.done $0x0  }
.Ltmp2:
0x9f: {  	s11 =	sadd.s32 $0x100, s10;
	[sflag:s28] =	ssyncadd.s32 $0xFFFFC000;
	(pc) =	sbr.rel @p0 .LBB2_6-.Ltmp2, $4  }
0xa0: {  	[tilespmem:s20], [sflag:$0x1] =	stream.indirect.gather [hbm4b:s4+s23], $0x80, s11, s23, $0xb8;
	[tilespmem:$0x1E800] =	vst v63  }
0xa1: {  	_ =	swait.ge [sflag:s29], $0x4000  }
0xa2: {  	[sflag:s29] =	ssyncset.done $0x0  }
0xa3: {  	s10 =	sadd.s32 $0x180, s10;
	[sflag:s29] =	ssyncadd.s32 $0xFFFFC000  }
0xa4: {  	[tilespmem:s24], [sflag:$0x2] =	stream.indirect.gather [hbm4b:s4+s23], $0x80, s10, s23, $0xb8;
	[tilespmem:$0x1E800] =	vst v63  }
0xa5: {  	_ =	swait.ge [sflag:s25], $0x4000  }
0xa6: {  	[sflag:s25] =	ssyncset.done $0x0  }
0xa7: {  	[sflag:s25] =	ssyncadd.s32 $0xFFFFC000  }
0xa8: {  	[spmem:s1] =	stream.indirect.scatter.add.f32 [tilespmem:s20], [sflag:$0x3], $0x80, s30, s23, $0xb8;
	[tilespmem:$0x1E800] =	vst v63  }
0xa9: {  	_ =	swait.ge [sflag:s26], $0x4000  }
0xaa: {  	[sflag:s26] =	ssyncset.done $0x0  }
0xab: {  	[sflag:s26] =	ssyncadd.s32 $0xFFFFC000  }
0xac: {  	[spmem:s1] =	stream.indirect.scatter.add.f32 [tilespmem:s24], [sflag:$0x4], $0x80, s31, s23, $0xb8;
	[tilespmem:$0x1E800] =	vst v63  }
0xad: {  	_ =	swait.ge [sflag:s28], $0x4000  }
0xae: {  	[sflag:s28] =	ssyncset.done $0x0  }
0xaf: {  	[sflag:s28] =	ssyncadd.s32 $0xFFFFC000  }
0xb0: {  	_ =	swait.ge [sflag:s29], $0x4000  }
0xb1: {  	[sflag:s29] =	ssyncset.done $0x0  }
0xb2: {  	[sflag:s29] =	ssyncadd.s32 $0xFFFFC000  }
0xb3: {  	[bflag:$0x0] =	sbarrier.arrive $0xFFFF  }
0xb4: {  	[tilespmem:s20], [sflag:$0x1] =	stream.linear.gather [spmem:s5], $0x4000, $0x38;
	[tilespmem:$0x1E800] =	vst v63  }
0xb5: {  	_ =	swait.ge [sflag:s25], $0x4000  }
0xb6: {  	[sflag:s25] =	ssyncset.done $0x0  }
0xb7: {  	[sflag:s25] =	ssyncadd.s32 $0xFFFFC000  }
0xb8: {  	[hbm4b:s14+s3] =	stream.linear.scatter [tilespmem:s20], [sflag:$0x3], $0x4000, $0x38;
	[tilespmem:$0x1E800] =	vst v63  }
0xb9: {  	_ = 	snop  }
0xba: {  	[tilespmem:s24], [sflag:$0x2] =	stream.linear.gather [spmem:s6], $0x4000, $0x38;
	[tilespmem:$0x1E800] =	vst v63  }
0xbb: {  	_ =	swait.ge [sflag:s26], $0x4000  }
0xbc: {  	[sflag:s26] =	ssyncset.done $0x0  }
0xbd: {  	[sflag:s26] =	ssyncadd.s32 $0xFFFFC000  }
0xbe: {  	[hbm4b:s15+s3] =	stream.linear.scatter [tilespmem:s24], [sflag:$0x4], $0x4000, $0x38;
	[tilespmem:$0x1E800] =	vst v63  }
0xbf: {  	_ =	swait.ge [sflag:s28], $0x4000  }
0xc0: {  	[sflag:s28] =	ssyncset.done $0x0  }
0xc1: {  	[sflag:s28] =	ssyncadd.s32 $0xFFFFC000  }
0xc2: {  	[tilespmem:s20], [sflag:$0x1] =	stream.linear.gather [spmem:s7], $0x4000, $0x38;
	[tilespmem:$0x1E800] =	vst v63  }
0xc3: {  	_ =	swait.ge [sflag:s25], $0x4000  }
0xc4: {  	[sflag:s25] =	ssyncset.done $0x0  }
0xc5: {  	[sflag:s25] =	ssyncadd.s32 $0xFFFFC000  }
0xc6: {  	[hbm4b:s16+s3] =	stream.linear.scatter [tilespmem:s20], [sflag:$0x3], $0x4000, $0x38;
	[tilespmem:$0x1E800] =	vst v63  }
0xc7: {  	_ =	swait.ge [sflag:s29], $0x4000  }
0xc8: {  	[sflag:s29] =	ssyncset.done $0x0  }
0xc9: {  	[sflag:s29] =	ssyncadd.s32 $0xFFFFC000  }
0xca: {  	[tilespmem:s24], [sflag:$0x2] =	stream.linear.gather [spmem:s8], $0x4000, $0x38;
	[tilespmem:$0x1E800] =	vst v63  }
0xcb: {  	_ =	swait.ge [sflag:s26], $0x4000  }
0xcc: {  	[sflag:s26] =	ssyncset.done $0x0  }
0xcd: {  	[sflag:s26] =	ssyncadd.s32 $0xFFFFC000  }
0xce: {  	[hbm4b:s17+s3] =	stream.linear.scatter [tilespmem:s24], [sflag:$0x4], $0x4000, $0x38;
	[tilespmem:$0x1E800] =	vst v63  }
0xcf: {  	_ =	swait.ge [sflag:s28], $0x4000  }
0xd0: {  	[sflag:s28] =	ssyncset.done $0x0  }
0xd1: {  	[sflag:s28] =	ssyncadd.s32 $0xFFFFC000  }
0xd2: {  	[tilespmem:s20], [sflag:$0x1] =	stream.linear.gather [spmem:s9], $0x4000, $0x38;
	[tilespmem:$0x1E800] =	vst v63  }
0xd3: {  	_ =	swait.ge [sflag:s25], $0x4000  }
0xd4: {  	[sflag:s25] =	ssyncset.done $0x0  }
0xd5: {  	s0 =	sadd.s32 $0x1, s0;
	[sflag:s25] =	ssyncadd.s32 $0xFFFFC000  }
0xd6: {  	[hbm4b:s18+s3] =	stream.linear.scatter [tilespmem:s20], [sflag:$0x3], $0x4000, $0x38;
	[tilespmem:$0x1E800] =	vst v63  }
0xd7: {  	p0 =	sne.s32 s0, s19;
	_ =	swait.ge [sflag:s29], $0x4000  }
.Ltmp3:
0xd8: {  	[sflag:s29] =	ssyncset.done $0x0;
	(pc) =	sbr.rel @p0 .LBB2_1-.Ltmp3, $4  }
0xd9: {  	[sflag:s29] =	ssyncadd.s32 $0xFFFFC000  }
0xda: {  	_ =	swait.ge [sflag:s28], $0x4000  }
0xdb: {  	[sflag:s28] =	ssyncset.done $0x0  }
0xdc: {  	[sflag:s28] =	ssyncadd.s32 $0xFFFFC000  }
0xdd: {  	_ =	sfence.sel $0x180000  }
0xde: {  	[bflag:$0x0] =	sbarrier.arrive $0xFFFF  }
0xdf: {  	_ =	strace $0x90000047  }
0xe0: {  	s0 =	stileid.u32;
	[bflag:$0x2] =	sbarrier.arrive $0xFFFF  }
0xe1: {  	p0 =	sne.s32 s0, $0x0;
	s0 =	rddreg [dreg:$0x2]  }
0xe2: {  	s0 =	sadd.s32 @!p0 $0x100000, s0  }
0xe3: {  	[sflag:s0] =	ssyncadd.tile.s32 @!p0 $0x1;
	_ =	shalt  }
.Lfunc_end2:
_tile_overlayer_lowered:
.L_overlay_start_2:
0xe4: {  	(tag) =	ssettag $0x2  }
0xe5: {  	s0 =	rddreg [dreg:$0x0];
	s2 =	stileid.u32  }
0xe6: {  	s1 =	rddreg [dreg:$0x1];
	p0 =	sne.s32 s2, $0x0  }
0xe7: {  	s3 =	rddreg [dreg:$0x2];
	[bflag:$0x3] =	sbarrier.arrive $0xFFFF;
	s2 =	simm.s32 @!p0 $0x1C05  }
0xe8: {  	[timem:s3], [sflag:s2] =	dma.local @!p0 [hbm:s0], s1  }
0xe9: {  	s0 =	simm.s32 @!p0 $0x5  }
0xea: {  	_ =	swait.ge @!p0 [sflag:s0], s1  }
0xeb: {  	s1 =	ssub.s32 @!p0 $0x0, s1;
	[sflag:s0] =	ssyncset.done @!p0 $0x0  }
0xec: {  	[sflag:s0] =	ssyncadd.s32 @!p0 s1  }
0xed: {  	[bflag:$0x3] =	sbarrier.arrive $0xFFFF  }
0xee: {  	_ =	shalt  }

</sc_bundles>
